<compile_context>
chip_gen: v7x
topology: tpu7x:2x2x1
jax: 0.10.2.dev20260603
libtpu: 0.0.44.dev20260713+nightly
codegen_flags: <defaults>
</compile_context>

<pallas_src>
import jax
import jax.numpy as jnp
from jax import lax
from jax.experimental import pallas as pl
from jax.experimental.pallas import tpu as pltpu
from jax.experimental.pallas import tpu_sc as plsc

_PS = 16
_K = 64
_EPS = 1e-8
_B, _C, _H, _W = 32, 3, 512, 512
_NH, _NW = _H // _PS, _W // _PS
_P = _NH * _NW
_D = _C * _PS * _PS


def _contrast_body(x_ref, c_ref):
    x = x_ref[0]
    mx = jnp.max(x, axis=0)
    mn = jnp.min(x, axis=0)
    mx = jnp.max(mx.reshape(32, 16, 512), axis=1)
    mn = jnp.min(mn.reshape(32, 16, 512), axis=1)
    mx = jnp.max(mx.T.reshape(32, 16, 32), axis=1)
    mn = jnp.min(mn.T.reshape(32, 16, 32), axis=1)
    mx = mx.T
    mn = mn.T
    c_ref[0] = (mx - mn + _EPS) / (mx + mn)


def _shift_lanes(x, sh):
    z = jnp.zeros(x.shape[:2] + (sh,), x.dtype)
    return jnp.concatenate([z, x[:, :, :-sh]], axis=2)


def _shift_rows(x, sh):
    z = jnp.zeros((x.shape[0], sh, x.shape[2]), x.dtype)
    return jnp.concatenate([z, x[:, :-sh, :]], axis=1)


def _sum12(x):
    return jnp.sum(jnp.sum(x, axis=2, keepdims=True), axis=1, keepdims=True)


def _topk_mask_body(c_ref, b_ref):
    v = c_ref[...]
    bi = jax.lax.bitcast_convert_type(v, jnp.int32)
    key = jnp.where(bi >= 0, bi, bi ^ jnp.int32(0x7FFFFFFF))
    t = jnp.full((v.shape[0], 1, 1), jnp.iinfo(jnp.int32).min, jnp.int32)
    for bit in range(31, -1, -1):
        if bit == 31:
            cand = jnp.zeros_like(t)
        else:
            cand = t + jnp.int32(1 << bit)
        cnt = _sum12((key >= cand).astype(jnp.int32))
        t = jnp.where(cnt >= _K, cand, t)
    gt = key > t
    eq = key == t
    need = _K - _sum12(gt.astype(jnp.int32))
    eqn = eq.astype(jnp.int32)
    s = eqn
    for sh in (1, 2, 4, 8, 16):
        s = s + _shift_lanes(s, sh)
    row_tot = jnp.sum(eqn, axis=2, keepdims=True)
    r = row_tot
    for sh in (1, 2, 4, 8, 16):
        r = r + _shift_rows(r, sh)
    excl = (r - row_tot) + (s - eqn)
    keep = gt | (eq & (excl < need))
    lane = lax.broadcasted_iota(jnp.int32, keep.shape, 2)
    bits = jnp.sum(keep.astype(jnp.int32) << lane, axis=2)
    b_ref[...] = bits[:, None, :]


def _extract(selvm, kidx):
    chunk = selvm[pl.ds((kidx >> 4) * 16, 16)]
    m = lax.iota(jnp.int32, 16) == (kidx & 15)
    return jnp.sum(jnp.where(m, chunk, 0))


def _sc_gather_body(imgs_ref, bits_ref, cmp_ref, pid_ref,
                    bvm, selvm, sbuf, cbuf, sem):
    b = lax.axis_index("s") * 2 + lax.axis_index("c")

    pltpu.sync_copy(bits_ref.at[b, 0], bvm)
    selvm[pl.ds(64, 16)] = jnp.zeros((16,), jnp.int32)
    cnt = jnp.int32(0)
    for iw in range(2):
        w = bvm[pl.ds(16 * iw, 16)]
        base = (lax.iota(jnp.int32, 16) + 16 * iw) * 32
        for j in range(32):
            mi = (lax.shift_right_logical(w, jnp.full((16,), j, jnp.int32))
                  & 1)
            incl = plsc.cumsum(mi)
            pos = jnp.where(mi == 1, cnt + incl - 1, jnp.int32(79))
            plsc.store_scatter(selvm, [pos], base + j)
            cnt = cnt + jnp.sum(mi)

    def _copy(kslot, pid):
        pi = lax.shift_right_logical(pid, 5)
        pj = pid & 31
        par = kslot % 4
        return pltpu.make_async_copy(
            imgs_ref.at[b, :, pl.ds(pi * _PS, _PS),
                        pl.ds(lax.shift_right_logical(pj, 3) * 128, 128)],
            sbuf.at[par], sem.at[par])

    pr = []
    for kk in range(3):
        pr.append(_extract(selvm, jnp.int32(kk)))
        _copy(kk, pr[kk]).start()

    def _body(k, carry):
        p_cur, p_n1, p_n2 = carry
        p_n3 = _extract(selvm, k + 3)
        _copy(k + 3, p_n3).start()
        _copy(k, p_cur).wait()
        off = (p_cur & 7) * 16
        for c in range(_C):
            for h in range(_PS):
                row = sbuf[k % 4, c, h, pl.ds(off, 16)]
                cbuf[k, pl.ds(c * 256 + h * 16, 16)] = row
        return (p_n1, p_n2, p_n3)

    tail = lax.fori_loop(0, _K, _body, (pr[0], pr[1], pr[2]), unroll=False)
    for kk in range(3):
        _copy(_K + kk, tail[kk]).wait()

    pltpu.sync_copy(cbuf, cmp_ref.at[b])
    pltpu.sync_copy(selvm.at[pl.ds(0, _K)], pid_ref.at[b, 0])


def _sc_gather():
    mesh = plsc.VectorSubcoreMesh(core_axis_name="c", subcore_axis_name="s")
    return pl.kernel(
        _sc_gather_body,
        out_type=(
            jax.ShapeDtypeStruct((_B, _K, _D), jnp.float32),
            jax.ShapeDtypeStruct((_B, 1, _K), jnp.int32),
        ),
        mesh=mesh,
        compiler_params=pltpu.CompilerParams(use_tc_tiling_on_sc=True,
                                             needs_layout_passes=False),
        scratch_types=[
            pltpu.VMEM((32,), jnp.int32),
            pltpu.VMEM((80,), jnp.int32),
            pltpu.VMEM((4, _C, _PS, 128), jnp.float32),
            pltpu.VMEM((_K, _D), jnp.float32),
            pltpu.SemaphoreType.DMA((4,)),
        ],
    )


def _expand_body(cmp_ref, pid_ref, o_ref):
    cmp = cmp_ref[0]
    pid = pid_ref[0]
    oh = (pid.T == lax.broadcasted_iota(jnp.int32, (1, _P), 1))
    oh = oh.astype(jnp.float32)
    o_ref[0] = lax.dot_general(
        cmp, oh, (((0,), (0,)), ((), ())),
        precision=lax.Precision.DEFAULT,
        preferred_element_type=jnp.float32)


def kernel(images):
    B, C, H, W = images.shape
    nh, nw = H // _PS, W // _PS

    contrast = pl.pallas_call(
        _contrast_body,
        grid=(B,),
        in_specs=[pl.BlockSpec((1, C, H, W), lambda b: (b, 0, 0, 0))],
        out_specs=pl.BlockSpec((1, nh, nw), lambda b: (b, 0, 0)),
        out_shape=jax.ShapeDtypeStruct((B, nh, nw), jnp.float32),
    )(images)

    bits = pl.pallas_call(
        _topk_mask_body,
        out_shape=jax.ShapeDtypeStruct((B, 1, nh), jnp.int32),
    )(contrast)

    cmp, pids = _sc_gather()(images, bits)

    out = pl.pallas_call(
        _expand_body,
        grid=(B,),
        in_specs=[
            pl.BlockSpec((1, _K, _D), lambda b: (b, 0, 0)),
            pl.BlockSpec((1, 1, _K), lambda b: (b, 0, 0)),
        ],
        out_specs=pl.BlockSpec((1, _D, _P), lambda b: (b, 0, 0)),
        out_shape=jax.ShapeDtypeStruct((B, _D, _P), jnp.float32),
    )(cmp, pids)

    out = out.reshape(B, C, _PS, _PS, _P)
    return jnp.transpose(out, (0, 4, 1, 2, 3))

# --- scband reference (transcript-rebuilt; emitter-appended) ---
"""Pipeline reference for scband-image-patch-filter-66812511257257 (READ-ONLY COPY).

The authoritative reference and input builder live on the scoring server;
editing this copy changes nothing except your own understanding.
"""

import jax, jax.numpy as jnp
import numpy as np

PATCH_SIZE = 16
TOP_K = 64


def setup_inputs(seed: int = 0) -> dict:
    key = jax.random.key(seed)
    images = jax.random.normal(key, (32, 3, 512, 512), dtype=jnp.float32)
    return {"images": images}


def _divide_in_patches(images, patch_size):
    B, C, H, W = images.shape
    nh = H // patch_size
    nw = W // patch_size
    patches = images.reshape(B, C, nh, patch_size, nw, patch_size)
    patches = jnp.transpose(patches, (0, 2, 4, 1, 3, 5))
    patches = patches.reshape(B, nh * nw, C, patch_size, patch_size)
    return patches


def reference(images):
    # Deterministic training path: prob=1.0 -> flag=1; probabilistic=False -> hard top-k.
    patches = _divide_in_patches(images, PATCH_SIZE)  # (B, P, C, ph, pw)
    # 'contrast' heuristic: max/min over (ph, pw) then channels -> (B, P)
    max_value = jnp.max(patches, axis=(2, 3, 4))
    min_value = jnp.min(patches, axis=(2, 3, 4))
    contrast_values = (max_value - min_value + 1e-08) / (max_value + min_value)
    # top-k patch selection per image
    _, topk_idx = jax.lax.top_k(contrast_values, TOP_K)  # (B, k)
    B, P = contrast_values.shape
    mask2d = jnp.zeros((B, P), dtype=patches.dtype)
    mask2d = mask2d.at[jnp.arange(B)[:, None], topk_idx].set(1.0)
    masked_patches = patches * mask2d[:, :, None, None, None]
    return masked_patches

if __name__ == "__main__":
    import jax
    _d = setup_inputs()
    print(jax.jit(kernel)(*tuple(_d.values())))

</pallas_src>

<mosaic_0001>
#map = affine_map<(d0, d1) -> (0, 0, 0, 0)>
#map1 = affine_map<(d0, d1) -> (0, 0, 0)>
module attributes {stable_mosaic.version = 14 : i64} {
  func.func @_sc_gather_body(%arg0: i32, %arg1: i32, %arg2: memref<32x3x512x512xf32, #tpu.memory_space<hbm>>, %arg3: memref<32x1x32xi32, #tpu.memory_space<hbm>>, %arg4: memref<32x64x768xf32, #tpu.memory_space<hbm>>, %arg5: memref<32x1x64xi32, #tpu.memory_space<hbm>>, %arg6: memref<32xi32, #tpu.memory_space<vmem>>, %arg7: memref<80xi32, #tpu.memory_space<vmem>>, %arg8: memref<4x3x16x128xf32, #tpu.memory_space<vmem>>, %arg9: memref<64x768xf32, #tpu.memory_space<vmem>>, %arg10: memref<4x!tpu.dma_semaphore, #tpu.memory_space<semaphore_mem>>) attributes {dimension_semantics = [#tpu.dimension_semantics<core_parallel>, #tpu.dimension_semantics<subcore_parallel>], iteration_bounds = array<i64: 2, 16>, scalar_prefetch = 0 : i64, scratch_operands = 5 : i64, tpu.core_type = #tpu.core_type<sc_vector_subcore>, window_params = [{transform_indices = #map}, {transform_indices = #map1}, {transform_indices = #map1}, {transform_indices = #map1}]} {
    %mul3A = arith.constant 2 : i32
    %mul3A_0 = arith.muli %arg1, %mul3A : i32
    %add3A = arith.addi %mul3A_0, %arg0 : i32
    %run_scoped3A = arith.constant 0 : i32
    "tpu.region"() ({
      %run_scoped3A_2048 = tpu.sem_alloc : memref<!tpu.dma_semaphore, #tpu.memory_space<semaphore_mem>>
      %dma_start3A_2049 = arith.constant 0 : i32
      %dma_start3A_2050 = tpu.memref_slice %arg3[%add3A, %run_scoped3A, %dma_start3A_2049] : memref<32x1x32xi32, #tpu.memory_space<hbm>> -> memref<1x1x32xi32, #tpu.memory_space<hbm>>
      %dma_start3A_2051 = tpu.memref_squeeze %dma_start3A_2050 : memref<1x1x32xi32, #tpu.memory_space<hbm>> -> memref<32xi32, #tpu.memory_space<hbm>>
      %dma_start3A_2052 = arith.constant 0 : i32
      %dma_start3A_2053 = tpu.memref_slice %arg3[%add3A, %run_scoped3A, %dma_start3A_2052] : memref<32x1x32xi32, #tpu.memory_space<hbm>> -> memref<1x1x32xi32, #tpu.memory_space<hbm>>
      %dma_start3A_2054 = tpu.memref_squeeze %dma_start3A_2053 : memref<1x1x32xi32, #tpu.memory_space<hbm>> -> memref<32xi32, #tpu.memory_space<hbm>>
      tpu.enqueue_dma source(%dma_start3A_2054 : memref<32xi32, #tpu.memory_space<hbm>>) target(%arg6 : memref<32xi32, #tpu.memory_space<vmem>>) target_semaphore(%run_scoped3A_2048 : memref<!tpu.dma_semaphore, #tpu.memory_space<semaphore_mem>>)
      %dma_wait3A_2055 = arith.constant 0 : i32
      %dma_wait3A_2056 = tpu.memref_slice %arg3[%add3A, %run_scoped3A, %dma_wait3A_2055] : memref<32x1x32xi32, #tpu.memory_space<hbm>> -> memref<1x1x32xi32, #tpu.memory_space<hbm>>
      %dma_wait3A_2057 = tpu.memref_squeeze %dma_wait3A_2056 : memref<1x1x32xi32, #tpu.memory_space<hbm>> -> memref<32xi32, #tpu.memory_space<hbm>>
      %dma_wait3A_2058 = arith.constant 0 : i32
      %dma_wait3A_2059 = tpu.memref_slice %arg3[%add3A, %run_scoped3A, %dma_wait3A_2058] : memref<32x1x32xi32, #tpu.memory_space<hbm>> -> memref<1x1x32xi32, #tpu.memory_space<hbm>>
      %dma_wait3A_2060 = tpu.memref_squeeze %dma_wait3A_2059 : memref<1x1x32xi32, #tpu.memory_space<hbm>> -> memref<32xi32, #tpu.memory_space<hbm>>
      tpu.wait_dma2 semaphore(%run_scoped3A_2048 : memref<!tpu.dma_semaphore, #tpu.memory_space<semaphore_mem>>) src(%dma_wait3A_2060 : memref<32xi32, #tpu.memory_space<hbm>>) dst(%arg6 : memref<32xi32, #tpu.memory_space<vmem>>)
      tpu.yield
    }) : () -> ()
    %broadcast_in_dim3A = arith.constant 0 : i32
    %broadcast_in_dim3A_1 = vector.broadcast %broadcast_in_dim3A : i32 to vector<16xi32>
    %swap3A = arith.constant 64 : index
    %swap3A_2 = tpu.vector_load %arg7[%swap3A] {strides = array<i32>} : memref<80xi32, #tpu.memory_space<vmem>>, vector<16xi32>,
    tpu.vector_store %arg7[%swap3A], %broadcast_in_dim3A_1 {strides = array<i32>} : memref<80xi32, #tpu.memory_space<vmem>>, vector<16xi32>,
    %get3A = arith.constant 0 : index
    %get3A_3 = tpu.vector_load %arg6[%get3A] {strides = array<i32>} : memref<32xi32, #tpu.memory_space<vmem>>, vector<16xi32>,
    %iota3A = tpu.iota {dimensions = array<i32: 0>} : vector<16xi32>
    %add3A_4 = arith.constant 0 : i32
    %add3A_5 = vector.broadcast %add3A_4 : i32 to vector<16xi32>
    %add3A_6 = arith.addi %iota3A, %add3A_5 : vector<16xi32>
    %mul3A_7 = arith.constant 32 : i32
    %mul3A_8 = vector.broadcast %mul3A_7 : i32 to vector<16xi32>
    %mul3A_9 = arith.muli %add3A_6, %mul3A_8 : vector<16xi32>
    %broadcast_in_dim3A_10 = arith.constant 0 : i32
    %broadcast_in_dim3A_11 = vector.broadcast %broadcast_in_dim3A_10 : i32 to vector<16xi32>
    %shift_right_logical3A = arith.shrui %get3A_3, %broadcast_in_dim3A_11 : vector<16xi32>
    %and3A = arith.constant 1 : i32
    %and3A_12 = vector.broadcast %and3A : i32 to vector<16xi32>
    %and3A_13 = arith.andi %shift_right_logical3A, %and3A_12 : vector<16xi32>
    %broadcast_in_dim3A_14 = arith.constant true
    %broadcast_in_dim3A_15 = vector.broadcast %broadcast_in_dim3A_14 : i1 to vector<16xi1>
    %masked_cumsum3A = tpu.scan <sum>, %and3A_13 masked %broadcast_in_dim3A_15 : vector<16xi32>, vector<16xi1> -> vector<16xi32>
    %eq3A = arith.constant 1 : i32
    %eq3A_16 = vector.broadcast %eq3A : i32 to vector<16xi32>
    %eq3A_17 = arith.cmpi eq, %and3A_13, %eq3A_16 : vector<16xi32>
    %add3A_18 = arith.constant 0 : i32
    %add3A_19 = vector.broadcast %add3A_18 : i32 to vector<16xi32>
    %add3A_20 = arith.addi %add3A_19, %masked_cumsum3A : vector<16xi32>
    %sub3A = arith.constant 1 : i32
    %sub3A_21 = vector.broadcast %sub3A : i32 to vector<16xi32>
    %sub3A_22 = arith.subi %add3A_20, %sub3A_21 : vector<16xi32>
    %jit3A = arith.constant 79 : i32
    %broadcast_in_dim3A_23 = vector.broadcast %jit3A : i32 to vector<16xi32>
    %select_n3A = arith.select %eq3A_17, %sub3A_22, %broadcast_in_dim3A_23 : vector<16xi1>, vector<16xi32>
    %add3A_24 = arith.constant 0 : i32
    %add3A_25 = vector.broadcast %add3A_24 : i32 to vector<16xi32>
    %add3A_26 = arith.addi %mul3A_9, %add3A_25 : vector<16xi32>
    tpu.vector_store_idx %arg7[%select_n3A], %add3A_26 : memref<80xi32, #tpu.memory_space<vmem>>[vector<16xi32>], vector<16xi32>,
    %reduce_sum3A = arith.constant true
    %reduce_sum3A_27 = vector.broadcast %reduce_sum3A : i1 to vector<16xi1>
    %reduce_sum3A_28 = tpu.scan <sum>, %and3A_13 masked %reduce_sum3A_27 : vector<16xi32>, vector<16xi1> -> vector<16xi32>
    %reduce_sum3A_29 = vector.extract %reduce_sum3A_28[15] : i32 from vector<16xi32>
    %add3A_30 = arith.constant 0 : i32
    %add3A_31 = arith.addi %add3A_30, %reduce_sum3A_29 : i32
    %broadcast_in_dim3A_32 = arith.constant 1 : i32
    %broadcast_in_dim3A_33 = vector.broadcast %broadcast_in_dim3A_32 : i32 to vector<16xi32>
    %shift_right_logical3A_34 = arith.shrui %get3A_3, %broadcast_in_dim3A_33 : vector<16xi32>
    %and3A_35 = arith.constant 1 : i32
    %and3A_36 = vector.broadcast %and3A_35 : i32 to vector<16xi32>
    %and3A_37 = arith.andi %shift_right_logical3A_34, %and3A_36 : vector<16xi32>
    %broadcast_in_dim3A_38 = arith.constant true
    %broadcast_in_dim3A_39 = vector.broadcast %broadcast_in_dim3A_38 : i1 to vector<16xi1>
    %masked_cumsum3A_40 = tpu.scan <sum>, %and3A_37 masked %broadcast_in_dim3A_39 : vector<16xi32>, vector<16xi1> -> vector<16xi32>
    %eq3A_41 = arith.constant 1 : i32
    %eq3A_42 = vector.broadcast %eq3A_41 : i32 to vector<16xi32>
    %eq3A_43 = arith.cmpi eq, %and3A_37, %eq3A_42 : vector<16xi32>
    %add3A_44 = vector.broadcast %add3A_31 : i32 to vector<16xi32>
    %add3A_45 = arith.addi %add3A_44, %masked_cumsum3A_40 : vector<16xi32>
    %sub3A_46 = arith.constant 1 : i32
    %sub3A_47 = vector.broadcast %sub3A_46 : i32 to vector<16xi32>
    %sub3A_48 = arith.subi %add3A_45, %sub3A_47 : vector<16xi32>
    %jit3A_49 = arith.constant 79 : i32
    %broadcast_in_dim3A_50 = vector.broadcast %jit3A_49 : i32 to vector<16xi32>
    %select_n3A_51 = arith.select %eq3A_43, %sub3A_48, %broadcast_in_dim3A_50 : vector<16xi1>, vector<16xi32>
    %add3A_52 = arith.constant 1 : i32
    %add3A_53 = vector.broadcast %add3A_52 : i32 to vector<16xi32>
    %add3A_54 = arith.addi %mul3A_9, %add3A_53 : vector<16xi32>
    tpu.vector_store_idx %arg7[%select_n3A_51], %add3A_54 : memref<80xi32, #tpu.memory_space<vmem>>[vector<16xi32>], vector<16xi32>,
    %reduce_sum3A_55 = arith.constant true
    %reduce_sum3A_56 = vector.broadcast %reduce_sum3A_55 : i1 to vector<16xi1>
    %reduce_sum3A_57 = tpu.scan <sum>, %and3A_37 masked %reduce_sum3A_56 : vector<16xi32>, vector<16xi1> -> vector<16xi32>
    %reduce_sum3A_58 = vector.extract %reduce_sum3A_57[15] : i32 from vector<16xi32>
    %add3A_59 = arith.addi %add3A_31, %reduce_sum3A_58 : i32
    %broadcast_in_dim3A_60 = arith.constant 2 : i32
    %broadcast_in_dim3A_61 = vector.broadcast %broadcast_in_dim3A_60 : i32 to vector<16xi32>
    %shift_right_logical3A_62 = arith.shrui %get3A_3, %broadcast_in_dim3A_61 : vector<16xi32>
    %and3A_63 = arith.constant 1 : i32
    %and3A_64 = vector.broadcast %and3A_63 : i32 to vector<16xi32>
    %and3A_65 = arith.andi %shift_right_logical3A_62, %and3A_64 : vector<16xi32>
    %broadcast_in_dim3A_66 = arith.constant true
    %broadcast_in_dim3A_67 = vector.broadcast %broadcast_in_dim3A_66 : i1 to vector<16xi1>
    %masked_cumsum3A_68 = tpu.scan <sum>, %and3A_65 masked %broadcast_in_dim3A_67 : vector<16xi32>, vector<16xi1> -> vector<16xi32>
    %eq3A_69 = arith.constant 1 : i32
    %eq3A_70 = vector.broadcast %eq3A_69 : i32 to vector<16xi32>
    %eq3A_71 = arith.cmpi eq, %and3A_65, %eq3A_70 : vector<16xi32>
    %add3A_72 = vector.broadcast %add3A_59 : i32 to vector<16xi32>
    %add3A_73 = arith.addi %add3A_72, %masked_cumsum3A_68 : vector<16xi32>
    %sub3A_74 = arith.constant 1 : i32
    %sub3A_75 = vector.broadcast %sub3A_74 : i32 to vector<16xi32>
    %sub3A_76 = arith.subi %add3A_73, %sub3A_75 : vector<16xi32>
    %jit3A_77 = arith.constant 79 : i32
    %broadcast_in_dim3A_78 = vector.broadcast %jit3A_77 : i32 to vector<16xi32>
    %select_n3A_79 = arith.select %eq3A_71, %sub3A_76, %broadcast_in_dim3A_78 : vector<16xi1>, vector<16xi32>
    %add3A_80 = arith.constant 2 : i32
    %add3A_81 = vector.broadcast %add3A_80 : i32 to vector<16xi32>
    %add3A_82 = arith.addi %mul3A_9, %add3A_81 : vector<16xi32>
    tpu.vector_store_idx %arg7[%select_n3A_79], %add3A_82 : memref<80xi32, #tpu.memory_space<vmem>>[vector<16xi32>], vector<16xi32>,
    %reduce_sum3A_83 = arith.constant true
    %reduce_sum3A_84 = vector.broadcast %reduce_sum3A_83 : i1 to vector<16xi1>
    %reduce_sum3A_85 = tpu.scan <sum>, %and3A_65 masked %reduce_sum3A_84 : vector<16xi32>, vector<16xi1> -> vector<16xi32>
    %reduce_sum3A_86 = vector.extract %reduce_sum3A_85[15] : i32 from vector<16xi32>
    %add3A_87 = arith.addi %add3A_59, %reduce_sum3A_86 : i32
    %broadcast_in_dim3A_88 = arith.constant 3 : i32
    %broadcast_in_dim3A_89 = vector.broadcast %broadcast_in_dim3A_88 : i32 to vector<16xi32>
    %shift_right_logical3A_90 = arith.shrui %get3A_3, %broadcast_in_dim3A_89 : vector<16xi32>
    %and3A_91 = arith.constant 1 : i32
    %and3A_92 = vector.broadcast %and3A_91 : i32 to vector<16xi32>
    %and3A_93 = arith.andi %shift_right_logical3A_90, %and3A_92 : vector<16xi32>
    %broadcast_in_dim3A_94 = arith.constant true
    %broadcast_in_dim3A_95 = vector.broadcast %broadcast_in_dim3A_94 : i1 to vector<16xi1>
    %masked_cumsum3A_96 = tpu.scan <sum>, %and3A_93 masked %broadcast_in_dim3A_95 : vector<16xi32>, vector<16xi1> -> vector<16xi32>
    %eq3A_97 = arith.constant 1 : i32
    %eq3A_98 = vector.broadcast %eq3A_97 : i32 to vector<16xi32>
    %eq3A_99 = arith.cmpi eq, %and3A_93, %eq3A_98 : vector<16xi32>
    %add3A_100 = vector.broadcast %add3A_87 : i32 to vector<16xi32>
    %add3A_101 = arith.addi %add3A_100, %masked_cumsum3A_96 : vector<16xi32>
    %sub3A_102 = arith.constant 1 : i32
    %sub3A_103 = vector.broadcast %sub3A_102 : i32 to vector<16xi32>
    %sub3A_104 = arith.subi %add3A_101, %sub3A_103 : vector<16xi32>
    %jit3A_105 = arith.constant 79 : i32
    %broadcast_in_dim3A_106 = vector.broadcast %jit3A_105 : i32 to vector<16xi32>
    %select_n3A_107 = arith.select %eq3A_99, %sub3A_104, %broadcast_in_dim3A_106 : vector<16xi1>, vector<16xi32>
    %add3A_108 = arith.constant 3 : i32
    %add3A_109 = vector.broadcast %add3A_108 : i32 to vector<16xi32>
    %add3A_110 = arith.addi %mul3A_9, %add3A_109 : vector<16xi32>
    tpu.vector_store_idx %arg7[%select_n3A_107], %add3A_110 : memref<80xi32, #tpu.memory_space<vmem>>[vector<16xi32>], vector<16xi32>,
    %reduce_sum3A_111 = arith.constant true
    %reduce_sum3A_112 = vector.broadcast %reduce_sum3A_111 : i1 to vector<16xi1>
    %reduce_sum3A_113 = tpu.scan <sum>, %and3A_93 masked %reduce_sum3A_112 : vector<16xi32>, vector<16xi1> -> vector<16xi32>
    %reduce_sum3A_114 = vector.extract %reduce_sum3A_113[15] : i32 from vector<16xi32>
    %add3A_115 = arith.addi %add3A_87, %reduce_sum3A_114 : i32
    %broadcast_in_dim3A_116 = arith.constant 4 : i32
    %broadcast_in_dim3A_117 = vector.broadcast %broadcast_in_dim3A_116 : i32 to vector<16xi32>
    %shift_right_logical3A_118 = arith.shrui %get3A_3, %broadcast_in_dim3A_117 : vector<16xi32>
    %and3A_119 = arith.constant 1 : i32
    %and3A_120 = vector.broadcast %and3A_119 : i32 to vector<16xi32>
    %and3A_121 = arith.andi %shift_right_logical3A_118, %and3A_120 : vector<16xi32>
    %broadcast_in_dim3A_122 = arith.constant true
    %broadcast_in_dim3A_123 = vector.broadcast %broadcast_in_dim3A_122 : i1 to vector<16xi1>
    %masked_cumsum3A_124 = tpu.scan <sum>, %and3A_121 masked %broadcast_in_dim3A_123 : vector<16xi32>, vector<16xi1> -> vector<16xi32>
    %eq3A_125 = arith.constant 1 : i32
    %eq3A_126 = vector.broadcast %eq3A_125 : i32 to vector<16xi32>
    %eq3A_127 = arith.cmpi eq, %and3A_121, %eq3A_126 : vector<16xi32>
    %add3A_128 = vector.broadcast %add3A_115 : i32 to vector<16xi32>
    %add3A_129 = arith.addi %add3A_128, %masked_cumsum3A_124 : vector<16xi32>
    %sub3A_130 = arith.constant 1 : i32
    %sub3A_131 = vector.broadcast %sub3A_130 : i32 to vector<16xi32>
    %sub3A_132 = arith.subi %add3A_129, %sub3A_131 : vector<16xi32>
    %jit3A_133 = arith.constant 79 : i32
    %broadcast_in_dim3A_134 = vector.broadcast %jit3A_133 : i32 to vector<16xi32>
    %select_n3A_135 = arith.select %eq3A_127, %sub3A_132, %broadcast_in_dim3A_134 : vector<16xi1>, vector<16xi32>
    %add3A_136 = arith.constant 4 : i32
    %add3A_137 = vector.broadcast %add3A_136 : i32 to vector<16xi32>
    %add3A_138 = arith.addi %mul3A_9, %add3A_137 : vector<16xi32>
    tpu.vector_store_idx %arg7[%select_n3A_135], %add3A_138 : memref<80xi32, #tpu.memory_space<vmem>>[vector<16xi32>], vector<16xi32>,
    %reduce_sum3A_139 = arith.constant true
    %reduce_sum3A_140 = vector.broadcast %reduce_sum3A_139 : i1 to vector<16xi1>
    %reduce_sum3A_141 = tpu.scan <sum>, %and3A_121 masked %reduce_sum3A_140 : vector<16xi32>, vector<16xi1> -> vector<16xi32>
    %reduce_sum3A_142 = vector.extract %reduce_sum3A_141[15] : i32 from vector<16xi32>
    %add3A_143 = arith.addi %add3A_115, %reduce_sum3A_142 : i32
    %broadcast_in_dim3A_144 = arith.constant 5 : i32
    %broadcast_in_dim3A_145 = vector.broadcast %broadcast_in_dim3A_144 : i32 to vector<16xi32>
    %shift_right_logical3A_146 = arith.shrui %get3A_3, %broadcast_in_dim3A_145 : vector<16xi32>
    %and3A_147 = arith.constant 1 : i32
    %and3A_148 = vector.broadcast %and3A_147 : i32 to vector<16xi32>
    %and3A_149 = arith.andi %shift_right_logical3A_146, %and3A_148 : vector<16xi32>
    %broadcast_in_dim3A_150 = arith.constant true
    %broadcast_in_dim3A_151 = vector.broadcast %broadcast_in_dim3A_150 : i1 to vector<16xi1>
    %masked_cumsum3A_152 = tpu.scan <sum>, %and3A_149 masked %broadcast_in_dim3A_151 : vector<16xi32>, vector<16xi1> -> vector<16xi32>
    %eq3A_153 = arith.constant 1 : i32
    %eq3A_154 = vector.broadcast %eq3A_153 : i32 to vector<16xi32>
    %eq3A_155 = arith.cmpi eq, %and3A_149, %eq3A_154 : vector<16xi32>
    %add3A_156 = vector.broadcast %add3A_143 : i32 to vector<16xi32>
    %add3A_157 = arith.addi %add3A_156, %masked_cumsum3A_152 : vector<16xi32>
    %sub3A_158 = arith.constant 1 : i32
    %sub3A_159 = vector.broadcast %sub3A_158 : i32 to vector<16xi32>
    %sub3A_160 = arith.subi %add3A_157, %sub3A_159 : vector<16xi32>
    %jit3A_161 = arith.constant 79 : i32
    %broadcast_in_dim3A_162 = vector.broadcast %jit3A_161 : i32 to vector<16xi32>
    %select_n3A_163 = arith.select %eq3A_155, %sub3A_160, %broadcast_in_dim3A_162 : vector<16xi1>, vector<16xi32>
    %add3A_164 = arith.constant 5 : i32
    %add3A_165 = vector.broadcast %add3A_164 : i32 to vector<16xi32>
    %add3A_166 = arith.addi %mul3A_9, %add3A_165 : vector<16xi32>
    tpu.vector_store_idx %arg7[%select_n3A_163], %add3A_166 : memref<80xi32, #tpu.memory_space<vmem>>[vector<16xi32>], vector<16xi32>,
    %reduce_sum3A_167 = arith.constant true
    %reduce_sum3A_168 = vector.broadcast %reduce_sum3A_167 : i1 to vector<16xi1>
    %reduce_sum3A_169 = tpu.scan <sum>, %and3A_149 masked %reduce_sum3A_168 : vector<16xi32>, vector<16xi1> -> vector<16xi32>
    %reduce_sum3A_170 = vector.extract %reduce_sum3A_169[15] : i32 from vector<16xi32>
    %add3A_171 = arith.addi %add3A_143, %reduce_sum3A_170 : i32
    %broadcast_in_dim3A_172 = arith.constant 6 : i32
    %broadcast_in_dim3A_173 = vector.broadcast %broadcast_in_dim3A_172 : i32 to vector<16xi32>
    %shift_right_logical3A_174 = arith.shrui %get3A_3, %broadcast_in_dim3A_173 : vector<16xi32>
    %and3A_175 = arith.constant 1 : i32
    %and3A_176 = vector.broadcast %and3A_175 : i32 to vector<16xi32>
    %and3A_177 = arith.andi %shift_right_logical3A_174, %and3A_176 : vector<16xi32>
    %broadcast_in_dim3A_178 = arith.constant true
    %broadcast_in_dim3A_179 = vector.broadcast %broadcast_in_dim3A_178 : i1 to vector<16xi1>
    %masked_cumsum3A_180 = tpu.scan <sum>, %and3A_177 masked %broadcast_in_dim3A_179 : vector<16xi32>, vector<16xi1> -> vector<16xi32>
    %eq3A_181 = arith.constant 1 : i32
    %eq3A_182 = vector.broadcast %eq3A_181 : i32 to vector<16xi32>
    %eq3A_183 = arith.cmpi eq, %and3A_177, %eq3A_182 : vector<16xi32>
    %add3A_184 = vector.broadcast %add3A_171 : i32 to vector<16xi32>
    %add3A_185 = arith.addi %add3A_184, %masked_cumsum3A_180 : vector<16xi32>
    %sub3A_186 = arith.constant 1 : i32
    %sub3A_187 = vector.broadcast %sub3A_186 : i32 to vector<16xi32>
    %sub3A_188 = arith.subi %add3A_185, %sub3A_187 : vector<16xi32>
    %jit3A_189 = arith.constant 79 : i32
    %broadcast_in_dim3A_190 = vector.broadcast %jit3A_189 : i32 to vector<16xi32>
    %select_n3A_191 = arith.select %eq3A_183, %sub3A_188, %broadcast_in_dim3A_190 : vector<16xi1>, vector<16xi32>
    %add3A_192 = arith.constant 6 : i32
    %add3A_193 = vector.broadcast %add3A_192 : i32 to vector<16xi32>
    %add3A_194 = arith.addi %mul3A_9, %add3A_193 : vector<16xi32>
    tpu.vector_store_idx %arg7[%select_n3A_191], %add3A_194 : memref<80xi32, #tpu.memory_space<vmem>>[vector<16xi32>], vector<16xi32>,
    %reduce_sum3A_195 = arith.constant true
    %reduce_sum3A_196 = vector.broadcast %reduce_sum3A_195 : i1 to vector<16xi1>
    %reduce_sum3A_197 = tpu.scan <sum>, %and3A_177 masked %reduce_sum3A_196 : vector<16xi32>, vector<16xi1> -> vector<16xi32>
    %reduce_sum3A_198 = vector.extract %reduce_sum3A_197[15] : i32 from vector<16xi32>
    %add3A_199 = arith.addi %add3A_171, %reduce_sum3A_198 : i32
    %broadcast_in_dim3A_200 = arith.constant 7 : i32
    %broadcast_in_dim3A_201 = vector.broadcast %broadcast_in_dim3A_200 : i32 to vector<16xi32>
    %shift_right_logical3A_202 = arith.shrui %get3A_3, %broadcast_in_dim3A_201 : vector<16xi32>
    %and3A_203 = arith.constant 1 : i32
    %and3A_204 = vector.broadcast %and3A_203 : i32 to vector<16xi32>
    %and3A_205 = arith.andi %shift_right_logical3A_202, %and3A_204 : vector<16xi32>
    %broadcast_in_dim3A_206 = arith.constant true
    %broadcast_in_dim3A_207 = vector.broadcast %broadcast_in_dim3A_206 : i1 to vector<16xi1>
    %masked_cumsum3A_208 = tpu.scan <sum>, %and3A_205 masked %broadcast_in_dim3A_207 : vector<16xi32>, vector<16xi1> -> vector<16xi32>
    %eq3A_209 = arith.constant 1 : i32
    %eq3A_210 = vector.broadcast %eq3A_209 : i32 to vector<16xi32>
    %eq3A_211 = arith.cmpi eq, %and3A_205, %eq3A_210 : vector<16xi32>
    %add3A_212 = vector.broadcast %add3A_199 : i32 to vector<16xi32>
    %add3A_213 = arith.addi %add3A_212, %masked_cumsum3A_208 : vector<16xi32>
    %sub3A_214 = arith.constant 1 : i32
    %sub3A_215 = vector.broadcast %sub3A_214 : i32 to vector<16xi32>
    %sub3A_216 = arith.subi %add3A_213, %sub3A_215 : vector<16xi32>
    %jit3A_217 = arith.constant 79 : i32
    %broadcast_in_dim3A_218 = vector.broadcast %jit3A_217 : i32 to vector<16xi32>
    %select_n3A_219 = arith.select %eq3A_211, %sub3A_216, %broadcast_in_dim3A_218 : vector<16xi1>, vector<16xi32>
    %add3A_220 = arith.constant 7 : i32
    %add3A_221 = vector.broadcast %add3A_220 : i32 to vector<16xi32>
    %add3A_222 = arith.addi %mul3A_9, %add3A_221 : vector<16xi32>
    tpu.vector_store_idx %arg7[%select_n3A_219], %add3A_222 : memref<80xi32, #tpu.memory_space<vmem>>[vector<16xi32>], vector<16xi32>,
    %reduce_sum3A_223 = arith.constant true
    %reduce_sum3A_224 = vector.broadcast %reduce_sum3A_223 : i1 to vector<16xi1>
    %reduce_sum3A_225 = tpu.scan <sum>, %and3A_205 masked %reduce_sum3A_224 : vector<16xi32>, vector<16xi1> -> vector<16xi32>
    %reduce_sum3A_226 = vector.extract %reduce_sum3A_225[15] : i32 from vector<16xi32>
    %add3A_227 = arith.addi %add3A_199, %reduce_sum3A_226 : i32
    %broadcast_in_dim3A_228 = arith.constant 8 : i32
    %broadcast_in_dim3A_229 = vector.broadcast %broadcast_in_dim3A_228 : i32 to vector<16xi32>
    %shift_right_logical3A_230 = arith.shrui %get3A_3, %broadcast_in_dim3A_229 : vector<16xi32>
    %and3A_231 = arith.constant 1 : i32
    %and3A_232 = vector.broadcast %and3A_231 : i32 to vector<16xi32>
    %and3A_233 = arith.andi %shift_right_logical3A_230, %and3A_232 : vector<16xi32>
    %broadcast_in_dim3A_234 = arith.constant true
    %broadcast_in_dim3A_235 = vector.broadcast %broadcast_in_dim3A_234 : i1 to vector<16xi1>
    %masked_cumsum3A_236 = tpu.scan <sum>, %and3A_233 masked %broadcast_in_dim3A_235 : vector<16xi32>, vector<16xi1> -> vector<16xi32>
    %eq3A_237 = arith.constant 1 : i32
    %eq3A_238 = vector.broadcast %eq3A_237 : i32 to vector<16xi32>
    %eq3A_239 = arith.cmpi eq, %and3A_233, %eq3A_238 : vector<16xi32>
    %add3A_240 = vector.broadcast %add3A_227 : i32 to vector<16xi32>
    %add3A_241 = arith.addi %add3A_240, %masked_cumsum3A_236 : vector<16xi32>
    %sub3A_242 = arith.constant 1 : i32
    %sub3A_243 = vector.broadcast %sub3A_242 : i32 to vector<16xi32>
    %sub3A_244 = arith.subi %add3A_241, %sub3A_243 : vector<16xi32>
    %jit3A_245 = arith.constant 79 : i32
    %broadcast_in_dim3A_246 = vector.broadcast %jit3A_245 : i32 to vector<16xi32>
    %select_n3A_247 = arith.select %eq3A_239, %sub3A_244, %broadcast_in_dim3A_246 : vector<16xi1>, vector<16xi32>
    %add3A_248 = arith.constant 8 : i32
    %add3A_249 = vector.broadcast %add3A_248 : i32 to vector<16xi32>
    %add3A_250 = arith.addi %mul3A_9, %add3A_249 : vector<16xi32>
    tpu.vector_store_idx %arg7[%select_n3A_247], %add3A_250 : memref<80xi32, #tpu.memory_space<vmem>>[vector<16xi32>], vector<16xi32>,
    %reduce_sum3A_251 = arith.constant true
    %reduce_sum3A_252 = vector.broadcast %reduce_sum3A_251 : i1 to vector<16xi1>
    %reduce_sum3A_253 = tpu.scan <sum>, %and3A_233 masked %reduce_sum3A_252 : vector<16xi32>, vector<16xi1> -> vector<16xi32>
    %reduce_sum3A_254 = vector.extract %reduce_sum3A_253[15] : i32 from vector<16xi32>
    %add3A_255 = arith.addi %add3A_227, %reduce_sum3A_254 : i32
    %broadcast_in_dim3A_256 = arith.constant 9 : i32
    %broadcast_in_dim3A_257 = vector.broadcast %broadcast_in_dim3A_256 : i32 to vector<16xi32>
    %shift_right_logical3A_258 = arith.shrui %get3A_3, %broadcast_in_dim3A_257 : vector<16xi32>
    %and3A_259 = arith.constant 1 : i32
    %and3A_260 = vector.broadcast %and3A_259 : i32 to vector<16xi32>
    %and3A_261 = arith.andi %shift_right_logical3A_258, %and3A_260 : vector<16xi32>
    %broadcast_in_dim3A_262 = arith.constant true
    %broadcast_in_dim3A_263 = vector.broadcast %broadcast_in_dim3A_262 : i1 to vector<16xi1>
    %masked_cumsum3A_264 = tpu.scan <sum>, %and3A_261 masked %broadcast_in_dim3A_263 : vector<16xi32>, vector<16xi1> -> vector<16xi32>
    %eq3A_265 = arith.constant 1 : i32
    %eq3A_266 = vector.broadcast %eq3A_265 : i32 to vector<16xi32>
    %eq3A_267 = arith.cmpi eq, %and3A_261, %eq3A_266 : vector<16xi32>
    %add3A_268 = vector.broadcast %add3A_255 : i32 to vector<16xi32>
    %add3A_269 = arith.addi %add3A_268, %masked_cumsum3A_264 : vector<16xi32>
    %sub3A_270 = arith.constant 1 : i32
    %sub3A_271 = vector.broadcast %sub3A_270 : i32 to vector<16xi32>
    %sub3A_272 = arith.subi %add3A_269, %sub3A_271 : vector<16xi32>
    %jit3A_273 = arith.constant 79 : i32
    %broadcast_in_dim3A_274 = vector.broadcast %jit3A_273 : i32 to vector<16xi32>
    %select_n3A_275 = arith.select %eq3A_267, %sub3A_272, %broadcast_in_dim3A_274 : vector<16xi1>, vector<16xi32>
    %add3A_276 = arith.constant 9 : i32
    %add3A_277 = vector.broadcast %add3A_276 : i32 to vector<16xi32>
    %add3A_278 = arith.addi %mul3A_9, %add3A_277 : vector<16xi32>
    tpu.vector_store_idx %arg7[%select_n3A_275], %add3A_278 : memref<80xi32, #tpu.memory_space<vmem>>[vector<16xi32>], vector<16xi32>,
    %reduce_sum3A_279 = arith.constant true
    %reduce_sum3A_280 = vector.broadcast %reduce_sum3A_279 : i1 to vector<16xi1>
    %reduce_sum3A_281 = tpu.scan <sum>, %and3A_261 masked %reduce_sum3A_280 : vector<16xi32>, vector<16xi1> -> vector<16xi32>
    %reduce_sum3A_282 = vector.extract %reduce_sum3A_281[15] : i32 from vector<16xi32>
    %add3A_283 = arith.addi %add3A_255, %reduce_sum3A_282 : i32
    %broadcast_in_dim3A_284 = arith.constant 10 : i32
    %broadcast_in_dim3A_285 = vector.broadcast %broadcast_in_dim3A_284 : i32 to vector<16xi32>
    %shift_right_logical3A_286 = arith.shrui %get3A_3, %broadcast_in_dim3A_285 : vector<16xi32>
    %and3A_287 = arith.constant 1 : i32
    %and3A_288 = vector.broadcast %and3A_287 : i32 to vector<16xi32>
    %and3A_289 = arith.andi %shift_right_logical3A_286, %and3A_288 : vector<16xi32>
    %broadcast_in_dim3A_290 = arith.constant true
    %broadcast_in_dim3A_291 = vector.broadcast %broadcast_in_dim3A_290 : i1 to vector<16xi1>
    %masked_cumsum3A_292 = tpu.scan <sum>, %and3A_289 masked %broadcast_in_dim3A_291 : vector<16xi32>, vector<16xi1> -> vector<16xi32>
    %eq3A_293 = arith.constant 1 : i32
    %eq3A_294 = vector.broadcast %eq3A_293 : i32 to vector<16xi32>
    %eq3A_295 = arith.cmpi eq, %and3A_289, %eq3A_294 : vector<16xi32>
    %add3A_296 = vector.broadcast %add3A_283 : i32 to vector<16xi32>
    %add3A_297 = arith.addi %add3A_296, %masked_cumsum3A_292 : vector<16xi32>
    %sub3A_298 = arith.constant 1 : i32
    %sub3A_299 = vector.broadcast %sub3A_298 : i32 to vector<16xi32>
    %sub3A_300 = arith.subi %add3A_297, %sub3A_299 : vector<16xi32>
    %jit3A_301 = arith.constant 79 : i32
    %broadcast_in_dim3A_302 = vector.broadcast %jit3A_301 : i32 to vector<16xi32>
    %select_n3A_303 = arith.select %eq3A_295, %sub3A_300, %broadcast_in_dim3A_302 : vector<16xi1>, vector<16xi32>
    %add3A_304 = arith.constant 10 : i32
    %add3A_305 = vector.broadcast %add3A_304 : i32 to vector<16xi32>
    %add3A_306 = arith.addi %mul3A_9, %add3A_305 : vector<16xi32>
    tpu.vector_store_idx %arg7[%select_n3A_303], %add3A_306 : memref<80xi32, #tpu.memory_space<vmem>>[vector<16xi32>], vector<16xi32>,
    %reduce_sum3A_307 = arith.constant true
    %reduce_sum3A_308 = vector.broadcast %reduce_sum3A_307 : i1 to vector<16xi1>
    %reduce_sum3A_309 = tpu.scan <sum>, %and3A_289 masked %reduce_sum3A_308 : vector<16xi32>, vector<16xi1> -> vector<16xi32>
    %reduce_sum3A_310 = vector.extract %reduce_sum3A_309[15] : i32 from vector<16xi32>
    %add3A_311 = arith.addi %add3A_283, %reduce_sum3A_310 : i32
    %broadcast_in_dim3A_312 = arith.constant 11 : i32
    %broadcast_in_dim3A_313 = vector.broadcast %broadcast_in_dim3A_312 : i32 to vector<16xi32>
    %shift_right_logical3A_314 = arith.shrui %get3A_3, %broadcast_in_dim3A_313 : vector<16xi32>
    %and3A_315 = arith.constant 1 : i32
    %and3A_316 = vector.broadcast %and3A_315 : i32 to vector<16xi32>
    %and3A_317 = arith.andi %shift_right_logical3A_314, %and3A_316 : vector<16xi32>
    %broadcast_in_dim3A_318 = arith.constant true
    %broadcast_in_dim3A_319 = vector.broadcast %broadcast_in_dim3A_318 : i1 to vector<16xi1>
    %masked_cumsum3A_320 = tpu.scan <sum>, %and3A_317 masked %broadcast_in_dim3A_319 : vector<16xi32>, vector<16xi1> -> vector<16xi32>
    %eq3A_321 = arith.constant 1 : i32
    %eq3A_322 = vector.broadcast %eq3A_321 : i32 to vector<16xi32>
    %eq3A_323 = arith.cmpi eq, %and3A_317, %eq3A_322 : vector<16xi32>
    %add3A_324 = vector.broadcast %add3A_311 : i32 to vector<16xi32>
    %add3A_325 = arith.addi %add3A_324, %masked_cumsum3A_320 : vector<16xi32>
    %sub3A_326 = arith.constant 1 : i32
    %sub3A_327 = vector.broadcast %sub3A_326 : i32 to vector<16xi32>
    %sub3A_328 = arith.subi %add3A_325, %sub3A_327 : vector<16xi32>
    %jit3A_329 = arith.constant 79 : i32
    %broadcast_in_dim3A_330 = vector.broadcast %jit3A_329 : i32 to vector<16xi32>
    %select_n3A_331 = arith.select %eq3A_323, %sub3A_328, %broadcast_in_dim3A_330 : vector<16xi1>, vector<16xi32>
    %add3A_332 = arith.constant 11 : i32
    %add3A_333 = vector.broadcast %add3A_332 : i32 to vector<16xi32>
    %add3A_334 = arith.addi %mul3A_9, %add3A_333 : vector<16xi32>
    tpu.vector_store_idx %arg7[%select_n3A_331], %add3A_334 : memref<80xi32, #tpu.memory_space<vmem>>[vector<16xi32>], vector<16xi32>,
    %reduce_sum3A_335 = arith.constant true
    %reduce_sum3A_336 = vector.broadcast %reduce_sum3A_335 : i1 to vector<16xi1>
    %reduce_sum3A_337 = tpu.scan <sum>, %and3A_317 masked %reduce_sum3A_336 : vector<16xi32>, vector<16xi1> -> vector<16xi32>
    %reduce_sum3A_338 = vector.extract %reduce_sum3A_337[15] : i32 from vector<16xi32>
    %add3A_339 = arith.addi %add3A_311, %reduce_sum3A_338 : i32
    %broadcast_in_dim3A_340 = arith.constant 12 : i32
    %broadcast_in_dim3A_341 = vector.broadcast %broadcast_in_dim3A_340 : i32 to vector<16xi32>
    %shift_right_logical3A_342 = arith.shrui %get3A_3, %broadcast_in_dim3A_341 : vector<16xi32>
    %and3A_343 = arith.constant 1 : i32
    %and3A_344 = vector.broadcast %and3A_343 : i32 to vector<16xi32>
    %and3A_345 = arith.andi %shift_right_logical3A_342, %and3A_344 : vector<16xi32>
    %broadcast_in_dim3A_346 = arith.constant true
    %broadcast_in_dim3A_347 = vector.broadcast %broadcast_in_dim3A_346 : i1 to vector<16xi1>
    %masked_cumsum3A_348 = tpu.scan <sum>, %and3A_345 masked %broadcast_in_dim3A_347 : vector<16xi32>, vector<16xi1> -> vector<16xi32>
    %eq3A_349 = arith.constant 1 : i32
    %eq3A_350 = vector.broadcast %eq3A_349 : i32 to vector<16xi32>
    %eq3A_351 = arith.cmpi eq, %and3A_345, %eq3A_350 : vector<16xi32>
    %add3A_352 = vector.broadcast %add3A_339 : i32 to vector<16xi32>
    %add3A_353 = arith.addi %add3A_352, %masked_cumsum3A_348 : vector<16xi32>
    %sub3A_354 = arith.constant 1 : i32
    %sub3A_355 = vector.broadcast %sub3A_354 : i32 to vector<16xi32>
    %sub3A_356 = arith.subi %add3A_353, %sub3A_355 : vector<16xi32>
    %jit3A_357 = arith.constant 79 : i32
    %broadcast_in_dim3A_358 = vector.broadcast %jit3A_357 : i32 to vector<16xi32>
    %select_n3A_359 = arith.select %eq3A_351, %sub3A_356, %broadcast_in_dim3A_358 : vector<16xi1>, vector<16xi32>
    %add3A_360 = arith.constant 12 : i32
    %add3A_361 = vector.broadcast %add3A_360 : i32 to vector<16xi32>
    %add3A_362 = arith.addi %mul3A_9, %add3A_361 : vector<16xi32>
    tpu.vector_store_idx %arg7[%select_n3A_359], %add3A_362 : memref<80xi32, #tpu.memory_space<vmem>>[vector<16xi32>], vector<16xi32>,
    %reduce_sum3A_363 = arith.constant true
    %reduce_sum3A_364 = vector.broadcast %reduce_sum3A_363 : i1 to vector<16xi1>
    %reduce_sum3A_365 = tpu.scan <sum>, %and3A_345 masked %reduce_sum3A_364 : vector<16xi32>, vector<16xi1> -> vector<16xi32>
    %reduce_sum3A_366 = vector.extract %reduce_sum3A_365[15] : i32 from vector<16xi32>
    %add3A_367 = arith.addi %add3A_339, %reduce_sum3A_366 : i32
    %broadcast_in_dim3A_368 = arith.constant 13 : i32
    %broadcast_in_dim3A_369 = vector.broadcast %broadcast_in_dim3A_368 : i32 to vector<16xi32>
    %shift_right_logical3A_370 = arith.shrui %get3A_3, %broadcast_in_dim3A_369 : vector<16xi32>
    %and3A_371 = arith.constant 1 : i32
    %and3A_372 = vector.broadcast %and3A_371 : i32 to vector<16xi32>
    %and3A_373 = arith.andi %shift_right_logical3A_370, %and3A_372 : vector<16xi32>
    %broadcast_in_dim3A_374 = arith.constant true
    %broadcast_in_dim3A_375 = vector.broadcast %broadcast_in_dim3A_374 : i1 to vector<16xi1>
    %masked_cumsum3A_376 = tpu.scan <sum>, %and3A_373 masked %broadcast_in_dim3A_375 : vector<16xi32>, vector<16xi1> -> vector<16xi32>
    %eq3A_377 = arith.constant 1 : i32
    %eq3A_378 = vector.broadcast %eq3A_377 : i32 to vector<16xi32>
    %eq3A_379 = arith.cmpi eq, %and3A_373, %eq3A_378 : vector<16xi32>
    %add3A_380 = vector.broadcast %add3A_367 : i32 to vector<16xi32>
    %add3A_381 = arith.addi %add3A_380, %masked_cumsum3A_376 : vector<16xi32>
    %sub3A_382 = arith.constant 1 : i32
    %sub3A_383 = vector.broadcast %sub3A_382 : i32 to vector<16xi32>
    %sub3A_384 = arith.subi %add3A_381, %sub3A_383 : vector<16xi32>
    %jit3A_385 = arith.constant 79 : i32
    %broadcast_in_dim3A_386 = vector.broadcast %jit3A_385 : i32 to vector<16xi32>
    %select_n3A_387 = arith.select %eq3A_379, %sub3A_384, %broadcast_in_dim3A_386 : vector<16xi1>, vector<16xi32>
    %add3A_388 = arith.constant 13 : i32
    %add3A_389 = vector.broadcast %add3A_388 : i32 to vector<16xi32>
    %add3A_390 = arith.addi %mul3A_9, %add3A_389 : vector<16xi32>
    tpu.vector_store_idx %arg7[%select_n3A_387], %add3A_390 : memref<80xi32, #tpu.memory_space<vmem>>[vector<16xi32>], vector<16xi32>,
    %reduce_sum3A_391 = arith.constant true
    %reduce_sum3A_392 = vector.broadcast %reduce_sum3A_391 : i1 to vector<16xi1>
    %reduce_sum3A_393 = tpu.scan <sum>, %and3A_373 masked %reduce_sum3A_392 : vector<16xi32>, vector<16xi1> -> vector<16xi32>
    %reduce_sum3A_394 = vector.extract %reduce_sum3A_393[15] : i32 from vector<16xi32>
    %add3A_395 = arith.addi %add3A_367, %reduce_sum3A_394 : i32
    %broadcast_in_dim3A_396 = arith.constant 14 : i32
    %broadcast_in_dim3A_397 = vector.broadcast %broadcast_in_dim3A_396 : i32 to vector<16xi32>
    %shift_right_logical3A_398 = arith.shrui %get3A_3, %broadcast_in_dim3A_397 : vector<16xi32>
    %and3A_399 = arith.constant 1 : i32
    %and3A_400 = vector.broadcast %and3A_399 : i32 to vector<16xi32>
    %and3A_401 = arith.andi %shift_right_logical3A_398, %and3A_400 : vector<16xi32>
    %broadcast_in_dim3A_402 = arith.constant true
    %broadcast_in_dim3A_403 = vector.broadcast %broadcast_in_dim3A_402 : i1 to vector<16xi1>
    %masked_cumsum3A_404 = tpu.scan <sum>, %and3A_401 masked %broadcast_in_dim3A_403 : vector<16xi32>, vector<16xi1> -> vector<16xi32>
    %eq3A_405 = arith.constant 1 : i32
    %eq3A_406 = vector.broadcast %eq3A_405 : i32 to vector<16xi32>
    %eq3A_407 = arith.cmpi eq, %and3A_401, %eq3A_406 : vector<16xi32>
    %add3A_408 = vector.broadcast %add3A_395 : i32 to vector<16xi32>
    %add3A_409 = arith.addi %add3A_408, %masked_cumsum3A_404 : vector<16xi32>
    %sub3A_410 = arith.constant 1 : i32
    %sub3A_411 = vector.broadcast %sub3A_410 : i32 to vector<16xi32>
    %sub3A_412 = arith.subi %add3A_409, %sub3A_411 : vector<16xi32>
    %jit3A_413 = arith.constant 79 : i32
    %broadcast_in_dim3A_414 = vector.broadcast %jit3A_413 : i32 to vector<16xi32>
    %select_n3A_415 = arith.select %eq3A_407, %sub3A_412, %broadcast_in_dim3A_414 : vector<16xi1>, vector<16xi32>
    %add3A_416 = arith.constant 14 : i32
    %add3A_417 = vector.broadcast %add3A_416 : i32 to vector<16xi32>
    %add3A_418 = arith.addi %mul3A_9, %add3A_417 : vector<16xi32>
    tpu.vector_store_idx %arg7[%select_n3A_415], %add3A_418 : memref<80xi32, #tpu.memory_space<vmem>>[vector<16xi32>], vector<16xi32>,
    %reduce_sum3A_419 = arith.constant true
    %reduce_sum3A_420 = vector.broadcast %reduce_sum3A_419 : i1 to vector<16xi1>
    %reduce_sum3A_421 = tpu.scan <sum>, %and3A_401 masked %reduce_sum3A_420 : vector<16xi32>, vector<16xi1> -> vector<16xi32>
    %reduce_sum3A_422 = vector.extract %reduce_sum3A_421[15] : i32 from vector<16xi32>
    %add3A_423 = arith.addi %add3A_395, %reduce_sum3A_422 : i32
    %broadcast_in_dim3A_424 = arith.constant 15 : i32
    %broadcast_in_dim3A_425 = vector.broadcast %broadcast_in_dim3A_424 : i32 to vector<16xi32>
    %shift_right_logical3A_426 = arith.shrui %get3A_3, %broadcast_in_dim3A_425 : vector<16xi32>
    %and3A_427 = arith.constant 1 : i32
    %and3A_428 = vector.broadcast %and3A_427 : i32 to vector<16xi32>
    %and3A_429 = arith.andi %shift_right_logical3A_426, %and3A_428 : vector<16xi32>
    %broadcast_in_dim3A_430 = arith.constant true
    %broadcast_in_dim3A_431 = vector.broadcast %broadcast_in_dim3A_430 : i1 to vector<16xi1>
    %masked_cumsum3A_432 = tpu.scan <sum>, %and3A_429 masked %broadcast_in_dim3A_431 : vector<16xi32>, vector<16xi1> -> vector<16xi32>
    %eq3A_433 = arith.constant 1 : i32
    %eq3A_434 = vector.broadcast %eq3A_433 : i32 to vector<16xi32>
    %eq3A_435 = arith.cmpi eq, %and3A_429, %eq3A_434 : vector<16xi32>
    %add3A_436 = vector.broadcast %add3A_423 : i32 to vector<16xi32>
    %add3A_437 = arith.addi %add3A_436, %masked_cumsum3A_432 : vector<16xi32>
    %sub3A_438 = arith.constant 1 : i32
    %sub3A_439 = vector.broadcast %sub3A_438 : i32 to vector<16xi32>
    %sub3A_440 = arith.subi %add3A_437, %sub3A_439 : vector<16xi32>
    %jit3A_441 = arith.constant 79 : i32
    %broadcast_in_dim3A_442 = vector.broadcast %jit3A_441 : i32 to vector<16xi32>
    %select_n3A_443 = arith.select %eq3A_435, %sub3A_440, %broadcast_in_dim3A_442 : vector<16xi1>, vector<16xi32>
    %add3A_444 = arith.constant 15 : i32
    %add3A_445 = vector.broadcast %add3A_444 : i32 to vector<16xi32>
    %add3A_446 = arith.addi %mul3A_9, %add3A_445 : vector<16xi32>
    tpu.vector_store_idx %arg7[%select_n3A_443], %add3A_446 : memref<80xi32, #tpu.memory_space<vmem>>[vector<16xi32>], vector<16xi32>,
    %reduce_sum3A_447 = arith.constant true
    %reduce_sum3A_448 = vector.broadcast %reduce_sum3A_447 : i1 to vector<16xi1>
    %reduce_sum3A_449 = tpu.scan <sum>, %and3A_429 masked %reduce_sum3A_448 : vector<16xi32>, vector<16xi1> -> vector<16xi32>
    %reduce_sum3A_450 = vector.extract %reduce_sum3A_449[15] : i32 from vector<16xi32>
    %add3A_451 = arith.addi %add3A_423, %reduce_sum3A_450 : i32
    %broadcast_in_dim3A_452 = arith.constant 16 : i32
    %broadcast_in_dim3A_453 = vector.broadcast %broadcast_in_dim3A_452 : i32 to vector<16xi32>
    %shift_right_logical3A_454 = arith.shrui %get3A_3, %broadcast_in_dim3A_453 : vector<16xi32>
    %and3A_455 = arith.constant 1 : i32
    %and3A_456 = vector.broadcast %and3A_455 : i32 to vector<16xi32>
    %and3A_457 = arith.andi %shift_right_logical3A_454, %and3A_456 : vector<16xi32>
    %broadcast_in_dim3A_458 = arith.constant true
    %broadcast_in_dim3A_459 = vector.broadcast %broadcast_in_dim3A_458 : i1 to vector<16xi1>
    %masked_cumsum3A_460 = tpu.scan <sum>, %and3A_457 masked %broadcast_in_dim3A_459 : vector<16xi32>, vector<16xi1> -> vector<16xi32>
    %eq3A_461 = arith.constant 1 : i32
    %eq3A_462 = vector.broadcast %eq3A_461 : i32 to vector<16xi32>
    %eq3A_463 = arith.cmpi eq, %and3A_457, %eq3A_462 : vector<16xi32>
    %add3A_464 = vector.broadcast %add3A_451 : i32 to vector<16xi32>
    %add3A_465 = arith.addi %add3A_464, %masked_cumsum3A_460 : vector<16xi32>
    %sub3A_466 = arith.constant 1 : i32
    %sub3A_467 = vector.broadcast %sub3A_466 : i32 to vector<16xi32>
    %sub3A_468 = arith.subi %add3A_465, %sub3A_467 : vector<16xi32>
    %jit3A_469 = arith.constant 79 : i32
    %broadcast_in_dim3A_470 = vector.broadcast %jit3A_469 : i32 to vector<16xi32>
    %select_n3A_471 = arith.select %eq3A_463, %sub3A_468, %broadcast_in_dim3A_470 : vector<16xi1>, vector<16xi32>
    %add3A_472 = arith.constant 16 : i32
    %add3A_473 = vector.broadcast %add3A_472 : i32 to vector<16xi32>
    %add3A_474 = arith.addi %mul3A_9, %add3A_473 : vector<16xi32>
    tpu.vector_store_idx %arg7[%select_n3A_471], %add3A_474 : memref<80xi32, #tpu.memory_space<vmem>>[vector<16xi32>], vector<16xi32>,
    %reduce_sum3A_475 = arith.constant true
    %reduce_sum3A_476 = vector.broadcast %reduce_sum3A_475 : i1 to vector<16xi1>
    %reduce_sum3A_477 = tpu.scan <sum>, %and3A_457 masked %reduce_sum3A_476 : vector<16xi32>, vector<16xi1> -> vector<16xi32>
    %reduce_sum3A_478 = vector.extract %reduce_sum3A_477[15] : i32 from vector<16xi32>
    %add3A_479 = arith.addi %add3A_451, %reduce_sum3A_478 : i32
    %broadcast_in_dim3A_480 = arith.constant 17 : i32
    %broadcast_in_dim3A_481 = vector.broadcast %broadcast_in_dim3A_480 : i32 to vector<16xi32>
    %shift_right_logical3A_482 = arith.shrui %get3A_3, %broadcast_in_dim3A_481 : vector<16xi32>
    %and3A_483 = arith.constant 1 : i32
    %and3A_484 = vector.broadcast %and3A_483 : i32 to vector<16xi32>
    %and3A_485 = arith.andi %shift_right_logical3A_482, %and3A_484 : vector<16xi32>
    %broadcast_in_dim3A_486 = arith.constant true
    %broadcast_in_dim3A_487 = vector.broadcast %broadcast_in_dim3A_486 : i1 to vector<16xi1>
    %masked_cumsum3A_488 = tpu.scan <sum>, %and3A_485 masked %broadcast_in_dim3A_487 : vector<16xi32>, vector<16xi1> -> vector<16xi32>
    %eq3A_489 = arith.constant 1 : i32
    %eq3A_490 = vector.broadcast %eq3A_489 : i32 to vector<16xi32>
    %eq3A_491 = arith.cmpi eq, %and3A_485, %eq3A_490 : vector<16xi32>
    %add3A_492 = vector.broadcast %add3A_479 : i32 to vector<16xi32>
    %add3A_493 = arith.addi %add3A_492, %masked_cumsum3A_488 : vector<16xi32>
    %sub3A_494 = arith.constant 1 : i32
    %sub3A_495 = vector.broadcast %sub3A_494 : i32 to vector<16xi32>
    %sub3A_496 = arith.subi %add3A_493, %sub3A_495 : vector<16xi32>
    %jit3A_497 = arith.constant 79 : i32
    %broadcast_in_dim3A_498 = vector.broadcast %jit3A_497 : i32 to vector<16xi32>
    %select_n3A_499 = arith.select %eq3A_491, %sub3A_496, %broadcast_in_dim3A_498 : vector<16xi1>, vector<16xi32>
    %add3A_500 = arith.constant 17 : i32
    %add3A_501 = vector.broadcast %add3A_500 : i32 to vector<16xi32>
    %add3A_502 = arith.addi %mul3A_9, %add3A_501 : vector<16xi32>
    tpu.vector_store_idx %arg7[%select_n3A_499], %add3A_502 : memref<80xi32, #tpu.memory_space<vmem>>[vector<16xi32>], vector<16xi32>,
    %reduce_sum3A_503 = arith.constant true
    %reduce_sum3A_504 = vector.broadcast %reduce_sum3A_503 : i1 to vector<16xi1>
    %reduce_sum3A_505 = tpu.scan <sum>, %and3A_485 masked %reduce_sum3A_504 : vector<16xi32>, vector<16xi1> -> vector<16xi32>
    %reduce_sum3A_506 = vector.extract %reduce_sum3A_505[15] : i32 from vector<16xi32>
    %add3A_507 = arith.addi %add3A_479, %reduce_sum3A_506 : i32
    %broadcast_in_dim3A_508 = arith.constant 18 : i32
    %broadcast_in_dim3A_509 = vector.broadcast %broadcast_in_dim3A_508 : i32 to vector<16xi32>
    %shift_right_logical3A_510 = arith.shrui %get3A_3, %broadcast_in_dim3A_509 : vector<16xi32>
    %and3A_511 = arith.constant 1 : i32
    %and3A_512 = vector.broadcast %and3A_511 : i32 to vector<16xi32>
    %and3A_513 = arith.andi %shift_right_logical3A_510, %and3A_512 : vector<16xi32>
    %broadcast_in_dim3A_514 = arith.constant true
    %broadcast_in_dim3A_515 = vector.broadcast %broadcast_in_dim3A_514 : i1 to vector<16xi1>
    %masked_cumsum3A_516 = tpu.scan <sum>, %and3A_513 masked %broadcast_in_dim3A_515 : vector<16xi32>, vector<16xi1> -> vector<16xi32>
    %eq3A_517 = arith.constant 1 : i32
    %eq3A_518 = vector.broadcast %eq3A_517 : i32 to vector<16xi32>
    %eq3A_519 = arith.cmpi eq, %and3A_513, %eq3A_518 : vector<16xi32>
    %add3A_520 = vector.broadcast %add3A_507 : i32 to vector<16xi32>
    %add3A_521 = arith.addi %add3A_520, %masked_cumsum3A_516 : vector<16xi32>
    %sub3A_522 = arith.constant 1 : i32
    %sub3A_523 = vector.broadcast %sub3A_522 : i32 to vector<16xi32>
    %sub3A_524 = arith.subi %add3A_521, %sub3A_523 : vector<16xi32>
    %jit3A_525 = arith.constant 79 : i32
    %broadcast_in_dim3A_526 = vector.broadcast %jit3A_525 : i32 to vector<16xi32>
    %select_n3A_527 = arith.select %eq3A_519, %sub3A_524, %broadcast_in_dim3A_526 : vector<16xi1>, vector<16xi32>
    %add3A_528 = arith.constant 18 : i32
    %add3A_529 = vector.broadcast %add3A_528 : i32 to vector<16xi32>
    %add3A_530 = arith.addi %mul3A_9, %add3A_529 : vector<16xi32>
    tpu.vector_store_idx %arg7[%select_n3A_527], %add3A_530 : memref<80xi32, #tpu.memory_space<vmem>>[vector<16xi32>], vector<16xi32>,
    %reduce_sum3A_531 = arith.constant true
    %reduce_sum3A_532 = vector.broadcast %reduce_sum3A_531 : i1 to vector<16xi1>
    %reduce_sum3A_533 = tpu.scan <sum>, %and3A_513 masked %reduce_sum3A_532 : vector<16xi32>, vector<16xi1> -> vector<16xi32>
    %reduce_sum3A_534 = vector.extract %reduce_sum3A_533[15] : i32 from vector<16xi32>
    %add3A_535 = arith.addi %add3A_507, %reduce_sum3A_534 : i32
    %broadcast_in_dim3A_536 = arith.constant 19 : i32
    %broadcast_in_dim3A_537 = vector.broadcast %broadcast_in_dim3A_536 : i32 to vector<16xi32>
    %shift_right_logical3A_538 = arith.shrui %get3A_3, %broadcast_in_dim3A_537 : vector<16xi32>
    %and3A_539 = arith.constant 1 : i32
    %and3A_540 = vector.broadcast %and3A_539 : i32 to vector<16xi32>
    %and3A_541 = arith.andi %shift_right_logical3A_538, %and3A_540 : vector<16xi32>
    %broadcast_in_dim3A_542 = arith.constant true
    %broadcast_in_dim3A_543 = vector.broadcast %broadcast_in_dim3A_542 : i1 to vector<16xi1>
    %masked_cumsum3A_544 = tpu.scan <sum>, %and3A_541 masked %broadcast_in_dim3A_543 : vector<16xi32>, vector<16xi1> -> vector<16xi32>
    %eq3A_545 = arith.constant 1 : i32
    %eq3A_546 = vector.broadcast %eq3A_545 : i32 to vector<16xi32>
    %eq3A_547 = arith.cmpi eq, %and3A_541, %eq3A_546 : vector<16xi32>
    %add3A_548 = vector.broadcast %add3A_535 : i32 to vector<16xi32>
    %add3A_549 = arith.addi %add3A_548, %masked_cumsum3A_544 : vector<16xi32>
    %sub3A_550 = arith.constant 1 : i32
    %sub3A_551 = vector.broadcast %sub3A_550 : i32 to vector<16xi32>
    %sub3A_552 = arith.subi %add3A_549, %sub3A_551 : vector<16xi32>
    %jit3A_553 = arith.constant 79 : i32
    %broadcast_in_dim3A_554 = vector.broadcast %jit3A_553 : i32 to vector<16xi32>
    %select_n3A_555 = arith.select %eq3A_547, %sub3A_552, %broadcast_in_dim3A_554 : vector<16xi1>, vector<16xi32>
    %add3A_556 = arith.constant 19 : i32
    %add3A_557 = vector.broadcast %add3A_556 : i32 to vector<16xi32>
    %add3A_558 = arith.addi %mul3A_9, %add3A_557 : vector<16xi32>
    tpu.vector_store_idx %arg7[%select_n3A_555], %add3A_558 : memref<80xi32, #tpu.memory_space<vmem>>[vector<16xi32>], vector<16xi32>,
    %reduce_sum3A_559 = arith.constant true
    %reduce_sum3A_560 = vector.broadcast %reduce_sum3A_559 : i1 to vector<16xi1>
    %reduce_sum3A_561 = tpu.scan <sum>, %and3A_541 masked %reduce_sum3A_560 : vector<16xi32>, vector<16xi1> -> vector<16xi32>
    %reduce_sum3A_562 = vector.extract %reduce_sum3A_561[15] : i32 from vector<16xi32>
    %add3A_563 = arith.addi %add3A_535, %reduce_sum3A_562 : i32
    %broadcast_in_dim3A_564 = arith.constant 20 : i32
    %broadcast_in_dim3A_565 = vector.broadcast %broadcast_in_dim3A_564 : i32 to vector<16xi32>
    %shift_right_logical3A_566 = arith.shrui %get3A_3, %broadcast_in_dim3A_565 : vector<16xi32>
    %and3A_567 = arith.constant 1 : i32
    %and3A_568 = vector.broadcast %and3A_567 : i32 to vector<16xi32>
    %and3A_569 = arith.andi %shift_right_logical3A_566, %and3A_568 : vector<16xi32>
    %broadcast_in_dim3A_570 = arith.constant true
    %broadcast_in_dim3A_571 = vector.broadcast %broadcast_in_dim3A_570 : i1 to vector<16xi1>
    %masked_cumsum3A_572 = tpu.scan <sum>, %and3A_569 masked %broadcast_in_dim3A_571 : vector<16xi32>, vector<16xi1> -> vector<16xi32>
    %eq3A_573 = arith.constant 1 : i32
    %eq3A_574 = vector.broadcast %eq3A_573 : i32 to vector<16xi32>
    %eq3A_575 = arith.cmpi eq, %and3A_569, %eq3A_574 : vector<16xi32>
    %add3A_576 = vector.broadcast %add3A_563 : i32 to vector<16xi32>
    %add3A_577 = arith.addi %add3A_576, %masked_cumsum3A_572 : vector<16xi32>
    %sub3A_578 = arith.constant 1 : i32
    %sub3A_579 = vector.broadcast %sub3A_578 : i32 to vector<16xi32>
    %sub3A_580 = arith.subi %add3A_577, %sub3A_579 : vector<16xi32>
    %jit3A_581 = arith.constant 79 : i32
    %broadcast_in_dim3A_582 = vector.broadcast %jit3A_581 : i32 to vector<16xi32>
    %select_n3A_583 = arith.select %eq3A_575, %sub3A_580, %broadcast_in_dim3A_582 : vector<16xi1>, vector<16xi32>
    %add3A_584 = arith.constant 20 : i32
    %add3A_585 = vector.broadcast %add3A_584 : i32 to vector<16xi32>
    %add3A_586 = arith.addi %mul3A_9, %add3A_585 : vector<16xi32>
    tpu.vector_store_idx %arg7[%select_n3A_583], %add3A_586 : memref<80xi32, #tpu.memory_space<vmem>>[vector<16xi32>], vector<16xi32>,
    %reduce_sum3A_587 = arith.constant true
    %reduce_sum3A_588 = vector.broadcast %reduce_sum3A_587 : i1 to vector<16xi1>
    %reduce_sum3A_589 = tpu.scan <sum>, %and3A_569 masked %reduce_sum3A_588 : vector<16xi32>, vector<16xi1> -> vector<16xi32>
    %reduce_sum3A_590 = vector.extract %reduce_sum3A_589[15] : i32 from vector<16xi32>
    %add3A_591 = arith.addi %add3A_563, %reduce_sum3A_590 : i32
    %broadcast_in_dim3A_592 = arith.constant 21 : i32
    %broadcast_in_dim3A_593 = vector.broadcast %broadcast_in_dim3A_592 : i32 to vector<16xi32>
    %shift_right_logical3A_594 = arith.shrui %get3A_3, %broadcast_in_dim3A_593 : vector<16xi32>
    %and3A_595 = arith.constant 1 : i32
    %and3A_596 = vector.broadcast %and3A_595 : i32 to vector<16xi32>
    %and3A_597 = arith.andi %shift_right_logical3A_594, %and3A_596 : vector<16xi32>
    %broadcast_in_dim3A_598 = arith.constant true
    %broadcast_in_dim3A_599 = vector.broadcast %broadcast_in_dim3A_598 : i1 to vector<16xi1>
    %masked_cumsum3A_600 = tpu.scan <sum>, %and3A_597 masked %broadcast_in_dim3A_599 : vector<16xi32>, vector<16xi1> -> vector<16xi32>
    %eq3A_601 = arith.constant 1 : i32
    %eq3A_602 = vector.broadcast %eq3A_601 : i32 to vector<16xi32>
    %eq3A_603 = arith.cmpi eq, %and3A_597, %eq3A_602 : vector<16xi32>
    %add3A_604 = vector.broadcast %add3A_591 : i32 to vector<16xi32>
    %add3A_605 = arith.addi %add3A_604, %masked_cumsum3A_600 : vector<16xi32>
    %sub3A_606 = arith.constant 1 : i32
    %sub3A_607 = vector.broadcast %sub3A_606 : i32 to vector<16xi32>
    %sub3A_608 = arith.subi %add3A_605, %sub3A_607 : vector<16xi32>
    %jit3A_609 = arith.constant 79 : i32
    %broadcast_in_dim3A_610 = vector.broadcast %jit3A_609 : i32 to vector<16xi32>
    %select_n3A_611 = arith.select %eq3A_603, %sub3A_608, %broadcast_in_dim3A_610 : vector<16xi1>, vector<16xi32>
    %add3A_612 = arith.constant 21 : i32
    %add3A_613 = vector.broadcast %add3A_612 : i32 to vector<16xi32>
    %add3A_614 = arith.addi %mul3A_9, %add3A_613 : vector<16xi32>
    tpu.vector_store_idx %arg7[%select_n3A_611], %add3A_614 : memref<80xi32, #tpu.memory_space<vmem>>[vector<16xi32>], vector<16xi32>,
    %reduce_sum3A_615 = arith.constant true
    %reduce_sum3A_616 = vector.broadcast %reduce_sum3A_615 : i1 to vector<16xi1>
    %reduce_sum3A_617 = tpu.scan <sum>, %and3A_597 masked %reduce_sum3A_616 : vector<16xi32>, vector<16xi1> -> vector<16xi32>
    %reduce_sum3A_618 = vector.extract %reduce_sum3A_617[15] : i32 from vector<16xi32>
    %add3A_619 = arith.addi %add3A_591, %reduce_sum3A_618 : i32
    %broadcast_in_dim3A_620 = arith.constant 22 : i32
    %broadcast_in_dim3A_621 = vector.broadcast %broadcast_in_dim3A_620 : i32 to vector<16xi32>
    %shift_right_logical3A_622 = arith.shrui %get3A_3, %broadcast_in_dim3A_621 : vector<16xi32>
    %and3A_623 = arith.constant 1 : i32
    %and3A_624 = vector.broadcast %and3A_623 : i32 to vector<16xi32>
    %and3A_625 = arith.andi %shift_right_logical3A_622, %and3A_624 : vector<16xi32>
    %broadcast_in_dim3A_626 = arith.constant true
    %broadcast_in_dim3A_627 = vector.broadcast %broadcast_in_dim3A_626 : i1 to vector<16xi1>
    %masked_cumsum3A_628 = tpu.scan <sum>, %and3A_625 masked %broadcast_in_dim3A_627 : vector<16xi32>, vector<16xi1> -> vector<16xi32>
    %eq3A_629 = arith.constant 1 : i32
    %eq3A_630 = vector.broadcast %eq3A_629 : i32 to vector<16xi32>
    %eq3A_631 = arith.cmpi eq, %and3A_625, %eq3A_630 : vector<16xi32>
    %add3A_632 = vector.broadcast %add3A_619 : i32 to vector<16xi32>
    %add3A_633 = arith.addi %add3A_632, %masked_cumsum3A_628 : vector<16xi32>
    %sub3A_634 = arith.constant 1 : i32
    %sub3A_635 = vector.broadcast %sub3A_634 : i32 to vector<16xi32>
    %sub3A_636 = arith.subi %add3A_633, %sub3A_635 : vector<16xi32>
    %jit3A_637 = arith.constant 79 : i32
    %broadcast_in_dim3A_638 = vector.broadcast %jit3A_637 : i32 to vector<16xi32>
    %select_n3A_639 = arith.select %eq3A_631, %sub3A_636, %broadcast_in_dim3A_638 : vector<16xi1>, vector<16xi32>
    %add3A_640 = arith.constant 22 : i32
    %add3A_641 = vector.broadcast %add3A_640 : i32 to vector<16xi32>
    %add3A_642 = arith.addi %mul3A_9, %add3A_641 : vector<16xi32>
    tpu.vector_store_idx %arg7[%select_n3A_639], %add3A_642 : memref<80xi32, #tpu.memory_space<vmem>>[vector<16xi32>], vector<16xi32>,
    %reduce_sum3A_643 = arith.constant true
    %reduce_sum3A_644 = vector.broadcast %reduce_sum3A_643 : i1 to vector<16xi1>
    %reduce_sum3A_645 = tpu.scan <sum>, %and3A_625 masked %reduce_sum3A_644 : vector<16xi32>, vector<16xi1> -> vector<16xi32>
    %reduce_sum3A_646 = vector.extract %reduce_sum3A_645[15] : i32 from vector<16xi32>
    %add3A_647 = arith.addi %add3A_619, %reduce_sum3A_646 : i32
    %broadcast_in_dim3A_648 = arith.constant 23 : i32
    %broadcast_in_dim3A_649 = vector.broadcast %broadcast_in_dim3A_648 : i32 to vector<16xi32>
    %shift_right_logical3A_650 = arith.shrui %get3A_3, %broadcast_in_dim3A_649 : vector<16xi32>
    %and3A_651 = arith.constant 1 : i32
    %and3A_652 = vector.broadcast %and3A_651 : i32 to vector<16xi32>
    %and3A_653 = arith.andi %shift_right_logical3A_650, %and3A_652 : vector<16xi32>
    %broadcast_in_dim3A_654 = arith.constant true
    %broadcast_in_dim3A_655 = vector.broadcast %broadcast_in_dim3A_654 : i1 to vector<16xi1>
    %masked_cumsum3A_656 = tpu.scan <sum>, %and3A_653 masked %broadcast_in_dim3A_655 : vector<16xi32>, vector<16xi1> -> vector<16xi32>
    %eq3A_657 = arith.constant 1 : i32
    %eq3A_658 = vector.broadcast %eq3A_657 : i32 to vector<16xi32>
    %eq3A_659 = arith.cmpi eq, %and3A_653, %eq3A_658 : vector<16xi32>
    %add3A_660 = vector.broadcast %add3A_647 : i32 to vector<16xi32>
    %add3A_661 = arith.addi %add3A_660, %masked_cumsum3A_656 : vector<16xi32>
    %sub3A_662 = arith.constant 1 : i32
    %sub3A_663 = vector.broadcast %sub3A_662 : i32 to vector<16xi32>
    %sub3A_664 = arith.subi %add3A_661, %sub3A_663 : vector<16xi32>
    %jit3A_665 = arith.constant 79 : i32
    %broadcast_in_dim3A_666 = vector.broadcast %jit3A_665 : i32 to vector<16xi32>
    %select_n3A_667 = arith.select %eq3A_659, %sub3A_664, %broadcast_in_dim3A_666 : vector<16xi1>, vector<16xi32>
    %add3A_668 = arith.constant 23 : i32
    %add3A_669 = vector.broadcast %add3A_668 : i32 to vector<16xi32>
    %add3A_670 = arith.addi %mul3A_9, %add3A_669 : vector<16xi32>
    tpu.vector_store_idx %arg7[%select_n3A_667], %add3A_670 : memref<80xi32, #tpu.memory_space<vmem>>[vector<16xi32>], vector<16xi32>,
    %reduce_sum3A_671 = arith.constant true
    %reduce_sum3A_672 = vector.broadcast %reduce_sum3A_671 : i1 to vector<16xi1>
    %reduce_sum3A_673 = tpu.scan <sum>, %and3A_653 masked %reduce_sum3A_672 : vector<16xi32>, vector<16xi1> -> vector<16xi32>
    %reduce_sum3A_674 = vector.extract %reduce_sum3A_673[15] : i32 from vector<16xi32>
    %add3A_675 = arith.addi %add3A_647, %reduce_sum3A_674 : i32
    %broadcast_in_dim3A_676 = arith.constant 24 : i32
    %broadcast_in_dim3A_677 = vector.broadcast %broadcast_in_dim3A_676 : i32 to vector<16xi32>
    %shift_right_logical3A_678 = arith.shrui %get3A_3, %broadcast_in_dim3A_677 : vector<16xi32>
    %and3A_679 = arith.constant 1 : i32
    %and3A_680 = vector.broadcast %and3A_679 : i32 to vector<16xi32>
    %and3A_681 = arith.andi %shift_right_logical3A_678, %and3A_680 : vector<16xi32>
    %broadcast_in_dim3A_682 = arith.constant true
    %broadcast_in_dim3A_683 = vector.broadcast %broadcast_in_dim3A_682 : i1 to vector<16xi1>
    %masked_cumsum3A_684 = tpu.scan <sum>, %and3A_681 masked %broadcast_in_dim3A_683 : vector<16xi32>, vector<16xi1> -> vector<16xi32>
    %eq3A_685 = arith.constant 1 : i32
    %eq3A_686 = vector.broadcast %eq3A_685 : i32 to vector<16xi32>
    %eq3A_687 = arith.cmpi eq, %and3A_681, %eq3A_686 : vector<16xi32>
    %add3A_688 = vector.broadcast %add3A_675 : i32 to vector<16xi32>
    %add3A_689 = arith.addi %add3A_688, %masked_cumsum3A_684 : vector<16xi32>
    %sub3A_690 = arith.constant 1 : i32
    %sub3A_691 = vector.broadcast %sub3A_690 : i32 to vector<16xi32>
    %sub3A_692 = arith.subi %add3A_689, %sub3A_691 : vector<16xi32>
    %jit3A_693 = arith.constant 79 : i32
    %broadcast_in_dim3A_694 = vector.broadcast %jit3A_693 : i32 to vector<16xi32>
    %select_n3A_695 = arith.select %eq3A_687, %sub3A_692, %broadcast_in_dim3A_694 : vector<16xi1>, vector<16xi32>
    %add3A_696 = arith.constant 24 : i32
    %add3A_697 = vector.broadcast %add3A_696 : i32 to vector<16xi32>
    %add3A_698 = arith.addi %mul3A_9, %add3A_697 : vector<16xi32>
    tpu.vector_store_idx %arg7[%select_n3A_695], %add3A_698 : memref<80xi32, #tpu.memory_space<vmem>>[vector<16xi32>], vector<16xi32>,
    %reduce_sum3A_699 = arith.constant true
    %reduce_sum3A_700 = vector.broadcast %reduce_sum3A_699 : i1 to vector<16xi1>
    %reduce_sum3A_701 = tpu.scan <sum>, %and3A_681 masked %reduce_sum3A_700 : vector<16xi32>, vector<16xi1> -> vector<16xi32>
    %reduce_sum3A_702 = vector.extract %reduce_sum3A_701[15] : i32 from vector<16xi32>
    %add3A_703 = arith.addi %add3A_675, %reduce_sum3A_702 : i32
    %broadcast_in_dim3A_704 = arith.constant 25 : i32
    %broadcast_in_dim3A_705 = vector.broadcast %broadcast_in_dim3A_704 : i32 to vector<16xi32>
    %shift_right_logical3A_706 = arith.shrui %get3A_3, %broadcast_in_dim3A_705 : vector<16xi32>
    %and3A_707 = arith.constant 1 : i32
    %and3A_708 = vector.broadcast %and3A_707 : i32 to vector<16xi32>
    %and3A_709 = arith.andi %shift_right_logical3A_706, %and3A_708 : vector<16xi32>
    %broadcast_in_dim3A_710 = arith.constant true
    %broadcast_in_dim3A_711 = vector.broadcast %broadcast_in_dim3A_710 : i1 to vector<16xi1>
    %masked_cumsum3A_712 = tpu.scan <sum>, %and3A_709 masked %broadcast_in_dim3A_711 : vector<16xi32>, vector<16xi1> -> vector<16xi32>
    %eq3A_713 = arith.constant 1 : i32
    %eq3A_714 = vector.broadcast %eq3A_713 : i32 to vector<16xi32>
    %eq3A_715 = arith.cmpi eq, %and3A_709, %eq3A_714 : vector<16xi32>
    %add3A_716 = vector.broadcast %add3A_703 : i32 to vector<16xi32>
    %add3A_717 = arith.addi %add3A_716, %masked_cumsum3A_712 : vector<16xi32>
    %sub3A_718 = arith.constant 1 : i32
    %sub3A_719 = vector.broadcast %sub3A_718 : i32 to vector<16xi32>
    %sub3A_720 = arith.subi %add3A_717, %sub3A_719 : vector<16xi32>
    %jit3A_721 = arith.constant 79 : i32
    %broadcast_in_dim3A_722 = vector.broadcast %jit3A_721 : i32 to vector<16xi32>
    %select_n3A_723 = arith.select %eq3A_715, %sub3A_720, %broadcast_in_dim3A_722 : vector<16xi1>, vector<16xi32>
    %add3A_724 = arith.constant 25 : i32
    %add3A_725 = vector.broadcast %add3A_724 : i32 to vector<16xi32>
    %add3A_726 = arith.addi %mul3A_9, %add3A_725 : vector<16xi32>
    tpu.vector_store_idx %arg7[%select_n3A_723], %add3A_726 : memref<80xi32, #tpu.memory_space<vmem>>[vector<16xi32>], vector<16xi32>,
    %reduce_sum3A_727 = arith.constant true
    %reduce_sum3A_728 = vector.broadcast %reduce_sum3A_727 : i1 to vector<16xi1>
    %reduce_sum3A_729 = tpu.scan <sum>, %and3A_709 masked %reduce_sum3A_728 : vector<16xi32>, vector<16xi1> -> vector<16xi32>
    %reduce_sum3A_730 = vector.extract %reduce_sum3A_729[15] : i32 from vector<16xi32>
    %add3A_731 = arith.addi %add3A_703, %reduce_sum3A_730 : i32
    %broadcast_in_dim3A_732 = arith.constant 26 : i32
    %broadcast_in_dim3A_733 = vector.broadcast %broadcast_in_dim3A_732 : i32 to vector<16xi32>
    %shift_right_logical3A_734 = arith.shrui %get3A_3, %broadcast_in_dim3A_733 : vector<16xi32>
    %and3A_735 = arith.constant 1 : i32
    %and3A_736 = vector.broadcast %and3A_735 : i32 to vector<16xi32>
    %and3A_737 = arith.andi %shift_right_logical3A_734, %and3A_736 : vector<16xi32>
    %broadcast_in_dim3A_738 = arith.constant true
    %broadcast_in_dim3A_739 = vector.broadcast %broadcast_in_dim3A_738 : i1 to vector<16xi1>
    %masked_cumsum3A_740 = tpu.scan <sum>, %and3A_737 masked %broadcast_in_dim3A_739 : vector<16xi32>, vector<16xi1> -> vector<16xi32>
    %eq3A_741 = arith.constant 1 : i32
    %eq3A_742 = vector.broadcast %eq3A_741 : i32 to vector<16xi32>
    %eq3A_743 = arith.cmpi eq, %and3A_737, %eq3A_742 : vector<16xi32>
    %add3A_744 = vector.broadcast %add3A_731 : i32 to vector<16xi32>
    %add3A_745 = arith.addi %add3A_744, %masked_cumsum3A_740 : vector<16xi32>
    %sub3A_746 = arith.constant 1 : i32
    %sub3A_747 = vector.broadcast %sub3A_746 : i32 to vector<16xi32>
    %sub3A_748 = arith.subi %add3A_745, %sub3A_747 : vector<16xi32>
    %jit3A_749 = arith.constant 79 : i32
    %broadcast_in_dim3A_750 = vector.broadcast %jit3A_749 : i32 to vector<16xi32>
    %select_n3A_751 = arith.select %eq3A_743, %sub3A_748, %broadcast_in_dim3A_750 : vector<16xi1>, vector<16xi32>
    %add3A_752 = arith.constant 26 : i32
    %add3A_753 = vector.broadcast %add3A_752 : i32 to vector<16xi32>
    %add3A_754 = arith.addi %mul3A_9, %add3A_753 : vector<16xi32>
    tpu.vector_store_idx %arg7[%select_n3A_751], %add3A_754 : memref<80xi32, #tpu.memory_space<vmem>>[vector<16xi32>], vector<16xi32>,
    %reduce_sum3A_755 = arith.constant true
    %reduce_sum3A_756 = vector.broadcast %reduce_sum3A_755 : i1 to vector<16xi1>
    %reduce_sum3A_757 = tpu.scan <sum>, %and3A_737 masked %reduce_sum3A_756 : vector<16xi32>, vector<16xi1> -> vector<16xi32>
    %reduce_sum3A_758 = vector.extract %reduce_sum3A_757[15] : i32 from vector<16xi32>
    %add3A_759 = arith.addi %add3A_731, %reduce_sum3A_758 : i32
    %broadcast_in_dim3A_760 = arith.constant 27 : i32
    %broadcast_in_dim3A_761 = vector.broadcast %broadcast_in_dim3A_760 : i32 to vector<16xi32>
    %shift_right_logical3A_762 = arith.shrui %get3A_3, %broadcast_in_dim3A_761 : vector<16xi32>
    %and3A_763 = arith.constant 1 : i32
    %and3A_764 = vector.broadcast %and3A_763 : i32 to vector<16xi32>
    %and3A_765 = arith.andi %shift_right_logical3A_762, %and3A_764 : vector<16xi32>
    %broadcast_in_dim3A_766 = arith.constant true
    %broadcast_in_dim3A_767 = vector.broadcast %broadcast_in_dim3A_766 : i1 to vector<16xi1>
    %masked_cumsum3A_768 = tpu.scan <sum>, %and3A_765 masked %broadcast_in_dim3A_767 : vector<16xi32>, vector<16xi1> -> vector<16xi32>
    %eq3A_769 = arith.constant 1 : i32
    %eq3A_770 = vector.broadcast %eq3A_769 : i32 to vector<16xi32>
    %eq3A_771 = arith.cmpi eq, %and3A_765, %eq3A_770 : vector<16xi32>
    %add3A_772 = vector.broadcast %add3A_759 : i32 to vector<16xi32>
    %add3A_773 = arith.addi %add3A_772, %masked_cumsum3A_768 : vector<16xi32>
    %sub3A_774 = arith.constant 1 : i32
    %sub3A_775 = vector.broadcast %sub3A_774 : i32 to vector<16xi32>
    %sub3A_776 = arith.subi %add3A_773, %sub3A_775 : vector<16xi32>
    %jit3A_777 = arith.constant 79 : i32
    %broadcast_in_dim3A_778 = vector.broadcast %jit3A_777 : i32 to vector<16xi32>
    %select_n3A_779 = arith.select %eq3A_771, %sub3A_776, %broadcast_in_dim3A_778 : vector<16xi1>, vector<16xi32>
    %add3A_780 = arith.constant 27 : i32
    %add3A_781 = vector.broadcast %add3A_780 : i32 to vector<16xi32>
    %add3A_782 = arith.addi %mul3A_9, %add3A_781 : vector<16xi32>
    tpu.vector_store_idx %arg7[%select_n3A_779], %add3A_782 : memref<80xi32, #tpu.memory_space<vmem>>[vector<16xi32>], vector<16xi32>,
    %reduce_sum3A_783 = arith.constant true
    %reduce_sum3A_784 = vector.broadcast %reduce_sum3A_783 : i1 to vector<16xi1>
    %reduce_sum3A_785 = tpu.scan <sum>, %and3A_765 masked %reduce_sum3A_784 : vector<16xi32>, vector<16xi1> -> vector<16xi32>
    %reduce_sum3A_786 = vector.extract %reduce_sum3A_785[15] : i32 from vector<16xi32>
    %add3A_787 = arith.addi %add3A_759, %reduce_sum3A_786 : i32
    %broadcast_in_dim3A_788 = arith.constant 28 : i32
    %broadcast_in_dim3A_789 = vector.broadcast %broadcast_in_dim3A_788 : i32 to vector<16xi32>
    %shift_right_logical3A_790 = arith.shrui %get3A_3, %broadcast_in_dim3A_789 : vector<16xi32>
    %and3A_791 = arith.constant 1 : i32
    %and3A_792 = vector.broadcast %and3A_791 : i32 to vector<16xi32>
    %and3A_793 = arith.andi %shift_right_logical3A_790, %and3A_792 : vector<16xi32>
    %broadcast_in_dim3A_794 = arith.constant true
    %broadcast_in_dim3A_795 = vector.broadcast %broadcast_in_dim3A_794 : i1 to vector<16xi1>
    %masked_cumsum3A_796 = tpu.scan <sum>, %and3A_793 masked %broadcast_in_dim3A_795 : vector<16xi32>, vector<16xi1> -> vector<16xi32>
    %eq3A_797 = arith.constant 1 : i32
    %eq3A_798 = vector.broadcast %eq3A_797 : i32 to vector<16xi32>
    %eq3A_799 = arith.cmpi eq, %and3A_793, %eq3A_798 : vector<16xi32>
    %add3A_800 = vector.broadcast %add3A_787 : i32 to vector<16xi32>
    %add3A_801 = arith.addi %add3A_800, %masked_cumsum3A_796 : vector<16xi32>
    %sub3A_802 = arith.constant 1 : i32
    %sub3A_803 = vector.broadcast %sub3A_802 : i32 to vector<16xi32>
    %sub3A_804 = arith.subi %add3A_801, %sub3A_803 : vector<16xi32>
    %jit3A_805 = arith.constant 79 : i32
    %broadcast_in_dim3A_806 = vector.broadcast %jit3A_805 : i32 to vector<16xi32>
    %select_n3A_807 = arith.select %eq3A_799, %sub3A_804, %broadcast_in_dim3A_806 : vector<16xi1>, vector<16xi32>
    %add3A_808 = arith.constant 28 : i32
    %add3A_809 = vector.broadcast %add3A_808 : i32 to vector<16xi32>
    %add3A_810 = arith.addi %mul3A_9, %add3A_809 : vector<16xi32>
    tpu.vector_store_idx %arg7[%select_n3A_807], %add3A_810 : memref<80xi32, #tpu.memory_space<vmem>>[vector<16xi32>], vector<16xi32>,
    %reduce_sum3A_811 = arith.constant true
    %reduce_sum3A_812 = vector.broadcast %reduce_sum3A_811 : i1 to vector<16xi1>
    %reduce_sum3A_813 = tpu.scan <sum>, %and3A_793 masked %reduce_sum3A_812 : vector<16xi32>, vector<16xi1> -> vector<16xi32>
    %reduce_sum3A_814 = vector.extract %reduce_sum3A_813[15] : i32 from vector<16xi32>
    %add3A_815 = arith.addi %add3A_787, %reduce_sum3A_814 : i32
    %broadcast_in_dim3A_816 = arith.constant 29 : i32
    %broadcast_in_dim3A_817 = vector.broadcast %broadcast_in_dim3A_816 : i32 to vector<16xi32>
    %shift_right_logical3A_818 = arith.shrui %get3A_3, %broadcast_in_dim3A_817 : vector<16xi32>
    %and3A_819 = arith.constant 1 : i32
    %and3A_820 = vector.broadcast %and3A_819 : i32 to vector<16xi32>
    %and3A_821 = arith.andi %shift_right_logical3A_818, %and3A_820 : vector<16xi32>
    %broadcast_in_dim3A_822 = arith.constant true
    %broadcast_in_dim3A_823 = vector.broadcast %broadcast_in_dim3A_822 : i1 to vector<16xi1>
    %masked_cumsum3A_824 = tpu.scan <sum>, %and3A_821 masked %broadcast_in_dim3A_823 : vector<16xi32>, vector<16xi1> -> vector<16xi32>
    %eq3A_825 = arith.constant 1 : i32
    %eq3A_826 = vector.broadcast %eq3A_825 : i32 to vector<16xi32>
    %eq3A_827 = arith.cmpi eq, %and3A_821, %eq3A_826 : vector<16xi32>
    %add3A_828 = vector.broadcast %add3A_815 : i32 to vector<16xi32>
    %add3A_829 = arith.addi %add3A_828, %masked_cumsum3A_824 : vector<16xi32>
    %sub3A_830 = arith.constant 1 : i32
    %sub3A_831 = vector.broadcast %sub3A_830 : i32 to vector<16xi32>
    %sub3A_832 = arith.subi %add3A_829, %sub3A_831 : vector<16xi32>
    %jit3A_833 = arith.constant 79 : i32
    %broadcast_in_dim3A_834 = vector.broadcast %jit3A_833 : i32 to vector<16xi32>
    %select_n3A_835 = arith.select %eq3A_827, %sub3A_832, %broadcast_in_dim3A_834 : vector<16xi1>, vector<16xi32>
    %add3A_836 = arith.constant 29 : i32
    %add3A_837 = vector.broadcast %add3A_836 : i32 to vector<16xi32>
    %add3A_838 = arith.addi %mul3A_9, %add3A_837 : vector<16xi32>
    tpu.vector_store_idx %arg7[%select_n3A_835], %add3A_838 : memref<80xi32, #tpu.memory_space<vmem>>[vector<16xi32>], vector<16xi32>,
    %reduce_sum3A_839 = arith.constant true
    %reduce_sum3A_840 = vector.broadcast %reduce_sum3A_839 : i1 to vector<16xi1>
    %reduce_sum3A_841 = tpu.scan <sum>, %and3A_821 masked %reduce_sum3A_840 : vector<16xi32>, vector<16xi1> -> vector<16xi32>
    %reduce_sum3A_842 = vector.extract %reduce_sum3A_841[15] : i32 from vector<16xi32>
    %add3A_843 = arith.addi %add3A_815, %reduce_sum3A_842 : i32
    %broadcast_in_dim3A_844 = arith.constant 30 : i32
    %broadcast_in_dim3A_845 = vector.broadcast %broadcast_in_dim3A_844 : i32 to vector<16xi32>
    %shift_right_logical3A_846 = arith.shrui %get3A_3, %broadcast_in_dim3A_845 : vector<16xi32>
    %and3A_847 = arith.constant 1 : i32
    %and3A_848 = vector.broadcast %and3A_847 : i32 to vector<16xi32>
    %and3A_849 = arith.andi %shift_right_logical3A_846, %and3A_848 : vector<16xi32>
    %broadcast_in_dim3A_850 = arith.constant true
    %broadcast_in_dim3A_851 = vector.broadcast %broadcast_in_dim3A_850 : i1 to vector<16xi1>
    %masked_cumsum3A_852 = tpu.scan <sum>, %and3A_849 masked %broadcast_in_dim3A_851 : vector<16xi32>, vector<16xi1> -> vector<16xi32>
    %eq3A_853 = arith.constant 1 : i32
    %eq3A_854 = vector.broadcast %eq3A_853 : i32 to vector<16xi32>
    %eq3A_855 = arith.cmpi eq, %and3A_849, %eq3A_854 : vector<16xi32>
    %add3A_856 = vector.broadcast %add3A_843 : i32 to vector<16xi32>
    %add3A_857 = arith.addi %add3A_856, %masked_cumsum3A_852 : vector<16xi32>
    %sub3A_858 = arith.constant 1 : i32
    %sub3A_859 = vector.broadcast %sub3A_858 : i32 to vector<16xi32>
    %sub3A_860 = arith.subi %add3A_857, %sub3A_859 : vector<16xi32>
    %jit3A_861 = arith.constant 79 : i32
    %broadcast_in_dim3A_862 = vector.broadcast %jit3A_861 : i32 to vector<16xi32>
    %select_n3A_863 = arith.select %eq3A_855, %sub3A_860, %broadcast_in_dim3A_862 : vector<16xi1>, vector<16xi32>
    %add3A_864 = arith.constant 30 : i32
    %add3A_865 = vector.broadcast %add3A_864 : i32 to vector<16xi32>
    %add3A_866 = arith.addi %mul3A_9, %add3A_865 : vector<16xi32>
    tpu.vector_store_idx %arg7[%select_n3A_863], %add3A_866 : memref<80xi32, #tpu.memory_space<vmem>>[vector<16xi32>], vector<16xi32>,
    %reduce_sum3A_867 = arith.constant true
    %reduce_sum3A_868 = vector.broadcast %reduce_sum3A_867 : i1 to vector<16xi1>
    %reduce_sum3A_869 = tpu.scan <sum>, %and3A_849 masked %reduce_sum3A_868 : vector<16xi32>, vector<16xi1> -> vector<16xi32>
    %reduce_sum3A_870 = vector.extract %reduce_sum3A_869[15] : i32 from vector<16xi32>
    %add3A_871 = arith.addi %add3A_843, %reduce_sum3A_870 : i32
    %broadcast_in_dim3A_872 = arith.constant 31 : i32
    %broadcast_in_dim3A_873 = vector.broadcast %broadcast_in_dim3A_872 : i32 to vector<16xi32>
    %shift_right_logical3A_874 = arith.shrui %get3A_3, %broadcast_in_dim3A_873 : vector<16xi32>
    %and3A_875 = arith.constant 1 : i32
    %and3A_876 = vector.broadcast %and3A_875 : i32 to vector<16xi32>
    %and3A_877 = arith.andi %shift_right_logical3A_874, %and3A_876 : vector<16xi32>
    %broadcast_in_dim3A_878 = arith.constant true
    %broadcast_in_dim3A_879 = vector.broadcast %broadcast_in_dim3A_878 : i1 to vector<16xi1>
    %masked_cumsum3A_880 = tpu.scan <sum>, %and3A_877 masked %broadcast_in_dim3A_879 : vector<16xi32>, vector<16xi1> -> vector<16xi32>
    %eq3A_881 = arith.constant 1 : i32
    %eq3A_882 = vector.broadcast %eq3A_881 : i32 to vector<16xi32>
    %eq3A_883 = arith.cmpi eq, %and3A_877, %eq3A_882 : vector<16xi32>
    %add3A_884 = vector.broadcast %add3A_871 : i32 to vector<16xi32>
    %add3A_885 = arith.addi %add3A_884, %masked_cumsum3A_880 : vector<16xi32>
    %sub3A_886 = arith.constant 1 : i32
    %sub3A_887 = vector.broadcast %sub3A_886 : i32 to vector<16xi32>
    %sub3A_888 = arith.subi %add3A_885, %sub3A_887 : vector<16xi32>
    %jit3A_889 = arith.constant 79 : i32
    %broadcast_in_dim3A_890 = vector.broadcast %jit3A_889 : i32 to vector<16xi32>
    %select_n3A_891 = arith.select %eq3A_883, %sub3A_888, %broadcast_in_dim3A_890 : vector<16xi1>, vector<16xi32>
    %add3A_892 = arith.constant 31 : i32
    %add3A_893 = vector.broadcast %add3A_892 : i32 to vector<16xi32>
    %add3A_894 = arith.addi %mul3A_9, %add3A_893 : vector<16xi32>
    tpu.vector_store_idx %arg7[%select_n3A_891], %add3A_894 : memref<80xi32, #tpu.memory_space<vmem>>[vector<16xi32>], vector<16xi32>,
    %reduce_sum3A_895 = arith.constant true
    %reduce_sum3A_896 = vector.broadcast %reduce_sum3A_895 : i1 to vector<16xi1>
    %reduce_sum3A_897 = tpu.scan <sum>, %and3A_877 masked %reduce_sum3A_896 : vector<16xi32>, vector<16xi1> -> vector<16xi32>
    %reduce_sum3A_898 = vector.extract %reduce_sum3A_897[15] : i32 from vector<16xi32>
    %add3A_899 = arith.addi %add3A_871, %reduce_sum3A_898 : i32
    %get3A_900 = arith.constant 16 : index
    %get3A_901 = tpu.vector_load %arg6[%get3A_900] {strides = array<i32>} : memref<32xi32, #tpu.memory_space<vmem>>, vector<16xi32>,
    %iota3A_902 = tpu.iota {dimensions = array<i32: 0>} : vector<16xi32>
    %add3A_903 = arith.constant 16 : i32
    %add3A_904 = vector.broadcast %add3A_903 : i32 to vector<16xi32>
    %add3A_905 = arith.addi %iota3A_902, %add3A_904 : vector<16xi32>
    %mul3A_906 = arith.constant 32 : i32
    %mul3A_907 = vector.broadcast %mul3A_906 : i32 to vector<16xi32>
    %mul3A_908 = arith.muli %add3A_905, %mul3A_907 : vector<16xi32>
    %broadcast_in_dim3A_909 = arith.constant 0 : i32
    %broadcast_in_dim3A_910 = vector.broadcast %broadcast_in_dim3A_909 : i32 to vector<16xi32>
    %shift_right_logical3A_911 = arith.shrui %get3A_901, %broadcast_in_dim3A_910 : vector<16xi32>
    %and3A_912 = arith.constant 1 : i32
    %and3A_913 = vector.broadcast %and3A_912 : i32 to vector<16xi32>
    %and3A_914 = arith.andi %shift_right_logical3A_911, %and3A_913 : vector<16xi32>
    %broadcast_in_dim3A_915 = arith.constant true
    %broadcast_in_dim3A_916 = vector.broadcast %broadcast_in_dim3A_915 : i1 to vector<16xi1>
    %masked_cumsum3A_917 = tpu.scan <sum>, %and3A_914 masked %broadcast_in_dim3A_916 : vector<16xi32>, vector<16xi1> -> vector<16xi32>
    %eq3A_918 = arith.constant 1 : i32
    %eq3A_919 = vector.broadcast %eq3A_918 : i32 to vector<16xi32>
    %eq3A_920 = arith.cmpi eq, %and3A_914, %eq3A_919 : vector<16xi32>
    %add3A_921 = vector.broadcast %add3A_899 : i32 to vector<16xi32>
    %add3A_922 = arith.addi %add3A_921, %masked_cumsum3A_917 : vector<16xi32>
    %sub3A_923 = arith.constant 1 : i32
    %sub3A_924 = vector.broadcast %sub3A_923 : i32 to vector<16xi32>
    %sub3A_925 = arith.subi %add3A_922, %sub3A_924 : vector<16xi32>
    %jit3A_926 = arith.constant 79 : i32
    %broadcast_in_dim3A_927 = vector.broadcast %jit3A_926 : i32 to vector<16xi32>
    %select_n3A_928 = arith.select %eq3A_920, %sub3A_925, %broadcast_in_dim3A_927 : vector<16xi1>, vector<16xi32>
    %add3A_929 = arith.constant 0 : i32
    %add3A_930 = vector.broadcast %add3A_929 : i32 to vector<16xi32>
    %add3A_931 = arith.addi %mul3A_908, %add3A_930 : vector<16xi32>
    tpu.vector_store_idx %arg7[%select_n3A_928], %add3A_931 : memref<80xi32, #tpu.memory_space<vmem>>[vector<16xi32>], vector<16xi32>,
    %reduce_sum3A_932 = arith.constant true
    %reduce_sum3A_933 = vector.broadcast %reduce_sum3A_932 : i1 to vector<16xi1>
    %reduce_sum3A_934 = tpu.scan <sum>, %and3A_914 masked %reduce_sum3A_933 : vector<16xi32>, vector<16xi1> -> vector<16xi32>
    %reduce_sum3A_935 = vector.extract %reduce_sum3A_934[15] : i32 from vector<16xi32>
    %add3A_936 = arith.addi %add3A_899, %reduce_sum3A_935 : i32
    %broadcast_in_dim3A_937 = arith.constant 1 : i32
    %broadcast_in_dim3A_938 = vector.broadcast %broadcast_in_dim3A_937 : i32 to vector<16xi32>
    %shift_right_logical3A_939 = arith.shrui %get3A_901, %broadcast_in_dim3A_938 : vector<16xi32>
    %and3A_940 = arith.constant 1 : i32
    %and3A_941 = vector.broadcast %and3A_940 : i32 to vector<16xi32>
    %and3A_942 = arith.andi %shift_right_logical3A_939, %and3A_941 : vector<16xi32>
    %broadcast_in_dim3A_943 = arith.constant true
    %broadcast_in_dim3A_944 = vector.broadcast %broadcast_in_dim3A_943 : i1 to vector<16xi1>
    %masked_cumsum3A_945 = tpu.scan <sum>, %and3A_942 masked %broadcast_in_dim3A_944 : vector<16xi32>, vector<16xi1> -> vector<16xi32>
    %eq3A_946 = arith.constant 1 : i32
    %eq3A_947 = vector.broadcast %eq3A_946 : i32 to vector<16xi32>
    %eq3A_948 = arith.cmpi eq, %and3A_942, %eq3A_947 : vector<16xi32>
    %add3A_949 = vector.broadcast %add3A_936 : i32 to vector<16xi32>
    %add3A_950 = arith.addi %add3A_949, %masked_cumsum3A_945 : vector<16xi32>
    %sub3A_951 = arith.constant 1 : i32
    %sub3A_952 = vector.broadcast %sub3A_951 : i32 to vector<16xi32>
    %sub3A_953 = arith.subi %add3A_950, %sub3A_952 : vector<16xi32>
    %jit3A_954 = arith.constant 79 : i32
    %broadcast_in_dim3A_955 = vector.broadcast %jit3A_954 : i32 to vector<16xi32>
    %select_n3A_956 = arith.select %eq3A_948, %sub3A_953, %broadcast_in_dim3A_955 : vector<16xi1>, vector<16xi32>
    %add3A_957 = arith.constant 1 : i32
    %add3A_958 = vector.broadcast %add3A_957 : i32 to vector<16xi32>
    %add3A_959 = arith.addi %mul3A_908, %add3A_958 : vector<16xi32>
    tpu.vector_store_idx %arg7[%select_n3A_956], %add3A_959 : memref<80xi32, #tpu.memory_space<vmem>>[vector<16xi32>], vector<16xi32>,
    %reduce_sum3A_960 = arith.constant true
    %reduce_sum3A_961 = vector.broadcast %reduce_sum3A_960 : i1 to vector<16xi1>
    %reduce_sum3A_962 = tpu.scan <sum>, %and3A_942 masked %reduce_sum3A_961 : vector<16xi32>, vector<16xi1> -> vector<16xi32>
    %reduce_sum3A_963 = vector.extract %reduce_sum3A_962[15] : i32 from vector<16xi32>
    %add3A_964 = arith.addi %add3A_936, %reduce_sum3A_963 : i32
    %broadcast_in_dim3A_965 = arith.constant 2 : i32
    %broadcast_in_dim3A_966 = vector.broadcast %broadcast_in_dim3A_965 : i32 to vector<16xi32>
    %shift_right_logical3A_967 = arith.shrui %get3A_901, %broadcast_in_dim3A_966 : vector<16xi32>
    %and3A_968 = arith.constant 1 : i32
    %and3A_969 = vector.broadcast %and3A_968 : i32 to vector<16xi32>
    %and3A_970 = arith.andi %shift_right_logical3A_967, %and3A_969 : vector<16xi32>
    %broadcast_in_dim3A_971 = arith.constant true
    %broadcast_in_dim3A_972 = vector.broadcast %broadcast_in_dim3A_971 : i1 to vector<16xi1>
    %masked_cumsum3A_973 = tpu.scan <sum>, %and3A_970 masked %broadcast_in_dim3A_972 : vector<16xi32>, vector<16xi1> -> vector<16xi32>
    %eq3A_974 = arith.constant 1 : i32
    %eq3A_975 = vector.broadcast %eq3A_974 : i32 to vector<16xi32>
    %eq3A_976 = arith.cmpi eq, %and3A_970, %eq3A_975 : vector<16xi32>
    %add3A_977 = vector.broadcast %add3A_964 : i32 to vector<16xi32>
    %add3A_978 = arith.addi %add3A_977, %masked_cumsum3A_973 : vector<16xi32>
    %sub3A_979 = arith.constant 1 : i32
    %sub3A_980 = vector.broadcast %sub3A_979 : i32 to vector<16xi32>
    %sub3A_981 = arith.subi %add3A_978, %sub3A_980 : vector<16xi32>
    %jit3A_982 = arith.constant 79 : i32
    %broadcast_in_dim3A_983 = vector.broadcast %jit3A_982 : i32 to vector<16xi32>
    %select_n3A_984 = arith.select %eq3A_976, %sub3A_981, %broadcast_in_dim3A_983 : vector<16xi1>, vector<16xi32>
    %add3A_985 = arith.constant 2 : i32
    %add3A_986 = vector.broadcast %add3A_985 : i32 to vector<16xi32>
    %add3A_987 = arith.addi %mul3A_908, %add3A_986 : vector<16xi32>
    tpu.vector_store_idx %arg7[%select_n3A_984], %add3A_987 : memref<80xi32, #tpu.memory_space<vmem>>[vector<16xi32>], vector<16xi32>,
    %reduce_sum3A_988 = arith.constant true
    %reduce_sum3A_989 = vector.broadcast %reduce_sum3A_988 : i1 to vector<16xi1>
    %reduce_sum3A_990 = tpu.scan <sum>, %and3A_970 masked %reduce_sum3A_989 : vector<16xi32>, vector<16xi1> -> vector<16xi32>
    %reduce_sum3A_991 = vector.extract %reduce_sum3A_990[15] : i32 from vector<16xi32>
    %add3A_992 = arith.addi %add3A_964, %reduce_sum3A_991 : i32
    %broadcast_in_dim3A_993 = arith.constant 3 : i32
    %broadcast_in_dim3A_994 = vector.broadcast %broadcast_in_dim3A_993 : i32 to vector<16xi32>
    %shift_right_logical3A_995 = arith.shrui %get3A_901, %broadcast_in_dim3A_994 : vector<16xi32>
    %and3A_996 = arith.constant 1 : i32
    %and3A_997 = vector.broadcast %and3A_996 : i32 to vector<16xi32>
    %and3A_998 = arith.andi %shift_right_logical3A_995, %and3A_997 : vector<16xi32>
    %broadcast_in_dim3A_999 = arith.constant true
    %broadcast_in_dim3A_1000 = vector.broadcast %broadcast_in_dim3A_999 : i1 to vector<16xi1>
    %masked_cumsum3A_1001 = tpu.scan <sum>, %and3A_998 masked %broadcast_in_dim3A_1000 : vector<16xi32>, vector<16xi1> -> vector<16xi32>
    %eq3A_1002 = arith.constant 1 : i32
    %eq3A_1003 = vector.broadcast %eq3A_1002 : i32 to vector<16xi32>
    %eq3A_1004 = arith.cmpi eq, %and3A_998, %eq3A_1003 : vector<16xi32>
    %add3A_1005 = vector.broadcast %add3A_992 : i32 to vector<16xi32>
    %add3A_1006 = arith.addi %add3A_1005, %masked_cumsum3A_1001 : vector<16xi32>
    %sub3A_1007 = arith.constant 1 : i32
    %sub3A_1008 = vector.broadcast %sub3A_1007 : i32 to vector<16xi32>
    %sub3A_1009 = arith.subi %add3A_1006, %sub3A_1008 : vector<16xi32>
    %jit3A_1010 = arith.constant 79 : i32
    %broadcast_in_dim3A_1011 = vector.broadcast %jit3A_1010 : i32 to vector<16xi32>
    %select_n3A_1012 = arith.select %eq3A_1004, %sub3A_1009, %broadcast_in_dim3A_1011 : vector<16xi1>, vector<16xi32>
    %add3A_1013 = arith.constant 3 : i32
    %add3A_1014 = vector.broadcast %add3A_1013 : i32 to vector<16xi32>
    %add3A_1015 = arith.addi %mul3A_908, %add3A_1014 : vector<16xi32>
    tpu.vector_store_idx %arg7[%select_n3A_1012], %add3A_1015 : memref<80xi32, #tpu.memory_space<vmem>>[vector<16xi32>], vector<16xi32>,
    %reduce_sum3A_1016 = arith.constant true
    %reduce_sum3A_1017 = vector.broadcast %reduce_sum3A_1016 : i1 to vector<16xi1>
    %reduce_sum3A_1018 = tpu.scan <sum>, %and3A_998 masked %reduce_sum3A_1017 : vector<16xi32>, vector<16xi1> -> vector<16xi32>
    %reduce_sum3A_1019 = vector.extract %reduce_sum3A_1018[15] : i32 from vector<16xi32>
    %add3A_1020 = arith.addi %add3A_992, %reduce_sum3A_1019 : i32
    %broadcast_in_dim3A_1021 = arith.constant 4 : i32
    %broadcast_in_dim3A_1022 = vector.broadcast %broadcast_in_dim3A_1021 : i32 to vector<16xi32>
    %shift_right_logical3A_1023 = arith.shrui %get3A_901, %broadcast_in_dim3A_1022 : vector<16xi32>
    %and3A_1024 = arith.constant 1 : i32
    %and3A_1025 = vector.broadcast %and3A_1024 : i32 to vector<16xi32>
    %and3A_1026 = arith.andi %shift_right_logical3A_1023, %and3A_1025 : vector<16xi32>
    %broadcast_in_dim3A_1027 = arith.constant true
    %broadcast_in_dim3A_1028 = vector.broadcast %broadcast_in_dim3A_1027 : i1 to vector<16xi1>
    %masked_cumsum3A_1029 = tpu.scan <sum>, %and3A_1026 masked %broadcast_in_dim3A_1028 : vector<16xi32>, vector<16xi1> -> vector<16xi32>
    %eq3A_1030 = arith.constant 1 : i32
    %eq3A_1031 = vector.broadcast %eq3A_1030 : i32 to vector<16xi32>
    %eq3A_1032 = arith.cmpi eq, %and3A_1026, %eq3A_1031 : vector<16xi32>
    %add3A_1033 = vector.broadcast %add3A_1020 : i32 to vector<16xi32>
    %add3A_1034 = arith.addi %add3A_1033, %masked_cumsum3A_1029 : vector<16xi32>
    %sub3A_1035 = arith.constant 1 : i32
    %sub3A_1036 = vector.broadcast %sub3A_1035 : i32 to vector<16xi32>
    %sub3A_1037 = arith.subi %add3A_1034, %sub3A_1036 : vector<16xi32>
    %jit3A_1038 = arith.constant 79 : i32
    %broadcast_in_dim3A_1039 = vector.broadcast %jit3A_1038 : i32 to vector<16xi32>
    %select_n3A_1040 = arith.select %eq3A_1032, %sub3A_1037, %broadcast_in_dim3A_1039 : vector<16xi1>, vector<16xi32>
    %add3A_1041 = arith.constant 4 : i32
    %add3A_1042 = vector.broadcast %add3A_1041 : i32 to vector<16xi32>
    %add3A_1043 = arith.addi %mul3A_908, %add3A_1042 : vector<16xi32>
    tpu.vector_store_idx %arg7[%select_n3A_1040], %add3A_1043 : memref<80xi32, #tpu.memory_space<vmem>>[vector<16xi32>], vector<16xi32>,
    %reduce_sum3A_1044 = arith.constant true
    %reduce_sum3A_1045 = vector.broadcast %reduce_sum3A_1044 : i1 to vector<16xi1>
    %reduce_sum3A_1046 = tpu.scan <sum>, %and3A_1026 masked %reduce_sum3A_1045 : vector<16xi32>, vector<16xi1> -> vector<16xi32>
    %reduce_sum3A_1047 = vector.extract %reduce_sum3A_1046[15] : i32 from vector<16xi32>
    %add3A_1048 = arith.addi %add3A_1020, %reduce_sum3A_1047 : i32
    %broadcast_in_dim3A_1049 = arith.constant 5 : i32
    %broadcast_in_dim3A_1050 = vector.broadcast %broadcast_in_dim3A_1049 : i32 to vector<16xi32>
    %shift_right_logical3A_1051 = arith.shrui %get3A_901, %broadcast_in_dim3A_1050 : vector<16xi32>
    %and3A_1052 = arith.constant 1 : i32
    %and3A_1053 = vector.broadcast %and3A_1052 : i32 to vector<16xi32>
    %and3A_1054 = arith.andi %shift_right_logical3A_1051, %and3A_1053 : vector<16xi32>
    %broadcast_in_dim3A_1055 = arith.constant true
    %broadcast_in_dim3A_1056 = vector.broadcast %broadcast_in_dim3A_1055 : i1 to vector<16xi1>
    %masked_cumsum3A_1057 = tpu.scan <sum>, %and3A_1054 masked %broadcast_in_dim3A_1056 : vector<16xi32>, vector<16xi1> -> vector<16xi32>
    %eq3A_1058 = arith.constant 1 : i32
    %eq3A_1059 = vector.broadcast %eq3A_1058 : i32 to vector<16xi32>
    %eq3A_1060 = arith.cmpi eq, %and3A_1054, %eq3A_1059 : vector<16xi32>
    %add3A_1061 = vector.broadcast %add3A_1048 : i32 to vector<16xi32>
    %add3A_1062 = arith.addi %add3A_1061, %masked_cumsum3A_1057 : vector<16xi32>
    %sub3A_1063 = arith.constant 1 : i32
    %sub3A_1064 = vector.broadcast %sub3A_1063 : i32 to vector<16xi32>
    %sub3A_1065 = arith.subi %add3A_1062, %sub3A_1064 : vector<16xi32>
    %jit3A_1066 = arith.constant 79 : i32
    %broadcast_in_dim3A_1067 = vector.broadcast %jit3A_1066 : i32 to vector<16xi32>
    %select_n3A_1068 = arith.select %eq3A_1060, %sub3A_1065, %broadcast_in_dim3A_1067 : vector<16xi1>, vector<16xi32>
    %add3A_1069 = arith.constant 5 : i32
    %add3A_1070 = vector.broadcast %add3A_1069 : i32 to vector<16xi32>
    %add3A_1071 = arith.addi %mul3A_908, %add3A_1070 : vector<16xi32>
    tpu.vector_store_idx %arg7[%select_n3A_1068], %add3A_1071 : memref<80xi32, #tpu.memory_space<vmem>>[vector<16xi32>], vector<16xi32>,
    %reduce_sum3A_1072 = arith.constant true
    %reduce_sum3A_1073 = vector.broadcast %reduce_sum3A_1072 : i1 to vector<16xi1>
    %reduce_sum3A_1074 = tpu.scan <sum>, %and3A_1054 masked %reduce_sum3A_1073 : vector<16xi32>, vector<16xi1> -> vector<16xi32>
    %reduce_sum3A_1075 = vector.extract %reduce_sum3A_1074[15] : i32 from vector<16xi32>
    %add3A_1076 = arith.addi %add3A_1048, %reduce_sum3A_1075 : i32
    %broadcast_in_dim3A_1077 = arith.constant 6 : i32
    %broadcast_in_dim3A_1078 = vector.broadcast %broadcast_in_dim3A_1077 : i32 to vector<16xi32>
    %shift_right_logical3A_1079 = arith.shrui %get3A_901, %broadcast_in_dim3A_1078 : vector<16xi32>
    %and3A_1080 = arith.constant 1 : i32
    %and3A_1081 = vector.broadcast %and3A_1080 : i32 to vector<16xi32>
    %and3A_1082 = arith.andi %shift_right_logical3A_1079, %and3A_1081 : vector<16xi32>
    %broadcast_in_dim3A_1083 = arith.constant true
    %broadcast_in_dim3A_1084 = vector.broadcast %broadcast_in_dim3A_1083 : i1 to vector<16xi1>
    %masked_cumsum3A_1085 = tpu.scan <sum>, %and3A_1082 masked %broadcast_in_dim3A_1084 : vector<16xi32>, vector<16xi1> -> vector<16xi32>
    %eq3A_1086 = arith.constant 1 : i32
    %eq3A_1087 = vector.broadcast %eq3A_1086 : i32 to vector<16xi32>
    %eq3A_1088 = arith.cmpi eq, %and3A_1082, %eq3A_1087 : vector<16xi32>
    %add3A_1089 = vector.broadcast %add3A_1076 : i32 to vector<16xi32>
    %add3A_1090 = arith.addi %add3A_1089, %masked_cumsum3A_1085 : vector<16xi32>
    %sub3A_1091 = arith.constant 1 : i32
    %sub3A_1092 = vector.broadcast %sub3A_1091 : i32 to vector<16xi32>
    %sub3A_1093 = arith.subi %add3A_1090, %sub3A_1092 : vector<16xi32>
    %jit3A_1094 = arith.constant 79 : i32
    %broadcast_in_dim3A_1095 = vector.broadcast %jit3A_1094 : i32 to vector<16xi32>
    %select_n3A_1096 = arith.select %eq3A_1088, %sub3A_1093, %broadcast_in_dim3A_1095 : vector<16xi1>, vector<16xi32>
    %add3A_1097 = arith.constant 6 : i32
    %add3A_1098 = vector.broadcast %add3A_1097 : i32 to vector<16xi32>
    %add3A_1099 = arith.addi %mul3A_908, %add3A_1098 : vector<16xi32>
    tpu.vector_store_idx %arg7[%select_n3A_1096], %add3A_1099 : memref<80xi32, #tpu.memory_space<vmem>>[vector<16xi32>], vector<16xi32>,
    %reduce_sum3A_1100 = arith.constant true
    %reduce_sum3A_1101 = vector.broadcast %reduce_sum3A_1100 : i1 to vector<16xi1>
    %reduce_sum3A_1102 = tpu.scan <sum>, %and3A_1082 masked %reduce_sum3A_1101 : vector<16xi32>, vector<16xi1> -> vector<16xi32>
    %reduce_sum3A_1103 = vector.extract %reduce_sum3A_1102[15] : i32 from vector<16xi32>
    %add3A_1104 = arith.addi %add3A_1076, %reduce_sum3A_1103 : i32
    %broadcast_in_dim3A_1105 = arith.constant 7 : i32
    %broadcast_in_dim3A_1106 = vector.broadcast %broadcast_in_dim3A_1105 : i32 to vector<16xi32>
    %shift_right_logical3A_1107 = arith.shrui %get3A_901, %broadcast_in_dim3A_1106 : vector<16xi32>
    %and3A_1108 = arith.constant 1 : i32
    %and3A_1109 = vector.broadcast %and3A_1108 : i32 to vector<16xi32>
    %and3A_1110 = arith.andi %shift_right_logical3A_1107, %and3A_1109 : vector<16xi32>
    %broadcast_in_dim3A_1111 = arith.constant true
    %broadcast_in_dim3A_1112 = vector.broadcast %broadcast_in_dim3A_1111 : i1 to vector<16xi1>
    %masked_cumsum3A_1113 = tpu.scan <sum>, %and3A_1110 masked %broadcast_in_dim3A_1112 : vector<16xi32>, vector<16xi1> -> vector<16xi32>
    %eq3A_1114 = arith.constant 1 : i32
    %eq3A_1115 = vector.broadcast %eq3A_1114 : i32 to vector<16xi32>
    %eq3A_1116 = arith.cmpi eq, %and3A_1110, %eq3A_1115 : vector<16xi32>
    %add3A_1117 = vector.broadcast %add3A_1104 : i32 to vector<16xi32>
    %add3A_1118 = arith.addi %add3A_1117, %masked_cumsum3A_1113 : vector<16xi32>
    %sub3A_1119 = arith.constant 1 : i32
    %sub3A_1120 = vector.broadcast %sub3A_1119 : i32 to vector<16xi32>
    %sub3A_1121 = arith.subi %add3A_1118, %sub3A_1120 : vector<16xi32>
    %jit3A_1122 = arith.constant 79 : i32
    %broadcast_in_dim3A_1123 = vector.broadcast %jit3A_1122 : i32 to vector<16xi32>
    %select_n3A_1124 = arith.select %eq3A_1116, %sub3A_1121, %broadcast_in_dim3A_1123 : vector<16xi1>, vector<16xi32>
    %add3A_1125 = arith.constant 7 : i32
    %add3A_1126 = vector.broadcast %add3A_1125 : i32 to vector<16xi32>
    %add3A_1127 = arith.addi %mul3A_908, %add3A_1126 : vector<16xi32>
    tpu.vector_store_idx %arg7[%select_n3A_1124], %add3A_1127 : memref<80xi32, #tpu.memory_space<vmem>>[vector<16xi32>], vector<16xi32>,
    %reduce_sum3A_1128 = arith.constant true
    %reduce_sum3A_1129 = vector.broadcast %reduce_sum3A_1128 : i1 to vector<16xi1>
    %reduce_sum3A_1130 = tpu.scan <sum>, %and3A_1110 masked %reduce_sum3A_1129 : vector<16xi32>, vector<16xi1> -> vector<16xi32>
    %reduce_sum3A_1131 = vector.extract %reduce_sum3A_1130[15] : i32 from vector<16xi32>
    %add3A_1132 = arith.addi %add3A_1104, %reduce_sum3A_1131 : i32
    %broadcast_in_dim3A_1133 = arith.constant 8 : i32
    %broadcast_in_dim3A_1134 = vector.broadcast %broadcast_in_dim3A_1133 : i32 to vector<16xi32>
    %shift_right_logical3A_1135 = arith.shrui %get3A_901, %broadcast_in_dim3A_1134 : vector<16xi32>
    %and3A_1136 = arith.constant 1 : i32
    %and3A_1137 = vector.broadcast %and3A_1136 : i32 to vector<16xi32>
    %and3A_1138 = arith.andi %shift_right_logical3A_1135, %and3A_1137 : vector<16xi32>
    %broadcast_in_dim3A_1139 = arith.constant true
    %broadcast_in_dim3A_1140 = vector.broadcast %broadcast_in_dim3A_1139 : i1 to vector<16xi1>
    %masked_cumsum3A_1141 = tpu.scan <sum>, %and3A_1138 masked %broadcast_in_dim3A_1140 : vector<16xi32>, vector<16xi1> -> vector<16xi32>
    %eq3A_1142 = arith.constant 1 : i32
    %eq3A_1143 = vector.broadcast %eq3A_1142 : i32 to vector<16xi32>
    %eq3A_1144 = arith.cmpi eq, %and3A_1138, %eq3A_1143 : vector<16xi32>
    %add3A_1145 = vector.broadcast %add3A_1132 : i32 to vector<16xi32>
    %add3A_1146 = arith.addi %add3A_1145, %masked_cumsum3A_1141 : vector<16xi32>
    %sub3A_1147 = arith.constant 1 : i32
    %sub3A_1148 = vector.broadcast %sub3A_1147 : i32 to vector<16xi32>
    %sub3A_1149 = arith.subi %add3A_1146, %sub3A_1148 : vector<16xi32>
    %jit3A_1150 = arith.constant 79 : i32
    %broadcast_in_dim3A_1151 = vector.broadcast %jit3A_1150 : i32 to vector<16xi32>
    %select_n3A_1152 = arith.select %eq3A_1144, %sub3A_1149, %broadcast_in_dim3A_1151 : vector<16xi1>, vector<16xi32>
    %add3A_1153 = arith.constant 8 : i32
    %add3A_1154 = vector.broadcast %add3A_1153 : i32 to vector<16xi32>
    %add3A_1155 = arith.addi %mul3A_908, %add3A_1154 : vector<16xi32>
    tpu.vector_store_idx %arg7[%select_n3A_1152], %add3A_1155 : memref<80xi32, #tpu.memory_space<vmem>>[vector<16xi32>], vector<16xi32>,
    %reduce_sum3A_1156 = arith.constant true
    %reduce_sum3A_1157 = vector.broadcast %reduce_sum3A_1156 : i1 to vector<16xi1>
    %reduce_sum3A_1158 = tpu.scan <sum>, %and3A_1138 masked %reduce_sum3A_1157 : vector<16xi32>, vector<16xi1> -> vector<16xi32>
    %reduce_sum3A_1159 = vector.extract %reduce_sum3A_1158[15] : i32 from vector<16xi32>
    %add3A_1160 = arith.addi %add3A_1132, %reduce_sum3A_1159 : i32
    %broadcast_in_dim3A_1161 = arith.constant 9 : i32
    %broadcast_in_dim3A_1162 = vector.broadcast %broadcast_in_dim3A_1161 : i32 to vector<16xi32>
    %shift_right_logical3A_1163 = arith.shrui %get3A_901, %broadcast_in_dim3A_1162 : vector<16xi32>
    %and3A_1164 = arith.constant 1 : i32
    %and3A_1165 = vector.broadcast %and3A_1164 : i32 to vector<16xi32>
    %and3A_1166 = arith.andi %shift_right_logical3A_1163, %and3A_1165 : vector<16xi32>
    %broadcast_in_dim3A_1167 = arith.constant true
    %broadcast_in_dim3A_1168 = vector.broadcast %broadcast_in_dim3A_1167 : i1 to vector<16xi1>
    %masked_cumsum3A_1169 = tpu.scan <sum>, %and3A_1166 masked %broadcast_in_dim3A_1168 : vector<16xi32>, vector<16xi1> -> vector<16xi32>
    %eq3A_1170 = arith.constant 1 : i32
    %eq3A_1171 = vector.broadcast %eq3A_1170 : i32 to vector<16xi32>
    %eq3A_1172 = arith.cmpi eq, %and3A_1166, %eq3A_1171 : vector<16xi32>
    %add3A_1173 = vector.broadcast %add3A_1160 : i32 to vector<16xi32>
    %add3A_1174 = arith.addi %add3A_1173, %masked_cumsum3A_1169 : vector<16xi32>
    %sub3A_1175 = arith.constant 1 : i32
    %sub3A_1176 = vector.broadcast %sub3A_1175 : i32 to vector<16xi32>
    %sub3A_1177 = arith.subi %add3A_1174, %sub3A_1176 : vector<16xi32>
    %jit3A_1178 = arith.constant 79 : i32
    %broadcast_in_dim3A_1179 = vector.broadcast %jit3A_1178 : i32 to vector<16xi32>
    %select_n3A_1180 = arith.select %eq3A_1172, %sub3A_1177, %broadcast_in_dim3A_1179 : vector<16xi1>, vector<16xi32>
    %add3A_1181 = arith.constant 9 : i32
    %add3A_1182 = vector.broadcast %add3A_1181 : i32 to vector<16xi32>
    %add3A_1183 = arith.addi %mul3A_908, %add3A_1182 : vector<16xi32>
    tpu.vector_store_idx %arg7[%select_n3A_1180], %add3A_1183 : memref<80xi32, #tpu.memory_space<vmem>>[vector<16xi32>], vector<16xi32>,
    %reduce_sum3A_1184 = arith.constant true
    %reduce_sum3A_1185 = vector.broadcast %reduce_sum3A_1184 : i1 to vector<16xi1>
    %reduce_sum3A_1186 = tpu.scan <sum>, %and3A_1166 masked %reduce_sum3A_1185 : vector<16xi32>, vector<16xi1> -> vector<16xi32>
    %reduce_sum3A_1187 = vector.extract %reduce_sum3A_1186[15] : i32 from vector<16xi32>
    %add3A_1188 = arith.addi %add3A_1160, %reduce_sum3A_1187 : i32
    %broadcast_in_dim3A_1189 = arith.constant 10 : i32
    %broadcast_in_dim3A_1190 = vector.broadcast %broadcast_in_dim3A_1189 : i32 to vector<16xi32>
    %shift_right_logical3A_1191 = arith.shrui %get3A_901, %broadcast_in_dim3A_1190 : vector<16xi32>
    %and3A_1192 = arith.constant 1 : i32
    %and3A_1193 = vector.broadcast %and3A_1192 : i32 to vector<16xi32>
    %and3A_1194 = arith.andi %shift_right_logical3A_1191, %and3A_1193 : vector<16xi32>
    %broadcast_in_dim3A_1195 = arith.constant true
    %broadcast_in_dim3A_1196 = vector.broadcast %broadcast_in_dim3A_1195 : i1 to vector<16xi1>
    %masked_cumsum3A_1197 = tpu.scan <sum>, %and3A_1194 masked %broadcast_in_dim3A_1196 : vector<16xi32>, vector<16xi1> -> vector<16xi32>
    %eq3A_1198 = arith.constant 1 : i32
    %eq3A_1199 = vector.broadcast %eq3A_1198 : i32 to vector<16xi32>
    %eq3A_1200 = arith.cmpi eq, %and3A_1194, %eq3A_1199 : vector<16xi32>
    %add3A_1201 = vector.broadcast %add3A_1188 : i32 to vector<16xi32>
    %add3A_1202 = arith.addi %add3A_1201, %masked_cumsum3A_1197 : vector<16xi32>
    %sub3A_1203 = arith.constant 1 : i32
    %sub3A_1204 = vector.broadcast %sub3A_1203 : i32 to vector<16xi32>
    %sub3A_1205 = arith.subi %add3A_1202, %sub3A_1204 : vector<16xi32>
    %jit3A_1206 = arith.constant 79 : i32
    %broadcast_in_dim3A_1207 = vector.broadcast %jit3A_1206 : i32 to vector<16xi32>
    %select_n3A_1208 = arith.select %eq3A_1200, %sub3A_1205, %broadcast_in_dim3A_1207 : vector<16xi1>, vector<16xi32>
    %add3A_1209 = arith.constant 10 : i32
    %add3A_1210 = vector.broadcast %add3A_1209 : i32 to vector<16xi32>
    %add3A_1211 = arith.addi %mul3A_908, %add3A_1210 : vector<16xi32>
    tpu.vector_store_idx %arg7[%select_n3A_1208], %add3A_1211 : memref<80xi32, #tpu.memory_space<vmem>>[vector<16xi32>], vector<16xi32>,
    %reduce_sum3A_1212 = arith.constant true
    %reduce_sum3A_1213 = vector.broadcast %reduce_sum3A_1212 : i1 to vector<16xi1>
    %reduce_sum3A_1214 = tpu.scan <sum>, %and3A_1194 masked %reduce_sum3A_1213 : vector<16xi32>, vector<16xi1> -> vector<16xi32>
    %reduce_sum3A_1215 = vector.extract %reduce_sum3A_1214[15] : i32 from vector<16xi32>
    %add3A_1216 = arith.addi %add3A_1188, %reduce_sum3A_1215 : i32
    %broadcast_in_dim3A_1217 = arith.constant 11 : i32
    %broadcast_in_dim3A_1218 = vector.broadcast %broadcast_in_dim3A_1217 : i32 to vector<16xi32>
    %shift_right_logical3A_1219 = arith.shrui %get3A_901, %broadcast_in_dim3A_1218 : vector<16xi32>
    %and3A_1220 = arith.constant 1 : i32
    %and3A_1221 = vector.broadcast %and3A_1220 : i32 to vector<16xi32>
    %and3A_1222 = arith.andi %shift_right_logical3A_1219, %and3A_1221 : vector<16xi32>
    %broadcast_in_dim3A_1223 = arith.constant true
    %broadcast_in_dim3A_1224 = vector.broadcast %broadcast_in_dim3A_1223 : i1 to vector<16xi1>
    %masked_cumsum3A_1225 = tpu.scan <sum>, %and3A_1222 masked %broadcast_in_dim3A_1224 : vector<16xi32>, vector<16xi1> -> vector<16xi32>
    %eq3A_1226 = arith.constant 1 : i32
    %eq3A_1227 = vector.broadcast %eq3A_1226 : i32 to vector<16xi32>
    %eq3A_1228 = arith.cmpi eq, %and3A_1222, %eq3A_1227 : vector<16xi32>
    %add3A_1229 = vector.broadcast %add3A_1216 : i32 to vector<16xi32>
    %add3A_1230 = arith.addi %add3A_1229, %masked_cumsum3A_1225 : vector<16xi32>
    %sub3A_1231 = arith.constant 1 : i32
    %sub3A_1232 = vector.broadcast %sub3A_1231 : i32 to vector<16xi32>
    %sub3A_1233 = arith.subi %add3A_1230, %sub3A_1232 : vector<16xi32>
    %jit3A_1234 = arith.constant 79 : i32
    %broadcast_in_dim3A_1235 = vector.broadcast %jit3A_1234 : i32 to vector<16xi32>
    %select_n3A_1236 = arith.select %eq3A_1228, %sub3A_1233, %broadcast_in_dim3A_1235 : vector<16xi1>, vector<16xi32>
    %add3A_1237 = arith.constant 11 : i32
    %add3A_1238 = vector.broadcast %add3A_1237 : i32 to vector<16xi32>
    %add3A_1239 = arith.addi %mul3A_908, %add3A_1238 : vector<16xi32>
    tpu.vector_store_idx %arg7[%select_n3A_1236], %add3A_1239 : memref<80xi32, #tpu.memory_space<vmem>>[vector<16xi32>], vector<16xi32>,
    %reduce_sum3A_1240 = arith.constant true
    %reduce_sum3A_1241 = vector.broadcast %reduce_sum3A_1240 : i1 to vector<16xi1>
    %reduce_sum3A_1242 = tpu.scan <sum>, %and3A_1222 masked %reduce_sum3A_1241 : vector<16xi32>, vector<16xi1> -> vector<16xi32>
    %reduce_sum3A_1243 = vector.extract %reduce_sum3A_1242[15] : i32 from vector<16xi32>
    %add3A_1244 = arith.addi %add3A_1216, %reduce_sum3A_1243 : i32
    %broadcast_in_dim3A_1245 = arith.constant 12 : i32
    %broadcast_in_dim3A_1246 = vector.broadcast %broadcast_in_dim3A_1245 : i32 to vector<16xi32>
    %shift_right_logical3A_1247 = arith.shrui %get3A_901, %broadcast_in_dim3A_1246 : vector<16xi32>
    %and3A_1248 = arith.constant 1 : i32
    %and3A_1249 = vector.broadcast %and3A_1248 : i32 to vector<16xi32>
    %and3A_1250 = arith.andi %shift_right_logical3A_1247, %and3A_1249 : vector<16xi32>
    %broadcast_in_dim3A_1251 = arith.constant true
    %broadcast_in_dim3A_1252 = vector.broadcast %broadcast_in_dim3A_1251 : i1 to vector<16xi1>
    %masked_cumsum3A_1253 = tpu.scan <sum>, %and3A_1250 masked %broadcast_in_dim3A_1252 : vector<16xi32>, vector<16xi1> -> vector<16xi32>
    %eq3A_1254 = arith.constant 1 : i32
    %eq3A_1255 = vector.broadcast %eq3A_1254 : i32 to vector<16xi32>
    %eq3A_1256 = arith.cmpi eq, %and3A_1250, %eq3A_1255 : vector<16xi32>
    %add3A_1257 = vector.broadcast %add3A_1244 : i32 to vector<16xi32>
    %add3A_1258 = arith.addi %add3A_1257, %masked_cumsum3A_1253 : vector<16xi32>
    %sub3A_1259 = arith.constant 1 : i32
    %sub3A_1260 = vector.broadcast %sub3A_1259 : i32 to vector<16xi32>
    %sub3A_1261 = arith.subi %add3A_1258, %sub3A_1260 : vector<16xi32>
    %jit3A_1262 = arith.constant 79 : i32
    %broadcast_in_dim3A_1263 = vector.broadcast %jit3A_1262 : i32 to vector<16xi32>
    %select_n3A_1264 = arith.select %eq3A_1256, %sub3A_1261, %broadcast_in_dim3A_1263 : vector<16xi1>, vector<16xi32>
    %add3A_1265 = arith.constant 12 : i32
    %add3A_1266 = vector.broadcast %add3A_1265 : i32 to vector<16xi32>
    %add3A_1267 = arith.addi %mul3A_908, %add3A_1266 : vector<16xi32>
    tpu.vector_store_idx %arg7[%select_n3A_1264], %add3A_1267 : memref<80xi32, #tpu.memory_space<vmem>>[vector<16xi32>], vector<16xi32>,
    %reduce_sum3A_1268 = arith.constant true
    %reduce_sum3A_1269 = vector.broadcast %reduce_sum3A_1268 : i1 to vector<16xi1>
    %reduce_sum3A_1270 = tpu.scan <sum>, %and3A_1250 masked %reduce_sum3A_1269 : vector<16xi32>, vector<16xi1> -> vector<16xi32>
    %reduce_sum3A_1271 = vector.extract %reduce_sum3A_1270[15] : i32 from vector<16xi32>
    %add3A_1272 = arith.addi %add3A_1244, %reduce_sum3A_1271 : i32
    %broadcast_in_dim3A_1273 = arith.constant 13 : i32
    %broadcast_in_dim3A_1274 = vector.broadcast %broadcast_in_dim3A_1273 : i32 to vector<16xi32>
    %shift_right_logical3A_1275 = arith.shrui %get3A_901, %broadcast_in_dim3A_1274 : vector<16xi32>
    %and3A_1276 = arith.constant 1 : i32
    %and3A_1277 = vector.broadcast %and3A_1276 : i32 to vector<16xi32>
    %and3A_1278 = arith.andi %shift_right_logical3A_1275, %and3A_1277 : vector<16xi32>
    %broadcast_in_dim3A_1279 = arith.constant true
    %broadcast_in_dim3A_1280 = vector.broadcast %broadcast_in_dim3A_1279 : i1 to vector<16xi1>
    %masked_cumsum3A_1281 = tpu.scan <sum>, %and3A_1278 masked %broadcast_in_dim3A_1280 : vector<16xi32>, vector<16xi1> -> vector<16xi32>
    %eq3A_1282 = arith.constant 1 : i32
    %eq3A_1283 = vector.broadcast %eq3A_1282 : i32 to vector<16xi32>
    %eq3A_1284 = arith.cmpi eq, %and3A_1278, %eq3A_1283 : vector<16xi32>
    %add3A_1285 = vector.broadcast %add3A_1272 : i32 to vector<16xi32>
    %add3A_1286 = arith.addi %add3A_1285, %masked_cumsum3A_1281 : vector<16xi32>
    %sub3A_1287 = arith.constant 1 : i32
    %sub3A_1288 = vector.broadcast %sub3A_1287 : i32 to vector<16xi32>
    %sub3A_1289 = arith.subi %add3A_1286, %sub3A_1288 : vector<16xi32>
    %jit3A_1290 = arith.constant 79 : i32
    %broadcast_in_dim3A_1291 = vector.broadcast %jit3A_1290 : i32 to vector<16xi32>
    %select_n3A_1292 = arith.select %eq3A_1284, %sub3A_1289, %broadcast_in_dim3A_1291 : vector<16xi1>, vector<16xi32>
    %add3A_1293 = arith.constant 13 : i32
    %add3A_1294 = vector.broadcast %add3A_1293 : i32 to vector<16xi32>
    %add3A_1295 = arith.addi %mul3A_908, %add3A_1294 : vector<16xi32>
    tpu.vector_store_idx %arg7[%select_n3A_1292], %add3A_1295 : memref<80xi32, #tpu.memory_space<vmem>>[vector<16xi32>], vector<16xi32>,
    %reduce_sum3A_1296 = arith.constant true
    %reduce_sum3A_1297 = vector.broadcast %reduce_sum3A_1296 : i1 to vector<16xi1>
    %reduce_sum3A_1298 = tpu.scan <sum>, %and3A_1278 masked %reduce_sum3A_1297 : vector<16xi32>, vector<16xi1> -> vector<16xi32>
    %reduce_sum3A_1299 = vector.extract %reduce_sum3A_1298[15] : i32 from vector<16xi32>
    %add3A_1300 = arith.addi %add3A_1272, %reduce_sum3A_1299 : i32
    %broadcast_in_dim3A_1301 = arith.constant 14 : i32
    %broadcast_in_dim3A_1302 = vector.broadcast %broadcast_in_dim3A_1301 : i32 to vector<16xi32>
    %shift_right_logical3A_1303 = arith.shrui %get3A_901, %broadcast_in_dim3A_1302 : vector<16xi32>
    %and3A_1304 = arith.constant 1 : i32
    %and3A_1305 = vector.broadcast %and3A_1304 : i32 to vector<16xi32>
    %and3A_1306 = arith.andi %shift_right_logical3A_1303, %and3A_1305 : vector<16xi32>
    %broadcast_in_dim3A_1307 = arith.constant true
    %broadcast_in_dim3A_1308 = vector.broadcast %broadcast_in_dim3A_1307 : i1 to vector<16xi1>
    %masked_cumsum3A_1309 = tpu.scan <sum>, %and3A_1306 masked %broadcast_in_dim3A_1308 : vector<16xi32>, vector<16xi1> -> vector<16xi32>
    %eq3A_1310 = arith.constant 1 : i32
    %eq3A_1311 = vector.broadcast %eq3A_1310 : i32 to vector<16xi32>
    %eq3A_1312 = arith.cmpi eq, %and3A_1306, %eq3A_1311 : vector<16xi32>
    %add3A_1313 = vector.broadcast %add3A_1300 : i32 to vector<16xi32>
    %add3A_1314 = arith.addi %add3A_1313, %masked_cumsum3A_1309 : vector<16xi32>
    %sub3A_1315 = arith.constant 1 : i32
    %sub3A_1316 = vector.broadcast %sub3A_1315 : i32 to vector<16xi32>
    %sub3A_1317 = arith.subi %add3A_1314, %sub3A_1316 : vector<16xi32>
    %jit3A_1318 = arith.constant 79 : i32
    %broadcast_in_dim3A_1319 = vector.broadcast %jit3A_1318 : i32 to vector<16xi32>
    %select_n3A_1320 = arith.select %eq3A_1312, %sub3A_1317, %broadcast_in_dim3A_1319 : vector<16xi1>, vector<16xi32>
    %add3A_1321 = arith.constant 14 : i32
    %add3A_1322 = vector.broadcast %add3A_1321 : i32 to vector<16xi32>
    %add3A_1323 = arith.addi %mul3A_908, %add3A_1322 : vector<16xi32>
    tpu.vector_store_idx %arg7[%select_n3A_1320], %add3A_1323 : memref<80xi32, #tpu.memory_space<vmem>>[vector<16xi32>], vector<16xi32>,
    %reduce_sum3A_1324 = arith.constant true
    %reduce_sum3A_1325 = vector.broadcast %reduce_sum3A_1324 : i1 to vector<16xi1>
    %reduce_sum3A_1326 = tpu.scan <sum>, %and3A_1306 masked %reduce_sum3A_1325 : vector<16xi32>, vector<16xi1> -> vector<16xi32>
    %reduce_sum3A_1327 = vector.extract %reduce_sum3A_1326[15] : i32 from vector<16xi32>
    %add3A_1328 = arith.addi %add3A_1300, %reduce_sum3A_1327 : i32
    %broadcast_in_dim3A_1329 = arith.constant 15 : i32
    %broadcast_in_dim3A_1330 = vector.broadcast %broadcast_in_dim3A_1329 : i32 to vector<16xi32>
    %shift_right_logical3A_1331 = arith.shrui %get3A_901, %broadcast_in_dim3A_1330 : vector<16xi32>
    %and3A_1332 = arith.constant 1 : i32
    %and3A_1333 = vector.broadcast %and3A_1332 : i32 to vector<16xi32>
    %and3A_1334 = arith.andi %shift_right_logical3A_1331, %and3A_1333 : vector<16xi32>
    %broadcast_in_dim3A_1335 = arith.constant true
    %broadcast_in_dim3A_1336 = vector.broadcast %broadcast_in_dim3A_1335 : i1 to vector<16xi1>
    %masked_cumsum3A_1337 = tpu.scan <sum>, %and3A_1334 masked %broadcast_in_dim3A_1336 : vector<16xi32>, vector<16xi1> -> vector<16xi32>
    %eq3A_1338 = arith.constant 1 : i32
    %eq3A_1339 = vector.broadcast %eq3A_1338 : i32 to vector<16xi32>
    %eq3A_1340 = arith.cmpi eq, %and3A_1334, %eq3A_1339 : vector<16xi32>
    %add3A_1341 = vector.broadcast %add3A_1328 : i32 to vector<16xi32>
    %add3A_1342 = arith.addi %add3A_1341, %masked_cumsum3A_1337 : vector<16xi32>
    %sub3A_1343 = arith.constant 1 : i32
    %sub3A_1344 = vector.broadcast %sub3A_1343 : i32 to vector<16xi32>
    %sub3A_1345 = arith.subi %add3A_1342, %sub3A_1344 : vector<16xi32>
    %jit3A_1346 = arith.constant 79 : i32
    %broadcast_in_dim3A_1347 = vector.broadcast %jit3A_1346 : i32 to vector<16xi32>
    %select_n3A_1348 = arith.select %eq3A_1340, %sub3A_1345, %broadcast_in_dim3A_1347 : vector<16xi1>, vector<16xi32>
    %add3A_1349 = arith.constant 15 : i32
    %add3A_1350 = vector.broadcast %add3A_1349 : i32 to vector<16xi32>
    %add3A_1351 = arith.addi %mul3A_908, %add3A_1350 : vector<16xi32>
    tpu.vector_store_idx %arg7[%select_n3A_1348], %add3A_1351 : memref<80xi32, #tpu.memory_space<vmem>>[vector<16xi32>], vector<16xi32>,
    %reduce_sum3A_1352 = arith.constant true
    %reduce_sum3A_1353 = vector.broadcast %reduce_sum3A_1352 : i1 to vector<16xi1>
    %reduce_sum3A_1354 = tpu.scan <sum>, %and3A_1334 masked %reduce_sum3A_1353 : vector<16xi32>, vector<16xi1> -> vector<16xi32>
    %reduce_sum3A_1355 = vector.extract %reduce_sum3A_1354[15] : i32 from vector<16xi32>
    %add3A_1356 = arith.addi %add3A_1328, %reduce_sum3A_1355 : i32
    %broadcast_in_dim3A_1357 = arith.constant 16 : i32
    %broadcast_in_dim3A_1358 = vector.broadcast %broadcast_in_dim3A_1357 : i32 to vector<16xi32>
    %shift_right_logical3A_1359 = arith.shrui %get3A_901, %broadcast_in_dim3A_1358 : vector<16xi32>
    %and3A_1360 = arith.constant 1 : i32
    %and3A_1361 = vector.broadcast %and3A_1360 : i32 to vector<16xi32>
    %and3A_1362 = arith.andi %shift_right_logical3A_1359, %and3A_1361 : vector<16xi32>
    %broadcast_in_dim3A_1363 = arith.constant true
    %broadcast_in_dim3A_1364 = vector.broadcast %broadcast_in_dim3A_1363 : i1 to vector<16xi1>
    %masked_cumsum3A_1365 = tpu.scan <sum>, %and3A_1362 masked %broadcast_in_dim3A_1364 : vector<16xi32>, vector<16xi1> -> vector<16xi32>
    %eq3A_1366 = arith.constant 1 : i32
    %eq3A_1367 = vector.broadcast %eq3A_1366 : i32 to vector<16xi32>
    %eq3A_1368 = arith.cmpi eq, %and3A_1362, %eq3A_1367 : vector<16xi32>
    %add3A_1369 = vector.broadcast %add3A_1356 : i32 to vector<16xi32>
    %add3A_1370 = arith.addi %add3A_1369, %masked_cumsum3A_1365 : vector<16xi32>
    %sub3A_1371 = arith.constant 1 : i32
    %sub3A_1372 = vector.broadcast %sub3A_1371 : i32 to vector<16xi32>
    %sub3A_1373 = arith.subi %add3A_1370, %sub3A_1372 : vector<16xi32>
    %jit3A_1374 = arith.constant 79 : i32
    %broadcast_in_dim3A_1375 = vector.broadcast %jit3A_1374 : i32 to vector<16xi32>
    %select_n3A_1376 = arith.select %eq3A_1368, %sub3A_1373, %broadcast_in_dim3A_1375 : vector<16xi1>, vector<16xi32>
    %add3A_1377 = arith.constant 16 : i32
    %add3A_1378 = vector.broadcast %add3A_1377 : i32 to vector<16xi32>
    %add3A_1379 = arith.addi %mul3A_908, %add3A_1378 : vector<16xi32>
    tpu.vector_store_idx %arg7[%select_n3A_1376], %add3A_1379 : memref<80xi32, #tpu.memory_space<vmem>>[vector<16xi32>], vector<16xi32>,
    %reduce_sum3A_1380 = arith.constant true
    %reduce_sum3A_1381 = vector.broadcast %reduce_sum3A_1380 : i1 to vector<16xi1>
    %reduce_sum3A_1382 = tpu.scan <sum>, %and3A_1362 masked %reduce_sum3A_1381 : vector<16xi32>, vector<16xi1> -> vector<16xi32>
    %reduce_sum3A_1383 = vector.extract %reduce_sum3A_1382[15] : i32 from vector<16xi32>
    %add3A_1384 = arith.addi %add3A_1356, %reduce_sum3A_1383 : i32
    %broadcast_in_dim3A_1385 = arith.constant 17 : i32
    %broadcast_in_dim3A_1386 = vector.broadcast %broadcast_in_dim3A_1385 : i32 to vector<16xi32>
    %shift_right_logical3A_1387 = arith.shrui %get3A_901, %broadcast_in_dim3A_1386 : vector<16xi32>
    %and3A_1388 = arith.constant 1 : i32
    %and3A_1389 = vector.broadcast %and3A_1388 : i32 to vector<16xi32>
    %and3A_1390 = arith.andi %shift_right_logical3A_1387, %and3A_1389 : vector<16xi32>
    %broadcast_in_dim3A_1391 = arith.constant true
    %broadcast_in_dim3A_1392 = vector.broadcast %broadcast_in_dim3A_1391 : i1 to vector<16xi1>
    %masked_cumsum3A_1393 = tpu.scan <sum>, %and3A_1390 masked %broadcast_in_dim3A_1392 : vector<16xi32>, vector<16xi1> -> vector<16xi32>
    %eq3A_1394 = arith.constant 1 : i32
    %eq3A_1395 = vector.broadcast %eq3A_1394 : i32 to vector<16xi32>
    %eq3A_1396 = arith.cmpi eq, %and3A_1390, %eq3A_1395 : vector<16xi32>
    %add3A_1397 = vector.broadcast %add3A_1384 : i32 to vector<16xi32>
    %add3A_1398 = arith.addi %add3A_1397, %masked_cumsum3A_1393 : vector<16xi32>
    %sub3A_1399 = arith.constant 1 : i32
    %sub3A_1400 = vector.broadcast %sub3A_1399 : i32 to vector<16xi32>
    %sub3A_1401 = arith.subi %add3A_1398, %sub3A_1400 : vector<16xi32>
    %jit3A_1402 = arith.constant 79 : i32
    %broadcast_in_dim3A_1403 = vector.broadcast %jit3A_1402 : i32 to vector<16xi32>
    %select_n3A_1404 = arith.select %eq3A_1396, %sub3A_1401, %broadcast_in_dim3A_1403 : vector<16xi1>, vector<16xi32>
    %add3A_1405 = arith.constant 17 : i32
    %add3A_1406 = vector.broadcast %add3A_1405 : i32 to vector<16xi32>
    %add3A_1407 = arith.addi %mul3A_908, %add3A_1406 : vector<16xi32>
    tpu.vector_store_idx %arg7[%select_n3A_1404], %add3A_1407 : memref<80xi32, #tpu.memory_space<vmem>>[vector<16xi32>], vector<16xi32>,
    %reduce_sum3A_1408 = arith.constant true
    %reduce_sum3A_1409 = vector.broadcast %reduce_sum3A_1408 : i1 to vector<16xi1>
    %reduce_sum3A_1410 = tpu.scan <sum>, %and3A_1390 masked %reduce_sum3A_1409 : vector<16xi32>, vector<16xi1> -> vector<16xi32>
    %reduce_sum3A_1411 = vector.extract %reduce_sum3A_1410[15] : i32 from vector<16xi32>
    %add3A_1412 = arith.addi %add3A_1384, %reduce_sum3A_1411 : i32
    %broadcast_in_dim3A_1413 = arith.constant 18 : i32
    %broadcast_in_dim3A_1414 = vector.broadcast %broadcast_in_dim3A_1413 : i32 to vector<16xi32>
    %shift_right_logical3A_1415 = arith.shrui %get3A_901, %broadcast_in_dim3A_1414 : vector<16xi32>
    %and3A_1416 = arith.constant 1 : i32
    %and3A_1417 = vector.broadcast %and3A_1416 : i32 to vector<16xi32>
    %and3A_1418 = arith.andi %shift_right_logical3A_1415, %and3A_1417 : vector<16xi32>
    %broadcast_in_dim3A_1419 = arith.constant true
    %broadcast_in_dim3A_1420 = vector.broadcast %broadcast_in_dim3A_1419 : i1 to vector<16xi1>
    %masked_cumsum3A_1421 = tpu.scan <sum>, %and3A_1418 masked %broadcast_in_dim3A_1420 : vector<16xi32>, vector<16xi1> -> vector<16xi32>
    %eq3A_1422 = arith.constant 1 : i32
    %eq3A_1423 = vector.broadcast %eq3A_1422 : i32 to vector<16xi32>
    %eq3A_1424 = arith.cmpi eq, %and3A_1418, %eq3A_1423 : vector<16xi32>
    %add3A_1425 = vector.broadcast %add3A_1412 : i32 to vector<16xi32>
    %add3A_1426 = arith.addi %add3A_1425, %masked_cumsum3A_1421 : vector<16xi32>
    %sub3A_1427 = arith.constant 1 : i32
    %sub3A_1428 = vector.broadcast %sub3A_1427 : i32 to vector<16xi32>
    %sub3A_1429 = arith.subi %add3A_1426, %sub3A_1428 : vector<16xi32>
    %jit3A_1430 = arith.constant 79 : i32
    %broadcast_in_dim3A_1431 = vector.broadcast %jit3A_1430 : i32 to vector<16xi32>
    %select_n3A_1432 = arith.select %eq3A_1424, %sub3A_1429, %broadcast_in_dim3A_1431 : vector<16xi1>, vector<16xi32>
    %add3A_1433 = arith.constant 18 : i32
    %add3A_1434 = vector.broadcast %add3A_1433 : i32 to vector<16xi32>
    %add3A_1435 = arith.addi %mul3A_908, %add3A_1434 : vector<16xi32>
    tpu.vector_store_idx %arg7[%select_n3A_1432], %add3A_1435 : memref<80xi32, #tpu.memory_space<vmem>>[vector<16xi32>], vector<16xi32>,
    %reduce_sum3A_1436 = arith.constant true
    %reduce_sum3A_1437 = vector.broadcast %reduce_sum3A_1436 : i1 to vector<16xi1>
    %reduce_sum3A_1438 = tpu.scan <sum>, %and3A_1418 masked %reduce_sum3A_1437 : vector<16xi32>, vector<16xi1> -> vector<16xi32>
    %reduce_sum3A_1439 = vector.extract %reduce_sum3A_1438[15] : i32 from vector<16xi32>
    %add3A_1440 = arith.addi %add3A_1412, %reduce_sum3A_1439 : i32
    %broadcast_in_dim3A_1441 = arith.constant 19 : i32
    %broadcast_in_dim3A_1442 = vector.broadcast %broadcast_in_dim3A_1441 : i32 to vector<16xi32>
    %shift_right_logical3A_1443 = arith.shrui %get3A_901, %broadcast_in_dim3A_1442 : vector<16xi32>
    %and3A_1444 = arith.constant 1 : i32
    %and3A_1445 = vector.broadcast %and3A_1444 : i32 to vector<16xi32>
    %and3A_1446 = arith.andi %shift_right_logical3A_1443, %and3A_1445 : vector<16xi32>
    %broadcast_in_dim3A_1447 = arith.constant true
    %broadcast_in_dim3A_1448 = vector.broadcast %broadcast_in_dim3A_1447 : i1 to vector<16xi1>
    %masked_cumsum3A_1449 = tpu.scan <sum>, %and3A_1446 masked %broadcast_in_dim3A_1448 : vector<16xi32>, vector<16xi1> -> vector<16xi32>
    %eq3A_1450 = arith.constant 1 : i32
    %eq3A_1451 = vector.broadcast %eq3A_1450 : i32 to vector<16xi32>
    %eq3A_1452 = arith.cmpi eq, %and3A_1446, %eq3A_1451 : vector<16xi32>
    %add3A_1453 = vector.broadcast %add3A_1440 : i32 to vector<16xi32>
    %add3A_1454 = arith.addi %add3A_1453, %masked_cumsum3A_1449 : vector<16xi32>
    %sub3A_1455 = arith.constant 1 : i32
    %sub3A_1456 = vector.broadcast %sub3A_1455 : i32 to vector<16xi32>
    %sub3A_1457 = arith.subi %add3A_1454, %sub3A_1456 : vector<16xi32>
    %jit3A_1458 = arith.constant 79 : i32
    %broadcast_in_dim3A_1459 = vector.broadcast %jit3A_1458 : i32 to vector<16xi32>
    %select_n3A_1460 = arith.select %eq3A_1452, %sub3A_1457, %broadcast_in_dim3A_1459 : vector<16xi1>, vector<16xi32>
    %add3A_1461 = arith.constant 19 : i32
    %add3A_1462 = vector.broadcast %add3A_1461 : i32 to vector<16xi32>
    %add3A_1463 = arith.addi %mul3A_908, %add3A_1462 : vector<16xi32>
    tpu.vector_store_idx %arg7[%select_n3A_1460], %add3A_1463 : memref<80xi32, #tpu.memory_space<vmem>>[vector<16xi32>], vector<16xi32>,
    %reduce_sum3A_1464 = arith.constant true
    %reduce_sum3A_1465 = vector.broadcast %reduce_sum3A_1464 : i1 to vector<16xi1>
    %reduce_sum3A_1466 = tpu.scan <sum>, %and3A_1446 masked %reduce_sum3A_1465 : vector<16xi32>, vector<16xi1> -> vector<16xi32>
    %reduce_sum3A_1467 = vector.extract %reduce_sum3A_1466[15] : i32 from vector<16xi32>
    %add3A_1468 = arith.addi %add3A_1440, %reduce_sum3A_1467 : i32
    %broadcast_in_dim3A_1469 = arith.constant 20 : i32
    %broadcast_in_dim3A_1470 = vector.broadcast %broadcast_in_dim3A_1469 : i32 to vector<16xi32>
    %shift_right_logical3A_1471 = arith.shrui %get3A_901, %broadcast_in_dim3A_1470 : vector<16xi32>
    %and3A_1472 = arith.constant 1 : i32
    %and3A_1473 = vector.broadcast %and3A_1472 : i32 to vector<16xi32>
    %and3A_1474 = arith.andi %shift_right_logical3A_1471, %and3A_1473 : vector<16xi32>
    %broadcast_in_dim3A_1475 = arith.constant true
    %broadcast_in_dim3A_1476 = vector.broadcast %broadcast_in_dim3A_1475 : i1 to vector<16xi1>
    %masked_cumsum3A_1477 = tpu.scan <sum>, %and3A_1474 masked %broadcast_in_dim3A_1476 : vector<16xi32>, vector<16xi1> -> vector<16xi32>
    %eq3A_1478 = arith.constant 1 : i32
    %eq3A_1479 = vector.broadcast %eq3A_1478 : i32 to vector<16xi32>
    %eq3A_1480 = arith.cmpi eq, %and3A_1474, %eq3A_1479 : vector<16xi32>
    %add3A_1481 = vector.broadcast %add3A_1468 : i32 to vector<16xi32>
    %add3A_1482 = arith.addi %add3A_1481, %masked_cumsum3A_1477 : vector<16xi32>
    %sub3A_1483 = arith.constant 1 : i32
    %sub3A_1484 = vector.broadcast %sub3A_1483 : i32 to vector<16xi32>
    %sub3A_1485 = arith.subi %add3A_1482, %sub3A_1484 : vector<16xi32>
    %jit3A_1486 = arith.constant 79 : i32
    %broadcast_in_dim3A_1487 = vector.broadcast %jit3A_1486 : i32 to vector<16xi32>
    %select_n3A_1488 = arith.select %eq3A_1480, %sub3A_1485, %broadcast_in_dim3A_1487 : vector<16xi1>, vector<16xi32>
    %add3A_1489 = arith.constant 20 : i32
    %add3A_1490 = vector.broadcast %add3A_1489 : i32 to vector<16xi32>
    %add3A_1491 = arith.addi %mul3A_908, %add3A_1490 : vector<16xi32>
    tpu.vector_store_idx %arg7[%select_n3A_1488], %add3A_1491 : memref<80xi32, #tpu.memory_space<vmem>>[vector<16xi32>], vector<16xi32>,
    %reduce_sum3A_1492 = arith.constant true
    %reduce_sum3A_1493 = vector.broadcast %reduce_sum3A_1492 : i1 to vector<16xi1>
    %reduce_sum3A_1494 = tpu.scan <sum>, %and3A_1474 masked %reduce_sum3A_1493 : vector<16xi32>, vector<16xi1> -> vector<16xi32>
    %reduce_sum3A_1495 = vector.extract %reduce_sum3A_1494[15] : i32 from vector<16xi32>
    %add3A_1496 = arith.addi %add3A_1468, %reduce_sum3A_1495 : i32
    %broadcast_in_dim3A_1497 = arith.constant 21 : i32
    %broadcast_in_dim3A_1498 = vector.broadcast %broadcast_in_dim3A_1497 : i32 to vector<16xi32>
    %shift_right_logical3A_1499 = arith.shrui %get3A_901, %broadcast_in_dim3A_1498 : vector<16xi32>
    %and3A_1500 = arith.constant 1 : i32
    %and3A_1501 = vector.broadcast %and3A_1500 : i32 to vector<16xi32>
    %and3A_1502 = arith.andi %shift_right_logical3A_1499, %and3A_1501 : vector<16xi32>
    %broadcast_in_dim3A_1503 = arith.constant true
    %broadcast_in_dim3A_1504 = vector.broadcast %broadcast_in_dim3A_1503 : i1 to vector<16xi1>
    %masked_cumsum3A_1505 = tpu.scan <sum>, %and3A_1502 masked %broadcast_in_dim3A_1504 : vector<16xi32>, vector<16xi1> -> vector<16xi32>
    %eq3A_1506 = arith.constant 1 : i32
    %eq3A_1507 = vector.broadcast %eq3A_1506 : i32 to vector<16xi32>
    %eq3A_1508 = arith.cmpi eq, %and3A_1502, %eq3A_1507 : vector<16xi32>
    %add3A_1509 = vector.broadcast %add3A_1496 : i32 to vector<16xi32>
    %add3A_1510 = arith.addi %add3A_1509, %masked_cumsum3A_1505 : vector<16xi32>
    %sub3A_1511 = arith.constant 1 : i32
    %sub3A_1512 = vector.broadcast %sub3A_1511 : i32 to vector<16xi32>
    %sub3A_1513 = arith.subi %add3A_1510, %sub3A_1512 : vector<16xi32>
    %jit3A_1514 = arith.constant 79 : i32
    %broadcast_in_dim3A_1515 = vector.broadcast %jit3A_1514 : i32 to vector<16xi32>
    %select_n3A_1516 = arith.select %eq3A_1508, %sub3A_1513, %broadcast_in_dim3A_1515 : vector<16xi1>, vector<16xi32>
    %add3A_1517 = arith.constant 21 : i32
    %add3A_1518 = vector.broadcast %add3A_1517 : i32 to vector<16xi32>
    %add3A_1519 = arith.addi %mul3A_908, %add3A_1518 : vector<16xi32>
    tpu.vector_store_idx %arg7[%select_n3A_1516], %add3A_1519 : memref<80xi32, #tpu.memory_space<vmem>>[vector<16xi32>], vector<16xi32>,
    %reduce_sum3A_1520 = arith.constant true
    %reduce_sum3A_1521 = vector.broadcast %reduce_sum3A_1520 : i1 to vector<16xi1>
    %reduce_sum3A_1522 = tpu.scan <sum>, %and3A_1502 masked %reduce_sum3A_1521 : vector<16xi32>, vector<16xi1> -> vector<16xi32>
    %reduce_sum3A_1523 = vector.extract %reduce_sum3A_1522[15] : i32 from vector<16xi32>
    %add3A_1524 = arith.addi %add3A_1496, %reduce_sum3A_1523 : i32
    %broadcast_in_dim3A_1525 = arith.constant 22 : i32
    %broadcast_in_dim3A_1526 = vector.broadcast %broadcast_in_dim3A_1525 : i32 to vector<16xi32>
    %shift_right_logical3A_1527 = arith.shrui %get3A_901, %broadcast_in_dim3A_1526 : vector<16xi32>
    %and3A_1528 = arith.constant 1 : i32
    %and3A_1529 = vector.broadcast %and3A_1528 : i32 to vector<16xi32>
    %and3A_1530 = arith.andi %shift_right_logical3A_1527, %and3A_1529 : vector<16xi32>
    %broadcast_in_dim3A_1531 = arith.constant true
    %broadcast_in_dim3A_1532 = vector.broadcast %broadcast_in_dim3A_1531 : i1 to vector<16xi1>
    %masked_cumsum3A_1533 = tpu.scan <sum>, %and3A_1530 masked %broadcast_in_dim3A_1532 : vector<16xi32>, vector<16xi1> -> vector<16xi32>
    %eq3A_1534 = arith.constant 1 : i32
    %eq3A_1535 = vector.broadcast %eq3A_1534 : i32 to vector<16xi32>
    %eq3A_1536 = arith.cmpi eq, %and3A_1530, %eq3A_1535 : vector<16xi32>
    %add3A_1537 = vector.broadcast %add3A_1524 : i32 to vector<16xi32>
    %add3A_1538 = arith.addi %add3A_1537, %masked_cumsum3A_1533 : vector<16xi32>
    %sub3A_1539 = arith.constant 1 : i32
    %sub3A_1540 = vector.broadcast %sub3A_1539 : i32 to vector<16xi32>
    %sub3A_1541 = arith.subi %add3A_1538, %sub3A_1540 : vector<16xi32>
    %jit3A_1542 = arith.constant 79 : i32
    %broadcast_in_dim3A_1543 = vector.broadcast %jit3A_1542 : i32 to vector<16xi32>
    %select_n3A_1544 = arith.select %eq3A_1536, %sub3A_1541, %broadcast_in_dim3A_1543 : vector<16xi1>, vector<16xi32>
    %add3A_1545 = arith.constant 22 : i32
    %add3A_1546 = vector.broadcast %add3A_1545 : i32 to vector<16xi32>
    %add3A_1547 = arith.addi %mul3A_908, %add3A_1546 : vector<16xi32>
    tpu.vector_store_idx %arg7[%select_n3A_1544], %add3A_1547 : memref<80xi32, #tpu.memory_space<vmem>>[vector<16xi32>], vector<16xi32>,
    %reduce_sum3A_1548 = arith.constant true
    %reduce_sum3A_1549 = vector.broadcast %reduce_sum3A_1548 : i1 to vector<16xi1>
    %reduce_sum3A_1550 = tpu.scan <sum>, %and3A_1530 masked %reduce_sum3A_1549 : vector<16xi32>, vector<16xi1> -> vector<16xi32>
    %reduce_sum3A_1551 = vector.extract %reduce_sum3A_1550[15] : i32 from vector<16xi32>
    %add3A_1552 = arith.addi %add3A_1524, %reduce_sum3A_1551 : i32
    %broadcast_in_dim3A_1553 = arith.constant 23 : i32
    %broadcast_in_dim3A_1554 = vector.broadcast %broadcast_in_dim3A_1553 : i32 to vector<16xi32>
    %shift_right_logical3A_1555 = arith.shrui %get3A_901, %broadcast_in_dim3A_1554 : vector<16xi32>
    %and3A_1556 = arith.constant 1 : i32
    %and3A_1557 = vector.broadcast %and3A_1556 : i32 to vector<16xi32>
    %and3A_1558 = arith.andi %shift_right_logical3A_1555, %and3A_1557 : vector<16xi32>
    %broadcast_in_dim3A_1559 = arith.constant true
    %broadcast_in_dim3A_1560 = vector.broadcast %broadcast_in_dim3A_1559 : i1 to vector<16xi1>
    %masked_cumsum3A_1561 = tpu.scan <sum>, %and3A_1558 masked %broadcast_in_dim3A_1560 : vector<16xi32>, vector<16xi1> -> vector<16xi32>
    %eq3A_1562 = arith.constant 1 : i32
    %eq3A_1563 = vector.broadcast %eq3A_1562 : i32 to vector<16xi32>
    %eq3A_1564 = arith.cmpi eq, %and3A_1558, %eq3A_1563 : vector<16xi32>
    %add3A_1565 = vector.broadcast %add3A_1552 : i32 to vector<16xi32>
    %add3A_1566 = arith.addi %add3A_1565, %masked_cumsum3A_1561 : vector<16xi32>
    %sub3A_1567 = arith.constant 1 : i32
    %sub3A_1568 = vector.broadcast %sub3A_1567 : i32 to vector<16xi32>
    %sub3A_1569 = arith.subi %add3A_1566, %sub3A_1568 : vector<16xi32>
    %jit3A_1570 = arith.constant 79 : i32
    %broadcast_in_dim3A_1571 = vector.broadcast %jit3A_1570 : i32 to vector<16xi32>
    %select_n3A_1572 = arith.select %eq3A_1564, %sub3A_1569, %broadcast_in_dim3A_1571 : vector<16xi1>, vector<16xi32>
    %add3A_1573 = arith.constant 23 : i32
    %add3A_1574 = vector.broadcast %add3A_1573 : i32 to vector<16xi32>
    %add3A_1575 = arith.addi %mul3A_908, %add3A_1574 : vector<16xi32>
    tpu.vector_store_idx %arg7[%select_n3A_1572], %add3A_1575 : memref<80xi32, #tpu.memory_space<vmem>>[vector<16xi32>], vector<16xi32>,
    %reduce_sum3A_1576 = arith.constant true
    %reduce_sum3A_1577 = vector.broadcast %reduce_sum3A_1576 : i1 to vector<16xi1>
    %reduce_sum3A_1578 = tpu.scan <sum>, %and3A_1558 masked %reduce_sum3A_1577 : vector<16xi32>, vector<16xi1> -> vector<16xi32>
    %reduce_sum3A_1579 = vector.extract %reduce_sum3A_1578[15] : i32 from vector<16xi32>
    %add3A_1580 = arith.addi %add3A_1552, %reduce_sum3A_1579 : i32
    %broadcast_in_dim3A_1581 = arith.constant 24 : i32
    %broadcast_in_dim3A_1582 = vector.broadcast %broadcast_in_dim3A_1581 : i32 to vector<16xi32>
    %shift_right_logical3A_1583 = arith.shrui %get3A_901, %broadcast_in_dim3A_1582 : vector<16xi32>
    %and3A_1584 = arith.constant 1 : i32
    %and3A_1585 = vector.broadcast %and3A_1584 : i32 to vector<16xi32>
    %and3A_1586 = arith.andi %shift_right_logical3A_1583, %and3A_1585 : vector<16xi32>
    %broadcast_in_dim3A_1587 = arith.constant true
    %broadcast_in_dim3A_1588 = vector.broadcast %broadcast_in_dim3A_1587 : i1 to vector<16xi1>
    %masked_cumsum3A_1589 = tpu.scan <sum>, %and3A_1586 masked %broadcast_in_dim3A_1588 : vector<16xi32>, vector<16xi1> -> vector<16xi32>
    %eq3A_1590 = arith.constant 1 : i32
    %eq3A_1591 = vector.broadcast %eq3A_1590 : i32 to vector<16xi32>
    %eq3A_1592 = arith.cmpi eq, %and3A_1586, %eq3A_1591 : vector<16xi32>
    %add3A_1593 = vector.broadcast %add3A_1580 : i32 to vector<16xi32>
    %add3A_1594 = arith.addi %add3A_1593, %masked_cumsum3A_1589 : vector<16xi32>
    %sub3A_1595 = arith.constant 1 : i32
    %sub3A_1596 = vector.broadcast %sub3A_1595 : i32 to vector<16xi32>
    %sub3A_1597 = arith.subi %add3A_1594, %sub3A_1596 : vector<16xi32>
    %jit3A_1598 = arith.constant 79 : i32
    %broadcast_in_dim3A_1599 = vector.broadcast %jit3A_1598 : i32 to vector<16xi32>
    %select_n3A_1600 = arith.select %eq3A_1592, %sub3A_1597, %broadcast_in_dim3A_1599 : vector<16xi1>, vector<16xi32>
    %add3A_1601 = arith.constant 24 : i32
    %add3A_1602 = vector.broadcast %add3A_1601 : i32 to vector<16xi32>
    %add3A_1603 = arith.addi %mul3A_908, %add3A_1602 : vector<16xi32>
    tpu.vector_store_idx %arg7[%select_n3A_1600], %add3A_1603 : memref<80xi32, #tpu.memory_space<vmem>>[vector<16xi32>], vector<16xi32>,
    %reduce_sum3A_1604 = arith.constant true
    %reduce_sum3A_1605 = vector.broadcast %reduce_sum3A_1604 : i1 to vector<16xi1>
    %reduce_sum3A_1606 = tpu.scan <sum>, %and3A_1586 masked %reduce_sum3A_1605 : vector<16xi32>, vector<16xi1> -> vector<16xi32>
    %reduce_sum3A_1607 = vector.extract %reduce_sum3A_1606[15] : i32 from vector<16xi32>
    %add3A_1608 = arith.addi %add3A_1580, %reduce_sum3A_1607 : i32
    %broadcast_in_dim3A_1609 = arith.constant 25 : i32
    %broadcast_in_dim3A_1610 = vector.broadcast %broadcast_in_dim3A_1609 : i32 to vector<16xi32>
    %shift_right_logical3A_1611 = arith.shrui %get3A_901, %broadcast_in_dim3A_1610 : vector<16xi32>
    %and3A_1612 = arith.constant 1 : i32
    %and3A_1613 = vector.broadcast %and3A_1612 : i32 to vector<16xi32>
    %and3A_1614 = arith.andi %shift_right_logical3A_1611, %and3A_1613 : vector<16xi32>
    %broadcast_in_dim3A_1615 = arith.constant true
    %broadcast_in_dim3A_1616 = vector.broadcast %broadcast_in_dim3A_1615 : i1 to vector<16xi1>
    %masked_cumsum3A_1617 = tpu.scan <sum>, %and3A_1614 masked %broadcast_in_dim3A_1616 : vector<16xi32>, vector<16xi1> -> vector<16xi32>
    %eq3A_1618 = arith.constant 1 : i32
    %eq3A_1619 = vector.broadcast %eq3A_1618 : i32 to vector<16xi32>
    %eq3A_1620 = arith.cmpi eq, %and3A_1614, %eq3A_1619 : vector<16xi32>
    %add3A_1621 = vector.broadcast %add3A_1608 : i32 to vector<16xi32>
    %add3A_1622 = arith.addi %add3A_1621, %masked_cumsum3A_1617 : vector<16xi32>
    %sub3A_1623 = arith.constant 1 : i32
    %sub3A_1624 = vector.broadcast %sub3A_1623 : i32 to vector<16xi32>
    %sub3A_1625 = arith.subi %add3A_1622, %sub3A_1624 : vector<16xi32>
    %jit3A_1626 = arith.constant 79 : i32
    %broadcast_in_dim3A_1627 = vector.broadcast %jit3A_1626 : i32 to vector<16xi32>
    %select_n3A_1628 = arith.select %eq3A_1620, %sub3A_1625, %broadcast_in_dim3A_1627 : vector<16xi1>, vector<16xi32>
    %add3A_1629 = arith.constant 25 : i32
    %add3A_1630 = vector.broadcast %add3A_1629 : i32 to vector<16xi32>
    %add3A_1631 = arith.addi %mul3A_908, %add3A_1630 : vector<16xi32>
    tpu.vector_store_idx %arg7[%select_n3A_1628], %add3A_1631 : memref<80xi32, #tpu.memory_space<vmem>>[vector<16xi32>], vector<16xi32>,
    %reduce_sum3A_1632 = arith.constant true
    %reduce_sum3A_1633 = vector.broadcast %reduce_sum3A_1632 : i1 to vector<16xi1>
    %reduce_sum3A_1634 = tpu.scan <sum>, %and3A_1614 masked %reduce_sum3A_1633 : vector<16xi32>, vector<16xi1> -> vector<16xi32>
    %reduce_sum3A_1635 = vector.extract %reduce_sum3A_1634[15] : i32 from vector<16xi32>
    %add3A_1636 = arith.addi %add3A_1608, %reduce_sum3A_1635 : i32
    %broadcast_in_dim3A_1637 = arith.constant 26 : i32
    %broadcast_in_dim3A_1638 = vector.broadcast %broadcast_in_dim3A_1637 : i32 to vector<16xi32>
    %shift_right_logical3A_1639 = arith.shrui %get3A_901, %broadcast_in_dim3A_1638 : vector<16xi32>
    %and3A_1640 = arith.constant 1 : i32
    %and3A_1641 = vector.broadcast %and3A_1640 : i32 to vector<16xi32>
    %and3A_1642 = arith.andi %shift_right_logical3A_1639, %and3A_1641 : vector<16xi32>
    %broadcast_in_dim3A_1643 = arith.constant true
    %broadcast_in_dim3A_1644 = vector.broadcast %broadcast_in_dim3A_1643 : i1 to vector<16xi1>
    %masked_cumsum3A_1645 = tpu.scan <sum>, %and3A_1642 masked %broadcast_in_dim3A_1644 : vector<16xi32>, vector<16xi1> -> vector<16xi32>
    %eq3A_1646 = arith.constant 1 : i32
    %eq3A_1647 = vector.broadcast %eq3A_1646 : i32 to vector<16xi32>
    %eq3A_1648 = arith.cmpi eq, %and3A_1642, %eq3A_1647 : vector<16xi32>
    %add3A_1649 = vector.broadcast %add3A_1636 : i32 to vector<16xi32>
    %add3A_1650 = arith.addi %add3A_1649, %masked_cumsum3A_1645 : vector<16xi32>
    %sub3A_1651 = arith.constant 1 : i32
    %sub3A_1652 = vector.broadcast %sub3A_1651 : i32 to vector<16xi32>
    %sub3A_1653 = arith.subi %add3A_1650, %sub3A_1652 : vector<16xi32>
    %jit3A_1654 = arith.constant 79 : i32
    %broadcast_in_dim3A_1655 = vector.broadcast %jit3A_1654 : i32 to vector<16xi32>
    %select_n3A_1656 = arith.select %eq3A_1648, %sub3A_1653, %broadcast_in_dim3A_1655 : vector<16xi1>, vector<16xi32>
    %add3A_1657 = arith.constant 26 : i32
    %add3A_1658 = vector.broadcast %add3A_1657 : i32 to vector<16xi32>
    %add3A_1659 = arith.addi %mul3A_908, %add3A_1658 : vector<16xi32>
    tpu.vector_store_idx %arg7[%select_n3A_1656], %add3A_1659 : memref<80xi32, #tpu.memory_space<vmem>>[vector<16xi32>], vector<16xi32>,
    %reduce_sum3A_1660 = arith.constant true
    %reduce_sum3A_1661 = vector.broadcast %reduce_sum3A_1660 : i1 to vector<16xi1>
    %reduce_sum3A_1662 = tpu.scan <sum>, %and3A_1642 masked %reduce_sum3A_1661 : vector<16xi32>, vector<16xi1> -> vector<16xi32>
    %reduce_sum3A_1663 = vector.extract %reduce_sum3A_1662[15] : i32 from vector<16xi32>
    %add3A_1664 = arith.addi %add3A_1636, %reduce_sum3A_1663 : i32
    %broadcast_in_dim3A_1665 = arith.constant 27 : i32
    %broadcast_in_dim3A_1666 = vector.broadcast %broadcast_in_dim3A_1665 : i32 to vector<16xi32>
    %shift_right_logical3A_1667 = arith.shrui %get3A_901, %broadcast_in_dim3A_1666 : vector<16xi32>
    %and3A_1668 = arith.constant 1 : i32
    %and3A_1669 = vector.broadcast %and3A_1668 : i32 to vector<16xi32>
    %and3A_1670 = arith.andi %shift_right_logical3A_1667, %and3A_1669 : vector<16xi32>
    %broadcast_in_dim3A_1671 = arith.constant true
    %broadcast_in_dim3A_1672 = vector.broadcast %broadcast_in_dim3A_1671 : i1 to vector<16xi1>
    %masked_cumsum3A_1673 = tpu.scan <sum>, %and3A_1670 masked %broadcast_in_dim3A_1672 : vector<16xi32>, vector<16xi1> -> vector<16xi32>
    %eq3A_1674 = arith.constant 1 : i32
    %eq3A_1675 = vector.broadcast %eq3A_1674 : i32 to vector<16xi32>
    %eq3A_1676 = arith.cmpi eq, %and3A_1670, %eq3A_1675 : vector<16xi32>
    %add3A_1677 = vector.broadcast %add3A_1664 : i32 to vector<16xi32>
    %add3A_1678 = arith.addi %add3A_1677, %masked_cumsum3A_1673 : vector<16xi32>
    %sub3A_1679 = arith.constant 1 : i32
    %sub3A_1680 = vector.broadcast %sub3A_1679 : i32 to vector<16xi32>
    %sub3A_1681 = arith.subi %add3A_1678, %sub3A_1680 : vector<16xi32>
    %jit3A_1682 = arith.constant 79 : i32
    %broadcast_in_dim3A_1683 = vector.broadcast %jit3A_1682 : i32 to vector<16xi32>
    %select_n3A_1684 = arith.select %eq3A_1676, %sub3A_1681, %broadcast_in_dim3A_1683 : vector<16xi1>, vector<16xi32>
    %add3A_1685 = arith.constant 27 : i32
    %add3A_1686 = vector.broadcast %add3A_1685 : i32 to vector<16xi32>
    %add3A_1687 = arith.addi %mul3A_908, %add3A_1686 : vector<16xi32>
    tpu.vector_store_idx %arg7[%select_n3A_1684], %add3A_1687 : memref<80xi32, #tpu.memory_space<vmem>>[vector<16xi32>], vector<16xi32>,
    %reduce_sum3A_1688 = arith.constant true
    %reduce_sum3A_1689 = vector.broadcast %reduce_sum3A_1688 : i1 to vector<16xi1>
    %reduce_sum3A_1690 = tpu.scan <sum>, %and3A_1670 masked %reduce_sum3A_1689 : vector<16xi32>, vector<16xi1> -> vector<16xi32>
    %reduce_sum3A_1691 = vector.extract %reduce_sum3A_1690[15] : i32 from vector<16xi32>
    %add3A_1692 = arith.addi %add3A_1664, %reduce_sum3A_1691 : i32
    %broadcast_in_dim3A_1693 = arith.constant 28 : i32
    %broadcast_in_dim3A_1694 = vector.broadcast %broadcast_in_dim3A_1693 : i32 to vector<16xi32>
    %shift_right_logical3A_1695 = arith.shrui %get3A_901, %broadcast_in_dim3A_1694 : vector<16xi32>
    %and3A_1696 = arith.constant 1 : i32
    %and3A_1697 = vector.broadcast %and3A_1696 : i32 to vector<16xi32>
    %and3A_1698 = arith.andi %shift_right_logical3A_1695, %and3A_1697 : vector<16xi32>
    %broadcast_in_dim3A_1699 = arith.constant true
    %broadcast_in_dim3A_1700 = vector.broadcast %broadcast_in_dim3A_1699 : i1 to vector<16xi1>
    %masked_cumsum3A_1701 = tpu.scan <sum>, %and3A_1698 masked %broadcast_in_dim3A_1700 : vector<16xi32>, vector<16xi1> -> vector<16xi32>
    %eq3A_1702 = arith.constant 1 : i32
    %eq3A_1703 = vector.broadcast %eq3A_1702 : i32 to vector<16xi32>
    %eq3A_1704 = arith.cmpi eq, %and3A_1698, %eq3A_1703 : vector<16xi32>
    %add3A_1705 = vector.broadcast %add3A_1692 : i32 to vector<16xi32>
    %add3A_1706 = arith.addi %add3A_1705, %masked_cumsum3A_1701 : vector<16xi32>
    %sub3A_1707 = arith.constant 1 : i32
    %sub3A_1708 = vector.broadcast %sub3A_1707 : i32 to vector<16xi32>
    %sub3A_1709 = arith.subi %add3A_1706, %sub3A_1708 : vector<16xi32>
    %jit3A_1710 = arith.constant 79 : i32
    %broadcast_in_dim3A_1711 = vector.broadcast %jit3A_1710 : i32 to vector<16xi32>
    %select_n3A_1712 = arith.select %eq3A_1704, %sub3A_1709, %broadcast_in_dim3A_1711 : vector<16xi1>, vector<16xi32>
    %add3A_1713 = arith.constant 28 : i32
    %add3A_1714 = vector.broadcast %add3A_1713 : i32 to vector<16xi32>
    %add3A_1715 = arith.addi %mul3A_908, %add3A_1714 : vector<16xi32>
    tpu.vector_store_idx %arg7[%select_n3A_1712], %add3A_1715 : memref<80xi32, #tpu.memory_space<vmem>>[vector<16xi32>], vector<16xi32>,
    %reduce_sum3A_1716 = arith.constant true
    %reduce_sum3A_1717 = vector.broadcast %reduce_sum3A_1716 : i1 to vector<16xi1>
    %reduce_sum3A_1718 = tpu.scan <sum>, %and3A_1698 masked %reduce_sum3A_1717 : vector<16xi32>, vector<16xi1> -> vector<16xi32>
    %reduce_sum3A_1719 = vector.extract %reduce_sum3A_1718[15] : i32 from vector<16xi32>
    %add3A_1720 = arith.addi %add3A_1692, %reduce_sum3A_1719 : i32
    %broadcast_in_dim3A_1721 = arith.constant 29 : i32
    %broadcast_in_dim3A_1722 = vector.broadcast %broadcast_in_dim3A_1721 : i32 to vector<16xi32>
    %shift_right_logical3A_1723 = arith.shrui %get3A_901, %broadcast_in_dim3A_1722 : vector<16xi32>
    %and3A_1724 = arith.constant 1 : i32
    %and3A_1725 = vector.broadcast %and3A_1724 : i32 to vector<16xi32>
    %and3A_1726 = arith.andi %shift_right_logical3A_1723, %and3A_1725 : vector<16xi32>
    %broadcast_in_dim3A_1727 = arith.constant true
    %broadcast_in_dim3A_1728 = vector.broadcast %broadcast_in_dim3A_1727 : i1 to vector<16xi1>
    %masked_cumsum3A_1729 = tpu.scan <sum>, %and3A_1726 masked %broadcast_in_dim3A_1728 : vector<16xi32>, vector<16xi1> -> vector<16xi32>
    %eq3A_1730 = arith.constant 1 : i32
    %eq3A_1731 = vector.broadcast %eq3A_1730 : i32 to vector<16xi32>
    %eq3A_1732 = arith.cmpi eq, %and3A_1726, %eq3A_1731 : vector<16xi32>
    %add3A_1733 = vector.broadcast %add3A_1720 : i32 to vector<16xi32>
    %add3A_1734 = arith.addi %add3A_1733, %masked_cumsum3A_1729 : vector<16xi32>
    %sub3A_1735 = arith.constant 1 : i32
    %sub3A_1736 = vector.broadcast %sub3A_1735 : i32 to vector<16xi32>
    %sub3A_1737 = arith.subi %add3A_1734, %sub3A_1736 : vector<16xi32>
    %jit3A_1738 = arith.constant 79 : i32
    %broadcast_in_dim3A_1739 = vector.broadcast %jit3A_1738 : i32 to vector<16xi32>
    %select_n3A_1740 = arith.select %eq3A_1732, %sub3A_1737, %broadcast_in_dim3A_1739 : vector<16xi1>, vector<16xi32>
    %add3A_1741 = arith.constant 29 : i32
    %add3A_1742 = vector.broadcast %add3A_1741 : i32 to vector<16xi32>
    %add3A_1743 = arith.addi %mul3A_908, %add3A_1742 : vector<16xi32>
    tpu.vector_store_idx %arg7[%select_n3A_1740], %add3A_1743 : memref<80xi32, #tpu.memory_space<vmem>>[vector<16xi32>], vector<16xi32>,
    %reduce_sum3A_1744 = arith.constant true
    %reduce_sum3A_1745 = vector.broadcast %reduce_sum3A_1744 : i1 to vector<16xi1>
    %reduce_sum3A_1746 = tpu.scan <sum>, %and3A_1726 masked %reduce_sum3A_1745 : vector<16xi32>, vector<16xi1> -> vector<16xi32>
    %reduce_sum3A_1747 = vector.extract %reduce_sum3A_1746[15] : i32 from vector<16xi32>
    %add3A_1748 = arith.addi %add3A_1720, %reduce_sum3A_1747 : i32
    %broadcast_in_dim3A_1749 = arith.constant 30 : i32
    %broadcast_in_dim3A_1750 = vector.broadcast %broadcast_in_dim3A_1749 : i32 to vector<16xi32>
    %shift_right_logical3A_1751 = arith.shrui %get3A_901, %broadcast_in_dim3A_1750 : vector<16xi32>
    %and3A_1752 = arith.constant 1 : i32
    %and3A_1753 = vector.broadcast %and3A_1752 : i32 to vector<16xi32>
    %and3A_1754 = arith.andi %shift_right_logical3A_1751, %and3A_1753 : vector<16xi32>
    %broadcast_in_dim3A_1755 = arith.constant true
    %broadcast_in_dim3A_1756 = vector.broadcast %broadcast_in_dim3A_1755 : i1 to vector<16xi1>
    %masked_cumsum3A_1757 = tpu.scan <sum>, %and3A_1754 masked %broadcast_in_dim3A_1756 : vector<16xi32>, vector<16xi1> -> vector<16xi32>
    %eq3A_1758 = arith.constant 1 : i32
    %eq3A_1759 = vector.broadcast %eq3A_1758 : i32 to vector<16xi32>
    %eq3A_1760 = arith.cmpi eq, %and3A_1754, %eq3A_1759 : vector<16xi32>
    %add3A_1761 = vector.broadcast %add3A_1748 : i32 to vector<16xi32>
    %add3A_1762 = arith.addi %add3A_1761, %masked_cumsum3A_1757 : vector<16xi32>
    %sub3A_1763 = arith.constant 1 : i32
    %sub3A_1764 = vector.broadcast %sub3A_1763 : i32 to vector<16xi32>
    %sub3A_1765 = arith.subi %add3A_1762, %sub3A_1764 : vector<16xi32>
    %jit3A_1766 = arith.constant 79 : i32
    %broadcast_in_dim3A_1767 = vector.broadcast %jit3A_1766 : i32 to vector<16xi32>
    %select_n3A_1768 = arith.select %eq3A_1760, %sub3A_1765, %broadcast_in_dim3A_1767 : vector<16xi1>, vector<16xi32>
    %add3A_1769 = arith.constant 30 : i32
    %add3A_1770 = vector.broadcast %add3A_1769 : i32 to vector<16xi32>
    %add3A_1771 = arith.addi %mul3A_908, %add3A_1770 : vector<16xi32>
    tpu.vector_store_idx %arg7[%select_n3A_1768], %add3A_1771 : memref<80xi32, #tpu.memory_space<vmem>>[vector<16xi32>], vector<16xi32>,
    %reduce_sum3A_1772 = arith.constant true
    %reduce_sum3A_1773 = vector.broadcast %reduce_sum3A_1772 : i1 to vector<16xi1>
    %reduce_sum3A_1774 = tpu.scan <sum>, %and3A_1754 masked %reduce_sum3A_1773 : vector<16xi32>, vector<16xi1> -> vector<16xi32>
    %reduce_sum3A_1775 = vector.extract %reduce_sum3A_1774[15] : i32 from vector<16xi32>
    %add3A_1776 = arith.addi %add3A_1748, %reduce_sum3A_1775 : i32
    %broadcast_in_dim3A_1777 = arith.constant 31 : i32
    %broadcast_in_dim3A_1778 = vector.broadcast %broadcast_in_dim3A_1777 : i32 to vector<16xi32>
    %shift_right_logical3A_1779 = arith.shrui %get3A_901, %broadcast_in_dim3A_1778 : vector<16xi32>
    %and3A_1780 = arith.constant 1 : i32
    %and3A_1781 = vector.broadcast %and3A_1780 : i32 to vector<16xi32>
    %and3A_1782 = arith.andi %shift_right_logical3A_1779, %and3A_1781 : vector<16xi32>
    %broadcast_in_dim3A_1783 = arith.constant true
    %broadcast_in_dim3A_1784 = vector.broadcast %broadcast_in_dim3A_1783 : i1 to vector<16xi1>
    %masked_cumsum3A_1785 = tpu.scan <sum>, %and3A_1782 masked %broadcast_in_dim3A_1784 : vector<16xi32>, vector<16xi1> -> vector<16xi32>
    %eq3A_1786 = arith.constant 1 : i32
    %eq3A_1787 = vector.broadcast %eq3A_1786 : i32 to vector<16xi32>
    %eq3A_1788 = arith.cmpi eq, %and3A_1782, %eq3A_1787 : vector<16xi32>
    %add3A_1789 = vector.broadcast %add3A_1776 : i32 to vector<16xi32>
    %add3A_1790 = arith.addi %add3A_1789, %masked_cumsum3A_1785 : vector<16xi32>
    %sub3A_1791 = arith.constant 1 : i32
    %sub3A_1792 = vector.broadcast %sub3A_1791 : i32 to vector<16xi32>
    %sub3A_1793 = arith.subi %add3A_1790, %sub3A_1792 : vector<16xi32>
    %jit3A_1794 = arith.constant 79 : i32
    %broadcast_in_dim3A_1795 = vector.broadcast %jit3A_1794 : i32 to vector<16xi32>
    %select_n3A_1796 = arith.select %eq3A_1788, %sub3A_1793, %broadcast_in_dim3A_1795 : vector<16xi1>, vector<16xi32>
    %add3A_1797 = arith.constant 31 : i32
    %add3A_1798 = vector.broadcast %add3A_1797 : i32 to vector<16xi32>
    %add3A_1799 = arith.addi %mul3A_908, %add3A_1798 : vector<16xi32>
    tpu.vector_store_idx %arg7[%select_n3A_1796], %add3A_1799 : memref<80xi32, #tpu.memory_space<vmem>>[vector<16xi32>], vector<16xi32>,
    %reduce_sum3A_1800 = arith.constant true
    %reduce_sum3A_1801 = vector.broadcast %reduce_sum3A_1800 : i1 to vector<16xi1>
    %reduce_sum3A_1802 = tpu.scan <sum>, %and3A_1782 masked %reduce_sum3A_1801 : vector<16xi32>, vector<16xi1> -> vector<16xi32>
    %reduce_sum3A_1803 = vector.extract %reduce_sum3A_1802[15] : i32 from vector<16xi32>
    %add3A_1804 = arith.addi %add3A_1776, %reduce_sum3A_1803 : i32
    %shift_right_arithmetic3A = arith.constant 0 : i32
    %shift_right_arithmetic3A_1805 = arith.constant 4 : i32
    %shift_right_arithmetic3A_1806 = arith.shrsi %shift_right_arithmetic3A, %shift_right_arithmetic3A_1805 : i32
    %mul3A_1807 = arith.constant 16 : i32
    %mul3A_1808 = arith.muli %shift_right_arithmetic3A_1806, %mul3A_1807 : i32
    %get3A_1809 = arith.index_cast %mul3A_1808 : i32 to index
    %get3A_1810 = tpu.vector_load %arg7[%get3A_1809] {strides = array<i32>} : memref<80xi32, #tpu.memory_space<vmem>>, vector<16xi32>,
    %iota3A_1811 = tpu.iota {dimensions = array<i32: 0>} : vector<16xi32>
    %and3A_1812 = arith.constant 0 : i32
    %and3A_1813 = arith.constant 15 : i32
    %and3A_1814 = arith.andi %and3A_1812, %and3A_1813 : i32
    %eq3A_1815 = vector.broadcast %and3A_1814 : i32 to vector<16xi32>
    %eq3A_1816 = arith.cmpi eq, %iota3A_1811, %eq3A_1815 : vector<16xi32>
    %jit3A_1817 = arith.constant 0 : i32
    %broadcast_in_dim3A_1818 = vector.broadcast %jit3A_1817 : i32 to vector<16xi32>
    %select_n3A_1819 = arith.select %eq3A_1816, %get3A_1810, %broadcast_in_dim3A_1818 : vector<16xi1>, vector<16xi32>
    %reduce_sum3A_1820 = arith.constant true
    %reduce_sum3A_1821 = vector.broadcast %reduce_sum3A_1820 : i1 to vector<16xi1>
    %reduce_sum3A_1822 = tpu.scan <sum>, %select_n3A_1819 masked %reduce_sum3A_1821 : vector<16xi32>, vector<16xi1> -> vector<16xi32>
    %reduce_sum3A_1823 = vector.extract %reduce_sum3A_1822[15] : i32 from vector<16xi32>
    %shift_right_logical3A_1824 = arith.constant 5 : i32
    %shift_right_logical3A_1825 = arith.shrui %reduce_sum3A_1823, %shift_right_logical3A_1824 : i32
    %and3A_1826 = arith.constant 31 : i32
    %and3A_1827 = arith.andi %reduce_sum3A_1823, %and3A_1826 : i32
    %mul3A_1828 = arith.constant 16 : i32
    %mul3A_1829 = arith.muli %shift_right_logical3A_1825, %mul3A_1828 : i32
    %shift_right_logical3A_1830 = arith.constant 3 : i32
    %shift_right_logical3A_1831 = arith.shrui %and3A_1827, %shift_right_logical3A_1830 : i32
    %mul3A_1832 = arith.constant 128 : i32
    %mul3A_1833 = arith.muli %shift_right_logical3A_1831, %mul3A_1832 : i32
    %dma_start3A = arith.constant 0 : i32
    %dma_start3A_1834 = arith.constant 0 : i32
    %dma_start3A_1835 = arith.constant 0 : i32
    %dma_start3A_1836 = arith.constant 0 : i32
    %dma_start3A_1837 = arith.constant 0 : i32
    %dma_start3A_1838 = tpu.memref_slice %arg8[%dma_start3A, %dma_start3A_1835, %dma_start3A_1836, %dma_start3A_1837] : memref<4x3x16x128xf32, #tpu.memory_space<vmem>> -> memref<1x3x16x128xf32, #tpu.memory_space<vmem>>
    %dma_start3A_1839 = tpu.memref_squeeze %dma_start3A_1838 : memref<1x3x16x128xf32, #tpu.memory_space<vmem>> -> memref<3x16x128xf32, #tpu.memory_space<vmem>>
    %dma_start3A_1840 = arith.constant 0 : i32
    %dma_start3A_1841 = tpu.memref_slice %arg2[%add3A, %dma_start3A_1840, %mul3A_1829, %mul3A_1833] : memref<32x3x512x512xf32, #tpu.memory_space<hbm>> -> memref<1x3x16x128xf32, #tpu.memory_space<hbm>>
    %dma_start3A_1842 = tpu.memref_squeeze %dma_start3A_1841 : memref<1x3x16x128xf32, #tpu.memory_space<hbm>> -> memref<3x16x128xf32, #tpu.memory_space<hbm>>
    %dma_start3A_1843 = tpu.memref_slice %arg10[%dma_start3A_1834] : memref<4x!tpu.dma_semaphore, #tpu.memory_space<semaphore_mem>> -> memref<1x!tpu.dma_semaphore, #tpu.memory_space<semaphore_mem>>
    %dma_start3A_1844 = tpu.memref_squeeze %dma_start3A_1843 : memref<1x!tpu.dma_semaphore, #tpu.memory_space<semaphore_mem>> -> memref<!tpu.dma_semaphore, #tpu.memory_space<semaphore_mem>>
    %dma_start3A_1845 = arith.constant 0 : i32
    %dma_start3A_1846 = arith.constant 0 : i32
    %dma_start3A_1847 = arith.constant 0 : i32
    %dma_start3A_1848 = tpu.memref_slice %arg8[%dma_start3A, %dma_start3A_1845, %dma_start3A_1846, %dma_start3A_1847] : memref<4x3x16x128xf32, #tpu.memory_space<vmem>> -> memref<1x3x16x128xf32, #tpu.memory_space<vmem>>
    %dma_start3A_1849 = tpu.memref_squeeze %dma_start3A_1848 : memref<1x3x16x128xf32, #tpu.memory_space<vmem>> -> memref<3x16x128xf32, #tpu.memory_space<vmem>>
    %dma_start3A_1850 = arith.constant 0 : i32
    %dma_start3A_1851 = tpu.memref_slice %arg2[%add3A, %dma_start3A_1850, %mul3A_1829, %mul3A_1833] : memref<32x3x512x512xf32, #tpu.memory_space<hbm>> -> memref<1x3x16x128xf32, #tpu.memory_space<hbm>>
    %dma_start3A_1852 = tpu.memref_squeeze %dma_start3A_1851 : memref<1x3x16x128xf32, #tpu.memory_space<hbm>> -> memref<3x16x128xf32, #tpu.memory_space<hbm>>
    tpu.enqueue_dma source(%dma_start3A_1852 : memref<3x16x128xf32, #tpu.memory_space<hbm>>) target(%dma_start3A_1849 : memref<3x16x128xf32, #tpu.memory_space<vmem>>) target_semaphore(%dma_start3A_1844 : memref<!tpu.dma_semaphore, #tpu.memory_space<semaphore_mem>>)
    %shift_right_arithmetic3A_1853 = arith.constant 1 : i32
    %shift_right_arithmetic3A_1854 = arith.constant 4 : i32
    %shift_right_arithmetic3A_1855 = arith.shrsi %shift_right_arithmetic3A_1853, %shift_right_arithmetic3A_1854 : i32
    %mul3A_1856 = arith.constant 16 : i32
    %mul3A_1857 = arith.muli %shift_right_arithmetic3A_1855, %mul3A_1856 : i32
    %get3A_1858 = arith.index_cast %mul3A_1857 : i32 to index
    %get3A_1859 = tpu.vector_load %arg7[%get3A_1858] {strides = array<i32>} : memref<80xi32, #tpu.memory_space<vmem>>, vector<16xi32>,
    %iota3A_1860 = tpu.iota {dimensions = array<i32: 0>} : vector<16xi32>
    %and3A_1861 = arith.constant 1 : i32
    %and3A_1862 = arith.constant 15 : i32
    %and3A_1863 = arith.andi %and3A_1861, %and3A_1862 : i32
    %eq3A_1864 = vector.broadcast %and3A_1863 : i32 to vector<16xi32>
    %eq3A_1865 = arith.cmpi eq, %iota3A_1860, %eq3A_1864 : vector<16xi32>
    %jit3A_1866 = arith.constant 0 : i32
    %broadcast_in_dim3A_1867 = vector.broadcast %jit3A_1866 : i32 to vector<16xi32>
    %select_n3A_1868 = arith.select %eq3A_1865, %get3A_1859, %broadcast_in_dim3A_1867 : vector<16xi1>, vector<16xi32>
    %reduce_sum3A_1869 = arith.constant true
    %reduce_sum3A_1870 = vector.broadcast %reduce_sum3A_1869 : i1 to vector<16xi1>
    %reduce_sum3A_1871 = tpu.scan <sum>, %select_n3A_1868 masked %reduce_sum3A_1870 : vector<16xi32>, vector<16xi1> -> vector<16xi32>
    %reduce_sum3A_1872 = vector.extract %reduce_sum3A_1871[15] : i32 from vector<16xi32>
    %shift_right_logical3A_1873 = arith.constant 5 : i32
    %shift_right_logical3A_1874 = arith.shrui %reduce_sum3A_1872, %shift_right_logical3A_1873 : i32
    %and3A_1875 = arith.constant 31 : i32
    %and3A_1876 = arith.andi %reduce_sum3A_1872, %and3A_1875 : i32
    %mul3A_1877 = arith.constant 16 : i32
    %mul3A_1878 = arith.muli %shift_right_logical3A_1874, %mul3A_1877 : i32
    %shift_right_logical3A_1879 = arith.constant 3 : i32
    %shift_right_logical3A_1880 = arith.shrui %and3A_1876, %shift_right_logical3A_1879 : i32
    %mul3A_1881 = arith.constant 128 : i32
    %mul3A_1882 = arith.muli %shift_right_logical3A_1880, %mul3A_1881 : i32
    %dma_start3A_1883 = arith.constant 1 : i32
    %dma_start3A_1884 = arith.constant 1 : i32
    %dma_start3A_1885 = arith.constant 0 : i32
    %dma_start3A_1886 = arith.constant 0 : i32
    %dma_start3A_1887 = arith.constant 0 : i32
    %dma_start3A_1888 = tpu.memref_slice %arg8[%dma_start3A_1883, %dma_start3A_1885, %dma_start3A_1886, %dma_start3A_1887] : memref<4x3x16x128xf32, #tpu.memory_space<vmem>> -> memref<1x3x16x128xf32, #tpu.memory_space<vmem>>
    %dma_start3A_1889 = tpu.memref_squeeze %dma_start3A_1888 : memref<1x3x16x128xf32, #tpu.memory_space<vmem>> -> memref<3x16x128xf32, #tpu.memory_space<vmem>>
    %dma_start3A_1890 = arith.constant 0 : i32
    %dma_start3A_1891 = tpu.memref_slice %arg2[%add3A, %dma_start3A_1890, %mul3A_1878, %mul3A_1882] : memref<32x3x512x512xf32, #tpu.memory_space<hbm>> -> memref<1x3x16x128xf32, #tpu.memory_space<hbm>>
    %dma_start3A_1892 = tpu.memref_squeeze %dma_start3A_1891 : memref<1x3x16x128xf32, #tpu.memory_space<hbm>> -> memref<3x16x128xf32, #tpu.memory_space<hbm>>
    %dma_start3A_1893 = tpu.memref_slice %arg10[%dma_start3A_1884] : memref<4x!tpu.dma_semaphore, #tpu.memory_space<semaphore_mem>> -> memref<1x!tpu.dma_semaphore, #tpu.memory_space<semaphore_mem>>
    %dma_start3A_1894 = tpu.memref_squeeze %dma_start3A_1893 : memref<1x!tpu.dma_semaphore, #tpu.memory_space<semaphore_mem>> -> memref<!tpu.dma_semaphore, #tpu.memory_space<semaphore_mem>>
    %dma_start3A_1895 = arith.constant 0 : i32
    %dma_start3A_1896 = arith.constant 0 : i32
    %dma_start3A_1897 = arith.constant 0 : i32
    %dma_start3A_1898 = tpu.memref_slice %arg8[%dma_start3A_1883, %dma_start3A_1895, %dma_start3A_1896, %dma_start3A_1897] : memref<4x3x16x128xf32, #tpu.memory_space<vmem>> -> memref<1x3x16x128xf32, #tpu.memory_space<vmem>>
    %dma_start3A_1899 = tpu.memref_squeeze %dma_start3A_1898 : memref<1x3x16x128xf32, #tpu.memory_space<vmem>> -> memref<3x16x128xf32, #tpu.memory_space<vmem>>
    %dma_start3A_1900 = arith.constant 0 : i32
    %dma_start3A_1901 = tpu.memref_slice %arg2[%add3A, %dma_start3A_1900, %mul3A_1878, %mul3A_1882] : memref<32x3x512x512xf32, #tpu.memory_space<hbm>> -> memref<1x3x16x128xf32, #tpu.memory_space<hbm>>
    %dma_start3A_1902 = tpu.memref_squeeze %dma_start3A_1901 : memref<1x3x16x128xf32, #tpu.memory_space<hbm>> -> memref<3x16x128xf32, #tpu.memory_space<hbm>>
    tpu.enqueue_dma source(%dma_start3A_1902 : memref<3x16x128xf32, #tpu.memory_space<hbm>>) target(%dma_start3A_1899 : memref<3x16x128xf32, #tpu.memory_space<vmem>>) target_semaphore(%dma_start3A_1894 : memref<!tpu.dma_semaphore, #tpu.memory_space<semaphore_mem>>)
    %shift_right_arithmetic3A_1903 = arith.constant 2 : i32
    %shift_right_arithmetic3A_1904 = arith.constant 4 : i32
    %shift_right_arithmetic3A_1905 = arith.shrsi %shift_right_arithmetic3A_1903, %shift_right_arithmetic3A_1904 : i32
    %mul3A_1906 = arith.constant 16 : i32
    %mul3A_1907 = arith.muli %shift_right_arithmetic3A_1905, %mul3A_1906 : i32
    %get3A_1908 = arith.index_cast %mul3A_1907 : i32 to index
    %get3A_1909 = tpu.vector_load %arg7[%get3A_1908] {strides = array<i32>} : memref<80xi32, #tpu.memory_space<vmem>>, vector<16xi32>,
    %iota3A_1910 = tpu.iota {dimensions = array<i32: 0>} : vector<16xi32>
    %and3A_1911 = arith.constant 2 : i32
    %and3A_1912 = arith.constant 15 : i32
    %and3A_1913 = arith.andi %and3A_1911, %and3A_1912 : i32
    %eq3A_1914 = vector.broadcast %and3A_1913 : i32 to vector<16xi32>
    %eq3A_1915 = arith.cmpi eq, %iota3A_1910, %eq3A_1914 : vector<16xi32>
    %jit3A_1916 = arith.constant 0 : i32
    %broadcast_in_dim3A_1917 = vector.broadcast %jit3A_1916 : i32 to vector<16xi32>
    %select_n3A_1918 = arith.select %eq3A_1915, %get3A_1909, %broadcast_in_dim3A_1917 : vector<16xi1>, vector<16xi32>
    %reduce_sum3A_1919 = arith.constant true
    %reduce_sum3A_1920 = vector.broadcast %reduce_sum3A_1919 : i1 to vector<16xi1>
    %reduce_sum3A_1921 = tpu.scan <sum>, %select_n3A_1918 masked %reduce_sum3A_1920 : vector<16xi32>, vector<16xi1> -> vector<16xi32>
    %reduce_sum3A_1922 = vector.extract %reduce_sum3A_1921[15] : i32 from vector<16xi32>
    %shift_right_logical3A_1923 = arith.constant 5 : i32
    %shift_right_logical3A_1924 = arith.shrui %reduce_sum3A_1922, %shift_right_logical3A_1923 : i32
    %and3A_1925 = arith.constant 31 : i32
    %and3A_1926 = arith.andi %reduce_sum3A_1922, %and3A_1925 : i32
    %mul3A_1927 = arith.constant 16 : i32
    %mul3A_1928 = arith.muli %shift_right_logical3A_1924, %mul3A_1927 : i32
    %shift_right_logical3A_1929 = arith.constant 3 : i32
    %shift_right_logical3A_1930 = arith.shrui %and3A_1926, %shift_right_logical3A_1929 : i32
    %mul3A_1931 = arith.constant 128 : i32
    %mul3A_1932 = arith.muli %shift_right_logical3A_1930, %mul3A_1931 : i32
    %dma_start3A_1933 = arith.constant 2 : i32
    %dma_start3A_1934 = arith.constant 2 : i32
    %dma_start3A_1935 = arith.constant 0 : i32
    %dma_start3A_1936 = arith.constant 0 : i32
    %dma_start3A_1937 = arith.constant 0 : i32
    %dma_start3A_1938 = tpu.memref_slice %arg8[%dma_start3A_1933, %dma_start3A_1935, %dma_start3A_1936, %dma_start3A_1937] : memref<4x3x16x128xf32, #tpu.memory_space<vmem>> -> memref<1x3x16x128xf32, #tpu.memory_space<vmem>>
    %dma_start3A_1939 = tpu.memref_squeeze %dma_start3A_1938 : memref<1x3x16x128xf32, #tpu.memory_space<vmem>> -> memref<3x16x128xf32, #tpu.memory_space<vmem>>
    %dma_start3A_1940 = arith.constant 0 : i32
    %dma_start3A_1941 = tpu.memref_slice %arg2[%add3A, %dma_start3A_1940, %mul3A_1928, %mul3A_1932] : memref<32x3x512x512xf32, #tpu.memory_space<hbm>> -> memref<1x3x16x128xf32, #tpu.memory_space<hbm>>
    %dma_start3A_1942 = tpu.memref_squeeze %dma_start3A_1941 : memref<1x3x16x128xf32, #tpu.memory_space<hbm>> -> memref<3x16x128xf32, #tpu.memory_space<hbm>>
    %dma_start3A_1943 = tpu.memref_slice %arg10[%dma_start3A_1934] : memref<4x!tpu.dma_semaphore, #tpu.memory_space<semaphore_mem>> -> memref<1x!tpu.dma_semaphore, #tpu.memory_space<semaphore_mem>>
    %dma_start3A_1944 = tpu.memref_squeeze %dma_start3A_1943 : memref<1x!tpu.dma_semaphore, #tpu.memory_space<semaphore_mem>> -> memref<!tpu.dma_semaphore, #tpu.memory_space<semaphore_mem>>
    %dma_start3A_1945 = arith.constant 0 : i32
    %dma_start3A_1946 = arith.constant 0 : i32
    %dma_start3A_1947 = arith.constant 0 : i32
    %dma_start3A_1948 = tpu.memref_slice %arg8[%dma_start3A_1933, %dma_start3A_1945, %dma_start3A_1946, %dma_start3A_1947] : memref<4x3x16x128xf32, #tpu.memory_space<vmem>> -> memref<1x3x16x128xf32, #tpu.memory_space<vmem>>
    %dma_start3A_1949 = tpu.memref_squeeze %dma_start3A_1948 : memref<1x3x16x128xf32, #tpu.memory_space<vmem>> -> memref<3x16x128xf32, #tpu.memory_space<vmem>>
    %dma_start3A_1950 = arith.constant 0 : i32
    %dma_start3A_1951 = tpu.memref_slice %arg2[%add3A, %dma_start3A_1950, %mul3A_1928, %mul3A_1932] : memref<32x3x512x512xf32, #tpu.memory_space<hbm>> -> memref<1x3x16x128xf32, #tpu.memory_space<hbm>>
    %dma_start3A_1952 = tpu.memref_squeeze %dma_start3A_1951 : memref<1x3x16x128xf32, #tpu.memory_space<hbm>> -> memref<3x16x128xf32, #tpu.memory_space<hbm>>
    tpu.enqueue_dma source(%dma_start3A_1952 : memref<3x16x128xf32, #tpu.memory_space<hbm>>) target(%dma_start3A_1949 : memref<3x16x128xf32, #tpu.memory_space<vmem>>) target_semaphore(%dma_start3A_1944 : memref<!tpu.dma_semaphore, #tpu.memory_space<semaphore_mem>>)
    %scan3A = arith.constant 0 : i32
    %scan3A_1953 = arith.constant 64 : i32
    %scan3A_1954 = arith.addi %scan3A, %scan3A_1953 : i32
    %scan3A_1955 = arith.constant 1 : i32
    %scan3A_1956:3 = scf.for %scan3A_2048 = %scan3A to %scan3A_1954 step %scan3A_1955 iter_args(%scan3A_2049 = %reduce_sum3A_1823, %scan3A_2050 = %reduce_sum3A_1872, %scan3A_2051 = %reduce_sum3A_1922) -> (i32, i32, i32)  : i32 {
      %add3A_2052 = arith.constant 3 : i32
      %add3A_2053 = arith.addi %scan3A_2048, %add3A_2052 : i32
      %shift_right_arithmetic3A_2054 = arith.constant 4 : i32
      %shift_right_arithmetic3A_2055 = arith.shrsi %add3A_2053, %shift_right_arithmetic3A_2054 : i32
      %mul3A_2056 = arith.constant 16 : i32
      %mul3A_2057 = arith.muli %shift_right_arithmetic3A_2055, %mul3A_2056 : i32
      %get3A_2058 = arith.index_cast %mul3A_2057 : i32 to index
      %get3A_2059 = tpu.vector_load %arg7[%get3A_2058] {strides = array<i32>} : memref<80xi32, #tpu.memory_space<vmem>>, vector<16xi32>,
      %iota3A_2060 = tpu.iota {dimensions = array<i32: 0>} : vector<16xi32>
      %and3A_2061 = arith.constant 15 : i32
      %and3A_2062 = arith.andi %add3A_2053, %and3A_2061 : i32
      %eq3A_2063 = vector.broadcast %and3A_2062 : i32 to vector<16xi32>
      %eq3A_2064 = arith.cmpi eq, %iota3A_2060, %eq3A_2063 : vector<16xi32>
      %jit3A_2065 = arith.constant 0 : i32
      %broadcast_in_dim3A_2066 = vector.broadcast %jit3A_2065 : i32 to vector<16xi32>
      %select_n3A_2067 = arith.select %eq3A_2064, %get3A_2059, %broadcast_in_dim3A_2066 : vector<16xi1>, vector<16xi32>
      %reduce_sum3A_2068 = arith.constant true
      %reduce_sum3A_2069 = vector.broadcast %reduce_sum3A_2068 : i1 to vector<16xi1>
      %reduce_sum3A_2070 = tpu.scan <sum>, %select_n3A_2067 masked %reduce_sum3A_2069 : vector<16xi32>, vector<16xi1> -> vector<16xi32>
      %reduce_sum3A_2071 = vector.extract %reduce_sum3A_2070[15] : i32 from vector<16xi32>
      %add3A_2072 = arith.constant 3 : i32
      %add3A_2073 = arith.addi %scan3A_2048, %add3A_2072 : i32
      %shift_right_logical3A_2074 = arith.constant 5 : i32
      %shift_right_logical3A_2075 = arith.shrui %reduce_sum3A_2071, %shift_right_logical3A_2074 : i32
      %and3A_2076 = arith.constant 31 : i32
      %and3A_2077 = arith.andi %reduce_sum3A_2071, %and3A_2076 : i32
      %jit3A_2078 = arith.constant 4 : i32
      %eq3A_2079 = arith.constant 0 : i32
      %eq3A_2080 = arith.cmpi eq, %jit3A_2078, %eq3A_2079 : i32
      %jit3A_2081 = arith.constant 1 : i32
      %select_n3A_2082 = arith.select %eq3A_2080, %jit3A_2081, %jit3A_2078 : i32
      %rem3A = arith.remsi %add3A_2073, %select_n3A_2082 : i32
      %ne3A = arith.constant 0 : i32
      %ne3A_2083 = arith.cmpi ne, %rem3A, %ne3A : i32
      %lt3A = arith.constant 0 : i32
      %lt3A_2084 = arith.cmpi slt, %rem3A, %lt3A : i32
      %lt3A_2085 = arith.constant 0 : i32
      %lt3A_2086 = arith.cmpi slt, %select_n3A_2082, %lt3A_2085 : i32
      %ne3A_2087 = arith.xori %lt3A_2084, %lt3A_2086 : i1
      %and3A_2088 = arith.andi %ne3A_2087, %ne3A_2083 : i1
      %add3A_2089 = arith.addi %rem3A, %select_n3A_2082 : i32
      %select_n3A_2090 = arith.select %and3A_2088, %add3A_2089, %rem3A : i32
      %mul3A_2091 = arith.constant 16 : i32
      %mul3A_2092 = arith.muli %shift_right_logical3A_2075, %mul3A_2091 : i32
      %shift_right_logical3A_2093 = arith.constant 3 : i32
      %shift_right_logical3A_2094 = arith.shrui %and3A_2077, %shift_right_logical3A_2093 : i32
      %mul3A_2095 = arith.constant 128 : i32
      %mul3A_2096 = arith.muli %shift_right_logical3A_2094, %mul3A_2095 : i32
      %dma_start3A_2097 = arith.constant 0 : i32
      %dma_start3A_2098 = arith.constant 0 : i32
      %dma_start3A_2099 = arith.constant 0 : i32
      %dma_start3A_2100 = tpu.memref_slice %arg8[%select_n3A_2090, %dma_start3A_2097, %dma_start3A_2098, %dma_start3A_2099] : memref<4x3x16x128xf32, #tpu.memory_space<vmem>> -> memref<1x3x16x128xf32, #tpu.memory_space<vmem>>
      %dma_start3A_2101 = tpu.memref_squeeze %dma_start3A_2100 : memref<1x3x16x128xf32, #tpu.memory_space<vmem>> -> memref<3x16x128xf32, #tpu.memory_space<vmem>>
      %dma_start3A_2102 = arith.constant 0 : i32
      %dma_start3A_2103 = tpu.memref_slice %arg2[%add3A, %dma_start3A_2102, %mul3A_2092, %mul3A_2096] : memref<32x3x512x512xf32, #tpu.memory_space<hbm>> -> memref<1x3x16x128xf32, #tpu.memory_space<hbm>>
      %dma_start3A_2104 = tpu.memref_squeeze %dma_start3A_2103 : memref<1x3x16x128xf32, #tpu.memory_space<hbm>> -> memref<3x16x128xf32, #tpu.memory_space<hbm>>
      %dma_start3A_2105 = tpu.memref_slice %arg10[%select_n3A_2090] : memref<4x!tpu.dma_semaphore, #tpu.memory_space<semaphore_mem>> -> memref<1x!tpu.dma_semaphore, #tpu.memory_space<semaphore_mem>>
      %dma_start3A_2106 = tpu.memref_squeeze %dma_start3A_2105 : memref<1x!tpu.dma_semaphore, #tpu.memory_space<semaphore_mem>> -> memref<!tpu.dma_semaphore, #tpu.memory_space<semaphore_mem>>
      %dma_start3A_2107 = arith.constant 0 : i32
      %dma_start3A_2108 = arith.constant 0 : i32
      %dma_start3A_2109 = arith.constant 0 : i32
      %dma_start3A_2110 = tpu.memref_slice %arg8[%select_n3A_2090, %dma_start3A_2107, %dma_start3A_2108, %dma_start3A_2109] : memref<4x3x16x128xf32, #tpu.memory_space<vmem>> -> memref<1x3x16x128xf32, #tpu.memory_space<vmem>>
      %dma_start3A_2111 = tpu.memref_squeeze %dma_start3A_2110 : memref<1x3x16x128xf32, #tpu.memory_space<vmem>> -> memref<3x16x128xf32, #tpu.memory_space<vmem>>
      %dma_start3A_2112 = arith.constant 0 : i32
      %dma_start3A_2113 = tpu.memref_slice %arg2[%add3A, %dma_start3A_2112, %mul3A_2092, %mul3A_2096] : memref<32x3x512x512xf32, #tpu.memory_space<hbm>> -> memref<1x3x16x128xf32, #tpu.memory_space<hbm>>
      %dma_start3A_2114 = tpu.memref_squeeze %dma_start3A_2113 : memref<1x3x16x128xf32, #tpu.memory_space<hbm>> -> memref<3x16x128xf32, #tpu.memory_space<hbm>>
      tpu.enqueue_dma source(%dma_start3A_2114 : memref<3x16x128xf32, #tpu.memory_space<hbm>>) target(%dma_start3A_2111 : memref<3x16x128xf32, #tpu.memory_space<vmem>>) target_semaphore(%dma_start3A_2106 : memref<!tpu.dma_semaphore, #tpu.memory_space<semaphore_mem>>)
      %shift_right_logical3A_2115 = arith.constant 5 : i32
      %shift_right_logical3A_2116 = arith.shrui %scan3A_2049, %shift_right_logical3A_2115 : i32
      %and3A_2117 = arith.constant 31 : i32
      %and3A_2118 = arith.andi %scan3A_2049, %and3A_2117 : i32
      %jit3A_2119 = arith.constant 4 : i32
      %eq3A_2120 = arith.constant 0 : i32
      %eq3A_2121 = arith.cmpi eq, %jit3A_2119, %eq3A_2120 : i32
      %jit3A_2122 = arith.constant 1 : i32
      %select_n3A_2123 = arith.select %eq3A_2121, %jit3A_2122, %jit3A_2119 : i32
      %rem3A_2124 = arith.remsi %scan3A_2048, %select_n3A_2123 : i32
      %ne3A_2125 = arith.constant 0 : i32
      %ne3A_2126 = arith.cmpi ne, %rem3A_2124, %ne3A_2125 : i32
      %lt3A_2127 = arith.constant 0 : i32
      %lt3A_2128 = arith.cmpi slt, %rem3A_2124, %lt3A_2127 : i32
      %lt3A_2129 = arith.constant 0 : i32
      %lt3A_2130 = arith.cmpi slt, %select_n3A_2123, %lt3A_2129 : i32
      %ne3A_2131 = arith.xori %lt3A_2128, %lt3A_2130 : i1
      %and3A_2132 = arith.andi %ne3A_2131, %ne3A_2126 : i1
      %add3A_2133 = arith.addi %rem3A_2124, %select_n3A_2123 : i32
      %select_n3A_2134 = arith.select %and3A_2132, %add3A_2133, %rem3A_2124 : i32
      %mul3A_2135 = arith.constant 16 : i32
      %mul3A_2136 = arith.muli %shift_right_logical3A_2116, %mul3A_2135 : i32
      %shift_right_logical3A_2137 = arith.constant 3 : i32
      %shift_right_logical3A_2138 = arith.shrui %and3A_2118, %shift_right_logical3A_2137 : i32
      %mul3A_2139 = arith.constant 128 : i32
      %mul3A_2140 = arith.muli %shift_right_logical3A_2138, %mul3A_2139 : i32
      %dma_wait3A_2141 = arith.constant 0 : i32
      %dma_wait3A_2142 = arith.constant 0 : i32
      %dma_wait3A_2143 = arith.constant 0 : i32
      %dma_wait3A_2144 = tpu.memref_slice %arg8[%select_n3A_2134, %dma_wait3A_2141, %dma_wait3A_2142, %dma_wait3A_2143] : memref<4x3x16x128xf32, #tpu.memory_space<vmem>> -> memref<1x3x16x128xf32, #tpu.memory_space<vmem>>
      %dma_wait3A_2145 = tpu.memref_squeeze %dma_wait3A_2144 : memref<1x3x16x128xf32, #tpu.memory_space<vmem>> -> memref<3x16x128xf32, #tpu.memory_space<vmem>>
      %dma_wait3A_2146 = arith.constant 0 : i32
      %dma_wait3A_2147 = tpu.memref_slice %arg2[%add3A, %dma_wait3A_2146, %mul3A_2136, %mul3A_2140] : memref<32x3x512x512xf32, #tpu.memory_space<hbm>> -> memref<1x3x16x128xf32, #tpu.memory_space<hbm>>
      %dma_wait3A_2148 = tpu.memref_squeeze %dma_wait3A_2147 : memref<1x3x16x128xf32, #tpu.memory_space<hbm>> -> memref<3x16x128xf32, #tpu.memory_space<hbm>>
      %dma_wait3A_2149 = tpu.memref_slice %arg10[%select_n3A_2134] : memref<4x!tpu.dma_semaphore, #tpu.memory_space<semaphore_mem>> -> memref<1x!tpu.dma_semaphore, #tpu.memory_space<semaphore_mem>>
      %dma_wait3A_2150 = tpu.memref_squeeze %dma_wait3A_2149 : memref<1x!tpu.dma_semaphore, #tpu.memory_space<semaphore_mem>> -> memref<!tpu.dma_semaphore, #tpu.memory_space<semaphore_mem>>
      %dma_wait3A_2151 = arith.constant 0 : i32
      %dma_wait3A_2152 = arith.constant 0 : i32
      %dma_wait3A_2153 = arith.constant 0 : i32
      %dma_wait3A_2154 = tpu.memref_slice %arg8[%select_n3A_2134, %dma_wait3A_2151, %dma_wait3A_2152, %dma_wait3A_2153] : memref<4x3x16x128xf32, #tpu.memory_space<vmem>> -> memref<1x3x16x128xf32, #tpu.memory_space<vmem>>
      %dma_wait3A_2155 = tpu.memref_squeeze %dma_wait3A_2154 : memref<1x3x16x128xf32, #tpu.memory_space<vmem>> -> memref<3x16x128xf32, #tpu.memory_space<vmem>>
      %dma_wait3A_2156 = arith.constant 0 : i32
      %dma_wait3A_2157 = tpu.memref_slice %arg2[%add3A, %dma_wait3A_2156, %mul3A_2136, %mul3A_2140] : memref<32x3x512x512xf32, #tpu.memory_space<hbm>> -> memref<1x3x16x128xf32, #tpu.memory_space<hbm>>
      %dma_wait3A_2158 = tpu.memref_squeeze %dma_wait3A_2157 : memref<1x3x16x128xf32, #tpu.memory_space<hbm>> -> memref<3x16x128xf32, #tpu.memory_space<hbm>>
      tpu.wait_dma2 semaphore(%dma_wait3A_2150 : memref<!tpu.dma_semaphore, #tpu.memory_space<semaphore_mem>>) src(%dma_wait3A_2158 : memref<3x16x128xf32, #tpu.memory_space<hbm>>) dst(%dma_wait3A_2155 : memref<3x16x128xf32, #tpu.memory_space<vmem>>)
      %and3A_2159 = arith.constant 7 : i32
      %and3A_2160 = arith.andi %scan3A_2049, %and3A_2159 : i32
      %mul3A_2161 = arith.constant 16 : i32
      %mul3A_2162 = arith.muli %and3A_2160, %mul3A_2161 : i32
      %jit3A_2163 = arith.constant 4 : i32
      %eq3A_2164 = arith.constant 0 : i32
      %eq3A_2165 = arith.cmpi eq, %jit3A_2163, %eq3A_2164 : i32
      %jit3A_2166 = arith.constant 1 : i32
      %select_n3A_2167 = arith.select %eq3A_2165, %jit3A_2166, %jit3A_2163 : i32
      %rem3A_2168 = arith.remsi %scan3A_2048, %select_n3A_2167 : i32
      %ne3A_2169 = arith.constant 0 : i32
      %ne3A_2170 = arith.cmpi ne, %rem3A_2168, %ne3A_2169 : i32
      %lt3A_2171 = arith.constant 0 : i32
      %lt3A_2172 = arith.cmpi slt, %rem3A_2168, %lt3A_2171 : i32
      %lt3A_2173 = arith.constant 0 : i32
      %lt3A_2174 = arith.cmpi slt, %select_n3A_2167, %lt3A_2173 : i32
      %ne3A_2175 = arith.xori %lt3A_2172, %lt3A_2174 : i1
      %and3A_2176 = arith.andi %ne3A_2175, %ne3A_2170 : i1
      %add3A_2177 = arith.addi %rem3A_2168, %select_n3A_2167 : i32
      %select_n3A_2178 = arith.select %and3A_2176, %add3A_2177, %rem3A_2168 : i32
      %get3A_2179 = arith.constant 0 : i32
      %get3A_2180 = arith.constant 0 : i32
      %get3A_2181 = arith.index_cast %select_n3A_2178 : i32 to index
      %get3A_2182 = arith.index_cast %get3A_2179 : i32 to index
      %get3A_2183 = arith.index_cast %get3A_2180 : i32 to index
      %get3A_2184 = arith.index_cast %mul3A_2162 : i32 to index
      %get3A_2185 = tpu.vector_load %arg8[%get3A_2181, %get3A_2182, %get3A_2183, %get3A_2184] {strides = array<i32>} : memref<4x3x16x128xf32, #tpu.memory_space<vmem>>, vector<16xf32>,
      %swap3A_2186 = arith.index_cast %scan3A_2048 : i32 to index
      %swap3A_2187 = arith.constant 0 : index
      %swap3A_2188 = tpu.vector_load %arg9[%swap3A_2186, %swap3A_2187] {strides = array<i32>} : memref<64x768xf32, #tpu.memory_space<vmem>>, vector<16xf32>,
      tpu.vector_store %arg9[%swap3A_2186, %swap3A_2187], %get3A_2185 {strides = array<i32>} : memref<64x768xf32, #tpu.memory_space<vmem>>, vector<16xf32>,
      %jit3A_2189 = arith.constant 4 : i32
      %eq3A_2190 = arith.constant 0 : i32
      %eq3A_2191 = arith.cmpi eq, %jit3A_2189, %eq3A_2190 : i32
      %jit3A_2192 = arith.constant 1 : i32
      %select_n3A_2193 = arith.select %eq3A_2191, %jit3A_2192, %jit3A_2189 : i32
      %rem3A_2194 = arith.remsi %scan3A_2048, %select_n3A_2193 : i32
      %ne3A_2195 = arith.constant 0 : i32
      %ne3A_2196 = arith.cmpi ne, %rem3A_2194, %ne3A_2195 : i32
      %lt3A_2197 = arith.constant 0 : i32
      %lt3A_2198 = arith.cmpi slt, %rem3A_2194, %lt3A_2197 : i32
      %lt3A_2199 = arith.constant 0 : i32
      %lt3A_2200 = arith.cmpi slt, %select_n3A_2193, %lt3A_2199 : i32
      %ne3A_2201 = arith.xori %lt3A_2198, %lt3A_2200 : i1
      %and3A_2202 = arith.andi %ne3A_2201, %ne3A_2196 : i1
      %add3A_2203 = arith.addi %rem3A_2194, %select_n3A_2193 : i32
      %select_n3A_2204 = arith.select %and3A_2202, %add3A_2203, %rem3A_2194 : i32
      %get3A_2205 = arith.constant 0 : i32
      %get3A_2206 = arith.constant 1 : i32
      %get3A_2207 = arith.index_cast %select_n3A_2204 : i32 to index
      %get3A_2208 = arith.index_cast %get3A_2205 : i32 to index
      %get3A_2209 = arith.index_cast %get3A_2206 : i32 to index
      %get3A_2210 = arith.index_cast %mul3A_2162 : i32 to index
      %get3A_2211 = tpu.vector_load %arg8[%get3A_2207, %get3A_2208, %get3A_2209, %get3A_2210] {strides = array<i32>} : memref<4x3x16x128xf32, #tpu.memory_space<vmem>>, vector<16xf32>,
      %swap3A_2212 = arith.index_cast %scan3A_2048 : i32 to index
      %swap3A_2213 = arith.constant 16 : index
      %swap3A_2214 = tpu.vector_load %arg9[%swap3A_2212, %swap3A_2213] {strides = array<i32>} : memref<64x768xf32, #tpu.memory_space<vmem>>, vector<16xf32>,
      tpu.vector_store %arg9[%swap3A_2212, %swap3A_2213], %get3A_2211 {strides = array<i32>} : memref<64x768xf32, #tpu.memory_space<vmem>>, vector<16xf32>,
      %jit3A_2215 = arith.constant 4 : i32
      %eq3A_2216 = arith.constant 0 : i32
      %eq3A_2217 = arith.cmpi eq, %jit3A_2215, %eq3A_2216 : i32
      %jit3A_2218 = arith.constant 1 : i32
      %select_n3A_2219 = arith.select %eq3A_2217, %jit3A_2218, %jit3A_2215 : i32
      %rem3A_2220 = arith.remsi %scan3A_2048, %select_n3A_2219 : i32
      %ne3A_2221 = arith.constant 0 : i32
      %ne3A_2222 = arith.cmpi ne, %rem3A_2220, %ne3A_2221 : i32
      %lt3A_2223 = arith.constant 0 : i32
      %lt3A_2224 = arith.cmpi slt, %rem3A_2220, %lt3A_2223 : i32
      %lt3A_2225 = arith.constant 0 : i32
      %lt3A_2226 = arith.cmpi slt, %select_n3A_2219, %lt3A_2225 : i32
      %ne3A_2227 = arith.xori %lt3A_2224, %lt3A_2226 : i1
      %and3A_2228 = arith.andi %ne3A_2227, %ne3A_2222 : i1
      %add3A_2229 = arith.addi %rem3A_2220, %select_n3A_2219 : i32
      %select_n3A_2230 = arith.select %and3A_2228, %add3A_2229, %rem3A_2220 : i32
      %get3A_2231 = arith.constant 0 : i32
      %get3A_2232 = arith.constant 2 : i32
      %get3A_2233 = arith.index_cast %select_n3A_2230 : i32 to index
      %get3A_2234 = arith.index_cast %get3A_2231 : i32 to index
      %get3A_2235 = arith.index_cast %get3A_2232 : i32 to index
      %get3A_2236 = arith.index_cast %mul3A_2162 : i32 to index
      %get3A_2237 = tpu.vector_load %arg8[%get3A_2233, %get3A_2234, %get3A_2235, %get3A_2236] {strides = array<i32>} : memref<4x3x16x128xf32, #tpu.memory_space<vmem>>, vector<16xf32>,
      %swap3A_2238 = arith.index_cast %scan3A_2048 : i32 to index
      %swap3A_2239 = arith.constant 32 : index
      %swap3A_2240 = tpu.vector_load %arg9[%swap3A_2238, %swap3A_2239] {strides = array<i32>} : memref<64x768xf32, #tpu.memory_space<vmem>>, vector<16xf32>,
      tpu.vector_store %arg9[%swap3A_2238, %swap3A_2239], %get3A_2237 {strides = array<i32>} : memref<64x768xf32, #tpu.memory_space<vmem>>, vector<16xf32>,
      %jit3A_2241 = arith.constant 4 : i32
      %eq3A_2242 = arith.constant 0 : i32
      %eq3A_2243 = arith.cmpi eq, %jit3A_2241, %eq3A_2242 : i32
      %jit3A_2244 = arith.constant 1 : i32
      %select_n3A_2245 = arith.select %eq3A_2243, %jit3A_2244, %jit3A_2241 : i32
      %rem3A_2246 = arith.remsi %scan3A_2048, %select_n3A_2245 : i32
      %ne3A_2247 = arith.constant 0 : i32
      %ne3A_2248 = arith.cmpi ne, %rem3A_2246, %ne3A_2247 : i32
      %lt3A_2249 = arith.constant 0 : i32
      %lt3A_2250 = arith.cmpi slt, %rem3A_2246, %lt3A_2249 : i32
      %lt3A_2251 = arith.constant 0 : i32
      %lt3A_2252 = arith.cmpi slt, %select_n3A_2245, %lt3A_2251 : i32
      %ne3A_2253 = arith.xori %lt3A_2250, %lt3A_2252 : i1
      %and3A_2254 = arith.andi %ne3A_2253, %ne3A_2248 : i1
      %add3A_2255 = arith.addi %rem3A_2246, %select_n3A_2245 : i32
      %select_n3A_2256 = arith.select %and3A_2254, %add3A_2255, %rem3A_2246 : i32
      %get3A_2257 = arith.constant 0 : i32
      %get3A_2258 = arith.constant 3 : i32
      %get3A_2259 = arith.index_cast %select_n3A_2256 : i32 to index
      %get3A_2260 = arith.index_cast %get3A_2257 : i32 to index
      %get3A_2261 = arith.index_cast %get3A_2258 : i32 to index
      %get3A_2262 = arith.index_cast %mul3A_2162 : i32 to index
      %get3A_2263 = tpu.vector_load %arg8[%get3A_2259, %get3A_2260, %get3A_2261, %get3A_2262] {strides = array<i32>} : memref<4x3x16x128xf32, #tpu.memory_space<vmem>>, vector<16xf32>,
      %swap3A_2264 = arith.index_cast %scan3A_2048 : i32 to index
      %swap3A_2265 = arith.constant 48 : index
      %swap3A_2266 = tpu.vector_load %arg9[%swap3A_2264, %swap3A_2265] {strides = array<i32>} : memref<64x768xf32, #tpu.memory_space<vmem>>, vector<16xf32>,
      tpu.vector_store %arg9[%swap3A_2264, %swap3A_2265], %get3A_2263 {strides = array<i32>} : memref<64x768xf32, #tpu.memory_space<vmem>>, vector<16xf32>,
      %jit3A_2267 = arith.constant 4 : i32
      %eq3A_2268 = arith.constant 0 : i32
      %eq3A_2269 = arith.cmpi eq, %jit3A_2267, %eq3A_2268 : i32
      %jit3A_2270 = arith.constant 1 : i32
      %select_n3A_2271 = arith.select %eq3A_2269, %jit3A_2270, %jit3A_2267 : i32
      %rem3A_2272 = arith.remsi %scan3A_2048, %select_n3A_2271 : i32
      %ne3A_2273 = arith.constant 0 : i32
      %ne3A_2274 = arith.cmpi ne, %rem3A_2272, %ne3A_2273 : i32
      %lt3A_2275 = arith.constant 0 : i32
      %lt3A_2276 = arith.cmpi slt, %rem3A_2272, %lt3A_2275 : i32
      %lt3A_2277 = arith.constant 0 : i32
      %lt3A_2278 = arith.cmpi slt, %select_n3A_2271, %lt3A_2277 : i32
      %ne3A_2279 = arith.xori %lt3A_2276, %lt3A_2278 : i1
      %and3A_2280 = arith.andi %ne3A_2279, %ne3A_2274 : i1
      %add3A_2281 = arith.addi %rem3A_2272, %select_n3A_2271 : i32
      %select_n3A_2282 = arith.select %and3A_2280, %add3A_2281, %rem3A_2272 : i32
      %get3A_2283 = arith.constant 0 : i32
      %get3A_2284 = arith.constant 4 : i32
      %get3A_2285 = arith.index_cast %select_n3A_2282 : i32 to index
      %get3A_2286 = arith.index_cast %get3A_2283 : i32 to index
      %get3A_2287 = arith.index_cast %get3A_2284 : i32 to index
      %get3A_2288 = arith.index_cast %mul3A_2162 : i32 to index
      %get3A_2289 = tpu.vector_load %arg8[%get3A_2285, %get3A_2286, %get3A_2287, %get3A_2288] {strides = array<i32>} : memref<4x3x16x128xf32, #tpu.memory_space<vmem>>, vector<16xf32>,
      %swap3A_2290 = arith.index_cast %scan3A_2048 : i32 to index
      %swap3A_2291 = arith.constant 64 : index
      %swap3A_2292 = tpu.vector_load %arg9[%swap3A_2290, %swap3A_2291] {strides = array<i32>} : memref<64x768xf32, #tpu.memory_space<vmem>>, vector<16xf32>,
      tpu.vector_store %arg9[%swap3A_2290, %swap3A_2291], %get3A_2289 {strides = array<i32>} : memref<64x768xf32, #tpu.memory_space<vmem>>, vector<16xf32>,
      %jit3A_2293 = arith.constant 4 : i32
      %eq3A_2294 = arith.constant 0 : i32
      %eq3A_2295 = arith.cmpi eq, %jit3A_2293, %eq3A_2294 : i32
      %jit3A_2296 = arith.constant 1 : i32
      %select_n3A_2297 = arith.select %eq3A_2295, %jit3A_2296, %jit3A_2293 : i32
      %rem3A_2298 = arith.remsi %scan3A_2048, %select_n3A_2297 : i32
      %ne3A_2299 = arith.constant 0 : i32
      %ne3A_2300 = arith.cmpi ne, %rem3A_2298, %ne3A_2299 : i32
      %lt3A_2301 = arith.constant 0 : i32
      %lt3A_2302 = arith.cmpi slt, %rem3A_2298, %lt3A_2301 : i32
      %lt3A_2303 = arith.constant 0 : i32
      %lt3A_2304 = arith.cmpi slt, %select_n3A_2297, %lt3A_2303 : i32
      %ne3A_2305 = arith.xori %lt3A_2302, %lt3A_2304 : i1
      %and3A_2306 = arith.andi %ne3A_2305, %ne3A_2300 : i1
      %add3A_2307 = arith.addi %rem3A_2298, %select_n3A_2297 : i32
      %select_n3A_2308 = arith.select %and3A_2306, %add3A_2307, %rem3A_2298 : i32
      %get3A_2309 = arith.constant 0 : i32
      %get3A_2310 = arith.constant 5 : i32
      %get3A_2311 = arith.index_cast %select_n3A_2308 : i32 to index
      %get3A_2312 = arith.index_cast %get3A_2309 : i32 to index
      %get3A_2313 = arith.index_cast %get3A_2310 : i32 to index
      %get3A_2314 = arith.index_cast %mul3A_2162 : i32 to index
      %get3A_2315 = tpu.vector_load %arg8[%get3A_2311, %get3A_2312, %get3A_2313, %get3A_2314] {strides = array<i32>} : memref<4x3x16x128xf32, #tpu.memory_space<vmem>>, vector<16xf32>,
      %swap3A_2316 = arith.index_cast %scan3A_2048 : i32 to index
      %swap3A_2317 = arith.constant 80 : index
      %swap3A_2318 = tpu.vector_load %arg9[%swap3A_2316, %swap3A_2317] {strides = array<i32>} : memref<64x768xf32, #tpu.memory_space<vmem>>, vector<16xf32>,
      tpu.vector_store %arg9[%swap3A_2316, %swap3A_2317], %get3A_2315 {strides = array<i32>} : memref<64x768xf32, #tpu.memory_space<vmem>>, vector<16xf32>,
      %jit3A_2319 = arith.constant 4 : i32
      %eq3A_2320 = arith.constant 0 : i32
      %eq3A_2321 = arith.cmpi eq, %jit3A_2319, %eq3A_2320 : i32
      %jit3A_2322 = arith.constant 1 : i32
      %select_n3A_2323 = arith.select %eq3A_2321, %jit3A_2322, %jit3A_2319 : i32
      %rem3A_2324 = arith.remsi %scan3A_2048, %select_n3A_2323 : i32
      %ne3A_2325 = arith.constant 0 : i32
      %ne3A_2326 = arith.cmpi ne, %rem3A_2324, %ne3A_2325 : i32
      %lt3A_2327 = arith.constant 0 : i32
      %lt3A_2328 = arith.cmpi slt, %rem3A_2324, %lt3A_2327 : i32
      %lt3A_2329 = arith.constant 0 : i32
      %lt3A_2330 = arith.cmpi slt, %select_n3A_2323, %lt3A_2329 : i32
      %ne3A_2331 = arith.xori %lt3A_2328, %lt3A_2330 : i1
      %and3A_2332 = arith.andi %ne3A_2331, %ne3A_2326 : i1
      %add3A_2333 = arith.addi %rem3A_2324, %select_n3A_2323 : i32
      %select_n3A_2334 = arith.select %and3A_2332, %add3A_2333, %rem3A_2324 : i32
      %get3A_2335 = arith.constant 0 : i32
      %get3A_2336 = arith.constant 6 : i32
      %get3A_2337 = arith.index_cast %select_n3A_2334 : i32 to index
      %get3A_2338 = arith.index_cast %get3A_2335 : i32 to index
      %get3A_2339 = arith.index_cast %get3A_2336 : i32 to index
      %get3A_2340 = arith.index_cast %mul3A_2162 : i32 to index
      %get3A_2341 = tpu.vector_load %arg8[%get3A_2337, %get3A_2338, %get3A_2339, %get3A_2340] {strides = array<i32>} : memref<4x3x16x128xf32, #tpu.memory_space<vmem>>, vector<16xf32>,
      %swap3A_2342 = arith.index_cast %scan3A_2048 : i32 to index
      %swap3A_2343 = arith.constant 96 : index
      %swap3A_2344 = tpu.vector_load %arg9[%swap3A_2342, %swap3A_2343] {strides = array<i32>} : memref<64x768xf32, #tpu.memory_space<vmem>>, vector<16xf32>,
      tpu.vector_store %arg9[%swap3A_2342, %swap3A_2343], %get3A_2341 {strides = array<i32>} : memref<64x768xf32, #tpu.memory_space<vmem>>, vector<16xf32>,
      %jit3A_2345 = arith.constant 4 : i32
      %eq3A_2346 = arith.constant 0 : i32
      %eq3A_2347 = arith.cmpi eq, %jit3A_2345, %eq3A_2346 : i32
      %jit3A_2348 = arith.constant 1 : i32
      %select_n3A_2349 = arith.select %eq3A_2347, %jit3A_2348, %jit3A_2345 : i32
      %rem3A_2350 = arith.remsi %scan3A_2048, %select_n3A_2349 : i32
      %ne3A_2351 = arith.constant 0 : i32
      %ne3A_2352 = arith.cmpi ne, %rem3A_2350, %ne3A_2351 : i32
      %lt3A_2353 = arith.constant 0 : i32
      %lt3A_2354 = arith.cmpi slt, %rem3A_2350, %lt3A_2353 : i32
      %lt3A_2355 = arith.constant 0 : i32
      %lt3A_2356 = arith.cmpi slt, %select_n3A_2349, %lt3A_2355 : i32
      %ne3A_2357 = arith.xori %lt3A_2354, %lt3A_2356 : i1
      %and3A_2358 = arith.andi %ne3A_2357, %ne3A_2352 : i1
      %add3A_2359 = arith.addi %rem3A_2350, %select_n3A_2349 : i32
      %select_n3A_2360 = arith.select %and3A_2358, %add3A_2359, %rem3A_2350 : i32
      %get3A_2361 = arith.constant 0 : i32
      %get3A_2362 = arith.constant 7 : i32
      %get3A_2363 = arith.index_cast %select_n3A_2360 : i32 to index
      %get3A_2364 = arith.index_cast %get3A_2361 : i32 to index
      %get3A_2365 = arith.index_cast %get3A_2362 : i32 to index
      %get3A_2366 = arith.index_cast %mul3A_2162 : i32 to index
      %get3A_2367 = tpu.vector_load %arg8[%get3A_2363, %get3A_2364, %get3A_2365, %get3A_2366] {strides = array<i32>} : memref<4x3x16x128xf32, #tpu.memory_space<vmem>>, vector<16xf32>,
      %swap3A_2368 = arith.index_cast %scan3A_2048 : i32 to index
      %swap3A_2369 = arith.constant 112 : index
      %swap3A_2370 = tpu.vector_load %arg9[%swap3A_2368, %swap3A_2369] {strides = array<i32>} : memref<64x768xf32, #tpu.memory_space<vmem>>, vector<16xf32>,
      tpu.vector_store %arg9[%swap3A_2368, %swap3A_2369], %get3A_2367 {strides = array<i32>} : memref<64x768xf32, #tpu.memory_space<vmem>>, vector<16xf32>,
      %jit3A_2371 = arith.constant 4 : i32
      %eq3A_2372 = arith.constant 0 : i32
      %eq3A_2373 = arith.cmpi eq, %jit3A_2371, %eq3A_2372 : i32
      %jit3A_2374 = arith.constant 1 : i32
      %select_n3A_2375 = arith.select %eq3A_2373, %jit3A_2374, %jit3A_2371 : i32
      %rem3A_2376 = arith.remsi %scan3A_2048, %select_n3A_2375 : i32
      %ne3A_2377 = arith.constant 0 : i32
      %ne3A_2378 = arith.cmpi ne, %rem3A_2376, %ne3A_2377 : i32
      %lt3A_2379 = arith.constant 0 : i32
      %lt3A_2380 = arith.cmpi slt, %rem3A_2376, %lt3A_2379 : i32
      %lt3A_2381 = arith.constant 0 : i32
      %lt3A_2382 = arith.cmpi slt, %select_n3A_2375, %lt3A_2381 : i32
      %ne3A_2383 = arith.xori %lt3A_2380, %lt3A_2382 : i1
      %and3A_2384 = arith.andi %ne3A_2383, %ne3A_2378 : i1
      %add3A_2385 = arith.addi %rem3A_2376, %select_n3A_2375 : i32
      %select_n3A_2386 = arith.select %and3A_2384, %add3A_2385, %rem3A_2376 : i32
      %get3A_2387 = arith.constant 0 : i32
      %get3A_2388 = arith.constant 8 : i32
      %get3A_2389 = arith.index_cast %select_n3A_2386 : i32 to index
      %get3A_2390 = arith.index_cast %get3A_2387 : i32 to index
      %get3A_2391 = arith.index_cast %get3A_2388 : i32 to index
      %get3A_2392 = arith.index_cast %mul3A_2162 : i32 to index
      %get3A_2393 = tpu.vector_load %arg8[%get3A_2389, %get3A_2390, %get3A_2391, %get3A_2392] {strides = array<i32>} : memref<4x3x16x128xf32, #tpu.memory_space<vmem>>, vector<16xf32>,
      %swap3A_2394 = arith.index_cast %scan3A_2048 : i32 to index
      %swap3A_2395 = arith.constant 128 : index
      %swap3A_2396 = tpu.vector_load %arg9[%swap3A_2394, %swap3A_2395] {strides = array<i32>} : memref<64x768xf32, #tpu.memory_space<vmem>>, vector<16xf32>,
      tpu.vector_store %arg9[%swap3A_2394, %swap3A_2395], %get3A_2393 {strides = array<i32>} : memref<64x768xf32, #tpu.memory_space<vmem>>, vector<16xf32>,
      %jit3A_2397 = arith.constant 4 : i32
      %eq3A_2398 = arith.constant 0 : i32
      %eq3A_2399 = arith.cmpi eq, %jit3A_2397, %eq3A_2398 : i32
      %jit3A_2400 = arith.constant 1 : i32
      %select_n3A_2401 = arith.select %eq3A_2399, %jit3A_2400, %jit3A_2397 : i32
      %rem3A_2402 = arith.remsi %scan3A_2048, %select_n3A_2401 : i32
      %ne3A_2403 = arith.constant 0 : i32
      %ne3A_2404 = arith.cmpi ne, %rem3A_2402, %ne3A_2403 : i32
      %lt3A_2405 = arith.constant 0 : i32
      %lt3A_2406 = arith.cmpi slt, %rem3A_2402, %lt3A_2405 : i32
      %lt3A_2407 = arith.constant 0 : i32
      %lt3A_2408 = arith.cmpi slt, %select_n3A_2401, %lt3A_2407 : i32
      %ne3A_2409 = arith.xori %lt3A_2406, %lt3A_2408 : i1
      %and3A_2410 = arith.andi %ne3A_2409, %ne3A_2404 : i1
      %add3A_2411 = arith.addi %rem3A_2402, %select_n3A_2401 : i32
      %select_n3A_2412 = arith.select %and3A_2410, %add3A_2411, %rem3A_2402 : i32
      %get3A_2413 = arith.constant 0 : i32
      %get3A_2414 = arith.constant 9 : i32
      %get3A_2415 = arith.index_cast %select_n3A_2412 : i32 to index
      %get3A_2416 = arith.index_cast %get3A_2413 : i32 to index
      %get3A_2417 = arith.index_cast %get3A_2414 : i32 to index
      %get3A_2418 = arith.index_cast %mul3A_2162 : i32 to index
      %get3A_2419 = tpu.vector_load %arg8[%get3A_2415, %get3A_2416, %get3A_2417, %get3A_2418] {strides = array<i32>} : memref<4x3x16x128xf32, #tpu.memory_space<vmem>>, vector<16xf32>,
      %swap3A_2420 = arith.index_cast %scan3A_2048 : i32 to index
      %swap3A_2421 = arith.constant 144 : index
      %swap3A_2422 = tpu.vector_load %arg9[%swap3A_2420, %swap3A_2421] {strides = array<i32>} : memref<64x768xf32, #tpu.memory_space<vmem>>, vector<16xf32>,
      tpu.vector_store %arg9[%swap3A_2420, %swap3A_2421], %get3A_2419 {strides = array<i32>} : memref<64x768xf32, #tpu.memory_space<vmem>>, vector<16xf32>,
      %jit3A_2423 = arith.constant 4 : i32
      %eq3A_2424 = arith.constant 0 : i32
      %eq3A_2425 = arith.cmpi eq, %jit3A_2423, %eq3A_2424 : i32
      %jit3A_2426 = arith.constant 1 : i32
      %select_n3A_2427 = arith.select %eq3A_2425, %jit3A_2426, %jit3A_2423 : i32
      %rem3A_2428 = arith.remsi %scan3A_2048, %select_n3A_2427 : i32
      %ne3A_2429 = arith.constant 0 : i32
      %ne3A_2430 = arith.cmpi ne, %rem3A_2428, %ne3A_2429 : i32
      %lt3A_2431 = arith.constant 0 : i32
      %lt3A_2432 = arith.cmpi slt, %rem3A_2428, %lt3A_2431 : i32
      %lt3A_2433 = arith.constant 0 : i32
      %lt3A_2434 = arith.cmpi slt, %select_n3A_2427, %lt3A_2433 : i32
      %ne3A_2435 = arith.xori %lt3A_2432, %lt3A_2434 : i1
      %and3A_2436 = arith.andi %ne3A_2435, %ne3A_2430 : i1
      %add3A_2437 = arith.addi %rem3A_2428, %select_n3A_2427 : i32
      %select_n3A_2438 = arith.select %and3A_2436, %add3A_2437, %rem3A_2428 : i32
      %get3A_2439 = arith.constant 0 : i32
      %get3A_2440 = arith.constant 10 : i32
      %get3A_2441 = arith.index_cast %select_n3A_2438 : i32 to index
      %get3A_2442 = arith.index_cast %get3A_2439 : i32 to index
      %get3A_2443 = arith.index_cast %get3A_2440 : i32 to index
      %get3A_2444 = arith.index_cast %mul3A_2162 : i32 to index
      %get3A_2445 = tpu.vector_load %arg8[%get3A_2441, %get3A_2442, %get3A_2443, %get3A_2444] {strides = array<i32>} : memref<4x3x16x128xf32, #tpu.memory_space<vmem>>, vector<16xf32>,
      %swap3A_2446 = arith.index_cast %scan3A_2048 : i32 to index
      %swap3A_2447 = arith.constant 160 : index
      %swap3A_2448 = tpu.vector_load %arg9[%swap3A_2446, %swap3A_2447] {strides = array<i32>} : memref<64x768xf32, #tpu.memory_space<vmem>>, vector<16xf32>,
      tpu.vector_store %arg9[%swap3A_2446, %swap3A_2447], %get3A_2445 {strides = array<i32>} : memref<64x768xf32, #tpu.memory_space<vmem>>, vector<16xf32>,
      %jit3A_2449 = arith.constant 4 : i32
      %eq3A_2450 = arith.constant 0 : i32
      %eq3A_2451 = arith.cmpi eq, %jit3A_2449, %eq3A_2450 : i32
      %jit3A_2452 = arith.constant 1 : i32
      %select_n3A_2453 = arith.select %eq3A_2451, %jit3A_2452, %jit3A_2449 : i32
      %rem3A_2454 = arith.remsi %scan3A_2048, %select_n3A_2453 : i32
      %ne3A_2455 = arith.constant 0 : i32
      %ne3A_2456 = arith.cmpi ne, %rem3A_2454, %ne3A_2455 : i32
      %lt3A_2457 = arith.constant 0 : i32
      %lt3A_2458 = arith.cmpi slt, %rem3A_2454, %lt3A_2457 : i32
      %lt3A_2459 = arith.constant 0 : i32
      %lt3A_2460 = arith.cmpi slt, %select_n3A_2453, %lt3A_2459 : i32
      %ne3A_2461 = arith.xori %lt3A_2458, %lt3A_2460 : i1
      %and3A_2462 = arith.andi %ne3A_2461, %ne3A_2456 : i1
      %add3A_2463 = arith.addi %rem3A_2454, %select_n3A_2453 : i32
      %select_n3A_2464 = arith.select %and3A_2462, %add3A_2463, %rem3A_2454 : i32
      %get3A_2465 = arith.constant 0 : i32
      %get3A_2466 = arith.constant 11 : i32
      %get3A_2467 = arith.index_cast %select_n3A_2464 : i32 to index
      %get3A_2468 = arith.index_cast %get3A_2465 : i32 to index
      %get3A_2469 = arith.index_cast %get3A_2466 : i32 to index
      %get3A_2470 = arith.index_cast %mul3A_2162 : i32 to index
      %get3A_2471 = tpu.vector_load %arg8[%get3A_2467, %get3A_2468, %get3A_2469, %get3A_2470] {strides = array<i32>} : memref<4x3x16x128xf32, #tpu.memory_space<vmem>>, vector<16xf32>,
      %swap3A_2472 = arith.index_cast %scan3A_2048 : i32 to index
      %swap3A_2473 = arith.constant 176 : index
      %swap3A_2474 = tpu.vector_load %arg9[%swap3A_2472, %swap3A_2473] {strides = array<i32>} : memref<64x768xf32, #tpu.memory_space<vmem>>, vector<16xf32>,
      tpu.vector_store %arg9[%swap3A_2472, %swap3A_2473], %get3A_2471 {strides = array<i32>} : memref<64x768xf32, #tpu.memory_space<vmem>>, vector<16xf32>,
      %jit3A_2475 = arith.constant 4 : i32
      %eq3A_2476 = arith.constant 0 : i32
      %eq3A_2477 = arith.cmpi eq, %jit3A_2475, %eq3A_2476 : i32
      %jit3A_2478 = arith.constant 1 : i32
      %select_n3A_2479 = arith.select %eq3A_2477, %jit3A_2478, %jit3A_2475 : i32
      %rem3A_2480 = arith.remsi %scan3A_2048, %select_n3A_2479 : i32
      %ne3A_2481 = arith.constant 0 : i32
      %ne3A_2482 = arith.cmpi ne, %rem3A_2480, %ne3A_2481 : i32
      %lt3A_2483 = arith.constant 0 : i32
      %lt3A_2484 = arith.cmpi slt, %rem3A_2480, %lt3A_2483 : i32
      %lt3A_2485 = arith.constant 0 : i32
      %lt3A_2486 = arith.cmpi slt, %select_n3A_2479, %lt3A_2485 : i32
      %ne3A_2487 = arith.xori %lt3A_2484, %lt3A_2486 : i1
      %and3A_2488 = arith.andi %ne3A_2487, %ne3A_2482 : i1
      %add3A_2489 = arith.addi %rem3A_2480, %select_n3A_2479 : i32
      %select_n3A_2490 = arith.select %and3A_2488, %add3A_2489, %rem3A_2480 : i32
      %get3A_2491 = arith.constant 0 : i32
      %get3A_2492 = arith.constant 12 : i32
      %get3A_2493 = arith.index_cast %select_n3A_2490 : i32 to index
      %get3A_2494 = arith.index_cast %get3A_2491 : i32 to index
      %get3A_2495 = arith.index_cast %get3A_2492 : i32 to index
      %get3A_2496 = arith.index_cast %mul3A_2162 : i32 to index
      %get3A_2497 = tpu.vector_load %arg8[%get3A_2493, %get3A_2494, %get3A_2495, %get3A_2496] {strides = array<i32>} : memref<4x3x16x128xf32, #tpu.memory_space<vmem>>, vector<16xf32>,
      %swap3A_2498 = arith.index_cast %scan3A_2048 : i32 to index
      %swap3A_2499 = arith.constant 192 : index
      %swap3A_2500 = tpu.vector_load %arg9[%swap3A_2498, %swap3A_2499] {strides = array<i32>} : memref<64x768xf32, #tpu.memory_space<vmem>>, vector<16xf32>,
      tpu.vector_store %arg9[%swap3A_2498, %swap3A_2499], %get3A_2497 {strides = array<i32>} : memref<64x768xf32, #tpu.memory_space<vmem>>, vector<16xf32>,
      %jit3A_2501 = arith.constant 4 : i32
      %eq3A_2502 = arith.constant 0 : i32
      %eq3A_2503 = arith.cmpi eq, %jit3A_2501, %eq3A_2502 : i32
      %jit3A_2504 = arith.constant 1 : i32
      %select_n3A_2505 = arith.select %eq3A_2503, %jit3A_2504, %jit3A_2501 : i32
      %rem3A_2506 = arith.remsi %scan3A_2048, %select_n3A_2505 : i32
      %ne3A_2507 = arith.constant 0 : i32
      %ne3A_2508 = arith.cmpi ne, %rem3A_2506, %ne3A_2507 : i32
      %lt3A_2509 = arith.constant 0 : i32
      %lt3A_2510 = arith.cmpi slt, %rem3A_2506, %lt3A_2509 : i32
      %lt3A_2511 = arith.constant 0 : i32
      %lt3A_2512 = arith.cmpi slt, %select_n3A_2505, %lt3A_2511 : i32
      %ne3A_2513 = arith.xori %lt3A_2510, %lt3A_2512 : i1
      %and3A_2514 = arith.andi %ne3A_2513, %ne3A_2508 : i1
      %add3A_2515 = arith.addi %rem3A_2506, %select_n3A_2505 : i32
      %select_n3A_2516 = arith.select %and3A_2514, %add3A_2515, %rem3A_2506 : i32
      %get3A_2517 = arith.constant 0 : i32
      %get3A_2518 = arith.constant 13 : i32
      %get3A_2519 = arith.index_cast %select_n3A_2516 : i32 to index
      %get3A_2520 = arith.index_cast %get3A_2517 : i32 to index
      %get3A_2521 = arith.index_cast %get3A_2518 : i32 to index
      %get3A_2522 = arith.index_cast %mul3A_2162 : i32 to index
      %get3A_2523 = tpu.vector_load %arg8[%get3A_2519, %get3A_2520, %get3A_2521, %get3A_2522] {strides = array<i32>} : memref<4x3x16x128xf32, #tpu.memory_space<vmem>>, vector<16xf32>,
      %swap3A_2524 = arith.index_cast %scan3A_2048 : i32 to index
      %swap3A_2525 = arith.constant 208 : index
      %swap3A_2526 = tpu.vector_load %arg9[%swap3A_2524, %swap3A_2525] {strides = array<i32>} : memref<64x768xf32, #tpu.memory_space<vmem>>, vector<16xf32>,
      tpu.vector_store %arg9[%swap3A_2524, %swap3A_2525], %get3A_2523 {strides = array<i32>} : memref<64x768xf32, #tpu.memory_space<vmem>>, vector<16xf32>,
      %jit3A_2527 = arith.constant 4 : i32
      %eq3A_2528 = arith.constant 0 : i32
      %eq3A_2529 = arith.cmpi eq, %jit3A_2527, %eq3A_2528 : i32
      %jit3A_2530 = arith.constant 1 : i32
      %select_n3A_2531 = arith.select %eq3A_2529, %jit3A_2530, %jit3A_2527 : i32
      %rem3A_2532 = arith.remsi %scan3A_2048, %select_n3A_2531 : i32
      %ne3A_2533 = arith.constant 0 : i32
      %ne3A_2534 = arith.cmpi ne, %rem3A_2532, %ne3A_2533 : i32
      %lt3A_2535 = arith.constant 0 : i32
      %lt3A_2536 = arith.cmpi slt, %rem3A_2532, %lt3A_2535 : i32
      %lt3A_2537 = arith.constant 0 : i32
      %lt3A_2538 = arith.cmpi slt, %select_n3A_2531, %lt3A_2537 : i32
      %ne3A_2539 = arith.xori %lt3A_2536, %lt3A_2538 : i1
      %and3A_2540 = arith.andi %ne3A_2539, %ne3A_2534 : i1
      %add3A_2541 = arith.addi %rem3A_2532, %select_n3A_2531 : i32
      %select_n3A_2542 = arith.select %and3A_2540, %add3A_2541, %rem3A_2532 : i32
      %get3A_2543 = arith.constant 0 : i32
      %get3A_2544 = arith.constant 14 : i32
      %get3A_2545 = arith.index_cast %select_n3A_2542 : i32 to index
      %get3A_2546 = arith.index_cast %get3A_2543 : i32 to index
      %get3A_2547 = arith.index_cast %get3A_2544 : i32 to index
      %get3A_2548 = arith.index_cast %mul3A_2162 : i32 to index
      %get3A_2549 = tpu.vector_load %arg8[%get3A_2545, %get3A_2546, %get3A_2547, %get3A_2548] {strides = array<i32>} : memref<4x3x16x128xf32, #tpu.memory_space<vmem>>, vector<16xf32>,
      %swap3A_2550 = arith.index_cast %scan3A_2048 : i32 to index
      %swap3A_2551 = arith.constant 224 : index
      %swap3A_2552 = tpu.vector_load %arg9[%swap3A_2550, %swap3A_2551] {strides = array<i32>} : memref<64x768xf32, #tpu.memory_space<vmem>>, vector<16xf32>,
      tpu.vector_store %arg9[%swap3A_2550, %swap3A_2551], %get3A_2549 {strides = array<i32>} : memref<64x768xf32, #tpu.memory_space<vmem>>, vector<16xf32>,
      %jit3A_2553 = arith.constant 4 : i32
      %eq3A_2554 = arith.constant 0 : i32
      %eq3A_2555 = arith.cmpi eq, %jit3A_2553, %eq3A_2554 : i32
      %jit3A_2556 = arith.constant 1 : i32
      %select_n3A_2557 = arith.select %eq3A_2555, %jit3A_2556, %jit3A_2553 : i32
      %rem3A_2558 = arith.remsi %scan3A_2048, %select_n3A_2557 : i32
      %ne3A_2559 = arith.constant 0 : i32
      %ne3A_2560 = arith.cmpi ne, %rem3A_2558, %ne3A_2559 : i32
      %lt3A_2561 = arith.constant 0 : i32
      %lt3A_2562 = arith.cmpi slt, %rem3A_2558, %lt3A_2561 : i32
      %lt3A_2563 = arith.constant 0 : i32
      %lt3A_2564 = arith.cmpi slt, %select_n3A_2557, %lt3A_2563 : i32
      %ne3A_2565 = arith.xori %lt3A_2562, %lt3A_2564 : i1
      %and3A_2566 = arith.andi %ne3A_2565, %ne3A_2560 : i1
      %add3A_2567 = arith.addi %rem3A_2558, %select_n3A_2557 : i32
      %select_n3A_2568 = arith.select %and3A_2566, %add3A_2567, %rem3A_2558 : i32
      %get3A_2569 = arith.constant 0 : i32
      %get3A_2570 = arith.constant 15 : i32
      %get3A_2571 = arith.index_cast %select_n3A_2568 : i32 to index
      %get3A_2572 = arith.index_cast %get3A_2569 : i32 to index
      %get3A_2573 = arith.index_cast %get3A_2570 : i32 to index
      %get3A_2574 = arith.index_cast %mul3A_2162 : i32 to index
      %get3A_2575 = tpu.vector_load %arg8[%get3A_2571, %get3A_2572, %get3A_2573, %get3A_2574] {strides = array<i32>} : memref<4x3x16x128xf32, #tpu.memory_space<vmem>>, vector<16xf32>,
      %swap3A_2576 = arith.index_cast %scan3A_2048 : i32 to index
      %swap3A_2577 = arith.constant 240 : index
      %swap3A_2578 = tpu.vector_load %arg9[%swap3A_2576, %swap3A_2577] {strides = array<i32>} : memref<64x768xf32, #tpu.memory_space<vmem>>, vector<16xf32>,
      tpu.vector_store %arg9[%swap3A_2576, %swap3A_2577], %get3A_2575 {strides = array<i32>} : memref<64x768xf32, #tpu.memory_space<vmem>>, vector<16xf32>,
      %jit3A_2579 = arith.constant 4 : i32
      %eq3A_2580 = arith.constant 0 : i32
      %eq3A_2581 = arith.cmpi eq, %jit3A_2579, %eq3A_2580 : i32
      %jit3A_2582 = arith.constant 1 : i32
      %select_n3A_2583 = arith.select %eq3A_2581, %jit3A_2582, %jit3A_2579 : i32
      %rem3A_2584 = arith.remsi %scan3A_2048, %select_n3A_2583 : i32
      %ne3A_2585 = arith.constant 0 : i32
      %ne3A_2586 = arith.cmpi ne, %rem3A_2584, %ne3A_2585 : i32
      %lt3A_2587 = arith.constant 0 : i32
      %lt3A_2588 = arith.cmpi slt, %rem3A_2584, %lt3A_2587 : i32
      %lt3A_2589 = arith.constant 0 : i32
      %lt3A_2590 = arith.cmpi slt, %select_n3A_2583, %lt3A_2589 : i32
      %ne3A_2591 = arith.xori %lt3A_2588, %lt3A_2590 : i1
      %and3A_2592 = arith.andi %ne3A_2591, %ne3A_2586 : i1
      %add3A_2593 = arith.addi %rem3A_2584, %select_n3A_2583 : i32
      %select_n3A_2594 = arith.select %and3A_2592, %add3A_2593, %rem3A_2584 : i32
      %get3A_2595 = arith.constant 1 : i32
      %get3A_2596 = arith.constant 0 : i32
      %get3A_2597 = arith.index_cast %select_n3A_2594 : i32 to index
      %get3A_2598 = arith.index_cast %get3A_2595 : i32 to index
      %get3A_2599 = arith.index_cast %get3A_2596 : i32 to index
      %get3A_2600 = arith.index_cast %mul3A_2162 : i32 to index
      %get3A_2601 = tpu.vector_load %arg8[%get3A_2597, %get3A_2598, %get3A_2599, %get3A_2600] {strides = array<i32>} : memref<4x3x16x128xf32, #tpu.memory_space<vmem>>, vector<16xf32>,
      %swap3A_2602 = arith.index_cast %scan3A_2048 : i32 to index
      %swap3A_2603 = arith.constant 256 : index
      %swap3A_2604 = tpu.vector_load %arg9[%swap3A_2602, %swap3A_2603] {strides = array<i32>} : memref<64x768xf32, #tpu.memory_space<vmem>>, vector<16xf32>,
      tpu.vector_store %arg9[%swap3A_2602, %swap3A_2603], %get3A_2601 {strides = array<i32>} : memref<64x768xf32, #tpu.memory_space<vmem>>, vector<16xf32>,
      %jit3A_2605 = arith.constant 4 : i32
      %eq3A_2606 = arith.constant 0 : i32
      %eq3A_2607 = arith.cmpi eq, %jit3A_2605, %eq3A_2606 : i32
      %jit3A_2608 = arith.constant 1 : i32
      %select_n3A_2609 = arith.select %eq3A_2607, %jit3A_2608, %jit3A_2605 : i32
      %rem3A_2610 = arith.remsi %scan3A_2048, %select_n3A_2609 : i32
      %ne3A_2611 = arith.constant 0 : i32
      %ne3A_2612 = arith.cmpi ne, %rem3A_2610, %ne3A_2611 : i32
      %lt3A_2613 = arith.constant 0 : i32
      %lt3A_2614 = arith.cmpi slt, %rem3A_2610, %lt3A_2613 : i32
      %lt3A_2615 = arith.constant 0 : i32
      %lt3A_2616 = arith.cmpi slt, %select_n3A_2609, %lt3A_2615 : i32
      %ne3A_2617 = arith.xori %lt3A_2614, %lt3A_2616 : i1
      %and3A_2618 = arith.andi %ne3A_2617, %ne3A_2612 : i1
      %add3A_2619 = arith.addi %rem3A_2610, %select_n3A_2609 : i32
      %select_n3A_2620 = arith.select %and3A_2618, %add3A_2619, %rem3A_2610 : i32
      %get3A_2621 = arith.constant 1 : i32
      %get3A_2622 = arith.constant 1 : i32
      %get3A_2623 = arith.index_cast %select_n3A_2620 : i32 to index
      %get3A_2624 = arith.index_cast %get3A_2621 : i32 to index
      %get3A_2625 = arith.index_cast %get3A_2622 : i32 to index
      %get3A_2626 = arith.index_cast %mul3A_2162 : i32 to index
      %get3A_2627 = tpu.vector_load %arg8[%get3A_2623, %get3A_2624, %get3A_2625, %get3A_2626] {strides = array<i32>} : memref<4x3x16x128xf32, #tpu.memory_space<vmem>>, vector<16xf32>,
      %swap3A_2628 = arith.index_cast %scan3A_2048 : i32 to index
      %swap3A_2629 = arith.constant 272 : index
      %swap3A_2630 = tpu.vector_load %arg9[%swap3A_2628, %swap3A_2629] {strides = array<i32>} : memref<64x768xf32, #tpu.memory_space<vmem>>, vector<16xf32>,
      tpu.vector_store %arg9[%swap3A_2628, %swap3A_2629], %get3A_2627 {strides = array<i32>} : memref<64x768xf32, #tpu.memory_space<vmem>>, vector<16xf32>,
      %jit3A_2631 = arith.constant 4 : i32
      %eq3A_2632 = arith.constant 0 : i32
      %eq3A_2633 = arith.cmpi eq, %jit3A_2631, %eq3A_2632 : i32
      %jit3A_2634 = arith.constant 1 : i32
      %select_n3A_2635 = arith.select %eq3A_2633, %jit3A_2634, %jit3A_2631 : i32
      %rem3A_2636 = arith.remsi %scan3A_2048, %select_n3A_2635 : i32
      %ne3A_2637 = arith.constant 0 : i32
      %ne3A_2638 = arith.cmpi ne, %rem3A_2636, %ne3A_2637 : i32
      %lt3A_2639 = arith.constant 0 : i32
      %lt3A_2640 = arith.cmpi slt, %rem3A_2636, %lt3A_2639 : i32
      %lt3A_2641 = arith.constant 0 : i32
      %lt3A_2642 = arith.cmpi slt, %select_n3A_2635, %lt3A_2641 : i32
      %ne3A_2643 = arith.xori %lt3A_2640, %lt3A_2642 : i1
      %and3A_2644 = arith.andi %ne3A_2643, %ne3A_2638 : i1
      %add3A_2645 = arith.addi %rem3A_2636, %select_n3A_2635 : i32
      %select_n3A_2646 = arith.select %and3A_2644, %add3A_2645, %rem3A_2636 : i32
      %get3A_2647 = arith.constant 1 : i32
      %get3A_2648 = arith.constant 2 : i32
      %get3A_2649 = arith.index_cast %select_n3A_2646 : i32 to index
      %get3A_2650 = arith.index_cast %get3A_2647 : i32 to index
      %get3A_2651 = arith.index_cast %get3A_2648 : i32 to index
      %get3A_2652 = arith.index_cast %mul3A_2162 : i32 to index
      %get3A_2653 = tpu.vector_load %arg8[%get3A_2649, %get3A_2650, %get3A_2651, %get3A_2652] {strides = array<i32>} : memref<4x3x16x128xf32, #tpu.memory_space<vmem>>, vector<16xf32>,
      %swap3A_2654 = arith.index_cast %scan3A_2048 : i32 to index
      %swap3A_2655 = arith.constant 288 : index
      %swap3A_2656 = tpu.vector_load %arg9[%swap3A_2654, %swap3A_2655] {strides = array<i32>} : memref<64x768xf32, #tpu.memory_space<vmem>>, vector<16xf32>,
      tpu.vector_store %arg9[%swap3A_2654, %swap3A_2655], %get3A_2653 {strides = array<i32>} : memref<64x768xf32, #tpu.memory_space<vmem>>, vector<16xf32>,
      %jit3A_2657 = arith.constant 4 : i32
      %eq3A_2658 = arith.constant 0 : i32
      %eq3A_2659 = arith.cmpi eq, %jit3A_2657, %eq3A_2658 : i32
      %jit3A_2660 = arith.constant 1 : i32
      %select_n3A_2661 = arith.select %eq3A_2659, %jit3A_2660, %jit3A_2657 : i32
      %rem3A_2662 = arith.remsi %scan3A_2048, %select_n3A_2661 : i32
      %ne3A_2663 = arith.constant 0 : i32
      %ne3A_2664 = arith.cmpi ne, %rem3A_2662, %ne3A_2663 : i32
      %lt3A_2665 = arith.constant 0 : i32
      %lt3A_2666 = arith.cmpi slt, %rem3A_2662, %lt3A_2665 : i32
      %lt3A_2667 = arith.constant 0 : i32
      %lt3A_2668 = arith.cmpi slt, %select_n3A_2661, %lt3A_2667 : i32
      %ne3A_2669 = arith.xori %lt3A_2666, %lt3A_2668 : i1
      %and3A_2670 = arith.andi %ne3A_2669, %ne3A_2664 : i1
      %add3A_2671 = arith.addi %rem3A_2662, %select_n3A_2661 : i32
      %select_n3A_2672 = arith.select %and3A_2670, %add3A_2671, %rem3A_2662 : i32
      %get3A_2673 = arith.constant 1 : i32
      %get3A_2674 = arith.constant 3 : i32
      %get3A_2675 = arith.index_cast %select_n3A_2672 : i32 to index
      %get3A_2676 = arith.index_cast %get3A_2673 : i32 to index
      %get3A_2677 = arith.index_cast %get3A_2674 : i32 to index
      %get3A_2678 = arith.index_cast %mul3A_2162 : i32 to index
      %get3A_2679 = tpu.vector_load %arg8[%get3A_2675, %get3A_2676, %get3A_2677, %get3A_2678] {strides = array<i32>} : memref<4x3x16x128xf32, #tpu.memory_space<vmem>>, vector<16xf32>,
      %swap3A_2680 = arith.index_cast %scan3A_2048 : i32 to index
      %swap3A_2681 = arith.constant 304 : index
      %swap3A_2682 = tpu.vector_load %arg9[%swap3A_2680, %swap3A_2681] {strides = array<i32>} : memref<64x768xf32, #tpu.memory_space<vmem>>, vector<16xf32>,
      tpu.vector_store %arg9[%swap3A_2680, %swap3A_2681], %get3A_2679 {strides = array<i32>} : memref<64x768xf32, #tpu.memory_space<vmem>>, vector<16xf32>,
      %jit3A_2683 = arith.constant 4 : i32
      %eq3A_2684 = arith.constant 0 : i32
      %eq3A_2685 = arith.cmpi eq, %jit3A_2683, %eq3A_2684 : i32
      %jit3A_2686 = arith.constant 1 : i32
      %select_n3A_2687 = arith.select %eq3A_2685, %jit3A_2686, %jit3A_2683 : i32
      %rem3A_2688 = arith.remsi %scan3A_2048, %select_n3A_2687 : i32
      %ne3A_2689 = arith.constant 0 : i32
      %ne3A_2690 = arith.cmpi ne, %rem3A_2688, %ne3A_2689 : i32
      %lt3A_2691 = arith.constant 0 : i32
      %lt3A_2692 = arith.cmpi slt, %rem3A_2688, %lt3A_2691 : i32
      %lt3A_2693 = arith.constant 0 : i32
      %lt3A_2694 = arith.cmpi slt, %select_n3A_2687, %lt3A_2693 : i32
      %ne3A_2695 = arith.xori %lt3A_2692, %lt3A_2694 : i1
      %and3A_2696 = arith.andi %ne3A_2695, %ne3A_2690 : i1
      %add3A_2697 = arith.addi %rem3A_2688, %select_n3A_2687 : i32
      %select_n3A_2698 = arith.select %and3A_2696, %add3A_2697, %rem3A_2688 : i32
      %get3A_2699 = arith.constant 1 : i32
      %get3A_2700 = arith.constant 4 : i32
      %get3A_2701 = arith.index_cast %select_n3A_2698 : i32 to index
      %get3A_2702 = arith.index_cast %get3A_2699 : i32 to index
      %get3A_2703 = arith.index_cast %get3A_2700 : i32 to index
      %get3A_2704 = arith.index_cast %mul3A_2162 : i32 to index
      %get3A_2705 = tpu.vector_load %arg8[%get3A_2701, %get3A_2702, %get3A_2703, %get3A_2704] {strides = array<i32>} : memref<4x3x16x128xf32, #tpu.memory_space<vmem>>, vector<16xf32>,
      %swap3A_2706 = arith.index_cast %scan3A_2048 : i32 to index
      %swap3A_2707 = arith.constant 320 : index
      %swap3A_2708 = tpu.vector_load %arg9[%swap3A_2706, %swap3A_2707] {strides = array<i32>} : memref<64x768xf32, #tpu.memory_space<vmem>>, vector<16xf32>,
      tpu.vector_store %arg9[%swap3A_2706, %swap3A_2707], %get3A_2705 {strides = array<i32>} : memref<64x768xf32, #tpu.memory_space<vmem>>, vector<16xf32>,
      %jit3A_2709 = arith.constant 4 : i32
      %eq3A_2710 = arith.constant 0 : i32
      %eq3A_2711 = arith.cmpi eq, %jit3A_2709, %eq3A_2710 : i32
      %jit3A_2712 = arith.constant 1 : i32
      %select_n3A_2713 = arith.select %eq3A_2711, %jit3A_2712, %jit3A_2709 : i32
      %rem3A_2714 = arith.remsi %scan3A_2048, %select_n3A_2713 : i32
      %ne3A_2715 = arith.constant 0 : i32
      %ne3A_2716 = arith.cmpi ne, %rem3A_2714, %ne3A_2715 : i32
      %lt3A_2717 = arith.constant 0 : i32
      %lt3A_2718 = arith.cmpi slt, %rem3A_2714, %lt3A_2717 : i32
      %lt3A_2719 = arith.constant 0 : i32
      %lt3A_2720 = arith.cmpi slt, %select_n3A_2713, %lt3A_2719 : i32
      %ne3A_2721 = arith.xori %lt3A_2718, %lt3A_2720 : i1
      %and3A_2722 = arith.andi %ne3A_2721, %ne3A_2716 : i1
      %add3A_2723 = arith.addi %rem3A_2714, %select_n3A_2713 : i32
      %select_n3A_2724 = arith.select %and3A_2722, %add3A_2723, %rem3A_2714 : i32
      %get3A_2725 = arith.constant 1 : i32
      %get3A_2726 = arith.constant 5 : i32
      %get3A_2727 = arith.index_cast %select_n3A_2724 : i32 to index
      %get3A_2728 = arith.index_cast %get3A_2725 : i32 to index
      %get3A_2729 = arith.index_cast %get3A_2726 : i32 to index
      %get3A_2730 = arith.index_cast %mul3A_2162 : i32 to index
      %get3A_2731 = tpu.vector_load %arg8[%get3A_2727, %get3A_2728, %get3A_2729, %get3A_2730] {strides = array<i32>} : memref<4x3x16x128xf32, #tpu.memory_space<vmem>>, vector<16xf32>,
      %swap3A_2732 = arith.index_cast %scan3A_2048 : i32 to index
      %swap3A_2733 = arith.constant 336 : index
      %swap3A_2734 = tpu.vector_load %arg9[%swap3A_2732, %swap3A_2733] {strides = array<i32>} : memref<64x768xf32, #tpu.memory_space<vmem>>, vector<16xf32>,
      tpu.vector_store %arg9[%swap3A_2732, %swap3A_2733], %get3A_2731 {strides = array<i32>} : memref<64x768xf32, #tpu.memory_space<vmem>>, vector<16xf32>,
      %jit3A_2735 = arith.constant 4 : i32
      %eq3A_2736 = arith.constant 0 : i32
      %eq3A_2737 = arith.cmpi eq, %jit3A_2735, %eq3A_2736 : i32
      %jit3A_2738 = arith.constant 1 : i32
      %select_n3A_2739 = arith.select %eq3A_2737, %jit3A_2738, %jit3A_2735 : i32
      %rem3A_2740 = arith.remsi %scan3A_2048, %select_n3A_2739 : i32
      %ne3A_2741 = arith.constant 0 : i32
      %ne3A_2742 = arith.cmpi ne, %rem3A_2740, %ne3A_2741 : i32
      %lt3A_2743 = arith.constant 0 : i32
      %lt3A_2744 = arith.cmpi slt, %rem3A_2740, %lt3A_2743 : i32
      %lt3A_2745 = arith.constant 0 : i32
      %lt3A_2746 = arith.cmpi slt, %select_n3A_2739, %lt3A_2745 : i32
      %ne3A_2747 = arith.xori %lt3A_2744, %lt3A_2746 : i1
      %and3A_2748 = arith.andi %ne3A_2747, %ne3A_2742 : i1
      %add3A_2749 = arith.addi %rem3A_2740, %select_n3A_2739 : i32
      %select_n3A_2750 = arith.select %and3A_2748, %add3A_2749, %rem3A_2740 : i32
      %get3A_2751 = arith.constant 1 : i32
      %get3A_2752 = arith.constant 6 : i32
      %get3A_2753 = arith.index_cast %select_n3A_2750 : i32 to index
      %get3A_2754 = arith.index_cast %get3A_2751 : i32 to index
      %get3A_2755 = arith.index_cast %get3A_2752 : i32 to index
      %get3A_2756 = arith.index_cast %mul3A_2162 : i32 to index
      %get3A_2757 = tpu.vector_load %arg8[%get3A_2753, %get3A_2754, %get3A_2755, %get3A_2756] {strides = array<i32>} : memref<4x3x16x128xf32, #tpu.memory_space<vmem>>, vector<16xf32>,
      %swap3A_2758 = arith.index_cast %scan3A_2048 : i32 to index
      %swap3A_2759 = arith.constant 352 : index
      %swap3A_2760 = tpu.vector_load %arg9[%swap3A_2758, %swap3A_2759] {strides = array<i32>} : memref<64x768xf32, #tpu.memory_space<vmem>>, vector<16xf32>,
      tpu.vector_store %arg9[%swap3A_2758, %swap3A_2759], %get3A_2757 {strides = array<i32>} : memref<64x768xf32, #tpu.memory_space<vmem>>, vector<16xf32>,
      %jit3A_2761 = arith.constant 4 : i32
      %eq3A_2762 = arith.constant 0 : i32
      %eq3A_2763 = arith.cmpi eq, %jit3A_2761, %eq3A_2762 : i32
      %jit3A_2764 = arith.constant 1 : i32
      %select_n3A_2765 = arith.select %eq3A_2763, %jit3A_2764, %jit3A_2761 : i32
      %rem3A_2766 = arith.remsi %scan3A_2048, %select_n3A_2765 : i32
      %ne3A_2767 = arith.constant 0 : i32
      %ne3A_2768 = arith.cmpi ne, %rem3A_2766, %ne3A_2767 : i32
      %lt3A_2769 = arith.constant 0 : i32
      %lt3A_2770 = arith.cmpi slt, %rem3A_2766, %lt3A_2769 : i32
      %lt3A_2771 = arith.constant 0 : i32
      %lt3A_2772 = arith.cmpi slt, %select_n3A_2765, %lt3A_2771 : i32
      %ne3A_2773 = arith.xori %lt3A_2770, %lt3A_2772 : i1
      %and3A_2774 = arith.andi %ne3A_2773, %ne3A_2768 : i1
      %add3A_2775 = arith.addi %rem3A_2766, %select_n3A_2765 : i32
      %select_n3A_2776 = arith.select %and3A_2774, %add3A_2775, %rem3A_2766 : i32
      %get3A_2777 = arith.constant 1 : i32
      %get3A_2778 = arith.constant 7 : i32
      %get3A_2779 = arith.index_cast %select_n3A_2776 : i32 to index
      %get3A_2780 = arith.index_cast %get3A_2777 : i32 to index
      %get3A_2781 = arith.index_cast %get3A_2778 : i32 to index
      %get3A_2782 = arith.index_cast %mul3A_2162 : i32 to index
      %get3A_2783 = tpu.vector_load %arg8[%get3A_2779, %get3A_2780, %get3A_2781, %get3A_2782] {strides = array<i32>} : memref<4x3x16x128xf32, #tpu.memory_space<vmem>>, vector<16xf32>,
      %swap3A_2784 = arith.index_cast %scan3A_2048 : i32 to index
      %swap3A_2785 = arith.constant 368 : index
      %swap3A_2786 = tpu.vector_load %arg9[%swap3A_2784, %swap3A_2785] {strides = array<i32>} : memref<64x768xf32, #tpu.memory_space<vmem>>, vector<16xf32>,
      tpu.vector_store %arg9[%swap3A_2784, %swap3A_2785], %get3A_2783 {strides = array<i32>} : memref<64x768xf32, #tpu.memory_space<vmem>>, vector<16xf32>,
      %jit3A_2787 = arith.constant 4 : i32
      %eq3A_2788 = arith.constant 0 : i32
      %eq3A_2789 = arith.cmpi eq, %jit3A_2787, %eq3A_2788 : i32
      %jit3A_2790 = arith.constant 1 : i32
      %select_n3A_2791 = arith.select %eq3A_2789, %jit3A_2790, %jit3A_2787 : i32
      %rem3A_2792 = arith.remsi %scan3A_2048, %select_n3A_2791 : i32
      %ne3A_2793 = arith.constant 0 : i32
      %ne3A_2794 = arith.cmpi ne, %rem3A_2792, %ne3A_2793 : i32
      %lt3A_2795 = arith.constant 0 : i32
      %lt3A_2796 = arith.cmpi slt, %rem3A_2792, %lt3A_2795 : i32
      %lt3A_2797 = arith.constant 0 : i32
      %lt3A_2798 = arith.cmpi slt, %select_n3A_2791, %lt3A_2797 : i32
      %ne3A_2799 = arith.xori %lt3A_2796, %lt3A_2798 : i1
      %and3A_2800 = arith.andi %ne3A_2799, %ne3A_2794 : i1
      %add3A_2801 = arith.addi %rem3A_2792, %select_n3A_2791 : i32
      %select_n3A_2802 = arith.select %and3A_2800, %add3A_2801, %rem3A_2792 : i32
      %get3A_2803 = arith.constant 1 : i32
      %get3A_2804 = arith.constant 8 : i32
      %get3A_2805 = arith.index_cast %select_n3A_2802 : i32 to index
      %get3A_2806 = arith.index_cast %get3A_2803 : i32 to index
      %get3A_2807 = arith.index_cast %get3A_2804 : i32 to index
      %get3A_2808 = arith.index_cast %mul3A_2162 : i32 to index
      %get3A_2809 = tpu.vector_load %arg8[%get3A_2805, %get3A_2806, %get3A_2807, %get3A_2808] {strides = array<i32>} : memref<4x3x16x128xf32, #tpu.memory_space<vmem>>, vector<16xf32>,
      %swap3A_2810 = arith.index_cast %scan3A_2048 : i32 to index
      %swap3A_2811 = arith.constant 384 : index
      %swap3A_2812 = tpu.vector_load %arg9[%swap3A_2810, %swap3A_2811] {strides = array<i32>} : memref<64x768xf32, #tpu.memory_space<vmem>>, vector<16xf32>,
      tpu.vector_store %arg9[%swap3A_2810, %swap3A_2811], %get3A_2809 {strides = array<i32>} : memref<64x768xf32, #tpu.memory_space<vmem>>, vector<16xf32>,
      %jit3A_2813 = arith.constant 4 : i32
      %eq3A_2814 = arith.constant 0 : i32
      %eq3A_2815 = arith.cmpi eq, %jit3A_2813, %eq3A_2814 : i32
      %jit3A_2816 = arith.constant 1 : i32
      %select_n3A_2817 = arith.select %eq3A_2815, %jit3A_2816, %jit3A_2813 : i32
      %rem3A_2818 = arith.remsi %scan3A_2048, %select_n3A_2817 : i32
      %ne3A_2819 = arith.constant 0 : i32
      %ne3A_2820 = arith.cmpi ne, %rem3A_2818, %ne3A_2819 : i32
      %lt3A_2821 = arith.constant 0 : i32
      %lt3A_2822 = arith.cmpi slt, %rem3A_2818, %lt3A_2821 : i32
      %lt3A_2823 = arith.constant 0 : i32
      %lt3A_2824 = arith.cmpi slt, %select_n3A_2817, %lt3A_2823 : i32
      %ne3A_2825 = arith.xori %lt3A_2822, %lt3A_2824 : i1
      %and3A_2826 = arith.andi %ne3A_2825, %ne3A_2820 : i1
      %add3A_2827 = arith.addi %rem3A_2818, %select_n3A_2817 : i32
      %select_n3A_2828 = arith.select %and3A_2826, %add3A_2827, %rem3A_2818 : i32
      %get3A_2829 = arith.constant 1 : i32
      %get3A_2830 = arith.constant 9 : i32
      %get3A_2831 = arith.index_cast %select_n3A_2828 : i32 to index
      %get3A_2832 = arith.index_cast %get3A_2829 : i32 to index
      %get3A_2833 = arith.index_cast %get3A_2830 : i32 to index
      %get3A_2834 = arith.index_cast %mul3A_2162 : i32 to index
      %get3A_2835 = tpu.vector_load %arg8[%get3A_2831, %get3A_2832, %get3A_2833, %get3A_2834] {strides = array<i32>} : memref<4x3x16x128xf32, #tpu.memory_space<vmem>>, vector<16xf32>,
      %swap3A_2836 = arith.index_cast %scan3A_2048 : i32 to index
      %swap3A_2837 = arith.constant 400 : index
      %swap3A_2838 = tpu.vector_load %arg9[%swap3A_2836, %swap3A_2837] {strides = array<i32>} : memref<64x768xf32, #tpu.memory_space<vmem>>, vector<16xf32>,
      tpu.vector_store %arg9[%swap3A_2836, %swap3A_2837], %get3A_2835 {strides = array<i32>} : memref<64x768xf32, #tpu.memory_space<vmem>>, vector<16xf32>,
      %jit3A_2839 = arith.constant 4 : i32
      %eq3A_2840 = arith.constant 0 : i32
      %eq3A_2841 = arith.cmpi eq, %jit3A_2839, %eq3A_2840 : i32
      %jit3A_2842 = arith.constant 1 : i32
      %select_n3A_2843 = arith.select %eq3A_2841, %jit3A_2842, %jit3A_2839 : i32
      %rem3A_2844 = arith.remsi %scan3A_2048, %select_n3A_2843 : i32
      %ne3A_2845 = arith.constant 0 : i32
      %ne3A_2846 = arith.cmpi ne, %rem3A_2844, %ne3A_2845 : i32
      %lt3A_2847 = arith.constant 0 : i32
      %lt3A_2848 = arith.cmpi slt, %rem3A_2844, %lt3A_2847 : i32
      %lt3A_2849 = arith.constant 0 : i32
      %lt3A_2850 = arith.cmpi slt, %select_n3A_2843, %lt3A_2849 : i32
      %ne3A_2851 = arith.xori %lt3A_2848, %lt3A_2850 : i1
      %and3A_2852 = arith.andi %ne3A_2851, %ne3A_2846 : i1
      %add3A_2853 = arith.addi %rem3A_2844, %select_n3A_2843 : i32
      %select_n3A_2854 = arith.select %and3A_2852, %add3A_2853, %rem3A_2844 : i32
      %get3A_2855 = arith.constant 1 : i32
      %get3A_2856 = arith.constant 10 : i32
      %get3A_2857 = arith.index_cast %select_n3A_2854 : i32 to index
      %get3A_2858 = arith.index_cast %get3A_2855 : i32 to index
      %get3A_2859 = arith.index_cast %get3A_2856 : i32 to index
      %get3A_2860 = arith.index_cast %mul3A_2162 : i32 to index
      %get3A_2861 = tpu.vector_load %arg8[%get3A_2857, %get3A_2858, %get3A_2859, %get3A_2860] {strides = array<i32>} : memref<4x3x16x128xf32, #tpu.memory_space<vmem>>, vector<16xf32>,
      %swap3A_2862 = arith.index_cast %scan3A_2048 : i32 to index
      %swap3A_2863 = arith.constant 416 : index
      %swap3A_2864 = tpu.vector_load %arg9[%swap3A_2862, %swap3A_2863] {strides = array<i32>} : memref<64x768xf32, #tpu.memory_space<vmem>>, vector<16xf32>,
      tpu.vector_store %arg9[%swap3A_2862, %swap3A_2863], %get3A_2861 {strides = array<i32>} : memref<64x768xf32, #tpu.memory_space<vmem>>, vector<16xf32>,
      %jit3A_2865 = arith.constant 4 : i32
      %eq3A_2866 = arith.constant 0 : i32
      %eq3A_2867 = arith.cmpi eq, %jit3A_2865, %eq3A_2866 : i32
      %jit3A_2868 = arith.constant 1 : i32
      %select_n3A_2869 = arith.select %eq3A_2867, %jit3A_2868, %jit3A_2865 : i32
      %rem3A_2870 = arith.remsi %scan3A_2048, %select_n3A_2869 : i32
      %ne3A_2871 = arith.constant 0 : i32
      %ne3A_2872 = arith.cmpi ne, %rem3A_2870, %ne3A_2871 : i32
      %lt3A_2873 = arith.constant 0 : i32
      %lt3A_2874 = arith.cmpi slt, %rem3A_2870, %lt3A_2873 : i32
      %lt3A_2875 = arith.constant 0 : i32
      %lt3A_2876 = arith.cmpi slt, %select_n3A_2869, %lt3A_2875 : i32
      %ne3A_2877 = arith.xori %lt3A_2874, %lt3A_2876 : i1
      %and3A_2878 = arith.andi %ne3A_2877, %ne3A_2872 : i1
      %add3A_2879 = arith.addi %rem3A_2870, %select_n3A_2869 : i32
      %select_n3A_2880 = arith.select %and3A_2878, %add3A_2879, %rem3A_2870 : i32
      %get3A_2881 = arith.constant 1 : i32
      %get3A_2882 = arith.constant 11 : i32
      %get3A_2883 = arith.index_cast %select_n3A_2880 : i32 to index
      %get3A_2884 = arith.index_cast %get3A_2881 : i32 to index
      %get3A_2885 = arith.index_cast %get3A_2882 : i32 to index
      %get3A_2886 = arith.index_cast %mul3A_2162 : i32 to index
      %get3A_2887 = tpu.vector_load %arg8[%get3A_2883, %get3A_2884, %get3A_2885, %get3A_2886] {strides = array<i32>} : memref<4x3x16x128xf32, #tpu.memory_space<vmem>>, vector<16xf32>,
      %swap3A_2888 = arith.index_cast %scan3A_2048 : i32 to index
      %swap3A_2889 = arith.constant 432 : index
      %swap3A_2890 = tpu.vector_load %arg9[%swap3A_2888, %swap3A_2889] {strides = array<i32>} : memref<64x768xf32, #tpu.memory_space<vmem>>, vector<16xf32>,
      tpu.vector_store %arg9[%swap3A_2888, %swap3A_2889], %get3A_2887 {strides = array<i32>} : memref<64x768xf32, #tpu.memory_space<vmem>>, vector<16xf32>,
      %jit3A_2891 = arith.constant 4 : i32
      %eq3A_2892 = arith.constant 0 : i32
      %eq3A_2893 = arith.cmpi eq, %jit3A_2891, %eq3A_2892 : i32
      %jit3A_2894 = arith.constant 1 : i32
      %select_n3A_2895 = arith.select %eq3A_2893, %jit3A_2894, %jit3A_2891 : i32
      %rem3A_2896 = arith.remsi %scan3A_2048, %select_n3A_2895 : i32
      %ne3A_2897 = arith.constant 0 : i32
      %ne3A_2898 = arith.cmpi ne, %rem3A_2896, %ne3A_2897 : i32
      %lt3A_2899 = arith.constant 0 : i32
      %lt3A_2900 = arith.cmpi slt, %rem3A_2896, %lt3A_2899 : i32
      %lt3A_2901 = arith.constant 0 : i32
      %lt3A_2902 = arith.cmpi slt, %select_n3A_2895, %lt3A_2901 : i32
      %ne3A_2903 = arith.xori %lt3A_2900, %lt3A_2902 : i1
      %and3A_2904 = arith.andi %ne3A_2903, %ne3A_2898 : i1
      %add3A_2905 = arith.addi %rem3A_2896, %select_n3A_2895 : i32
      %select_n3A_2906 = arith.select %and3A_2904, %add3A_2905, %rem3A_2896 : i32
      %get3A_2907 = arith.constant 1 : i32
      %get3A_2908 = arith.constant 12 : i32
      %get3A_2909 = arith.index_cast %select_n3A_2906 : i32 to index
      %get3A_2910 = arith.index_cast %get3A_2907 : i32 to index
      %get3A_2911 = arith.index_cast %get3A_2908 : i32 to index
      %get3A_2912 = arith.index_cast %mul3A_2162 : i32 to index
      %get3A_2913 = tpu.vector_load %arg8[%get3A_2909, %get3A_2910, %get3A_2911, %get3A_2912] {strides = array<i32>} : memref<4x3x16x128xf32, #tpu.memory_space<vmem>>, vector<16xf32>,
      %swap3A_2914 = arith.index_cast %scan3A_2048 : i32 to index
      %swap3A_2915 = arith.constant 448 : index
      %swap3A_2916 = tpu.vector_load %arg9[%swap3A_2914, %swap3A_2915] {strides = array<i32>} : memref<64x768xf32, #tpu.memory_space<vmem>>, vector<16xf32>,
      tpu.vector_store %arg9[%swap3A_2914, %swap3A_2915], %get3A_2913 {strides = array<i32>} : memref<64x768xf32, #tpu.memory_space<vmem>>, vector<16xf32>,
      %jit3A_2917 = arith.constant 4 : i32
      %eq3A_2918 = arith.constant 0 : i32
      %eq3A_2919 = arith.cmpi eq, %jit3A_2917, %eq3A_2918 : i32
      %jit3A_2920 = arith.constant 1 : i32
      %select_n3A_2921 = arith.select %eq3A_2919, %jit3A_2920, %jit3A_2917 : i32
      %rem3A_2922 = arith.remsi %scan3A_2048, %select_n3A_2921 : i32
      %ne3A_2923 = arith.constant 0 : i32
      %ne3A_2924 = arith.cmpi ne, %rem3A_2922, %ne3A_2923 : i32
      %lt3A_2925 = arith.constant 0 : i32
      %lt3A_2926 = arith.cmpi slt, %rem3A_2922, %lt3A_2925 : i32
      %lt3A_2927 = arith.constant 0 : i32
      %lt3A_2928 = arith.cmpi slt, %select_n3A_2921, %lt3A_2927 : i32
      %ne3A_2929 = arith.xori %lt3A_2926, %lt3A_2928 : i1
      %and3A_2930 = arith.andi %ne3A_2929, %ne3A_2924 : i1
      %add3A_2931 = arith.addi %rem3A_2922, %select_n3A_2921 : i32
      %select_n3A_2932 = arith.select %and3A_2930, %add3A_2931, %rem3A_2922 : i32
      %get3A_2933 = arith.constant 1 : i32
      %get3A_2934 = arith.constant 13 : i32
      %get3A_2935 = arith.index_cast %select_n3A_2932 : i32 to index
      %get3A_2936 = arith.index_cast %get3A_2933 : i32 to index
      %get3A_2937 = arith.index_cast %get3A_2934 : i32 to index
      %get3A_2938 = arith.index_cast %mul3A_2162 : i32 to index
      %get3A_2939 = tpu.vector_load %arg8[%get3A_2935, %get3A_2936, %get3A_2937, %get3A_2938] {strides = array<i32>} : memref<4x3x16x128xf32, #tpu.memory_space<vmem>>, vector<16xf32>,
      %swap3A_2940 = arith.index_cast %scan3A_2048 : i32 to index
      %swap3A_2941 = arith.constant 464 : index
      %swap3A_2942 = tpu.vector_load %arg9[%swap3A_2940, %swap3A_2941] {strides = array<i32>} : memref<64x768xf32, #tpu.memory_space<vmem>>, vector<16xf32>,
      tpu.vector_store %arg9[%swap3A_2940, %swap3A_2941], %get3A_2939 {strides = array<i32>} : memref<64x768xf32, #tpu.memory_space<vmem>>, vector<16xf32>,
      %jit3A_2943 = arith.constant 4 : i32
      %eq3A_2944 = arith.constant 0 : i32
      %eq3A_2945 = arith.cmpi eq, %jit3A_2943, %eq3A_2944 : i32
      %jit3A_2946 = arith.constant 1 : i32
      %select_n3A_2947 = arith.select %eq3A_2945, %jit3A_2946, %jit3A_2943 : i32
      %rem3A_2948 = arith.remsi %scan3A_2048, %select_n3A_2947 : i32
      %ne3A_2949 = arith.constant 0 : i32
      %ne3A_2950 = arith.cmpi ne, %rem3A_2948, %ne3A_2949 : i32
      %lt3A_2951 = arith.constant 0 : i32
      %lt3A_2952 = arith.cmpi slt, %rem3A_2948, %lt3A_2951 : i32
      %lt3A_2953 = arith.constant 0 : i32
      %lt3A_2954 = arith.cmpi slt, %select_n3A_2947, %lt3A_2953 : i32
      %ne3A_2955 = arith.xori %lt3A_2952, %lt3A_2954 : i1
      %and3A_2956 = arith.andi %ne3A_2955, %ne3A_2950 : i1
      %add3A_2957 = arith.addi %rem3A_2948, %select_n3A_2947 : i32
      %select_n3A_2958 = arith.select %and3A_2956, %add3A_2957, %rem3A_2948 : i32
      %get3A_2959 = arith.constant 1 : i32
      %get3A_2960 = arith.constant 14 : i32
      %get3A_2961 = arith.index_cast %select_n3A_2958 : i32 to index
      %get3A_2962 = arith.index_cast %get3A_2959 : i32 to index
      %get3A_2963 = arith.index_cast %get3A_2960 : i32 to index
      %get3A_2964 = arith.index_cast %mul3A_2162 : i32 to index
      %get3A_2965 = tpu.vector_load %arg8[%get3A_2961, %get3A_2962, %get3A_2963, %get3A_2964] {strides = array<i32>} : memref<4x3x16x128xf32, #tpu.memory_space<vmem>>, vector<16xf32>,
      %swap3A_2966 = arith.index_cast %scan3A_2048 : i32 to index
      %swap3A_2967 = arith.constant 480 : index
      %swap3A_2968 = tpu.vector_load %arg9[%swap3A_2966, %swap3A_2967] {strides = array<i32>} : memref<64x768xf32, #tpu.memory_space<vmem>>, vector<16xf32>,
      tpu.vector_store %arg9[%swap3A_2966, %swap3A_2967], %get3A_2965 {strides = array<i32>} : memref<64x768xf32, #tpu.memory_space<vmem>>, vector<16xf32>,
      %jit3A_2969 = arith.constant 4 : i32
      %eq3A_2970 = arith.constant 0 : i32
      %eq3A_2971 = arith.cmpi eq, %jit3A_2969, %eq3A_2970 : i32
      %jit3A_2972 = arith.constant 1 : i32
      %select_n3A_2973 = arith.select %eq3A_2971, %jit3A_2972, %jit3A_2969 : i32
      %rem3A_2974 = arith.remsi %scan3A_2048, %select_n3A_2973 : i32
      %ne3A_2975 = arith.constant 0 : i32
      %ne3A_2976 = arith.cmpi ne, %rem3A_2974, %ne3A_2975 : i32
      %lt3A_2977 = arith.constant 0 : i32
      %lt3A_2978 = arith.cmpi slt, %rem3A_2974, %lt3A_2977 : i32
      %lt3A_2979 = arith.constant 0 : i32
      %lt3A_2980 = arith.cmpi slt, %select_n3A_2973, %lt3A_2979 : i32
      %ne3A_2981 = arith.xori %lt3A_2978, %lt3A_2980 : i1
      %and3A_2982 = arith.andi %ne3A_2981, %ne3A_2976 : i1
      %add3A_2983 = arith.addi %rem3A_2974, %select_n3A_2973 : i32
      %select_n3A_2984 = arith.select %and3A_2982, %add3A_2983, %rem3A_2974 : i32
      %get3A_2985 = arith.constant 1 : i32
      %get3A_2986 = arith.constant 15 : i32
      %get3A_2987 = arith.index_cast %select_n3A_2984 : i32 to index
      %get3A_2988 = arith.index_cast %get3A_2985 : i32 to index
      %get3A_2989 = arith.index_cast %get3A_2986 : i32 to index
      %get3A_2990 = arith.index_cast %mul3A_2162 : i32 to index
      %get3A_2991 = tpu.vector_load %arg8[%get3A_2987, %get3A_2988, %get3A_2989, %get3A_2990] {strides = array<i32>} : memref<4x3x16x128xf32, #tpu.memory_space<vmem>>, vector<16xf32>,
      %swap3A_2992 = arith.index_cast %scan3A_2048 : i32 to index
      %swap3A_2993 = arith.constant 496 : index
      %swap3A_2994 = tpu.vector_load %arg9[%swap3A_2992, %swap3A_2993] {strides = array<i32>} : memref<64x768xf32, #tpu.memory_space<vmem>>, vector<16xf32>,
      tpu.vector_store %arg9[%swap3A_2992, %swap3A_2993], %get3A_2991 {strides = array<i32>} : memref<64x768xf32, #tpu.memory_space<vmem>>, vector<16xf32>,
      %jit3A_2995 = arith.constant 4 : i32
      %eq3A_2996 = arith.constant 0 : i32
      %eq3A_2997 = arith.cmpi eq, %jit3A_2995, %eq3A_2996 : i32
      %jit3A_2998 = arith.constant 1 : i32
      %select_n3A_2999 = arith.select %eq3A_2997, %jit3A_2998, %jit3A_2995 : i32
      %rem3A_3000 = arith.remsi %scan3A_2048, %select_n3A_2999 : i32
      %ne3A_3001 = arith.constant 0 : i32
      %ne3A_3002 = arith.cmpi ne, %rem3A_3000, %ne3A_3001 : i32
      %lt3A_3003 = arith.constant 0 : i32
      %lt3A_3004 = arith.cmpi slt, %rem3A_3000, %lt3A_3003 : i32
      %lt3A_3005 = arith.constant 0 : i32
      %lt3A_3006 = arith.cmpi slt, %select_n3A_2999, %lt3A_3005 : i32
      %ne3A_3007 = arith.xori %lt3A_3004, %lt3A_3006 : i1
      %and3A_3008 = arith.andi %ne3A_3007, %ne3A_3002 : i1
      %add3A_3009 = arith.addi %rem3A_3000, %select_n3A_2999 : i32
      %select_n3A_3010 = arith.select %and3A_3008, %add3A_3009, %rem3A_3000 : i32
      %get3A_3011 = arith.constant 2 : i32
      %get3A_3012 = arith.constant 0 : i32
      %get3A_3013 = arith.index_cast %select_n3A_3010 : i32 to index
      %get3A_3014 = arith.index_cast %get3A_3011 : i32 to index
      %get3A_3015 = arith.index_cast %get3A_3012 : i32 to index
      %get3A_3016 = arith.index_cast %mul3A_2162 : i32 to index
      %get3A_3017 = tpu.vector_load %arg8[%get3A_3013, %get3A_3014, %get3A_3015, %get3A_3016] {strides = array<i32>} : memref<4x3x16x128xf32, #tpu.memory_space<vmem>>, vector<16xf32>,
      %swap3A_3018 = arith.index_cast %scan3A_2048 : i32 to index
      %swap3A_3019 = arith.constant 512 : index
      %swap3A_3020 = tpu.vector_load %arg9[%swap3A_3018, %swap3A_3019] {strides = array<i32>} : memref<64x768xf32, #tpu.memory_space<vmem>>, vector<16xf32>,
      tpu.vector_store %arg9[%swap3A_3018, %swap3A_3019], %get3A_3017 {strides = array<i32>} : memref<64x768xf32, #tpu.memory_space<vmem>>, vector<16xf32>,
      %jit3A_3021 = arith.constant 4 : i32
      %eq3A_3022 = arith.constant 0 : i32
      %eq3A_3023 = arith.cmpi eq, %jit3A_3021, %eq3A_3022 : i32
      %jit3A_3024 = arith.constant 1 : i32
      %select_n3A_3025 = arith.select %eq3A_3023, %jit3A_3024, %jit3A_3021 : i32
      %rem3A_3026 = arith.remsi %scan3A_2048, %select_n3A_3025 : i32
      %ne3A_3027 = arith.constant 0 : i32
      %ne3A_3028 = arith.cmpi ne, %rem3A_3026, %ne3A_3027 : i32
      %lt3A_3029 = arith.constant 0 : i32
      %lt3A_3030 = arith.cmpi slt, %rem3A_3026, %lt3A_3029 : i32
      %lt3A_3031 = arith.constant 0 : i32
      %lt3A_3032 = arith.cmpi slt, %select_n3A_3025, %lt3A_3031 : i32
      %ne3A_3033 = arith.xori %lt3A_3030, %lt3A_3032 : i1
      %and3A_3034 = arith.andi %ne3A_3033, %ne3A_3028 : i1
      %add3A_3035 = arith.addi %rem3A_3026, %select_n3A_3025 : i32
      %select_n3A_3036 = arith.select %and3A_3034, %add3A_3035, %rem3A_3026 : i32
      %get3A_3037 = arith.constant 2 : i32
      %get3A_3038 = arith.constant 1 : i32
      %get3A_3039 = arith.index_cast %select_n3A_3036 : i32 to index
      %get3A_3040 = arith.index_cast %get3A_3037 : i32 to index
      %get3A_3041 = arith.index_cast %get3A_3038 : i32 to index
      %get3A_3042 = arith.index_cast %mul3A_2162 : i32 to index
      %get3A_3043 = tpu.vector_load %arg8[%get3A_3039, %get3A_3040, %get3A_3041, %get3A_3042] {strides = array<i32>} : memref<4x3x16x128xf32, #tpu.memory_space<vmem>>, vector<16xf32>,
      %swap3A_3044 = arith.index_cast %scan3A_2048 : i32 to index
      %swap3A_3045 = arith.constant 528 : index
      %swap3A_3046 = tpu.vector_load %arg9[%swap3A_3044, %swap3A_3045] {strides = array<i32>} : memref<64x768xf32, #tpu.memory_space<vmem>>, vector<16xf32>,
      tpu.vector_store %arg9[%swap3A_3044, %swap3A_3045], %get3A_3043 {strides = array<i32>} : memref<64x768xf32, #tpu.memory_space<vmem>>, vector<16xf32>,
      %jit3A_3047 = arith.constant 4 : i32
      %eq3A_3048 = arith.constant 0 : i32
      %eq3A_3049 = arith.cmpi eq, %jit3A_3047, %eq3A_3048 : i32
      %jit3A_3050 = arith.constant 1 : i32
      %select_n3A_3051 = arith.select %eq3A_3049, %jit3A_3050, %jit3A_3047 : i32
      %rem3A_3052 = arith.remsi %scan3A_2048, %select_n3A_3051 : i32
      %ne3A_3053 = arith.constant 0 : i32
      %ne3A_3054 = arith.cmpi ne, %rem3A_3052, %ne3A_3053 : i32
      %lt3A_3055 = arith.constant 0 : i32
      %lt3A_3056 = arith.cmpi slt, %rem3A_3052, %lt3A_3055 : i32
      %lt3A_3057 = arith.constant 0 : i32
      %lt3A_3058 = arith.cmpi slt, %select_n3A_3051, %lt3A_3057 : i32
      %ne3A_3059 = arith.xori %lt3A_3056, %lt3A_3058 : i1
      %and3A_3060 = arith.andi %ne3A_3059, %ne3A_3054 : i1
      %add3A_3061 = arith.addi %rem3A_3052, %select_n3A_3051 : i32
      %select_n3A_3062 = arith.select %and3A_3060, %add3A_3061, %rem3A_3052 : i32
      %get3A_3063 = arith.constant 2 : i32
      %get3A_3064 = arith.constant 2 : i32
      %get3A_3065 = arith.index_cast %select_n3A_3062 : i32 to index
      %get3A_3066 = arith.index_cast %get3A_3063 : i32 to index
      %get3A_3067 = arith.index_cast %get3A_3064 : i32 to index
      %get3A_3068 = arith.index_cast %mul3A_2162 : i32 to index
      %get3A_3069 = tpu.vector_load %arg8[%get3A_3065, %get3A_3066, %get3A_3067, %get3A_3068] {strides = array<i32>} : memref<4x3x16x128xf32, #tpu.memory_space<vmem>>, vector<16xf32>,
      %swap3A_3070 = arith.index_cast %scan3A_2048 : i32 to index
      %swap3A_3071 = arith.constant 544 : index
      %swap3A_3072 = tpu.vector_load %arg9[%swap3A_3070, %swap3A_3071] {strides = array<i32>} : memref<64x768xf32, #tpu.memory_space<vmem>>, vector<16xf32>,
      tpu.vector_store %arg9[%swap3A_3070, %swap3A_3071], %get3A_3069 {strides = array<i32>} : memref<64x768xf32, #tpu.memory_space<vmem>>, vector<16xf32>,
      %jit3A_3073 = arith.constant 4 : i32
      %eq3A_3074 = arith.constant 0 : i32
      %eq3A_3075 = arith.cmpi eq, %jit3A_3073, %eq3A_3074 : i32
      %jit3A_3076 = arith.constant 1 : i32
      %select_n3A_3077 = arith.select %eq3A_3075, %jit3A_3076, %jit3A_3073 : i32
      %rem3A_3078 = arith.remsi %scan3A_2048, %select_n3A_3077 : i32
      %ne3A_3079 = arith.constant 0 : i32
      %ne3A_3080 = arith.cmpi ne, %rem3A_3078, %ne3A_3079 : i32
      %lt3A_3081 = arith.constant 0 : i32
      %lt3A_3082 = arith.cmpi slt, %rem3A_3078, %lt3A_3081 : i32
      %lt3A_3083 = arith.constant 0 : i32
      %lt3A_3084 = arith.cmpi slt, %select_n3A_3077, %lt3A_3083 : i32
      %ne3A_3085 = arith.xori %lt3A_3082, %lt3A_3084 : i1
      %and3A_3086 = arith.andi %ne3A_3085, %ne3A_3080 : i1
      %add3A_3087 = arith.addi %rem3A_3078, %select_n3A_3077 : i32
      %select_n3A_3088 = arith.select %and3A_3086, %add3A_3087, %rem3A_3078 : i32
      %get3A_3089 = arith.constant 2 : i32
      %get3A_3090 = arith.constant 3 : i32
      %get3A_3091 = arith.index_cast %select_n3A_3088 : i32 to index
      %get3A_3092 = arith.index_cast %get3A_3089 : i32 to index
      %get3A_3093 = arith.index_cast %get3A_3090 : i32 to index
      %get3A_3094 = arith.index_cast %mul3A_2162 : i32 to index
      %get3A_3095 = tpu.vector_load %arg8[%get3A_3091, %get3A_3092, %get3A_3093, %get3A_3094] {strides = array<i32>} : memref<4x3x16x128xf32, #tpu.memory_space<vmem>>, vector<16xf32>,
      %swap3A_3096 = arith.index_cast %scan3A_2048 : i32 to index
      %swap3A_3097 = arith.constant 560 : index
      %swap3A_3098 = tpu.vector_load %arg9[%swap3A_3096, %swap3A_3097] {strides = array<i32>} : memref<64x768xf32, #tpu.memory_space<vmem>>, vector<16xf32>,
      tpu.vector_store %arg9[%swap3A_3096, %swap3A_3097], %get3A_3095 {strides = array<i32>} : memref<64x768xf32, #tpu.memory_space<vmem>>, vector<16xf32>,
      %jit3A_3099 = arith.constant 4 : i32
      %eq3A_3100 = arith.constant 0 : i32
      %eq3A_3101 = arith.cmpi eq, %jit3A_3099, %eq3A_3100 : i32
      %jit3A_3102 = arith.constant 1 : i32
      %select_n3A_3103 = arith.select %eq3A_3101, %jit3A_3102, %jit3A_3099 : i32
      %rem3A_3104 = arith.remsi %scan3A_2048, %select_n3A_3103 : i32
      %ne3A_3105 = arith.constant 0 : i32
      %ne3A_3106 = arith.cmpi ne, %rem3A_3104, %ne3A_3105 : i32
      %lt3A_3107 = arith.constant 0 : i32
      %lt3A_3108 = arith.cmpi slt, %rem3A_3104, %lt3A_3107 : i32
      %lt3A_3109 = arith.constant 0 : i32
      %lt3A_3110 = arith.cmpi slt, %select_n3A_3103, %lt3A_3109 : i32
      %ne3A_3111 = arith.xori %lt3A_3108, %lt3A_3110 : i1
      %and3A_3112 = arith.andi %ne3A_3111, %ne3A_3106 : i1
      %add3A_3113 = arith.addi %rem3A_3104, %select_n3A_3103 : i32
      %select_n3A_3114 = arith.select %and3A_3112, %add3A_3113, %rem3A_3104 : i32
      %get3A_3115 = arith.constant 2 : i32
      %get3A_3116 = arith.constant 4 : i32
      %get3A_3117 = arith.index_cast %select_n3A_3114 : i32 to index
      %get3A_3118 = arith.index_cast %get3A_3115 : i32 to index
      %get3A_3119 = arith.index_cast %get3A_3116 : i32 to index
      %get3A_3120 = arith.index_cast %mul3A_2162 : i32 to index
      %get3A_3121 = tpu.vector_load %arg8[%get3A_3117, %get3A_3118, %get3A_3119, %get3A_3120] {strides = array<i32>} : memref<4x3x16x128xf32, #tpu.memory_space<vmem>>, vector<16xf32>,
      %swap3A_3122 = arith.index_cast %scan3A_2048 : i32 to index
      %swap3A_3123 = arith.constant 576 : index
      %swap3A_3124 = tpu.vector_load %arg9[%swap3A_3122, %swap3A_3123] {strides = array<i32>} : memref<64x768xf32, #tpu.memory_space<vmem>>, vector<16xf32>,
      tpu.vector_store %arg9[%swap3A_3122, %swap3A_3123], %get3A_3121 {strides = array<i32>} : memref<64x768xf32, #tpu.memory_space<vmem>>, vector<16xf32>,
      %jit3A_3125 = arith.constant 4 : i32
      %eq3A_3126 = arith.constant 0 : i32
      %eq3A_3127 = arith.cmpi eq, %jit3A_3125, %eq3A_3126 : i32
      %jit3A_3128 = arith.constant 1 : i32
      %select_n3A_3129 = arith.select %eq3A_3127, %jit3A_3128, %jit3A_3125 : i32
      %rem3A_3130 = arith.remsi %scan3A_2048, %select_n3A_3129 : i32
      %ne3A_3131 = arith.constant 0 : i32
      %ne3A_3132 = arith.cmpi ne, %rem3A_3130, %ne3A_3131 : i32
      %lt3A_3133 = arith.constant 0 : i32
      %lt3A_3134 = arith.cmpi slt, %rem3A_3130, %lt3A_3133 : i32
      %lt3A_3135 = arith.constant 0 : i32
      %lt3A_3136 = arith.cmpi slt, %select_n3A_3129, %lt3A_3135 : i32
      %ne3A_3137 = arith.xori %lt3A_3134, %lt3A_3136 : i1
      %and3A_3138 = arith.andi %ne3A_3137, %ne3A_3132 : i1
      %add3A_3139 = arith.addi %rem3A_3130, %select_n3A_3129 : i32
      %select_n3A_3140 = arith.select %and3A_3138, %add3A_3139, %rem3A_3130 : i32
      %get3A_3141 = arith.constant 2 : i32
      %get3A_3142 = arith.constant 5 : i32
      %get3A_3143 = arith.index_cast %select_n3A_3140 : i32 to index
      %get3A_3144 = arith.index_cast %get3A_3141 : i32 to index
      %get3A_3145 = arith.index_cast %get3A_3142 : i32 to index
      %get3A_3146 = arith.index_cast %mul3A_2162 : i32 to index
      %get3A_3147 = tpu.vector_load %arg8[%get3A_3143, %get3A_3144, %get3A_3145, %get3A_3146] {strides = array<i32>} : memref<4x3x16x128xf32, #tpu.memory_space<vmem>>, vector<16xf32>,
      %swap3A_3148 = arith.index_cast %scan3A_2048 : i32 to index
      %swap3A_3149 = arith.constant 592 : index
      %swap3A_3150 = tpu.vector_load %arg9[%swap3A_3148, %swap3A_3149] {strides = array<i32>} : memref<64x768xf32, #tpu.memory_space<vmem>>, vector<16xf32>,
      tpu.vector_store %arg9[%swap3A_3148, %swap3A_3149], %get3A_3147 {strides = array<i32>} : memref<64x768xf32, #tpu.memory_space<vmem>>, vector<16xf32>,
      %jit3A_3151 = arith.constant 4 : i32
      %eq3A_3152 = arith.constant 0 : i32
      %eq3A_3153 = arith.cmpi eq, %jit3A_3151, %eq3A_3152 : i32
      %jit3A_3154 = arith.constant 1 : i32
      %select_n3A_3155 = arith.select %eq3A_3153, %jit3A_3154, %jit3A_3151 : i32
      %rem3A_3156 = arith.remsi %scan3A_2048, %select_n3A_3155 : i32
      %ne3A_3157 = arith.constant 0 : i32
      %ne3A_3158 = arith.cmpi ne, %rem3A_3156, %ne3A_3157 : i32
      %lt3A_3159 = arith.constant 0 : i32
      %lt3A_3160 = arith.cmpi slt, %rem3A_3156, %lt3A_3159 : i32
      %lt3A_3161 = arith.constant 0 : i32
      %lt3A_3162 = arith.cmpi slt, %select_n3A_3155, %lt3A_3161 : i32
      %ne3A_3163 = arith.xori %lt3A_3160, %lt3A_3162 : i1
      %and3A_3164 = arith.andi %ne3A_3163, %ne3A_3158 : i1
      %add3A_3165 = arith.addi %rem3A_3156, %select_n3A_3155 : i32
      %select_n3A_3166 = arith.select %and3A_3164, %add3A_3165, %rem3A_3156 : i32
      %get3A_3167 = arith.constant 2 : i32
      %get3A_3168 = arith.constant 6 : i32
      %get3A_3169 = arith.index_cast %select_n3A_3166 : i32 to index
      %get3A_3170 = arith.index_cast %get3A_3167 : i32 to index
      %get3A_3171 = arith.index_cast %get3A_3168 : i32 to index
      %get3A_3172 = arith.index_cast %mul3A_2162 : i32 to index
      %get3A_3173 = tpu.vector_load %arg8[%get3A_3169, %get3A_3170, %get3A_3171, %get3A_3172] {strides = array<i32>} : memref<4x3x16x128xf32, #tpu.memory_space<vmem>>, vector<16xf32>,
      %swap3A_3174 = arith.index_cast %scan3A_2048 : i32 to index
      %swap3A_3175 = arith.constant 608 : index
      %swap3A_3176 = tpu.vector_load %arg9[%swap3A_3174, %swap3A_3175] {strides = array<i32>} : memref<64x768xf32, #tpu.memory_space<vmem>>, vector<16xf32>,
      tpu.vector_store %arg9[%swap3A_3174, %swap3A_3175], %get3A_3173 {strides = array<i32>} : memref<64x768xf32, #tpu.memory_space<vmem>>, vector<16xf32>,
      %jit3A_3177 = arith.constant 4 : i32
      %eq3A_3178 = arith.constant 0 : i32
      %eq3A_3179 = arith.cmpi eq, %jit3A_3177, %eq3A_3178 : i32
      %jit3A_3180 = arith.constant 1 : i32
      %select_n3A_3181 = arith.select %eq3A_3179, %jit3A_3180, %jit3A_3177 : i32
      %rem3A_3182 = arith.remsi %scan3A_2048, %select_n3A_3181 : i32
      %ne3A_3183 = arith.constant 0 : i32
      %ne3A_3184 = arith.cmpi ne, %rem3A_3182, %ne3A_3183 : i32
      %lt3A_3185 = arith.constant 0 : i32
      %lt3A_3186 = arith.cmpi slt, %rem3A_3182, %lt3A_3185 : i32
      %lt3A_3187 = arith.constant 0 : i32
      %lt3A_3188 = arith.cmpi slt, %select_n3A_3181, %lt3A_3187 : i32
      %ne3A_3189 = arith.xori %lt3A_3186, %lt3A_3188 : i1
      %and3A_3190 = arith.andi %ne3A_3189, %ne3A_3184 : i1
      %add3A_3191 = arith.addi %rem3A_3182, %select_n3A_3181 : i32
      %select_n3A_3192 = arith.select %and3A_3190, %add3A_3191, %rem3A_3182 : i32
      %get3A_3193 = arith.constant 2 : i32
      %get3A_3194 = arith.constant 7 : i32
      %get3A_3195 = arith.index_cast %select_n3A_3192 : i32 to index
      %get3A_3196 = arith.index_cast %get3A_3193 : i32 to index
      %get3A_3197 = arith.index_cast %get3A_3194 : i32 to index
      %get3A_3198 = arith.index_cast %mul3A_2162 : i32 to index
      %get3A_3199 = tpu.vector_load %arg8[%get3A_3195, %get3A_3196, %get3A_3197, %get3A_3198] {strides = array<i32>} : memref<4x3x16x128xf32, #tpu.memory_space<vmem>>, vector<16xf32>,
      %swap3A_3200 = arith.index_cast %scan3A_2048 : i32 to index
      %swap3A_3201 = arith.constant 624 : index
      %swap3A_3202 = tpu.vector_load %arg9[%swap3A_3200, %swap3A_3201] {strides = array<i32>} : memref<64x768xf32, #tpu.memory_space<vmem>>, vector<16xf32>,
      tpu.vector_store %arg9[%swap3A_3200, %swap3A_3201], %get3A_3199 {strides = array<i32>} : memref<64x768xf32, #tpu.memory_space<vmem>>, vector<16xf32>,
      %jit3A_3203 = arith.constant 4 : i32
      %eq3A_3204 = arith.constant 0 : i32
      %eq3A_3205 = arith.cmpi eq, %jit3A_3203, %eq3A_3204 : i32
      %jit3A_3206 = arith.constant 1 : i32
      %select_n3A_3207 = arith.select %eq3A_3205, %jit3A_3206, %jit3A_3203 : i32
      %rem3A_3208 = arith.remsi %scan3A_2048, %select_n3A_3207 : i32
      %ne3A_3209 = arith.constant 0 : i32
      %ne3A_3210 = arith.cmpi ne, %rem3A_3208, %ne3A_3209 : i32
      %lt3A_3211 = arith.constant 0 : i32
      %lt3A_3212 = arith.cmpi slt, %rem3A_3208, %lt3A_3211 : i32
      %lt3A_3213 = arith.constant 0 : i32
      %lt3A_3214 = arith.cmpi slt, %select_n3A_3207, %lt3A_3213 : i32
      %ne3A_3215 = arith.xori %lt3A_3212, %lt3A_3214 : i1
      %and3A_3216 = arith.andi %ne3A_3215, %ne3A_3210 : i1
      %add3A_3217 = arith.addi %rem3A_3208, %select_n3A_3207 : i32
      %select_n3A_3218 = arith.select %and3A_3216, %add3A_3217, %rem3A_3208 : i32
      %get3A_3219 = arith.constant 2 : i32
      %get3A_3220 = arith.constant 8 : i32
      %get3A_3221 = arith.index_cast %select_n3A_3218 : i32 to index
      %get3A_3222 = arith.index_cast %get3A_3219 : i32 to index
      %get3A_3223 = arith.index_cast %get3A_3220 : i32 to index
      %get3A_3224 = arith.index_cast %mul3A_2162 : i32 to index
      %get3A_3225 = tpu.vector_load %arg8[%get3A_3221, %get3A_3222, %get3A_3223, %get3A_3224] {strides = array<i32>} : memref<4x3x16x128xf32, #tpu.memory_space<vmem>>, vector<16xf32>,
      %swap3A_3226 = arith.index_cast %scan3A_2048 : i32 to index
      %swap3A_3227 = arith.constant 640 : index
      %swap3A_3228 = tpu.vector_load %arg9[%swap3A_3226, %swap3A_3227] {strides = array<i32>} : memref<64x768xf32, #tpu.memory_space<vmem>>, vector<16xf32>,
      tpu.vector_store %arg9[%swap3A_3226, %swap3A_3227], %get3A_3225 {strides = array<i32>} : memref<64x768xf32, #tpu.memory_space<vmem>>, vector<16xf32>,
      %jit3A_3229 = arith.constant 4 : i32
      %eq3A_3230 = arith.constant 0 : i32
      %eq3A_3231 = arith.cmpi eq, %jit3A_3229, %eq3A_3230 : i32
      %jit3A_3232 = arith.constant 1 : i32
      %select_n3A_3233 = arith.select %eq3A_3231, %jit3A_3232, %jit3A_3229 : i32
      %rem3A_3234 = arith.remsi %scan3A_2048, %select_n3A_3233 : i32
      %ne3A_3235 = arith.constant 0 : i32
      %ne3A_3236 = arith.cmpi ne, %rem3A_3234, %ne3A_3235 : i32
      %lt3A_3237 = arith.constant 0 : i32
      %lt3A_3238 = arith.cmpi slt, %rem3A_3234, %lt3A_3237 : i32
      %lt3A_3239 = arith.constant 0 : i32
      %lt3A_3240 = arith.cmpi slt, %select_n3A_3233, %lt3A_3239 : i32
      %ne3A_3241 = arith.xori %lt3A_3238, %lt3A_3240 : i1
      %and3A_3242 = arith.andi %ne3A_3241, %ne3A_3236 : i1
      %add3A_3243 = arith.addi %rem3A_3234, %select_n3A_3233 : i32
      %select_n3A_3244 = arith.select %and3A_3242, %add3A_3243, %rem3A_3234 : i32
      %get3A_3245 = arith.constant 2 : i32
      %get3A_3246 = arith.constant 9 : i32
      %get3A_3247 = arith.index_cast %select_n3A_3244 : i32 to index
      %get3A_3248 = arith.index_cast %get3A_3245 : i32 to index
      %get3A_3249 = arith.index_cast %get3A_3246 : i32 to index
      %get3A_3250 = arith.index_cast %mul3A_2162 : i32 to index
      %get3A_3251 = tpu.vector_load %arg8[%get3A_3247, %get3A_3248, %get3A_3249, %get3A_3250] {strides = array<i32>} : memref<4x3x16x128xf32, #tpu.memory_space<vmem>>, vector<16xf32>,
      %swap3A_3252 = arith.index_cast %scan3A_2048 : i32 to index
      %swap3A_3253 = arith.constant 656 : index
      %swap3A_3254 = tpu.vector_load %arg9[%swap3A_3252, %swap3A_3253] {strides = array<i32>} : memref<64x768xf32, #tpu.memory_space<vmem>>, vector<16xf32>,
      tpu.vector_store %arg9[%swap3A_3252, %swap3A_3253], %get3A_3251 {strides = array<i32>} : memref<64x768xf32, #tpu.memory_space<vmem>>, vector<16xf32>,
      %jit3A_3255 = arith.constant 4 : i32
      %eq3A_3256 = arith.constant 0 : i32
      %eq3A_3257 = arith.cmpi eq, %jit3A_3255, %eq3A_3256 : i32
      %jit3A_3258 = arith.constant 1 : i32
      %select_n3A_3259 = arith.select %eq3A_3257, %jit3A_3258, %jit3A_3255 : i32
      %rem3A_3260 = arith.remsi %scan3A_2048, %select_n3A_3259 : i32
      %ne3A_3261 = arith.constant 0 : i32
      %ne3A_3262 = arith.cmpi ne, %rem3A_3260, %ne3A_3261 : i32
      %lt3A_3263 = arith.constant 0 : i32
      %lt3A_3264 = arith.cmpi slt, %rem3A_3260, %lt3A_3263 : i32
      %lt3A_3265 = arith.constant 0 : i32
      %lt3A_3266 = arith.cmpi slt, %select_n3A_3259, %lt3A_3265 : i32
      %ne3A_3267 = arith.xori %lt3A_3264, %lt3A_3266 : i1
      %and3A_3268 = arith.andi %ne3A_3267, %ne3A_3262 : i1
      %add3A_3269 = arith.addi %rem3A_3260, %select_n3A_3259 : i32
      %select_n3A_3270 = arith.select %and3A_3268, %add3A_3269, %rem3A_3260 : i32
      %get3A_3271 = arith.constant 2 : i32
      %get3A_3272 = arith.constant 10 : i32
      %get3A_3273 = arith.index_cast %select_n3A_3270 : i32 to index
      %get3A_3274 = arith.index_cast %get3A_3271 : i32 to index
      %get3A_3275 = arith.index_cast %get3A_3272 : i32 to index
      %get3A_3276 = arith.index_cast %mul3A_2162 : i32 to index
      %get3A_3277 = tpu.vector_load %arg8[%get3A_3273, %get3A_3274, %get3A_3275, %get3A_3276] {strides = array<i32>} : memref<4x3x16x128xf32, #tpu.memory_space<vmem>>, vector<16xf32>,
      %swap3A_3278 = arith.index_cast %scan3A_2048 : i32 to index
      %swap3A_3279 = arith.constant 672 : index
      %swap3A_3280 = tpu.vector_load %arg9[%swap3A_3278, %swap3A_3279] {strides = array<i32>} : memref<64x768xf32, #tpu.memory_space<vmem>>, vector<16xf32>,
      tpu.vector_store %arg9[%swap3A_3278, %swap3A_3279], %get3A_3277 {strides = array<i32>} : memref<64x768xf32, #tpu.memory_space<vmem>>, vector<16xf32>,
      %jit3A_3281 = arith.constant 4 : i32
      %eq3A_3282 = arith.constant 0 : i32
      %eq3A_3283 = arith.cmpi eq, %jit3A_3281, %eq3A_3282 : i32
      %jit3A_3284 = arith.constant 1 : i32
      %select_n3A_3285 = arith.select %eq3A_3283, %jit3A_3284, %jit3A_3281 : i32
      %rem3A_3286 = arith.remsi %scan3A_2048, %select_n3A_3285 : i32
      %ne3A_3287 = arith.constant 0 : i32
      %ne3A_3288 = arith.cmpi ne, %rem3A_3286, %ne3A_3287 : i32
      %lt3A_3289 = arith.constant 0 : i32
      %lt3A_3290 = arith.cmpi slt, %rem3A_3286, %lt3A_3289 : i32
      %lt3A_3291 = arith.constant 0 : i32
      %lt3A_3292 = arith.cmpi slt, %select_n3A_3285, %lt3A_3291 : i32
      %ne3A_3293 = arith.xori %lt3A_3290, %lt3A_3292 : i1
      %and3A_3294 = arith.andi %ne3A_3293, %ne3A_3288 : i1
      %add3A_3295 = arith.addi %rem3A_3286, %select_n3A_3285 : i32
      %select_n3A_3296 = arith.select %and3A_3294, %add3A_3295, %rem3A_3286 : i32
      %get3A_3297 = arith.constant 2 : i32
      %get3A_3298 = arith.constant 11 : i32
      %get3A_3299 = arith.index_cast %select_n3A_3296 : i32 to index
      %get3A_3300 = arith.index_cast %get3A_3297 : i32 to index
      %get3A_3301 = arith.index_cast %get3A_3298 : i32 to index
      %get3A_3302 = arith.index_cast %mul3A_2162 : i32 to index
      %get3A_3303 = tpu.vector_load %arg8[%get3A_3299, %get3A_3300, %get3A_3301, %get3A_3302] {strides = array<i32>} : memref<4x3x16x128xf32, #tpu.memory_space<vmem>>, vector<16xf32>,
      %swap3A_3304 = arith.index_cast %scan3A_2048 : i32 to index
      %swap3A_3305 = arith.constant 688 : index
      %swap3A_3306 = tpu.vector_load %arg9[%swap3A_3304, %swap3A_3305] {strides = array<i32>} : memref<64x768xf32, #tpu.memory_space<vmem>>, vector<16xf32>,
      tpu.vector_store %arg9[%swap3A_3304, %swap3A_3305], %get3A_3303 {strides = array<i32>} : memref<64x768xf32, #tpu.memory_space<vmem>>, vector<16xf32>,
      %jit3A_3307 = arith.constant 4 : i32
      %eq3A_3308 = arith.constant 0 : i32
      %eq3A_3309 = arith.cmpi eq, %jit3A_3307, %eq3A_3308 : i32
      %jit3A_3310 = arith.constant 1 : i32
      %select_n3A_3311 = arith.select %eq3A_3309, %jit3A_3310, %jit3A_3307 : i32
      %rem3A_3312 = arith.remsi %scan3A_2048, %select_n3A_3311 : i32
      %ne3A_3313 = arith.constant 0 : i32
      %ne3A_3314 = arith.cmpi ne, %rem3A_3312, %ne3A_3313 : i32
      %lt3A_3315 = arith.constant 0 : i32
      %lt3A_3316 = arith.cmpi slt, %rem3A_3312, %lt3A_3315 : i32
      %lt3A_3317 = arith.constant 0 : i32
      %lt3A_3318 = arith.cmpi slt, %select_n3A_3311, %lt3A_3317 : i32
      %ne3A_3319 = arith.xori %lt3A_3316, %lt3A_3318 : i1
      %and3A_3320 = arith.andi %ne3A_3319, %ne3A_3314 : i1
      %add3A_3321 = arith.addi %rem3A_3312, %select_n3A_3311 : i32
      %select_n3A_3322 = arith.select %and3A_3320, %add3A_3321, %rem3A_3312 : i32
      %get3A_3323 = arith.constant 2 : i32
      %get3A_3324 = arith.constant 12 : i32
      %get3A_3325 = arith.index_cast %select_n3A_3322 : i32 to index
      %get3A_3326 = arith.index_cast %get3A_3323 : i32 to index
      %get3A_3327 = arith.index_cast %get3A_3324 : i32 to index
      %get3A_3328 = arith.index_cast %mul3A_2162 : i32 to index
      %get3A_3329 = tpu.vector_load %arg8[%get3A_3325, %get3A_3326, %get3A_3327, %get3A_3328] {strides = array<i32>} : memref<4x3x16x128xf32, #tpu.memory_space<vmem>>, vector<16xf32>,
      %swap3A_3330 = arith.index_cast %scan3A_2048 : i32 to index
      %swap3A_3331 = arith.constant 704 : index
      %swap3A_3332 = tpu.vector_load %arg9[%swap3A_3330, %swap3A_3331] {strides = array<i32>} : memref<64x768xf32, #tpu.memory_space<vmem>>, vector<16xf32>,
      tpu.vector_store %arg9[%swap3A_3330, %swap3A_3331], %get3A_3329 {strides = array<i32>} : memref<64x768xf32, #tpu.memory_space<vmem>>, vector<16xf32>,
      %jit3A_3333 = arith.constant 4 : i32
      %eq3A_3334 = arith.constant 0 : i32
      %eq3A_3335 = arith.cmpi eq, %jit3A_3333, %eq3A_3334 : i32
      %jit3A_3336 = arith.constant 1 : i32
      %select_n3A_3337 = arith.select %eq3A_3335, %jit3A_3336, %jit3A_3333 : i32
      %rem3A_3338 = arith.remsi %scan3A_2048, %select_n3A_3337 : i32
      %ne3A_3339 = arith.constant 0 : i32
      %ne3A_3340 = arith.cmpi ne, %rem3A_3338, %ne3A_3339 : i32
      %lt3A_3341 = arith.constant 0 : i32
      %lt3A_3342 = arith.cmpi slt, %rem3A_3338, %lt3A_3341 : i32
      %lt3A_3343 = arith.constant 0 : i32
      %lt3A_3344 = arith.cmpi slt, %select_n3A_3337, %lt3A_3343 : i32
      %ne3A_3345 = arith.xori %lt3A_3342, %lt3A_3344 : i1
      %and3A_3346 = arith.andi %ne3A_3345, %ne3A_3340 : i1
      %add3A_3347 = arith.addi %rem3A_3338, %select_n3A_3337 : i32
      %select_n3A_3348 = arith.select %and3A_3346, %add3A_3347, %rem3A_3338 : i32
      %get3A_3349 = arith.constant 2 : i32
      %get3A_3350 = arith.constant 13 : i32
      %get3A_3351 = arith.index_cast %select_n3A_3348 : i32 to index
      %get3A_3352 = arith.index_cast %get3A_3349 : i32 to index
      %get3A_3353 = arith.index_cast %get3A_3350 : i32 to index
      %get3A_3354 = arith.index_cast %mul3A_2162 : i32 to index
      %get3A_3355 = tpu.vector_load %arg8[%get3A_3351, %get3A_3352, %get3A_3353, %get3A_3354] {strides = array<i32>} : memref<4x3x16x128xf32, #tpu.memory_space<vmem>>, vector<16xf32>,
      %swap3A_3356 = arith.index_cast %scan3A_2048 : i32 to index
      %swap3A_3357 = arith.constant 720 : index
      %swap3A_3358 = tpu.vector_load %arg9[%swap3A_3356, %swap3A_3357] {strides = array<i32>} : memref<64x768xf32, #tpu.memory_space<vmem>>, vector<16xf32>,
      tpu.vector_store %arg9[%swap3A_3356, %swap3A_3357], %get3A_3355 {strides = array<i32>} : memref<64x768xf32, #tpu.memory_space<vmem>>, vector<16xf32>,
      %jit3A_3359 = arith.constant 4 : i32
      %eq3A_3360 = arith.constant 0 : i32
      %eq3A_3361 = arith.cmpi eq, %jit3A_3359, %eq3A_3360 : i32
      %jit3A_3362 = arith.constant 1 : i32
      %select_n3A_3363 = arith.select %eq3A_3361, %jit3A_3362, %jit3A_3359 : i32
      %rem3A_3364 = arith.remsi %scan3A_2048, %select_n3A_3363 : i32
      %ne3A_3365 = arith.constant 0 : i32
      %ne3A_3366 = arith.cmpi ne, %rem3A_3364, %ne3A_3365 : i32
      %lt3A_3367 = arith.constant 0 : i32
      %lt3A_3368 = arith.cmpi slt, %rem3A_3364, %lt3A_3367 : i32
      %lt3A_3369 = arith.constant 0 : i32
      %lt3A_3370 = arith.cmpi slt, %select_n3A_3363, %lt3A_3369 : i32
      %ne3A_3371 = arith.xori %lt3A_3368, %lt3A_3370 : i1
      %and3A_3372 = arith.andi %ne3A_3371, %ne3A_3366 : i1
      %add3A_3373 = arith.addi %rem3A_3364, %select_n3A_3363 : i32
      %select_n3A_3374 = arith.select %and3A_3372, %add3A_3373, %rem3A_3364 : i32
      %get3A_3375 = arith.constant 2 : i32
      %get3A_3376 = arith.constant 14 : i32
      %get3A_3377 = arith.index_cast %select_n3A_3374 : i32 to index
      %get3A_3378 = arith.index_cast %get3A_3375 : i32 to index
      %get3A_3379 = arith.index_cast %get3A_3376 : i32 to index
      %get3A_3380 = arith.index_cast %mul3A_2162 : i32 to index
      %get3A_3381 = tpu.vector_load %arg8[%get3A_3377, %get3A_3378, %get3A_3379, %get3A_3380] {strides = array<i32>} : memref<4x3x16x128xf32, #tpu.memory_space<vmem>>, vector<16xf32>,
      %swap3A_3382 = arith.index_cast %scan3A_2048 : i32 to index
      %swap3A_3383 = arith.constant 736 : index
      %swap3A_3384 = tpu.vector_load %arg9[%swap3A_3382, %swap3A_3383] {strides = array<i32>} : memref<64x768xf32, #tpu.memory_space<vmem>>, vector<16xf32>,
      tpu.vector_store %arg9[%swap3A_3382, %swap3A_3383], %get3A_3381 {strides = array<i32>} : memref<64x768xf32, #tpu.memory_space<vmem>>, vector<16xf32>,
      %jit3A_3385 = arith.constant 4 : i32
      %eq3A_3386 = arith.constant 0 : i32
      %eq3A_3387 = arith.cmpi eq, %jit3A_3385, %eq3A_3386 : i32
      %jit3A_3388 = arith.constant 1 : i32
      %select_n3A_3389 = arith.select %eq3A_3387, %jit3A_3388, %jit3A_3385 : i32
      %rem3A_3390 = arith.remsi %scan3A_2048, %select_n3A_3389 : i32
      %ne3A_3391 = arith.constant 0 : i32
      %ne3A_3392 = arith.cmpi ne, %rem3A_3390, %ne3A_3391 : i32
      %lt3A_3393 = arith.constant 0 : i32
      %lt3A_3394 = arith.cmpi slt, %rem3A_3390, %lt3A_3393 : i32
      %lt3A_3395 = arith.constant 0 : i32
      %lt3A_3396 = arith.cmpi slt, %select_n3A_3389, %lt3A_3395 : i32
      %ne3A_3397 = arith.xori %lt3A_3394, %lt3A_3396 : i1
      %and3A_3398 = arith.andi %ne3A_3397, %ne3A_3392 : i1
      %add3A_3399 = arith.addi %rem3A_3390, %select_n3A_3389 : i32
      %select_n3A_3400 = arith.select %and3A_3398, %add3A_3399, %rem3A_3390 : i32
      %get3A_3401 = arith.constant 2 : i32
      %get3A_3402 = arith.constant 15 : i32
      %get3A_3403 = arith.index_cast %select_n3A_3400 : i32 to index
      %get3A_3404 = arith.index_cast %get3A_3401 : i32 to index
      %get3A_3405 = arith.index_cast %get3A_3402 : i32 to index
      %get3A_3406 = arith.index_cast %mul3A_2162 : i32 to index
      %get3A_3407 = tpu.vector_load %arg8[%get3A_3403, %get3A_3404, %get3A_3405, %get3A_3406] {strides = array<i32>} : memref<4x3x16x128xf32, #tpu.memory_space<vmem>>, vector<16xf32>,
      %swap3A_3408 = arith.index_cast %scan3A_2048 : i32 to index
      %swap3A_3409 = arith.constant 752 : index
      %swap3A_3410 = tpu.vector_load %arg9[%swap3A_3408, %swap3A_3409] {strides = array<i32>} : memref<64x768xf32, #tpu.memory_space<vmem>>, vector<16xf32>,
      tpu.vector_store %arg9[%swap3A_3408, %swap3A_3409], %get3A_3407 {strides = array<i32>} : memref<64x768xf32, #tpu.memory_space<vmem>>, vector<16xf32>,
      scf.yield %scan3A_2050, %scan3A_2051, %reduce_sum3A_2071 : i32, i32, i32
    }
    %scan3A_1957 = arith.constant 64 : i32
    %shift_right_logical3A_1958 = arith.constant 5 : i32
    %shift_right_logical3A_1959 = arith.shrui %scan3A_1956#0, %shift_right_logical3A_1958 : i32
    %and3A_1960 = arith.constant 31 : i32
    %and3A_1961 = arith.andi %scan3A_1956#0, %and3A_1960 : i32
    %mul3A_1962 = arith.constant 16 : i32
    %mul3A_1963 = arith.muli %shift_right_logical3A_1959, %mul3A_1962 : i32
    %shift_right_logical3A_1964 = arith.constant 3 : i32
    %shift_right_logical3A_1965 = arith.shrui %and3A_1961, %shift_right_logical3A_1964 : i32
    %mul3A_1966 = arith.constant 128 : i32
    %mul3A_1967 = arith.muli %shift_right_logical3A_1965, %mul3A_1966 : i32
    %dma_wait3A = arith.constant 0 : i32
    %dma_wait3A_1968 = arith.constant 0 : i32
    %dma_wait3A_1969 = arith.constant 0 : i32
    %dma_wait3A_1970 = arith.constant 0 : i32
    %dma_wait3A_1971 = arith.constant 0 : i32
    %dma_wait3A_1972 = tpu.memref_slice %arg8[%dma_wait3A, %dma_wait3A_1969, %dma_wait3A_1970, %dma_wait3A_1971] : memref<4x3x16x128xf32, #tpu.memory_space<vmem>> -> memref<1x3x16x128xf32, #tpu.memory_space<vmem>>
    %dma_wait3A_1973 = tpu.memref_squeeze %dma_wait3A_1972 : memref<1x3x16x128xf32, #tpu.memory_space<vmem>> -> memref<3x16x128xf32, #tpu.memory_space<vmem>>
    %dma_wait3A_1974 = arith.constant 0 : i32
    %dma_wait3A_1975 = tpu.memref_slice %arg2[%add3A, %dma_wait3A_1974, %mul3A_1963, %mul3A_1967] : memref<32x3x512x512xf32, #tpu.memory_space<hbm>> -> memref<1x3x16x128xf32, #tpu.memory_space<hbm>>
    %dma_wait3A_1976 = tpu.memref_squeeze %dma_wait3A_1975 : memref<1x3x16x128xf32, #tpu.memory_space<hbm>> -> memref<3x16x128xf32, #tpu.memory_space<hbm>>
    %dma_wait3A_1977 = tpu.memref_slice %arg10[%dma_wait3A_1968] : memref<4x!tpu.dma_semaphore, #tpu.memory_space<semaphore_mem>> -> memref<1x!tpu.dma_semaphore, #tpu.memory_space<semaphore_mem>>
    %dma_wait3A_1978 = tpu.memref_squeeze %dma_wait3A_1977 : memref<1x!tpu.dma_semaphore, #tpu.memory_space<semaphore_mem>> -> memref<!tpu.dma_semaphore, #tpu.memory_space<semaphore_mem>>
    %dma_wait3A_1979 = arith.constant 0 : i32
    %dma_wait3A_1980 = arith.constant 0 : i32
    %dma_wait3A_1981 = arith.constant 0 : i32
    %dma_wait3A_1982 = tpu.memref_slice %arg8[%dma_wait3A, %dma_wait3A_1979, %dma_wait3A_1980, %dma_wait3A_1981] : memref<4x3x16x128xf32, #tpu.memory_space<vmem>> -> memref<1x3x16x128xf32, #tpu.memory_space<vmem>>
    %dma_wait3A_1983 = tpu.memref_squeeze %dma_wait3A_1982 : memref<1x3x16x128xf32, #tpu.memory_space<vmem>> -> memref<3x16x128xf32, #tpu.memory_space<vmem>>
    %dma_wait3A_1984 = arith.constant 0 : i32
    %dma_wait3A_1985 = tpu.memref_slice %arg2[%add3A, %dma_wait3A_1984, %mul3A_1963, %mul3A_1967] : memref<32x3x512x512xf32, #tpu.memory_space<hbm>> -> memref<1x3x16x128xf32, #tpu.memory_space<hbm>>
    %dma_wait3A_1986 = tpu.memref_squeeze %dma_wait3A_1985 : memref<1x3x16x128xf32, #tpu.memory_space<hbm>> -> memref<3x16x128xf32, #tpu.memory_space<hbm>>
    tpu.wait_dma2 semaphore(%dma_wait3A_1978 : memref<!tpu.dma_semaphore, #tpu.memory_space<semaphore_mem>>) src(%dma_wait3A_1986 : memref<3x16x128xf32, #tpu.memory_space<hbm>>) dst(%dma_wait3A_1983 : memref<3x16x128xf32, #tpu.memory_space<vmem>>)
    %shift_right_logical3A_1987 = arith.constant 5 : i32
    %shift_right_logical3A_1988 = arith.shrui %scan3A_1956#1, %shift_right_logical3A_1987 : i32
    %and3A_1989 = arith.constant 31 : i32
    %and3A_1990 = arith.andi %scan3A_1956#1, %and3A_1989 : i32
    %mul3A_1991 = arith.constant 16 : i32
    %mul3A_1992 = arith.muli %shift_right_logical3A_1988, %mul3A_1991 : i32
    %shift_right_logical3A_1993 = arith.constant 3 : i32
    %shift_right_logical3A_1994 = arith.shrui %and3A_1990, %shift_right_logical3A_1993 : i32
    %mul3A_1995 = arith.constant 128 : i32
    %mul3A_1996 = arith.muli %shift_right_logical3A_1994, %mul3A_1995 : i32
    %dma_wait3A_1997 = arith.constant 1 : i32
    %dma_wait3A_1998 = arith.constant 1 : i32
    %dma_wait3A_1999 = arith.constant 0 : i32
    %dma_wait3A_2000 = arith.constant 0 : i32
    %dma_wait3A_2001 = arith.constant 0 : i32
    %dma_wait3A_2002 = tpu.memref_slice %arg8[%dma_wait3A_1997, %dma_wait3A_1999, %dma_wait3A_2000, %dma_wait3A_2001] : memref<4x3x16x128xf32, #tpu.memory_space<vmem>> -> memref<1x3x16x128xf32, #tpu.memory_space<vmem>>
    %dma_wait3A_2003 = tpu.memref_squeeze %dma_wait3A_2002 : memref<1x3x16x128xf32, #tpu.memory_space<vmem>> -> memref<3x16x128xf32, #tpu.memory_space<vmem>>
    %dma_wait3A_2004 = arith.constant 0 : i32
    %dma_wait3A_2005 = tpu.memref_slice %arg2[%add3A, %dma_wait3A_2004, %mul3A_1992, %mul3A_1996] : memref<32x3x512x512xf32, #tpu.memory_space<hbm>> -> memref<1x3x16x128xf32, #tpu.memory_space<hbm>>
    %dma_wait3A_2006 = tpu.memref_squeeze %dma_wait3A_2005 : memref<1x3x16x128xf32, #tpu.memory_space<hbm>> -> memref<3x16x128xf32, #tpu.memory_space<hbm>>
    %dma_wait3A_2007 = tpu.memref_slice %arg10[%dma_wait3A_1998] : memref<4x!tpu.dma_semaphore, #tpu.memory_space<semaphore_mem>> -> memref<1x!tpu.dma_semaphore, #tpu.memory_space<semaphore_mem>>
    %dma_wait3A_2008 = tpu.memref_squeeze %dma_wait3A_2007 : memref<1x!tpu.dma_semaphore, #tpu.memory_space<semaphore_mem>> -> memref<!tpu.dma_semaphore, #tpu.memory_space<semaphore_mem>>
    %dma_wait3A_2009 = arith.constant 0 : i32
    %dma_wait3A_2010 = arith.constant 0 : i32
    %dma_wait3A_2011 = arith.constant 0 : i32
    %dma_wait3A_2012 = tpu.memref_slice %arg8[%dma_wait3A_1997, %dma_wait3A_2009, %dma_wait3A_2010, %dma_wait3A_2011] : memref<4x3x16x128xf32, #tpu.memory_space<vmem>> -> memref<1x3x16x128xf32, #tpu.memory_space<vmem>>
    %dma_wait3A_2013 = tpu.memref_squeeze %dma_wait3A_2012 : memref<1x3x16x128xf32, #tpu.memory_space<vmem>> -> memref<3x16x128xf32, #tpu.memory_space<vmem>>
    %dma_wait3A_2014 = arith.constant 0 : i32
    %dma_wait3A_2015 = tpu.memref_slice %arg2[%add3A, %dma_wait3A_2014, %mul3A_1992, %mul3A_1996] : memref<32x3x512x512xf32, #tpu.memory_space<hbm>> -> memref<1x3x16x128xf32, #tpu.memory_space<hbm>>
    %dma_wait3A_2016 = tpu.memref_squeeze %dma_wait3A_2015 : memref<1x3x16x128xf32, #tpu.memory_space<hbm>> -> memref<3x16x128xf32, #tpu.memory_space<hbm>>
    tpu.wait_dma2 semaphore(%dma_wait3A_2008 : memref<!tpu.dma_semaphore, #tpu.memory_space<semaphore_mem>>) src(%dma_wait3A_2016 : memref<3x16x128xf32, #tpu.memory_space<hbm>>) dst(%dma_wait3A_2013 : memref<3x16x128xf32, #tpu.memory_space<vmem>>)
    %shift_right_logical3A_2017 = arith.constant 5 : i32
    %shift_right_logical3A_2018 = arith.shrui %scan3A_1956#2, %shift_right_logical3A_2017 : i32
    %and3A_2019 = arith.constant 31 : i32
    %and3A_2020 = arith.andi %scan3A_1956#2, %and3A_2019 : i32
    %mul3A_2021 = arith.constant 16 : i32
    %mul3A_2022 = arith.muli %shift_right_logical3A_2018, %mul3A_2021 : i32
    %shift_right_logical3A_2023 = arith.constant 3 : i32
    %shift_right_logical3A_2024 = arith.shrui %and3A_2020, %shift_right_logical3A_2023 : i32
    %mul3A_2025 = arith.constant 128 : i32
    %mul3A_2026 = arith.muli %shift_right_logical3A_2024, %mul3A_2025 : i32
    %dma_wait3A_2027 = arith.constant 2 : i32
    %dma_wait3A_2028 = arith.constant 2 : i32
    %dma_wait3A_2029 = arith.constant 0 : i32
    %dma_wait3A_2030 = arith.constant 0 : i32
    %dma_wait3A_2031 = arith.constant 0 : i32
    %dma_wait3A_2032 = tpu.memref_slice %arg8[%dma_wait3A_2027, %dma_wait3A_2029, %dma_wait3A_2030, %dma_wait3A_2031] : memref<4x3x16x128xf32, #tpu.memory_space<vmem>> -> memref<1x3x16x128xf32, #tpu.memory_space<vmem>>
    %dma_wait3A_2033 = tpu.memref_squeeze %dma_wait3A_2032 : memref<1x3x16x128xf32, #tpu.memory_space<vmem>> -> memref<3x16x128xf32, #tpu.memory_space<vmem>>
    %dma_wait3A_2034 = arith.constant 0 : i32
    %dma_wait3A_2035 = tpu.memref_slice %arg2[%add3A, %dma_wait3A_2034, %mul3A_2022, %mul3A_2026] : memref<32x3x512x512xf32, #tpu.memory_space<hbm>> -> memref<1x3x16x128xf32, #tpu.memory_space<hbm>>
    %dma_wait3A_2036 = tpu.memref_squeeze %dma_wait3A_2035 : memref<1x3x16x128xf32, #tpu.memory_space<hbm>> -> memref<3x16x128xf32, #tpu.memory_space<hbm>>
    %dma_wait3A_2037 = tpu.memref_slice %arg10[%dma_wait3A_2028] : memref<4x!tpu.dma_semaphore, #tpu.memory_space<semaphore_mem>> -> memref<1x!tpu.dma_semaphore, #tpu.memory_space<semaphore_mem>>
    %dma_wait3A_2038 = tpu.memref_squeeze %dma_wait3A_2037 : memref<1x!tpu.dma_semaphore, #tpu.memory_space<semaphore_mem>> -> memref<!tpu.dma_semaphore, #tpu.memory_space<semaphore_mem>>
    %dma_wait3A_2039 = arith.constant 0 : i32
    %dma_wait3A_2040 = arith.constant 0 : i32
    %dma_wait3A_2041 = arith.constant 0 : i32
    %dma_wait3A_2042 = tpu.memref_slice %arg8[%dma_wait3A_2027, %dma_wait3A_2039, %dma_wait3A_2040, %dma_wait3A_2041] : memref<4x3x16x128xf32, #tpu.memory_space<vmem>> -> memref<1x3x16x128xf32, #tpu.memory_space<vmem>>
    %dma_wait3A_2043 = tpu.memref_squeeze %dma_wait3A_2042 : memref<1x3x16x128xf32, #tpu.memory_space<vmem>> -> memref<3x16x128xf32, #tpu.memory_space<vmem>>
    %dma_wait3A_2044 = arith.constant 0 : i32
    %dma_wait3A_2045 = tpu.memref_slice %arg2[%add3A, %dma_wait3A_2044, %mul3A_2022, %mul3A_2026] : memref<32x3x512x512xf32, #tpu.memory_space<hbm>> -> memref<1x3x16x128xf32, #tpu.memory_space<hbm>>
    %dma_wait3A_2046 = tpu.memref_squeeze %dma_wait3A_2045 : memref<1x3x16x128xf32, #tpu.memory_space<hbm>> -> memref<3x16x128xf32, #tpu.memory_space<hbm>>
    tpu.wait_dma2 semaphore(%dma_wait3A_2038 : memref<!tpu.dma_semaphore, #tpu.memory_space<semaphore_mem>>) src(%dma_wait3A_2046 : memref<3x16x128xf32, #tpu.memory_space<hbm>>) dst(%dma_wait3A_2043 : memref<3x16x128xf32, #tpu.memory_space<vmem>>)
    "tpu.region"() ({
      %run_scoped3A_2048 = tpu.sem_alloc : memref<!tpu.dma_semaphore, #tpu.memory_space<semaphore_mem>>
      %dma_start3A_2049 = arith.constant 0 : i32
      %dma_start3A_2050 = arith.constant 0 : i32
      %dma_start3A_2051 = tpu.memref_slice %arg4[%add3A, %dma_start3A_2049, %dma_start3A_2050] : memref<32x64x768xf32, #tpu.memory_space<hbm>> -> memref<1x64x768xf32, #tpu.memory_space<hbm>>
      %dma_start3A_2052 = tpu.memref_squeeze %dma_start3A_2051 : memref<1x64x768xf32, #tpu.memory_space<hbm>> -> memref<64x768xf32, #tpu.memory_space<hbm>>
      %dma_start3A_2053 = arith.constant 0 : i32
      %dma_start3A_2054 = arith.constant 0 : i32
      %dma_start3A_2055 = tpu.memref_slice %arg4[%add3A, %dma_start3A_2053, %dma_start3A_2054] : memref<32x64x768xf32, #tpu.memory_space<hbm>> -> memref<1x64x768xf32, #tpu.memory_space<hbm>>
      %dma_start3A_2056 = tpu.memref_squeeze %dma_start3A_2055 : memref<1x64x768xf32, #tpu.memory_space<hbm>> -> memref<64x768xf32, #tpu.memory_space<hbm>>
      tpu.enqueue_dma source(%arg9 : memref<64x768xf32, #tpu.memory_space<vmem>>) target(%dma_start3A_2056 : memref<64x768xf32, #tpu.memory_space<hbm>>) target_semaphore(%run_scoped3A_2048 : memref<!tpu.dma_semaphore, #tpu.memory_space<semaphore_mem>>)
      %dma_wait3A_2057 = arith.constant 0 : i32
      %dma_wait3A_2058 = arith.constant 0 : i32
      %dma_wait3A_2059 = tpu.memref_slice %arg4[%add3A, %dma_wait3A_2057, %dma_wait3A_2058] : memref<32x64x768xf32, #tpu.memory_space<hbm>> -> memref<1x64x768xf32, #tpu.memory_space<hbm>>
      %dma_wait3A_2060 = tpu.memref_squeeze %dma_wait3A_2059 : memref<1x64x768xf32, #tpu.memory_space<hbm>> -> memref<64x768xf32, #tpu.memory_space<hbm>>
      %dma_wait3A_2061 = arith.constant 0 : i32
      %dma_wait3A_2062 = arith.constant 0 : i32
      %dma_wait3A_2063 = tpu.memref_slice %arg4[%add3A, %dma_wait3A_2061, %dma_wait3A_2062] : memref<32x64x768xf32, #tpu.memory_space<hbm>> -> memref<1x64x768xf32, #tpu.memory_space<hbm>>
      %dma_wait3A_2064 = tpu.memref_squeeze %dma_wait3A_2063 : memref<1x64x768xf32, #tpu.memory_space<hbm>> -> memref<64x768xf32, #tpu.memory_space<hbm>>
      tpu.wait_dma2 semaphore(%run_scoped3A_2048 : memref<!tpu.dma_semaphore, #tpu.memory_space<semaphore_mem>>) src(%arg9 : memref<64x768xf32, #tpu.memory_space<vmem>>) dst(%dma_wait3A_2064 : memref<64x768xf32, #tpu.memory_space<hbm>>)
      tpu.yield
    }) : () -> ()
    %run_scoped3A_2047 = arith.constant 0 : i32
    "tpu.region"() ({
      %run_scoped3A_2048 = tpu.sem_alloc : memref<!tpu.dma_semaphore, #tpu.memory_space<semaphore_mem>>
      %dma_start3A_2049 = arith.constant 0 : i32
      %dma_start3A_2050 = tpu.memref_slice %arg7[%dma_start3A_2049] : memref<80xi32, #tpu.memory_space<vmem>> -> memref<64xi32, #tpu.memory_space<vmem>>
      %dma_start3A_2051 = arith.constant 0 : i32
      %dma_start3A_2052 = tpu.memref_slice %arg5[%add3A, %run_scoped3A_2047, %dma_start3A_2051] : memref<32x1x64xi32, #tpu.memory_space<hbm>> -> memref<1x1x64xi32, #tpu.memory_space<hbm>>
      %dma_start3A_2053 = tpu.memref_squeeze %dma_start3A_2052 : memref<1x1x64xi32, #tpu.memory_space<hbm>> -> memref<64xi32, #tpu.memory_space<hbm>>
      %dma_start3A_2054 = arith.constant 0 : i32
      %dma_start3A_2055 = tpu.memref_slice %arg5[%add3A, %run_scoped3A_2047, %dma_start3A_2054] : memref<32x1x64xi32, #tpu.memory_space<hbm>> -> memref<1x1x64xi32, #tpu.memory_space<hbm>>
      %dma_start3A_2056 = tpu.memref_squeeze %dma_start3A_2055 : memref<1x1x64xi32, #tpu.memory_space<hbm>> -> memref<64xi32, #tpu.memory_space<hbm>>
      %dma_start3A_2057 = arith.constant 0 : i32
      %dma_start3A_2058 = tpu.memref_slice %arg7[%dma_start3A_2057] : memref<80xi32, #tpu.memory_space<vmem>> -> memref<64xi32, #tpu.memory_space<vmem>>
      tpu.enqueue_dma source(%dma_start3A_2058 : memref<64xi32, #tpu.memory_space<vmem>>) target(%dma_start3A_2056 : memref<64xi32, #tpu.memory_space<hbm>>) target_semaphore(%run_scoped3A_2048 : memref<!tpu.dma_semaphore, #tpu.memory_space<semaphore_mem>>)
      %dma_wait3A_2059 = arith.constant 0 : i32
      %dma_wait3A_2060 = tpu.memref_slice %arg7[%dma_wait3A_2059] : memref<80xi32, #tpu.memory_space<vmem>> -> memref<64xi32, #tpu.memory_space<vmem>>
      %dma_wait3A_2061 = arith.constant 0 : i32
      %dma_wait3A_2062 = tpu.memref_slice %arg5[%add3A, %run_scoped3A_2047, %dma_wait3A_2061] : memref<32x1x64xi32, #tpu.memory_space<hbm>> -> memref<1x1x64xi32, #tpu.memory_space<hbm>>
      %dma_wait3A_2063 = tpu.memref_squeeze %dma_wait3A_2062 : memref<1x1x64xi32, #tpu.memory_space<hbm>> -> memref<64xi32, #tpu.memory_space<hbm>>
      %dma_wait3A_2064 = arith.constant 0 : i32
      %dma_wait3A_2065 = tpu.memref_slice %arg5[%add3A, %run_scoped3A_2047, %dma_wait3A_2064] : memref<32x1x64xi32, #tpu.memory_space<hbm>> -> memref<1x1x64xi32, #tpu.memory_space<hbm>>
      %dma_wait3A_2066 = tpu.memref_squeeze %dma_wait3A_2065 : memref<1x1x64xi32, #tpu.memory_space<hbm>> -> memref<64xi32, #tpu.memory_space<hbm>>
      %dma_wait3A_2067 = arith.constant 0 : i32
      %dma_wait3A_2068 = tpu.memref_slice %arg7[%dma_wait3A_2067] : memref<80xi32, #tpu.memory_space<vmem>> -> memref<64xi32, #tpu.memory_space<vmem>>
      tpu.wait_dma2 semaphore(%run_scoped3A_2048 : memref<!tpu.dma_semaphore, #tpu.memory_space<semaphore_mem>>) src(%dma_wait3A_2068 : memref<64xi32, #tpu.memory_space<vmem>>) dst(%dma_wait3A_2066 : memref<64xi32, #tpu.memory_space<hbm>>)
      tpu.yield
    }) : () -> ()
    return
  }
}

module attributes {stable_mosaic.version = 14 : i64} {
  func.func @_contrast_body(%arg0: i32, %arg1: memref<1x3x512x512xf32, #tpu.memory_space<vmem>>, %arg2: memref<1x32x32xf32, #tpu.memory_space<vmem>>) attributes {dimension_semantics = [#tpu.dimension_semantics<arbitrary>], iteration_bounds = array<i64: 32>, scalar_prefetch = 0 : i64, scratch_operands = 0 : i64, tpu.core_type = #tpu.core_type<tc>, window_params = [{transform_indices = @transform_0, window_bounds = array<i64: 1, 3, 512, 512>}, {transform_indices = @transform_1, window_bounds = array<i64: 1, 32, 32>}]} {
    %get3A = arith.constant 0 : index
    %get3A_0 = arith.constant 0 : index
    %get3A_1 = arith.constant 0 : index
    %get3A_2 = arith.constant 0 : index
    %get3A_3 = vector.load %arg1[%get3A, %get3A_0, %get3A_1, %get3A_2] : memref<1x3x512x512xf32, #tpu.memory_space<vmem>>, vector<1x3x512x512xf32>
    %get3A_4 = vector.shape_cast %get3A_3 : vector<1x3x512x512xf32> to vector<3x512x512xf32>
    %reduce_max3A = arith.constant dense<0xFF800000> : vector<512x512xf32>
    %reduce_max3A_5 = vector.multi_reduction <maximumf>, %get3A_4, %reduce_max3A [0] : vector<3x512x512xf32> to vector<512x512xf32>
    %reduce_min3A = arith.constant dense<0x7F800000> : vector<512x512xf32>
    %reduce_min3A_6 = vector.multi_reduction <minimumf>, %get3A_4, %reduce_min3A [0] : vector<3x512x512xf32> to vector<512x512xf32>
    %reshape3A = vector.shape_cast %reduce_max3A_5 : vector<512x512xf32> to vector<32x16x512xf32>
    %reduce_max3A_7 = arith.constant dense<0xFF800000> : vector<32x512xf32>
    %reduce_max3A_8 = vector.multi_reduction <maximumf>, %reshape3A, %reduce_max3A_7 [1] : vector<32x16x512xf32> to vector<32x512xf32>
    %reshape3A_9 = vector.shape_cast %reduce_min3A_6 : vector<512x512xf32> to vector<32x16x512xf32>
    %reduce_min3A_10 = arith.constant dense<0x7F800000> : vector<32x512xf32>
    %reduce_min3A_11 = vector.multi_reduction <minimumf>, %reshape3A_9, %reduce_min3A_10 [1] : vector<32x16x512xf32> to vector<32x512xf32>
    %transpose3A = tpu.transpose %reduce_max3A_8, [1, 0] : vector<32x512xf32> -> vector<512x32xf32>
    %reshape3A_12 = vector.shape_cast %transpose3A : vector<512x32xf32> to vector<32x16x32xf32>
    %reduce_max3A_13 = arith.constant dense<0xFF800000> : vector<32x32xf32>
    %reduce_max3A_14 = vector.multi_reduction <maximumf>, %reshape3A_12, %reduce_max3A_13 [1] : vector<32x16x32xf32> to vector<32x32xf32>
    %transpose3A_15 = tpu.transpose %reduce_min3A_11, [1, 0] : vector<32x512xf32> -> vector<512x32xf32>
    %reshape3A_16 = vector.shape_cast %transpose3A_15 : vector<512x32xf32> to vector<32x16x32xf32>
    %reduce_min3A_17 = arith.constant dense<0x7F800000> : vector<32x32xf32>
    %reduce_min3A_18 = vector.multi_reduction <minimumf>, %reshape3A_16, %reduce_min3A_17 [1] : vector<32x16x32xf32> to vector<32x32xf32>
    %transpose3A_19 = tpu.transpose %reduce_max3A_14, [1, 0] : vector<32x32xf32> -> vector<32x32xf32>
    %transpose3A_20 = tpu.transpose %reduce_min3A_18, [1, 0] : vector<32x32xf32> -> vector<32x32xf32>
    %sub3A = arith.subf %transpose3A_19, %transpose3A_20 : vector<32x32xf32>
    %add3A = arith.constant 9.99999993E-9 : f32
    %add3A_21 = vector.broadcast %add3A : f32 to vector<32x32xf32>
    %add3A_22 = arith.addf %sub3A, %add3A_21 : vector<32x32xf32>
    %add3A_23 = arith.addf %transpose3A_19, %transpose3A_20 : vector<32x32xf32>
    %div3A = arith.divf %add3A_22, %add3A_23 : vector<32x32xf32>
    %swap3A = arith.constant 0 : index
    %swap3A_24 = arith.constant 0 : index
    %swap3A_25 = arith.constant 0 : index
    %swap3A_26 = vector.load %arg2[%swap3A, %swap3A_24, %swap3A_25] : memref<1x32x32xf32, #tpu.memory_space<vmem>>, vector<1x32x32xf32>
    %swap3A_27 = vector.shape_cast %swap3A_26 : vector<1x32x32xf32> to vector<32x32xf32>
    %swap3A_28 = vector.shape_cast %div3A : vector<32x32xf32> to vector<1x32x32xf32>
    tpu.vector_store %arg2[%swap3A, %swap3A_24, %swap3A_25], %swap3A_28 {strides = array<i32>} : memref<1x32x32xf32, #tpu.memory_space<vmem>>, vector<1x32x32xf32>,
    return
  }
  func.func @transform_0(%arg0: i32) -> (i32, i32, i32, i32) {
    %c0_i32 = arith.constant 0 : i32
    %c0_i32_0 = arith.constant 0 : i32
    %c0_i32_1 = arith.constant 0 : i32
    %c0_i32_2 = arith.constant 0 : i32
    return %arg0, %c0_i32, %c0_i32_0, %c0_i32_1 : i32, i32, i32, i32
  }
  func.func @transform_1(%arg0: i32) -> (i32, i32, i32) {
    %c0_i32 = arith.constant 0 : i32
    %c0_i32_0 = arith.constant 0 : i32
    %c0_i32_1 = arith.constant 0 : i32
    return %arg0, %c0_i32, %c0_i32_0 : i32, i32, i32
  }
}

module attributes {stable_mosaic.version = 14 : i64} {
  func.func @_expand_body(%arg0: i32, %arg1: memref<1x64x768xf32, #tpu.memory_space<vmem>>, %arg2: memref<1x1x64xi32, #tpu.memory_space<vmem>>, %arg3: memref<1x768x1024xf32, #tpu.memory_space<vmem>>) attributes {dimension_semantics = [#tpu.dimension_semantics<arbitrary>], iteration_bounds = array<i64: 32>, scalar_prefetch = 0 : i64, scratch_operands = 0 : i64, tpu.core_type = #tpu.core_type<tc>, window_params = [{transform_indices = @transform_0, window_bounds = array<i64: 1, 64, 768>}, {transform_indices = @transform_1, window_bounds = array<i64: 1, 1, 64>}, {transform_indices = @transform_2, window_bounds = array<i64: 1, 768, 1024>}]} {
    %get3A = arith.constant 0 : index
    %get3A_0 = arith.constant 0 : index
    %get3A_1 = arith.constant 0 : index
    %get3A_2 = vector.load %arg1[%get3A, %get3A_0, %get3A_1] : memref<1x64x768xf32, #tpu.memory_space<vmem>>, vector<1x64x768xf32>
    %get3A_3 = vector.shape_cast %get3A_2 : vector<1x64x768xf32> to vector<64x768xf32>
    %get3A_4 = arith.constant 0 : index
    %get3A_5 = arith.constant 0 : index
    %get3A_6 = arith.constant 0 : index
    %get3A_7 = vector.load %arg2[%get3A_4, %get3A_5, %get3A_6] : memref<1x1x64xi32, #tpu.memory_space<vmem>>, vector<1x1x64xi32>
    %get3A_8 = vector.shape_cast %get3A_7 : vector<1x1x64xi32> to vector<1x64xi32>
    %transpose3A = tpu.transpose %get3A_8, [1, 0] : vector<1x64xi32> -> vector<64x1xi32>
    %iota3A = tpu.iota {dimensions = array<i32: 1>} : vector<1x1024xi32>
    %eq3A = vector.broadcast %transpose3A : vector<64x1xi32> to vector<64x1024xi32>
    %eq3A_9 = vector.broadcast %iota3A : vector<1x1024xi32> to vector<64x1024xi32>
    %eq3A_10 = arith.cmpi eq, %eq3A, %eq3A_9 : vector<64x1024xi32>
    %convert_element_type3A = arith.extui %eq3A_10 : vector<64x1024xi1> to vector<64x1024xi32>
    %convert_element_type3A_11 = arith.sitofp %convert_element_type3A : vector<64x1024xi32> to vector<64x1024xf32>
    %dot_general3A = arith.constant dense<0.000000e+00> : vector<768x1024xf32>
    %dot_general3A_12 = tpu.matmul %get3A_3, %convert_element_type3A_11, %dot_general3A {dimension_numbers = #tpu.dot_dimension_numbers<[0], [0], [1], [1], [0, 1, 1, 1], [], []>, transpose_lhs_hint = false} : vector<64x768xf32>, vector<64x1024xf32>, vector<768x1024xf32> -> vector<768x1024xf32>
    %swap3A = arith.constant 0 : index
    %swap3A_13 = arith.constant 0 : index
    %swap3A_14 = arith.constant 0 : index
    %swap3A_15 = vector.load %arg3[%swap3A, %swap3A_13, %swap3A_14] : memref<1x768x1024xf32, #tpu.memory_space<vmem>>, vector<1x768x1024xf32>
    %swap3A_16 = vector.shape_cast %swap3A_15 : vector<1x768x1024xf32> to vector<768x1024xf32>
    %swap3A_17 = vector.shape_cast %dot_general3A_12 : vector<768x1024xf32> to vector<1x768x1024xf32>
    tpu.vector_store %arg3[%swap3A, %swap3A_13, %swap3A_14], %swap3A_17 {strides = array<i32>} : memref<1x768x1024xf32, #tpu.memory_space<vmem>>, vector<1x768x1024xf32>,
    return
  }
  func.func @transform_0(%arg0: i32) -> (i32, i32, i32) {
    %c0_i32 = arith.constant 0 : i32
    %c0_i32_0 = arith.constant 0 : i32
    %c0_i32_1 = arith.constant 0 : i32
    return %arg0, %c0_i32, %c0_i32_0 : i32, i32, i32
  }
  func.func @transform_1(%arg0: i32) -> (i32, i32, i32) {
    %c0_i32 = arith.constant 0 : i32
    %c0_i32_0 = arith.constant 0 : i32
    %c0_i32_1 = arith.constant 0 : i32
    return %arg0, %c0_i32, %c0_i32_0 : i32, i32, i32
  }
  func.func @transform_2(%arg0: i32) -> (i32, i32, i32) {
    %c0_i32 = arith.constant 0 : i32
    %c0_i32_0 = arith.constant 0 : i32
    %c0_i32_1 = arith.constant 0 : i32
    return %arg0, %c0_i32, %c0_i32_0 : i32, i32, i32
  }
}

module attributes {stable_mosaic.version = 14 : i64} {
  func.func @_topk_mask_body(%arg0: memref<32x32x32xf32, #tpu.memory_space<vmem>>, %arg1: memref<32x1x32xi32, #tpu.memory_space<vmem>>) attributes {dimension_semantics = [], scalar_prefetch = 0 : i64, scratch_operands = 0 : i64, tpu.core_type = #tpu.core_type<tc>} {
    %get3A = arith.constant 0 : index
    %get3A_0 = arith.constant 0 : index
    %get3A_1 = arith.constant 0 : index
    %get3A_2 = vector.load %arg0[%get3A, %get3A_0, %get3A_1] : memref<32x32x32xf32, #tpu.memory_space<vmem>>, vector<32x32x32xf32>
    %bitcast_convert_type3A = tpu.bitcast %get3A_2 : vector<32x32x32xf32> -> vector<32x32x32xi32>
    %ge3A = arith.constant 0 : i32
    %ge3A_3 = vector.broadcast %ge3A : i32 to vector<32x32x32xi32>
    %ge3A_4 = arith.cmpi sge, %bitcast_convert_type3A, %ge3A_3 : vector<32x32x32xi32>
    %xor3A = arith.constant 2147483647 : i32
    %xor3A_5 = vector.broadcast %xor3A : i32 to vector<32x32x32xi32>
    %xor3A_6 = arith.xori %bitcast_convert_type3A, %xor3A_5 : vector<32x32x32xi32>
    %select_n3A = arith.select %ge3A_4, %bitcast_convert_type3A, %xor3A_6 : vector<32x32x32xi1>, vector<32x32x32xi32>
    %broadcast_in_dim3A = arith.constant -2147483648 : i32
    %broadcast_in_dim3A_7 = vector.broadcast %broadcast_in_dim3A : i32 to vector<32x1x1xi32>
    %broadcast_in_dim3A_8 = arith.constant 0 : i32
    %broadcast_in_dim3A_9 = vector.broadcast %broadcast_in_dim3A_8 : i32 to vector<32x1x1xi32>
    %ge3A_10 = vector.broadcast %broadcast_in_dim3A_9 : vector<32x1x1xi32> to vector<32x32x32xi32>
    %ge3A_11 = arith.cmpi sge, %select_n3A, %ge3A_10 : vector<32x32x32xi32>
    %convert_element_type3A = arith.extui %ge3A_11 : vector<32x32x32xi1> to vector<32x32x32xi32>
    %reduce_sum3A = arith.constant dense<0> : vector<32x32xi32>
    %reduce_sum3A_12 = vector.multi_reduction <add>, %convert_element_type3A, %reduce_sum3A [2] : vector<32x32x32xi32> to vector<32x32xi32>
    %broadcast_in_dim3A_13 = vector.shape_cast %reduce_sum3A_12 : vector<32x32xi32> to vector<32x32x1xi32>
    %reduce_sum3A_14 = arith.constant dense<0> : vector<32x1xi32>
    %reduce_sum3A_15 = vector.multi_reduction <add>, %broadcast_in_dim3A_13, %reduce_sum3A_14 [1] : vector<32x32x1xi32> to vector<32x1xi32>
    %broadcast_in_dim3A_16 = vector.shape_cast %reduce_sum3A_15 : vector<32x1xi32> to vector<32x1x1xi32>
    %ge3A_17 = arith.constant 64 : i32
    %ge3A_18 = vector.broadcast %ge3A_17 : i32 to vector<32x1x1xi32>
    %ge3A_19 = arith.cmpi sge, %broadcast_in_dim3A_16, %ge3A_18 : vector<32x1x1xi32>
    %select_n3A_20 = arith.select %ge3A_19, %broadcast_in_dim3A_9, %broadcast_in_dim3A_7 : vector<32x1x1xi1>, vector<32x1x1xi32>
    %add3A = arith.constant 1073741824 : i32
    %add3A_21 = vector.broadcast %add3A : i32 to vector<32x1x1xi32>
    %add3A_22 = arith.addi %select_n3A_20, %add3A_21 : vector<32x1x1xi32>
    %ge3A_23 = vector.broadcast %add3A_22 : vector<32x1x1xi32> to vector<32x32x32xi32>
    %ge3A_24 = arith.cmpi sge, %select_n3A, %ge3A_23 : vector<32x32x32xi32>
    %convert_element_type3A_25 = arith.extui %ge3A_24 : vector<32x32x32xi1> to vector<32x32x32xi32>
    %reduce_sum3A_26 = arith.constant dense<0> : vector<32x32xi32>
    %reduce_sum3A_27 = vector.multi_reduction <add>, %convert_element_type3A_25, %reduce_sum3A_26 [2] : vector<32x32x32xi32> to vector<32x32xi32>
    %broadcast_in_dim3A_28 = vector.shape_cast %reduce_sum3A_27 : vector<32x32xi32> to vector<32x32x1xi32>
    %reduce_sum3A_29 = arith.constant dense<0> : vector<32x1xi32>
    %reduce_sum3A_30 = vector.multi_reduction <add>, %broadcast_in_dim3A_28, %reduce_sum3A_29 [1] : vector<32x32x1xi32> to vector<32x1xi32>
    %broadcast_in_dim3A_31 = vector.shape_cast %reduce_sum3A_30 : vector<32x1xi32> to vector<32x1x1xi32>
    %ge3A_32 = arith.constant 64 : i32
    %ge3A_33 = vector.broadcast %ge3A_32 : i32 to vector<32x1x1xi32>
    %ge3A_34 = arith.cmpi sge, %broadcast_in_dim3A_31, %ge3A_33 : vector<32x1x1xi32>
    %select_n3A_35 = arith.select %ge3A_34, %add3A_22, %select_n3A_20 : vector<32x1x1xi1>, vector<32x1x1xi32>
    %add3A_36 = arith.constant 536870912 : i32
    %add3A_37 = vector.broadcast %add3A_36 : i32 to vector<32x1x1xi32>
    %add3A_38 = arith.addi %select_n3A_35, %add3A_37 : vector<32x1x1xi32>
    %ge3A_39 = vector.broadcast %add3A_38 : vector<32x1x1xi32> to vector<32x32x32xi32>
    %ge3A_40 = arith.cmpi sge, %select_n3A, %ge3A_39 : vector<32x32x32xi32>
    %convert_element_type3A_41 = arith.extui %ge3A_40 : vector<32x32x32xi1> to vector<32x32x32xi32>
    %reduce_sum3A_42 = arith.constant dense<0> : vector<32x32xi32>
    %reduce_sum3A_43 = vector.multi_reduction <add>, %convert_element_type3A_41, %reduce_sum3A_42 [2] : vector<32x32x32xi32> to vector<32x32xi32>
    %broadcast_in_dim3A_44 = vector.shape_cast %reduce_sum3A_43 : vector<32x32xi32> to vector<32x32x1xi32>
    %reduce_sum3A_45 = arith.constant dense<0> : vector<32x1xi32>
    %reduce_sum3A_46 = vector.multi_reduction <add>, %broadcast_in_dim3A_44, %reduce_sum3A_45 [1] : vector<32x32x1xi32> to vector<32x1xi32>
    %broadcast_in_dim3A_47 = vector.shape_cast %reduce_sum3A_46 : vector<32x1xi32> to vector<32x1x1xi32>
    %ge3A_48 = arith.constant 64 : i32
    %ge3A_49 = vector.broadcast %ge3A_48 : i32 to vector<32x1x1xi32>
    %ge3A_50 = arith.cmpi sge, %broadcast_in_dim3A_47, %ge3A_49 : vector<32x1x1xi32>
    %select_n3A_51 = arith.select %ge3A_50, %add3A_38, %select_n3A_35 : vector<32x1x1xi1>, vector<32x1x1xi32>
    %add3A_52 = arith.constant 268435456 : i32
    %add3A_53 = vector.broadcast %add3A_52 : i32 to vector<32x1x1xi32>
    %add3A_54 = arith.addi %select_n3A_51, %add3A_53 : vector<32x1x1xi32>
    %ge3A_55 = vector.broadcast %add3A_54 : vector<32x1x1xi32> to vector<32x32x32xi32>
    %ge3A_56 = arith.cmpi sge, %select_n3A, %ge3A_55 : vector<32x32x32xi32>
    %convert_element_type3A_57 = arith.extui %ge3A_56 : vector<32x32x32xi1> to vector<32x32x32xi32>
    %reduce_sum3A_58 = arith.constant dense<0> : vector<32x32xi32>
    %reduce_sum3A_59 = vector.multi_reduction <add>, %convert_element_type3A_57, %reduce_sum3A_58 [2] : vector<32x32x32xi32> to vector<32x32xi32>
    %broadcast_in_dim3A_60 = vector.shape_cast %reduce_sum3A_59 : vector<32x32xi32> to vector<32x32x1xi32>
    %reduce_sum3A_61 = arith.constant dense<0> : vector<32x1xi32>
    %reduce_sum3A_62 = vector.multi_reduction <add>, %broadcast_in_dim3A_60, %reduce_sum3A_61 [1] : vector<32x32x1xi32> to vector<32x1xi32>
    %broadcast_in_dim3A_63 = vector.shape_cast %reduce_sum3A_62 : vector<32x1xi32> to vector<32x1x1xi32>
    %ge3A_64 = arith.constant 64 : i32
    %ge3A_65 = vector.broadcast %ge3A_64 : i32 to vector<32x1x1xi32>
    %ge3A_66 = arith.cmpi sge, %broadcast_in_dim3A_63, %ge3A_65 : vector<32x1x1xi32>
    %select_n3A_67 = arith.select %ge3A_66, %add3A_54, %select_n3A_51 : vector<32x1x1xi1>, vector<32x1x1xi32>
    %add3A_68 = arith.constant 134217728 : i32
    %add3A_69 = vector.broadcast %add3A_68 : i32 to vector<32x1x1xi32>
    %add3A_70 = arith.addi %select_n3A_67, %add3A_69 : vector<32x1x1xi32>
    %ge3A_71 = vector.broadcast %add3A_70 : vector<32x1x1xi32> to vector<32x32x32xi32>
    %ge3A_72 = arith.cmpi sge, %select_n3A, %ge3A_71 : vector<32x32x32xi32>
    %convert_element_type3A_73 = arith.extui %ge3A_72 : vector<32x32x32xi1> to vector<32x32x32xi32>
    %reduce_sum3A_74 = arith.constant dense<0> : vector<32x32xi32>
    %reduce_sum3A_75 = vector.multi_reduction <add>, %convert_element_type3A_73, %reduce_sum3A_74 [2] : vector<32x32x32xi32> to vector<32x32xi32>
    %broadcast_in_dim3A_76 = vector.shape_cast %reduce_sum3A_75 : vector<32x32xi32> to vector<32x32x1xi32>
    %reduce_sum3A_77 = arith.constant dense<0> : vector<32x1xi32>
    %reduce_sum3A_78 = vector.multi_reduction <add>, %broadcast_in_dim3A_76, %reduce_sum3A_77 [1] : vector<32x32x1xi32> to vector<32x1xi32>
    %broadcast_in_dim3A_79 = vector.shape_cast %reduce_sum3A_78 : vector<32x1xi32> to vector<32x1x1xi32>
    %ge3A_80 = arith.constant 64 : i32
    %ge3A_81 = vector.broadcast %ge3A_80 : i32 to vector<32x1x1xi32>
    %ge3A_82 = arith.cmpi sge, %broadcast_in_dim3A_79, %ge3A_81 : vector<32x1x1xi32>
    %select_n3A_83 = arith.select %ge3A_82, %add3A_70, %select_n3A_67 : vector<32x1x1xi1>, vector<32x1x1xi32>
    %add3A_84 = arith.constant 67108864 : i32
    %add3A_85 = vector.broadcast %add3A_84 : i32 to vector<32x1x1xi32>
    %add3A_86 = arith.addi %select_n3A_83, %add3A_85 : vector<32x1x1xi32>
    %ge3A_87 = vector.broadcast %add3A_86 : vector<32x1x1xi32> to vector<32x32x32xi32>
    %ge3A_88 = arith.cmpi sge, %select_n3A, %ge3A_87 : vector<32x32x32xi32>
    %convert_element_type3A_89 = arith.extui %ge3A_88 : vector<32x32x32xi1> to vector<32x32x32xi32>
    %reduce_sum3A_90 = arith.constant dense<0> : vector<32x32xi32>
    %reduce_sum3A_91 = vector.multi_reduction <add>, %convert_element_type3A_89, %reduce_sum3A_90 [2] : vector<32x32x32xi32> to vector<32x32xi32>
    %broadcast_in_dim3A_92 = vector.shape_cast %reduce_sum3A_91 : vector<32x32xi32> to vector<32x32x1xi32>
    %reduce_sum3A_93 = arith.constant dense<0> : vector<32x1xi32>
    %reduce_sum3A_94 = vector.multi_reduction <add>, %broadcast_in_dim3A_92, %reduce_sum3A_93 [1] : vector<32x32x1xi32> to vector<32x1xi32>
    %broadcast_in_dim3A_95 = vector.shape_cast %reduce_sum3A_94 : vector<32x1xi32> to vector<32x1x1xi32>
    %ge3A_96 = arith.constant 64 : i32
    %ge3A_97 = vector.broadcast %ge3A_96 : i32 to vector<32x1x1xi32>
    %ge3A_98 = arith.cmpi sge, %broadcast_in_dim3A_95, %ge3A_97 : vector<32x1x1xi32>
    %select_n3A_99 = arith.select %ge3A_98, %add3A_86, %select_n3A_83 : vector<32x1x1xi1>, vector<32x1x1xi32>
    %add3A_100 = arith.constant 33554432 : i32
    %add3A_101 = vector.broadcast %add3A_100 : i32 to vector<32x1x1xi32>
    %add3A_102 = arith.addi %select_n3A_99, %add3A_101 : vector<32x1x1xi32>
    %ge3A_103 = vector.broadcast %add3A_102 : vector<32x1x1xi32> to vector<32x32x32xi32>
    %ge3A_104 = arith.cmpi sge, %select_n3A, %ge3A_103 : vector<32x32x32xi32>
    %convert_element_type3A_105 = arith.extui %ge3A_104 : vector<32x32x32xi1> to vector<32x32x32xi32>
    %reduce_sum3A_106 = arith.constant dense<0> : vector<32x32xi32>
    %reduce_sum3A_107 = vector.multi_reduction <add>, %convert_element_type3A_105, %reduce_sum3A_106 [2] : vector<32x32x32xi32> to vector<32x32xi32>
    %broadcast_in_dim3A_108 = vector.shape_cast %reduce_sum3A_107 : vector<32x32xi32> to vector<32x32x1xi32>
    %reduce_sum3A_109 = arith.constant dense<0> : vector<32x1xi32>
    %reduce_sum3A_110 = vector.multi_reduction <add>, %broadcast_in_dim3A_108, %reduce_sum3A_109 [1] : vector<32x32x1xi32> to vector<32x1xi32>
    %broadcast_in_dim3A_111 = vector.shape_cast %reduce_sum3A_110 : vector<32x1xi32> to vector<32x1x1xi32>
    %ge3A_112 = arith.constant 64 : i32
    %ge3A_113 = vector.broadcast %ge3A_112 : i32 to vector<32x1x1xi32>
    %ge3A_114 = arith.cmpi sge, %broadcast_in_dim3A_111, %ge3A_113 : vector<32x1x1xi32>
    %select_n3A_115 = arith.select %ge3A_114, %add3A_102, %select_n3A_99 : vector<32x1x1xi1>, vector<32x1x1xi32>
    %add3A_116 = arith.constant 16777216 : i32
    %add3A_117 = vector.broadcast %add3A_116 : i32 to vector<32x1x1xi32>
    %add3A_118 = arith.addi %select_n3A_115, %add3A_117 : vector<32x1x1xi32>
    %ge3A_119 = vector.broadcast %add3A_118 : vector<32x1x1xi32> to vector<32x32x32xi32>
    %ge3A_120 = arith.cmpi sge, %select_n3A, %ge3A_119 : vector<32x32x32xi32>
    %convert_element_type3A_121 = arith.extui %ge3A_120 : vector<32x32x32xi1> to vector<32x32x32xi32>
    %reduce_sum3A_122 = arith.constant dense<0> : vector<32x32xi32>
    %reduce_sum3A_123 = vector.multi_reduction <add>, %convert_element_type3A_121, %reduce_sum3A_122 [2] : vector<32x32x32xi32> to vector<32x32xi32>
    %broadcast_in_dim3A_124 = vector.shape_cast %reduce_sum3A_123 : vector<32x32xi32> to vector<32x32x1xi32>
    %reduce_sum3A_125 = arith.constant dense<0> : vector<32x1xi32>
    %reduce_sum3A_126 = vector.multi_reduction <add>, %broadcast_in_dim3A_124, %reduce_sum3A_125 [1] : vector<32x32x1xi32> to vector<32x1xi32>
    %broadcast_in_dim3A_127 = vector.shape_cast %reduce_sum3A_126 : vector<32x1xi32> to vector<32x1x1xi32>
    %ge3A_128 = arith.constant 64 : i32
    %ge3A_129 = vector.broadcast %ge3A_128 : i32 to vector<32x1x1xi32>
    %ge3A_130 = arith.cmpi sge, %broadcast_in_dim3A_127, %ge3A_129 : vector<32x1x1xi32>
    %select_n3A_131 = arith.select %ge3A_130, %add3A_118, %select_n3A_115 : vector<32x1x1xi1>, vector<32x1x1xi32>
    %add3A_132 = arith.constant 8388608 : i32
    %add3A_133 = vector.broadcast %add3A_132 : i32 to vector<32x1x1xi32>
    %add3A_134 = arith.addi %select_n3A_131, %add3A_133 : vector<32x1x1xi32>
    %ge3A_135 = vector.broadcast %add3A_134 : vector<32x1x1xi32> to vector<32x32x32xi32>
    %ge3A_136 = arith.cmpi sge, %select_n3A, %ge3A_135 : vector<32x32x32xi32>
    %convert_element_type3A_137 = arith.extui %ge3A_136 : vector<32x32x32xi1> to vector<32x32x32xi32>
    %reduce_sum3A_138 = arith.constant dense<0> : vector<32x32xi32>
    %reduce_sum3A_139 = vector.multi_reduction <add>, %convert_element_type3A_137, %reduce_sum3A_138 [2] : vector<32x32x32xi32> to vector<32x32xi32>
    %broadcast_in_dim3A_140 = vector.shape_cast %reduce_sum3A_139 : vector<32x32xi32> to vector<32x32x1xi32>
    %reduce_sum3A_141 = arith.constant dense<0> : vector<32x1xi32>
    %reduce_sum3A_142 = vector.multi_reduction <add>, %broadcast_in_dim3A_140, %reduce_sum3A_141 [1] : vector<32x32x1xi32> to vector<32x1xi32>
    %broadcast_in_dim3A_143 = vector.shape_cast %reduce_sum3A_142 : vector<32x1xi32> to vector<32x1x1xi32>
    %ge3A_144 = arith.constant 64 : i32
    %ge3A_145 = vector.broadcast %ge3A_144 : i32 to vector<32x1x1xi32>
    %ge3A_146 = arith.cmpi sge, %broadcast_in_dim3A_143, %ge3A_145 : vector<32x1x1xi32>
    %select_n3A_147 = arith.select %ge3A_146, %add3A_134, %select_n3A_131 : vector<32x1x1xi1>, vector<32x1x1xi32>
    %add3A_148 = arith.constant 4194304 : i32
    %add3A_149 = vector.broadcast %add3A_148 : i32 to vector<32x1x1xi32>
    %add3A_150 = arith.addi %select_n3A_147, %add3A_149 : vector<32x1x1xi32>
    %ge3A_151 = vector.broadcast %add3A_150 : vector<32x1x1xi32> to vector<32x32x32xi32>
    %ge3A_152 = arith.cmpi sge, %select_n3A, %ge3A_151 : vector<32x32x32xi32>
    %convert_element_type3A_153 = arith.extui %ge3A_152 : vector<32x32x32xi1> to vector<32x32x32xi32>
    %reduce_sum3A_154 = arith.constant dense<0> : vector<32x32xi32>
    %reduce_sum3A_155 = vector.multi_reduction <add>, %convert_element_type3A_153, %reduce_sum3A_154 [2] : vector<32x32x32xi32> to vector<32x32xi32>
    %broadcast_in_dim3A_156 = vector.shape_cast %reduce_sum3A_155 : vector<32x32xi32> to vector<32x32x1xi32>
    %reduce_sum3A_157 = arith.constant dense<0> : vector<32x1xi32>
    %reduce_sum3A_158 = vector.multi_reduction <add>, %broadcast_in_dim3A_156, %reduce_sum3A_157 [1] : vector<32x32x1xi32> to vector<32x1xi32>
    %broadcast_in_dim3A_159 = vector.shape_cast %reduce_sum3A_158 : vector<32x1xi32> to vector<32x1x1xi32>
    %ge3A_160 = arith.constant 64 : i32
    %ge3A_161 = vector.broadcast %ge3A_160 : i32 to vector<32x1x1xi32>
    %ge3A_162 = arith.cmpi sge, %broadcast_in_dim3A_159, %ge3A_161 : vector<32x1x1xi32>
    %select_n3A_163 = arith.select %ge3A_162, %add3A_150, %select_n3A_147 : vector<32x1x1xi1>, vector<32x1x1xi32>
    %add3A_164 = arith.constant 2097152 : i32
    %add3A_165 = vector.broadcast %add3A_164 : i32 to vector<32x1x1xi32>
    %add3A_166 = arith.addi %select_n3A_163, %add3A_165 : vector<32x1x1xi32>
    %ge3A_167 = vector.broadcast %add3A_166 : vector<32x1x1xi32> to vector<32x32x32xi32>
    %ge3A_168 = arith.cmpi sge, %select_n3A, %ge3A_167 : vector<32x32x32xi32>
    %convert_element_type3A_169 = arith.extui %ge3A_168 : vector<32x32x32xi1> to vector<32x32x32xi32>
    %reduce_sum3A_170 = arith.constant dense<0> : vector<32x32xi32>
    %reduce_sum3A_171 = vector.multi_reduction <add>, %convert_element_type3A_169, %reduce_sum3A_170 [2] : vector<32x32x32xi32> to vector<32x32xi32>
    %broadcast_in_dim3A_172 = vector.shape_cast %reduce_sum3A_171 : vector<32x32xi32> to vector<32x32x1xi32>
    %reduce_sum3A_173 = arith.constant dense<0> : vector<32x1xi32>
    %reduce_sum3A_174 = vector.multi_reduction <add>, %broadcast_in_dim3A_172, %reduce_sum3A_173 [1] : vector<32x32x1xi32> to vector<32x1xi32>
    %broadcast_in_dim3A_175 = vector.shape_cast %reduce_sum3A_174 : vector<32x1xi32> to vector<32x1x1xi32>
    %ge3A_176 = arith.constant 64 : i32
    %ge3A_177 = vector.broadcast %ge3A_176 : i32 to vector<32x1x1xi32>
    %ge3A_178 = arith.cmpi sge, %broadcast_in_dim3A_175, %ge3A_177 : vector<32x1x1xi32>
    %select_n3A_179 = arith.select %ge3A_178, %add3A_166, %select_n3A_163 : vector<32x1x1xi1>, vector<32x1x1xi32>
    %add3A_180 = arith.constant 1048576 : i32
    %add3A_181 = vector.broadcast %add3A_180 : i32 to vector<32x1x1xi32>
    %add3A_182 = arith.addi %select_n3A_179, %add3A_181 : vector<32x1x1xi32>
    %ge3A_183 = vector.broadcast %add3A_182 : vector<32x1x1xi32> to vector<32x32x32xi32>
    %ge3A_184 = arith.cmpi sge, %select_n3A, %ge3A_183 : vector<32x32x32xi32>
    %convert_element_type3A_185 = arith.extui %ge3A_184 : vector<32x32x32xi1> to vector<32x32x32xi32>
    %reduce_sum3A_186 = arith.constant dense<0> : vector<32x32xi32>
    %reduce_sum3A_187 = vector.multi_reduction <add>, %convert_element_type3A_185, %reduce_sum3A_186 [2] : vector<32x32x32xi32> to vector<32x32xi32>
    %broadcast_in_dim3A_188 = vector.shape_cast %reduce_sum3A_187 : vector<32x32xi32> to vector<32x32x1xi32>
    %reduce_sum3A_189 = arith.constant dense<0> : vector<32x1xi32>
    %reduce_sum3A_190 = vector.multi_reduction <add>, %broadcast_in_dim3A_188, %reduce_sum3A_189 [1] : vector<32x32x1xi32> to vector<32x1xi32>
    %broadcast_in_dim3A_191 = vector.shape_cast %reduce_sum3A_190 : vector<32x1xi32> to vector<32x1x1xi32>
    %ge3A_192 = arith.constant 64 : i32
    %ge3A_193 = vector.broadcast %ge3A_192 : i32 to vector<32x1x1xi32>
    %ge3A_194 = arith.cmpi sge, %broadcast_in_dim3A_191, %ge3A_193 : vector<32x1x1xi32>
    %select_n3A_195 = arith.select %ge3A_194, %add3A_182, %select_n3A_179 : vector<32x1x1xi1>, vector<32x1x1xi32>
    %add3A_196 = arith.constant 524288 : i32
    %add3A_197 = vector.broadcast %add3A_196 : i32 to vector<32x1x1xi32>
    %add3A_198 = arith.addi %select_n3A_195, %add3A_197 : vector<32x1x1xi32>
    %ge3A_199 = vector.broadcast %add3A_198 : vector<32x1x1xi32> to vector<32x32x32xi32>
    %ge3A_200 = arith.cmpi sge, %select_n3A, %ge3A_199 : vector<32x32x32xi32>
    %convert_element_type3A_201 = arith.extui %ge3A_200 : vector<32x32x32xi1> to vector<32x32x32xi32>
    %reduce_sum3A_202 = arith.constant dense<0> : vector<32x32xi32>
    %reduce_sum3A_203 = vector.multi_reduction <add>, %convert_element_type3A_201, %reduce_sum3A_202 [2] : vector<32x32x32xi32> to vector<32x32xi32>
    %broadcast_in_dim3A_204 = vector.shape_cast %reduce_sum3A_203 : vector<32x32xi32> to vector<32x32x1xi32>
    %reduce_sum3A_205 = arith.constant dense<0> : vector<32x1xi32>
    %reduce_sum3A_206 = vector.multi_reduction <add>, %broadcast_in_dim3A_204, %reduce_sum3A_205 [1] : vector<32x32x1xi32> to vector<32x1xi32>
    %broadcast_in_dim3A_207 = vector.shape_cast %reduce_sum3A_206 : vector<32x1xi32> to vector<32x1x1xi32>
    %ge3A_208 = arith.constant 64 : i32
    %ge3A_209 = vector.broadcast %ge3A_208 : i32 to vector<32x1x1xi32>
    %ge3A_210 = arith.cmpi sge, %broadcast_in_dim3A_207, %ge3A_209 : vector<32x1x1xi32>
    %select_n3A_211 = arith.select %ge3A_210, %add3A_198, %select_n3A_195 : vector<32x1x1xi1>, vector<32x1x1xi32>
    %add3A_212 = arith.constant 262144 : i32
    %add3A_213 = vector.broadcast %add3A_212 : i32 to vector<32x1x1xi32>
    %add3A_214 = arith.addi %select_n3A_211, %add3A_213 : vector<32x1x1xi32>
    %ge3A_215 = vector.broadcast %add3A_214 : vector<32x1x1xi32> to vector<32x32x32xi32>
    %ge3A_216 = arith.cmpi sge, %select_n3A, %ge3A_215 : vector<32x32x32xi32>
    %convert_element_type3A_217 = arith.extui %ge3A_216 : vector<32x32x32xi1> to vector<32x32x32xi32>
    %reduce_sum3A_218 = arith.constant dense<0> : vector<32x32xi32>
    %reduce_sum3A_219 = vector.multi_reduction <add>, %convert_element_type3A_217, %reduce_sum3A_218 [2] : vector<32x32x32xi32> to vector<32x32xi32>
    %broadcast_in_dim3A_220 = vector.shape_cast %reduce_sum3A_219 : vector<32x32xi32> to vector<32x32x1xi32>
    %reduce_sum3A_221 = arith.constant dense<0> : vector<32x1xi32>
    %reduce_sum3A_222 = vector.multi_reduction <add>, %broadcast_in_dim3A_220, %reduce_sum3A_221 [1] : vector<32x32x1xi32> to vector<32x1xi32>
    %broadcast_in_dim3A_223 = vector.shape_cast %reduce_sum3A_222 : vector<32x1xi32> to vector<32x1x1xi32>
    %ge3A_224 = arith.constant 64 : i32
    %ge3A_225 = vector.broadcast %ge3A_224 : i32 to vector<32x1x1xi32>
    %ge3A_226 = arith.cmpi sge, %broadcast_in_dim3A_223, %ge3A_225 : vector<32x1x1xi32>
    %select_n3A_227 = arith.select %ge3A_226, %add3A_214, %select_n3A_211 : vector<32x1x1xi1>, vector<32x1x1xi32>
    %add3A_228 = arith.constant 131072 : i32
    %add3A_229 = vector.broadcast %add3A_228 : i32 to vector<32x1x1xi32>
    %add3A_230 = arith.addi %select_n3A_227, %add3A_229 : vector<32x1x1xi32>
    %ge3A_231 = vector.broadcast %add3A_230 : vector<32x1x1xi32> to vector<32x32x32xi32>
    %ge3A_232 = arith.cmpi sge, %select_n3A, %ge3A_231 : vector<32x32x32xi32>
    %convert_element_type3A_233 = arith.extui %ge3A_232 : vector<32x32x32xi1> to vector<32x32x32xi32>
    %reduce_sum3A_234 = arith.constant dense<0> : vector<32x32xi32>
    %reduce_sum3A_235 = vector.multi_reduction <add>, %convert_element_type3A_233, %reduce_sum3A_234 [2] : vector<32x32x32xi32> to vector<32x32xi32>
    %broadcast_in_dim3A_236 = vector.shape_cast %reduce_sum3A_235 : vector<32x32xi32> to vector<32x32x1xi32>
    %reduce_sum3A_237 = arith.constant dense<0> : vector<32x1xi32>
    %reduce_sum3A_238 = vector.multi_reduction <add>, %broadcast_in_dim3A_236, %reduce_sum3A_237 [1] : vector<32x32x1xi32> to vector<32x1xi32>
    %broadcast_in_dim3A_239 = vector.shape_cast %reduce_sum3A_238 : vector<32x1xi32> to vector<32x1x1xi32>
    %ge3A_240 = arith.constant 64 : i32
    %ge3A_241 = vector.broadcast %ge3A_240 : i32 to vector<32x1x1xi32>
    %ge3A_242 = arith.cmpi sge, %broadcast_in_dim3A_239, %ge3A_241 : vector<32x1x1xi32>
    %select_n3A_243 = arith.select %ge3A_242, %add3A_230, %select_n3A_227 : vector<32x1x1xi1>, vector<32x1x1xi32>
    %add3A_244 = arith.constant 65536 : i32
    %add3A_245 = vector.broadcast %add3A_244 : i32 to vector<32x1x1xi32>
    %add3A_246 = arith.addi %select_n3A_243, %add3A_245 : vector<32x1x1xi32>
    %ge3A_247 = vector.broadcast %add3A_246 : vector<32x1x1xi32> to vector<32x32x32xi32>
    %ge3A_248 = arith.cmpi sge, %select_n3A, %ge3A_247 : vector<32x32x32xi32>
    %convert_element_type3A_249 = arith.extui %ge3A_248 : vector<32x32x32xi1> to vector<32x32x32xi32>
    %reduce_sum3A_250 = arith.constant dense<0> : vector<32x32xi32>
    %reduce_sum3A_251 = vector.multi_reduction <add>, %convert_element_type3A_249, %reduce_sum3A_250 [2] : vector<32x32x32xi32> to vector<32x32xi32>
    %broadcast_in_dim3A_252 = vector.shape_cast %reduce_sum3A_251 : vector<32x32xi32> to vector<32x32x1xi32>
    %reduce_sum3A_253 = arith.constant dense<0> : vector<32x1xi32>
    %reduce_sum3A_254 = vector.multi_reduction <add>, %broadcast_in_dim3A_252, %reduce_sum3A_253 [1] : vector<32x32x1xi32> to vector<32x1xi32>
    %broadcast_in_dim3A_255 = vector.shape_cast %reduce_sum3A_254 : vector<32x1xi32> to vector<32x1x1xi32>
    %ge3A_256 = arith.constant 64 : i32
    %ge3A_257 = vector.broadcast %ge3A_256 : i32 to vector<32x1x1xi32>
    %ge3A_258 = arith.cmpi sge, %broadcast_in_dim3A_255, %ge3A_257 : vector<32x1x1xi32>
    %select_n3A_259 = arith.select %ge3A_258, %add3A_246, %select_n3A_243 : vector<32x1x1xi1>, vector<32x1x1xi32>
    %add3A_260 = arith.constant 32768 : i32
    %add3A_261 = vector.broadcast %add3A_260 : i32 to vector<32x1x1xi32>
    %add3A_262 = arith.addi %select_n3A_259, %add3A_261 : vector<32x1x1xi32>
    %ge3A_263 = vector.broadcast %add3A_262 : vector<32x1x1xi32> to vector<32x32x32xi32>
    %ge3A_264 = arith.cmpi sge, %select_n3A, %ge3A_263 : vector<32x32x32xi32>
    %convert_element_type3A_265 = arith.extui %ge3A_264 : vector<32x32x32xi1> to vector<32x32x32xi32>
    %reduce_sum3A_266 = arith.constant dense<0> : vector<32x32xi32>
    %reduce_sum3A_267 = vector.multi_reduction <add>, %convert_element_type3A_265, %reduce_sum3A_266 [2] : vector<32x32x32xi32> to vector<32x32xi32>
    %broadcast_in_dim3A_268 = vector.shape_cast %reduce_sum3A_267 : vector<32x32xi32> to vector<32x32x1xi32>
    %reduce_sum3A_269 = arith.constant dense<0> : vector<32x1xi32>
    %reduce_sum3A_270 = vector.multi_reduction <add>, %broadcast_in_dim3A_268, %reduce_sum3A_269 [1] : vector<32x32x1xi32> to vector<32x1xi32>
    %broadcast_in_dim3A_271 = vector.shape_cast %reduce_sum3A_270 : vector<32x1xi32> to vector<32x1x1xi32>
    %ge3A_272 = arith.constant 64 : i32
    %ge3A_273 = vector.broadcast %ge3A_272 : i32 to vector<32x1x1xi32>
    %ge3A_274 = arith.cmpi sge, %broadcast_in_dim3A_271, %ge3A_273 : vector<32x1x1xi32>
    %select_n3A_275 = arith.select %ge3A_274, %add3A_262, %select_n3A_259 : vector<32x1x1xi1>, vector<32x1x1xi32>
    %add3A_276 = arith.constant 16384 : i32
    %add3A_277 = vector.broadcast %add3A_276 : i32 to vector<32x1x1xi32>
    %add3A_278 = arith.addi %select_n3A_275, %add3A_277 : vector<32x1x1xi32>
    %ge3A_279 = vector.broadcast %add3A_278 : vector<32x1x1xi32> to vector<32x32x32xi32>
    %ge3A_280 = arith.cmpi sge, %select_n3A, %ge3A_279 : vector<32x32x32xi32>
    %convert_element_type3A_281 = arith.extui %ge3A_280 : vector<32x32x32xi1> to vector<32x32x32xi32>
    %reduce_sum3A_282 = arith.constant dense<0> : vector<32x32xi32>
    %reduce_sum3A_283 = vector.multi_reduction <add>, %convert_element_type3A_281, %reduce_sum3A_282 [2] : vector<32x32x32xi32> to vector<32x32xi32>
    %broadcast_in_dim3A_284 = vector.shape_cast %reduce_sum3A_283 : vector<32x32xi32> to vector<32x32x1xi32>
    %reduce_sum3A_285 = arith.constant dense<0> : vector<32x1xi32>
    %reduce_sum3A_286 = vector.multi_reduction <add>, %broadcast_in_dim3A_284, %reduce_sum3A_285 [1] : vector<32x32x1xi32> to vector<32x1xi32>
    %broadcast_in_dim3A_287 = vector.shape_cast %reduce_sum3A_286 : vector<32x1xi32> to vector<32x1x1xi32>
    %ge3A_288 = arith.constant 64 : i32
    %ge3A_289 = vector.broadcast %ge3A_288 : i32 to vector<32x1x1xi32>
    %ge3A_290 = arith.cmpi sge, %broadcast_in_dim3A_287, %ge3A_289 : vector<32x1x1xi32>
    %select_n3A_291 = arith.select %ge3A_290, %add3A_278, %select_n3A_275 : vector<32x1x1xi1>, vector<32x1x1xi32>
    %add3A_292 = arith.constant 8192 : i32
    %add3A_293 = vector.broadcast %add3A_292 : i32 to vector<32x1x1xi32>
    %add3A_294 = arith.addi %select_n3A_291, %add3A_293 : vector<32x1x1xi32>
    %ge3A_295 = vector.broadcast %add3A_294 : vector<32x1x1xi32> to vector<32x32x32xi32>
    %ge3A_296 = arith.cmpi sge, %select_n3A, %ge3A_295 : vector<32x32x32xi32>
    %convert_element_type3A_297 = arith.extui %ge3A_296 : vector<32x32x32xi1> to vector<32x32x32xi32>
    %reduce_sum3A_298 = arith.constant dense<0> : vector<32x32xi32>
    %reduce_sum3A_299 = vector.multi_reduction <add>, %convert_element_type3A_297, %reduce_sum3A_298 [2] : vector<32x32x32xi32> to vector<32x32xi32>
    %broadcast_in_dim3A_300 = vector.shape_cast %reduce_sum3A_299 : vector<32x32xi32> to vector<32x32x1xi32>
    %reduce_sum3A_301 = arith.constant dense<0> : vector<32x1xi32>
    %reduce_sum3A_302 = vector.multi_reduction <add>, %broadcast_in_dim3A_300, %reduce_sum3A_301 [1] : vector<32x32x1xi32> to vector<32x1xi32>
    %broadcast_in_dim3A_303 = vector.shape_cast %reduce_sum3A_302 : vector<32x1xi32> to vector<32x1x1xi32>
    %ge3A_304 = arith.constant 64 : i32
    %ge3A_305 = vector.broadcast %ge3A_304 : i32 to vector<32x1x1xi32>
    %ge3A_306 = arith.cmpi sge, %broadcast_in_dim3A_303, %ge3A_305 : vector<32x1x1xi32>
    %select_n3A_307 = arith.select %ge3A_306, %add3A_294, %select_n3A_291 : vector<32x1x1xi1>, vector<32x1x1xi32>
    %add3A_308 = arith.constant 4096 : i32
    %add3A_309 = vector.broadcast %add3A_308 : i32 to vector<32x1x1xi32>
    %add3A_310 = arith.addi %select_n3A_307, %add3A_309 : vector<32x1x1xi32>
    %ge3A_311 = vector.broadcast %add3A_310 : vector<32x1x1xi32> to vector<32x32x32xi32>
    %ge3A_312 = arith.cmpi sge, %select_n3A, %ge3A_311 : vector<32x32x32xi32>
    %convert_element_type3A_313 = arith.extui %ge3A_312 : vector<32x32x32xi1> to vector<32x32x32xi32>
    %reduce_sum3A_314 = arith.constant dense<0> : vector<32x32xi32>
    %reduce_sum3A_315 = vector.multi_reduction <add>, %convert_element_type3A_313, %reduce_sum3A_314 [2] : vector<32x32x32xi32> to vector<32x32xi32>
    %broadcast_in_dim3A_316 = vector.shape_cast %reduce_sum3A_315 : vector<32x32xi32> to vector<32x32x1xi32>
    %reduce_sum3A_317 = arith.constant dense<0> : vector<32x1xi32>
    %reduce_sum3A_318 = vector.multi_reduction <add>, %broadcast_in_dim3A_316, %reduce_sum3A_317 [1] : vector<32x32x1xi32> to vector<32x1xi32>
    %broadcast_in_dim3A_319 = vector.shape_cast %reduce_sum3A_318 : vector<32x1xi32> to vector<32x1x1xi32>
    %ge3A_320 = arith.constant 64 : i32
    %ge3A_321 = vector.broadcast %ge3A_320 : i32 to vector<32x1x1xi32>
    %ge3A_322 = arith.cmpi sge, %broadcast_in_dim3A_319, %ge3A_321 : vector<32x1x1xi32>
    %select_n3A_323 = arith.select %ge3A_322, %add3A_310, %select_n3A_307 : vector<32x1x1xi1>, vector<32x1x1xi32>
    %add3A_324 = arith.constant 2048 : i32
    %add3A_325 = vector.broadcast %add3A_324 : i32 to vector<32x1x1xi32>
    %add3A_326 = arith.addi %select_n3A_323, %add3A_325 : vector<32x1x1xi32>
    %ge3A_327 = vector.broadcast %add3A_326 : vector<32x1x1xi32> to vector<32x32x32xi32>
    %ge3A_328 = arith.cmpi sge, %select_n3A, %ge3A_327 : vector<32x32x32xi32>
    %convert_element_type3A_329 = arith.extui %ge3A_328 : vector<32x32x32xi1> to vector<32x32x32xi32>
    %reduce_sum3A_330 = arith.constant dense<0> : vector<32x32xi32>
    %reduce_sum3A_331 = vector.multi_reduction <add>, %convert_element_type3A_329, %reduce_sum3A_330 [2] : vector<32x32x32xi32> to vector<32x32xi32>
    %broadcast_in_dim3A_332 = vector.shape_cast %reduce_sum3A_331 : vector<32x32xi32> to vector<32x32x1xi32>
    %reduce_sum3A_333 = arith.constant dense<0> : vector<32x1xi32>
    %reduce_sum3A_334 = vector.multi_reduction <add>, %broadcast_in_dim3A_332, %reduce_sum3A_333 [1] : vector<32x32x1xi32> to vector<32x1xi32>
    %broadcast_in_dim3A_335 = vector.shape_cast %reduce_sum3A_334 : vector<32x1xi32> to vector<32x1x1xi32>
    %ge3A_336 = arith.constant 64 : i32
    %ge3A_337 = vector.broadcast %ge3A_336 : i32 to vector<32x1x1xi32>
    %ge3A_338 = arith.cmpi sge, %broadcast_in_dim3A_335, %ge3A_337 : vector<32x1x1xi32>
    %select_n3A_339 = arith.select %ge3A_338, %add3A_326, %select_n3A_323 : vector<32x1x1xi1>, vector<32x1x1xi32>
    %add3A_340 = arith.constant 1024 : i32
    %add3A_341 = vector.broadcast %add3A_340 : i32 to vector<32x1x1xi32>
    %add3A_342 = arith.addi %select_n3A_339, %add3A_341 : vector<32x1x1xi32>
    %ge3A_343 = vector.broadcast %add3A_342 : vector<32x1x1xi32> to vector<32x32x32xi32>
    %ge3A_344 = arith.cmpi sge, %select_n3A, %ge3A_343 : vector<32x32x32xi32>
    %convert_element_type3A_345 = arith.extui %ge3A_344 : vector<32x32x32xi1> to vector<32x32x32xi32>
    %reduce_sum3A_346 = arith.constant dense<0> : vector<32x32xi32>
    %reduce_sum3A_347 = vector.multi_reduction <add>, %convert_element_type3A_345, %reduce_sum3A_346 [2] : vector<32x32x32xi32> to vector<32x32xi32>
    %broadcast_in_dim3A_348 = vector.shape_cast %reduce_sum3A_347 : vector<32x32xi32> to vector<32x32x1xi32>
    %reduce_sum3A_349 = arith.constant dense<0> : vector<32x1xi32>
    %reduce_sum3A_350 = vector.multi_reduction <add>, %broadcast_in_dim3A_348, %reduce_sum3A_349 [1] : vector<32x32x1xi32> to vector<32x1xi32>
    %broadcast_in_dim3A_351 = vector.shape_cast %reduce_sum3A_350 : vector<32x1xi32> to vector<32x1x1xi32>
    %ge3A_352 = arith.constant 64 : i32
    %ge3A_353 = vector.broadcast %ge3A_352 : i32 to vector<32x1x1xi32>
    %ge3A_354 = arith.cmpi sge, %broadcast_in_dim3A_351, %ge3A_353 : vector<32x1x1xi32>
    %select_n3A_355 = arith.select %ge3A_354, %add3A_342, %select_n3A_339 : vector<32x1x1xi1>, vector<32x1x1xi32>
    %add3A_356 = arith.constant 512 : i32
    %add3A_357 = vector.broadcast %add3A_356 : i32 to vector<32x1x1xi32>
    %add3A_358 = arith.addi %select_n3A_355, %add3A_357 : vector<32x1x1xi32>
    %ge3A_359 = vector.broadcast %add3A_358 : vector<32x1x1xi32> to vector<32x32x32xi32>
    %ge3A_360 = arith.cmpi sge, %select_n3A, %ge3A_359 : vector<32x32x32xi32>
    %convert_element_type3A_361 = arith.extui %ge3A_360 : vector<32x32x32xi1> to vector<32x32x32xi32>
    %reduce_sum3A_362 = arith.constant dense<0> : vector<32x32xi32>
    %reduce_sum3A_363 = vector.multi_reduction <add>, %convert_element_type3A_361, %reduce_sum3A_362 [2] : vector<32x32x32xi32> to vector<32x32xi32>
    %broadcast_in_dim3A_364 = vector.shape_cast %reduce_sum3A_363 : vector<32x32xi32> to vector<32x32x1xi32>
    %reduce_sum3A_365 = arith.constant dense<0> : vector<32x1xi32>
    %reduce_sum3A_366 = vector.multi_reduction <add>, %broadcast_in_dim3A_364, %reduce_sum3A_365 [1] : vector<32x32x1xi32> to vector<32x1xi32>
    %broadcast_in_dim3A_367 = vector.shape_cast %reduce_sum3A_366 : vector<32x1xi32> to vector<32x1x1xi32>
    %ge3A_368 = arith.constant 64 : i32
    %ge3A_369 = vector.broadcast %ge3A_368 : i32 to vector<32x1x1xi32>
    %ge3A_370 = arith.cmpi sge, %broadcast_in_dim3A_367, %ge3A_369 : vector<32x1x1xi32>
    %select_n3A_371 = arith.select %ge3A_370, %add3A_358, %select_n3A_355 : vector<32x1x1xi1>, vector<32x1x1xi32>
    %add3A_372 = arith.constant 256 : i32
    %add3A_373 = vector.broadcast %add3A_372 : i32 to vector<32x1x1xi32>
    %add3A_374 = arith.addi %select_n3A_371, %add3A_373 : vector<32x1x1xi32>
    %ge3A_375 = vector.broadcast %add3A_374 : vector<32x1x1xi32> to vector<32x32x32xi32>
    %ge3A_376 = arith.cmpi sge, %select_n3A, %ge3A_375 : vector<32x32x32xi32>
    %convert_element_type3A_377 = arith.extui %ge3A_376 : vector<32x32x32xi1> to vector<32x32x32xi32>
    %reduce_sum3A_378 = arith.constant dense<0> : vector<32x32xi32>
    %reduce_sum3A_379 = vector.multi_reduction <add>, %convert_element_type3A_377, %reduce_sum3A_378 [2] : vector<32x32x32xi32> to vector<32x32xi32>
    %broadcast_in_dim3A_380 = vector.shape_cast %reduce_sum3A_379 : vector<32x32xi32> to vector<32x32x1xi32>
    %reduce_sum3A_381 = arith.constant dense<0> : vector<32x1xi32>
    %reduce_sum3A_382 = vector.multi_reduction <add>, %broadcast_in_dim3A_380, %reduce_sum3A_381 [1] : vector<32x32x1xi32> to vector<32x1xi32>
    %broadcast_in_dim3A_383 = vector.shape_cast %reduce_sum3A_382 : vector<32x1xi32> to vector<32x1x1xi32>
    %ge3A_384 = arith.constant 64 : i32
    %ge3A_385 = vector.broadcast %ge3A_384 : i32 to vector<32x1x1xi32>
    %ge3A_386 = arith.cmpi sge, %broadcast_in_dim3A_383, %ge3A_385 : vector<32x1x1xi32>
    %select_n3A_387 = arith.select %ge3A_386, %add3A_374, %select_n3A_371 : vector<32x1x1xi1>, vector<32x1x1xi32>
    %add3A_388 = arith.constant 128 : i32
    %add3A_389 = vector.broadcast %add3A_388 : i32 to vector<32x1x1xi32>
    %add3A_390 = arith.addi %select_n3A_387, %add3A_389 : vector<32x1x1xi32>
    %ge3A_391 = vector.broadcast %add3A_390 : vector<32x1x1xi32> to vector<32x32x32xi32>
    %ge3A_392 = arith.cmpi sge, %select_n3A, %ge3A_391 : vector<32x32x32xi32>
    %convert_element_type3A_393 = arith.extui %ge3A_392 : vector<32x32x32xi1> to vector<32x32x32xi32>
    %reduce_sum3A_394 = arith.constant dense<0> : vector<32x32xi32>
    %reduce_sum3A_395 = vector.multi_reduction <add>, %convert_element_type3A_393, %reduce_sum3A_394 [2] : vector<32x32x32xi32> to vector<32x32xi32>
    %broadcast_in_dim3A_396 = vector.shape_cast %reduce_sum3A_395 : vector<32x32xi32> to vector<32x32x1xi32>
    %reduce_sum3A_397 = arith.constant dense<0> : vector<32x1xi32>
    %reduce_sum3A_398 = vector.multi_reduction <add>, %broadcast_in_dim3A_396, %reduce_sum3A_397 [1] : vector<32x32x1xi32> to vector<32x1xi32>
    %broadcast_in_dim3A_399 = vector.shape_cast %reduce_sum3A_398 : vector<32x1xi32> to vector<32x1x1xi32>
    %ge3A_400 = arith.constant 64 : i32
    %ge3A_401 = vector.broadcast %ge3A_400 : i32 to vector<32x1x1xi32>
    %ge3A_402 = arith.cmpi sge, %broadcast_in_dim3A_399, %ge3A_401 : vector<32x1x1xi32>
    %select_n3A_403 = arith.select %ge3A_402, %add3A_390, %select_n3A_387 : vector<32x1x1xi1>, vector<32x1x1xi32>
    %add3A_404 = arith.constant 64 : i32
    %add3A_405 = vector.broadcast %add3A_404 : i32 to vector<32x1x1xi32>
    %add3A_406 = arith.addi %select_n3A_403, %add3A_405 : vector<32x1x1xi32>
    %ge3A_407 = vector.broadcast %add3A_406 : vector<32x1x1xi32> to vector<32x32x32xi32>
    %ge3A_408 = arith.cmpi sge, %select_n3A, %ge3A_407 : vector<32x32x32xi32>
    %convert_element_type3A_409 = arith.extui %ge3A_408 : vector<32x32x32xi1> to vector<32x32x32xi32>
    %reduce_sum3A_410 = arith.constant dense<0> : vector<32x32xi32>
    %reduce_sum3A_411 = vector.multi_reduction <add>, %convert_element_type3A_409, %reduce_sum3A_410 [2] : vector<32x32x32xi32> to vector<32x32xi32>
    %broadcast_in_dim3A_412 = vector.shape_cast %reduce_sum3A_411 : vector<32x32xi32> to vector<32x32x1xi32>
    %reduce_sum3A_413 = arith.constant dense<0> : vector<32x1xi32>
    %reduce_sum3A_414 = vector.multi_reduction <add>, %broadcast_in_dim3A_412, %reduce_sum3A_413 [1] : vector<32x32x1xi32> to vector<32x1xi32>
    %broadcast_in_dim3A_415 = vector.shape_cast %reduce_sum3A_414 : vector<32x1xi32> to vector<32x1x1xi32>
    %ge3A_416 = arith.constant 64 : i32
    %ge3A_417 = vector.broadcast %ge3A_416 : i32 to vector<32x1x1xi32>
    %ge3A_418 = arith.cmpi sge, %broadcast_in_dim3A_415, %ge3A_417 : vector<32x1x1xi32>
    %select_n3A_419 = arith.select %ge3A_418, %add3A_406, %select_n3A_403 : vector<32x1x1xi1>, vector<32x1x1xi32>
    %add3A_420 = arith.constant 32 : i32
    %add3A_421 = vector.broadcast %add3A_420 : i32 to vector<32x1x1xi32>
    %add3A_422 = arith.addi %select_n3A_419, %add3A_421 : vector<32x1x1xi32>
    %ge3A_423 = vector.broadcast %add3A_422 : vector<32x1x1xi32> to vector<32x32x32xi32>
    %ge3A_424 = arith.cmpi sge, %select_n3A, %ge3A_423 : vector<32x32x32xi32>
    %convert_element_type3A_425 = arith.extui %ge3A_424 : vector<32x32x32xi1> to vector<32x32x32xi32>
    %reduce_sum3A_426 = arith.constant dense<0> : vector<32x32xi32>
    %reduce_sum3A_427 = vector.multi_reduction <add>, %convert_element_type3A_425, %reduce_sum3A_426 [2] : vector<32x32x32xi32> to vector<32x32xi32>
    %broadcast_in_dim3A_428 = vector.shape_cast %reduce_sum3A_427 : vector<32x32xi32> to vector<32x32x1xi32>
    %reduce_sum3A_429 = arith.constant dense<0> : vector<32x1xi32>
    %reduce_sum3A_430 = vector.multi_reduction <add>, %broadcast_in_dim3A_428, %reduce_sum3A_429 [1] : vector<32x32x1xi32> to vector<32x1xi32>
    %broadcast_in_dim3A_431 = vector.shape_cast %reduce_sum3A_430 : vector<32x1xi32> to vector<32x1x1xi32>
    %ge3A_432 = arith.constant 64 : i32
    %ge3A_433 = vector.broadcast %ge3A_432 : i32 to vector<32x1x1xi32>
    %ge3A_434 = arith.cmpi sge, %broadcast_in_dim3A_431, %ge3A_433 : vector<32x1x1xi32>
    %select_n3A_435 = arith.select %ge3A_434, %add3A_422, %select_n3A_419 : vector<32x1x1xi1>, vector<32x1x1xi32>
    %add3A_436 = arith.constant 16 : i32
    %add3A_437 = vector.broadcast %add3A_436 : i32 to vector<32x1x1xi32>
    %add3A_438 = arith.addi %select_n3A_435, %add3A_437 : vector<32x1x1xi32>
    %ge3A_439 = vector.broadcast %add3A_438 : vector<32x1x1xi32> to vector<32x32x32xi32>
    %ge3A_440 = arith.cmpi sge, %select_n3A, %ge3A_439 : vector<32x32x32xi32>
    %convert_element_type3A_441 = arith.extui %ge3A_440 : vector<32x32x32xi1> to vector<32x32x32xi32>
    %reduce_sum3A_442 = arith.constant dense<0> : vector<32x32xi32>
    %reduce_sum3A_443 = vector.multi_reduction <add>, %convert_element_type3A_441, %reduce_sum3A_442 [2] : vector<32x32x32xi32> to vector<32x32xi32>
    %broadcast_in_dim3A_444 = vector.shape_cast %reduce_sum3A_443 : vector<32x32xi32> to vector<32x32x1xi32>
    %reduce_sum3A_445 = arith.constant dense<0> : vector<32x1xi32>
    %reduce_sum3A_446 = vector.multi_reduction <add>, %broadcast_in_dim3A_444, %reduce_sum3A_445 [1] : vector<32x32x1xi32> to vector<32x1xi32>
    %broadcast_in_dim3A_447 = vector.shape_cast %reduce_sum3A_446 : vector<32x1xi32> to vector<32x1x1xi32>
    %ge3A_448 = arith.constant 64 : i32
    %ge3A_449 = vector.broadcast %ge3A_448 : i32 to vector<32x1x1xi32>
    %ge3A_450 = arith.cmpi sge, %broadcast_in_dim3A_447, %ge3A_449 : vector<32x1x1xi32>
    %select_n3A_451 = arith.select %ge3A_450, %add3A_438, %select_n3A_435 : vector<32x1x1xi1>, vector<32x1x1xi32>
    %add3A_452 = arith.constant 8 : i32
    %add3A_453 = vector.broadcast %add3A_452 : i32 to vector<32x1x1xi32>
    %add3A_454 = arith.addi %select_n3A_451, %add3A_453 : vector<32x1x1xi32>
    %ge3A_455 = vector.broadcast %add3A_454 : vector<32x1x1xi32> to vector<32x32x32xi32>
    %ge3A_456 = arith.cmpi sge, %select_n3A, %ge3A_455 : vector<32x32x32xi32>
    %convert_element_type3A_457 = arith.extui %ge3A_456 : vector<32x32x32xi1> to vector<32x32x32xi32>
    %reduce_sum3A_458 = arith.constant dense<0> : vector<32x32xi32>
    %reduce_sum3A_459 = vector.multi_reduction <add>, %convert_element_type3A_457, %reduce_sum3A_458 [2] : vector<32x32x32xi32> to vector<32x32xi32>
    %broadcast_in_dim3A_460 = vector.shape_cast %reduce_sum3A_459 : vector<32x32xi32> to vector<32x32x1xi32>
    %reduce_sum3A_461 = arith.constant dense<0> : vector<32x1xi32>
    %reduce_sum3A_462 = vector.multi_reduction <add>, %broadcast_in_dim3A_460, %reduce_sum3A_461 [1] : vector<32x32x1xi32> to vector<32x1xi32>
    %broadcast_in_dim3A_463 = vector.shape_cast %reduce_sum3A_462 : vector<32x1xi32> to vector<32x1x1xi32>
    %ge3A_464 = arith.constant 64 : i32
    %ge3A_465 = vector.broadcast %ge3A_464 : i32 to vector<32x1x1xi32>
    %ge3A_466 = arith.cmpi sge, %broadcast_in_dim3A_463, %ge3A_465 : vector<32x1x1xi32>
    %select_n3A_467 = arith.select %ge3A_466, %add3A_454, %select_n3A_451 : vector<32x1x1xi1>, vector<32x1x1xi32>
    %add3A_468 = arith.constant 4 : i32
    %add3A_469 = vector.broadcast %add3A_468 : i32 to vector<32x1x1xi32>
    %add3A_470 = arith.addi %select_n3A_467, %add3A_469 : vector<32x1x1xi32>
    %ge3A_471 = vector.broadcast %add3A_470 : vector<32x1x1xi32> to vector<32x32x32xi32>
    %ge3A_472 = arith.cmpi sge, %select_n3A, %ge3A_471 : vector<32x32x32xi32>
    %convert_element_type3A_473 = arith.extui %ge3A_472 : vector<32x32x32xi1> to vector<32x32x32xi32>
    %reduce_sum3A_474 = arith.constant dense<0> : vector<32x32xi32>
    %reduce_sum3A_475 = vector.multi_reduction <add>, %convert_element_type3A_473, %reduce_sum3A_474 [2] : vector<32x32x32xi32> to vector<32x32xi32>
    %broadcast_in_dim3A_476 = vector.shape_cast %reduce_sum3A_475 : vector<32x32xi32> to vector<32x32x1xi32>
    %reduce_sum3A_477 = arith.constant dense<0> : vector<32x1xi32>
    %reduce_sum3A_478 = vector.multi_reduction <add>, %broadcast_in_dim3A_476, %reduce_sum3A_477 [1] : vector<32x32x1xi32> to vector<32x1xi32>
    %broadcast_in_dim3A_479 = vector.shape_cast %reduce_sum3A_478 : vector<32x1xi32> to vector<32x1x1xi32>
    %ge3A_480 = arith.constant 64 : i32
    %ge3A_481 = vector.broadcast %ge3A_480 : i32 to vector<32x1x1xi32>
    %ge3A_482 = arith.cmpi sge, %broadcast_in_dim3A_479, %ge3A_481 : vector<32x1x1xi32>
    %select_n3A_483 = arith.select %ge3A_482, %add3A_470, %select_n3A_467 : vector<32x1x1xi1>, vector<32x1x1xi32>
    %add3A_484 = arith.constant 2 : i32
    %add3A_485 = vector.broadcast %add3A_484 : i32 to vector<32x1x1xi32>
    %add3A_486 = arith.addi %select_n3A_483, %add3A_485 : vector<32x1x1xi32>
    %ge3A_487 = vector.broadcast %add3A_486 : vector<32x1x1xi32> to vector<32x32x32xi32>
    %ge3A_488 = arith.cmpi sge, %select_n3A, %ge3A_487 : vector<32x32x32xi32>
    %convert_element_type3A_489 = arith.extui %ge3A_488 : vector<32x32x32xi1> to vector<32x32x32xi32>
    %reduce_sum3A_490 = arith.constant dense<0> : vector<32x32xi32>
    %reduce_sum3A_491 = vector.multi_reduction <add>, %convert_element_type3A_489, %reduce_sum3A_490 [2] : vector<32x32x32xi32> to vector<32x32xi32>
    %broadcast_in_dim3A_492 = vector.shape_cast %reduce_sum3A_491 : vector<32x32xi32> to vector<32x32x1xi32>
    %reduce_sum3A_493 = arith.constant dense<0> : vector<32x1xi32>
    %reduce_sum3A_494 = vector.multi_reduction <add>, %broadcast_in_dim3A_492, %reduce_sum3A_493 [1] : vector<32x32x1xi32> to vector<32x1xi32>
    %broadcast_in_dim3A_495 = vector.shape_cast %reduce_sum3A_494 : vector<32x1xi32> to vector<32x1x1xi32>
    %ge3A_496 = arith.constant 64 : i32
    %ge3A_497 = vector.broadcast %ge3A_496 : i32 to vector<32x1x1xi32>
    %ge3A_498 = arith.cmpi sge, %broadcast_in_dim3A_495, %ge3A_497 : vector<32x1x1xi32>
    %select_n3A_499 = arith.select %ge3A_498, %add3A_486, %select_n3A_483 : vector<32x1x1xi1>, vector<32x1x1xi32>
    %add3A_500 = arith.constant 1 : i32
    %add3A_501 = vector.broadcast %add3A_500 : i32 to vector<32x1x1xi32>
    %add3A_502 = arith.addi %select_n3A_499, %add3A_501 : vector<32x1x1xi32>
    %ge3A_503 = vector.broadcast %add3A_502 : vector<32x1x1xi32> to vector<32x32x32xi32>
    %ge3A_504 = arith.cmpi sge, %select_n3A, %ge3A_503 : vector<32x32x32xi32>
    %convert_element_type3A_505 = arith.extui %ge3A_504 : vector<32x32x32xi1> to vector<32x32x32xi32>
    %reduce_sum3A_506 = arith.constant dense<0> : vector<32x32xi32>
    %reduce_sum3A_507 = vector.multi_reduction <add>, %convert_element_type3A_505, %reduce_sum3A_506 [2] : vector<32x32x32xi32> to vector<32x32xi32>
    %broadcast_in_dim3A_508 = vector.shape_cast %reduce_sum3A_507 : vector<32x32xi32> to vector<32x32x1xi32>
    %reduce_sum3A_509 = arith.constant dense<0> : vector<32x1xi32>
    %reduce_sum3A_510 = vector.multi_reduction <add>, %broadcast_in_dim3A_508, %reduce_sum3A_509 [1] : vector<32x32x1xi32> to vector<32x1xi32>
    %broadcast_in_dim3A_511 = vector.shape_cast %reduce_sum3A_510 : vector<32x1xi32> to vector<32x1x1xi32>
    %ge3A_512 = arith.constant 64 : i32
    %ge3A_513 = vector.broadcast %ge3A_512 : i32 to vector<32x1x1xi32>
    %ge3A_514 = arith.cmpi sge, %broadcast_in_dim3A_511, %ge3A_513 : vector<32x1x1xi32>
    %select_n3A_515 = arith.select %ge3A_514, %add3A_502, %select_n3A_499 : vector<32x1x1xi1>, vector<32x1x1xi32>
    %gt3A = vector.broadcast %select_n3A_515 : vector<32x1x1xi32> to vector<32x32x32xi32>
    %gt3A_516 = arith.cmpi sgt, %select_n3A, %gt3A : vector<32x32x32xi32>
    %eq3A = vector.broadcast %select_n3A_515 : vector<32x1x1xi32> to vector<32x32x32xi32>
    %eq3A_517 = arith.cmpi eq, %select_n3A, %eq3A : vector<32x32x32xi32>
    %convert_element_type3A_518 = arith.extui %gt3A_516 : vector<32x32x32xi1> to vector<32x32x32xi32>
    %reduce_sum3A_519 = arith.constant dense<0> : vector<32x32xi32>
    %reduce_sum3A_520 = vector.multi_reduction <add>, %convert_element_type3A_518, %reduce_sum3A_519 [2] : vector<32x32x32xi32> to vector<32x32xi32>
    %broadcast_in_dim3A_521 = vector.shape_cast %reduce_sum3A_520 : vector<32x32xi32> to vector<32x32x1xi32>
    %reduce_sum3A_522 = arith.constant dense<0> : vector<32x1xi32>
    %reduce_sum3A_523 = vector.multi_reduction <add>, %broadcast_in_dim3A_521, %reduce_sum3A_522 [1] : vector<32x32x1xi32> to vector<32x1xi32>
    %broadcast_in_dim3A_524 = vector.shape_cast %reduce_sum3A_523 : vector<32x1xi32> to vector<32x1x1xi32>
    %sub3A = arith.constant 64 : i32
    %sub3A_525 = vector.broadcast %sub3A : i32 to vector<32x1x1xi32>
    %sub3A_526 = arith.subi %sub3A_525, %broadcast_in_dim3A_524 : vector<32x1x1xi32>
    %convert_element_type3A_527 = arith.extui %eq3A_517 : vector<32x32x32xi1> to vector<32x32x32xi32>
    %broadcast_in_dim3A_528 = arith.constant 0 : i32
    %broadcast_in_dim3A_529 = vector.broadcast %broadcast_in_dim3A_528 : i32 to vector<32x32x1xi32>
    %slice3A = vector.extract_strided_slice %convert_element_type3A_527 {offsets = [0, 0, 0], sizes = [32, 32, 31], strides = [1, 1, 1]} : vector<32x32x32xi32> to vector<32x32x31xi32>
    %concatenate3A = tpu.concatenate %broadcast_in_dim3A_529, %slice3A in 2 : vector<32x32x1xi32>, vector<32x32x31xi32> -> vector<32x32x32xi32>
    %add3A_530 = arith.addi %convert_element_type3A_527, %concatenate3A : vector<32x32x32xi32>
    %broadcast_in_dim3A_531 = arith.constant 0 : i32
    %broadcast_in_dim3A_532 = vector.broadcast %broadcast_in_dim3A_531 : i32 to vector<32x32x2xi32>
    %slice3A_533 = vector.extract_strided_slice %add3A_530 {offsets = [0, 0, 0], sizes = [32, 32, 30], strides = [1, 1, 1]} : vector<32x32x32xi32> to vector<32x32x30xi32>
    %concatenate3A_534 = tpu.concatenate %broadcast_in_dim3A_532, %slice3A_533 in 2 : vector<32x32x2xi32>, vector<32x32x30xi32> -> vector<32x32x32xi32>
    %add3A_535 = arith.addi %add3A_530, %concatenate3A_534 : vector<32x32x32xi32>
    %broadcast_in_dim3A_536 = arith.constant 0 : i32
    %broadcast_in_dim3A_537 = vector.broadcast %broadcast_in_dim3A_536 : i32 to vector<32x32x4xi32>
    %slice3A_538 = vector.extract_strided_slice %add3A_535 {offsets = [0, 0, 0], sizes = [32, 32, 28], strides = [1, 1, 1]} : vector<32x32x32xi32> to vector<32x32x28xi32>
    %concatenate3A_539 = tpu.concatenate %broadcast_in_dim3A_537, %slice3A_538 in 2 : vector<32x32x4xi32>, vector<32x32x28xi32> -> vector<32x32x32xi32>
    %add3A_540 = arith.addi %add3A_535, %concatenate3A_539 : vector<32x32x32xi32>
    %broadcast_in_dim3A_541 = arith.constant 0 : i32
    %broadcast_in_dim3A_542 = vector.broadcast %broadcast_in_dim3A_541 : i32 to vector<32x32x8xi32>
    %slice3A_543 = vector.extract_strided_slice %add3A_540 {offsets = [0, 0, 0], sizes = [32, 32, 24], strides = [1, 1, 1]} : vector<32x32x32xi32> to vector<32x32x24xi32>
    %concatenate3A_544 = tpu.concatenate %broadcast_in_dim3A_542, %slice3A_543 in 2 : vector<32x32x8xi32>, vector<32x32x24xi32> -> vector<32x32x32xi32>
    %add3A_545 = arith.addi %add3A_540, %concatenate3A_544 : vector<32x32x32xi32>
    %broadcast_in_dim3A_546 = arith.constant 0 : i32
    %broadcast_in_dim3A_547 = vector.broadcast %broadcast_in_dim3A_546 : i32 to vector<32x32x16xi32>
    %slice3A_548 = vector.extract_strided_slice %add3A_545 {offsets = [0, 0, 0], sizes = [32, 32, 16], strides = [1, 1, 1]} : vector<32x32x32xi32> to vector<32x32x16xi32>
    %concatenate3A_549 = tpu.concatenate %broadcast_in_dim3A_547, %slice3A_548 in 2 : vector<32x32x16xi32>, vector<32x32x16xi32> -> vector<32x32x32xi32>
    %add3A_550 = arith.addi %add3A_545, %concatenate3A_549 : vector<32x32x32xi32>
    %reduce_sum3A_551 = arith.constant dense<0> : vector<32x32xi32>
    %reduce_sum3A_552 = vector.multi_reduction <add>, %convert_element_type3A_527, %reduce_sum3A_551 [2] : vector<32x32x32xi32> to vector<32x32xi32>
    %broadcast_in_dim3A_553 = vector.shape_cast %reduce_sum3A_552 : vector<32x32xi32> to vector<32x32x1xi32>
    %broadcast_in_dim3A_554 = arith.constant 0 : i32
    %broadcast_in_dim3A_555 = vector.broadcast %broadcast_in_dim3A_554 : i32 to vector<32x1x1xi32>
    %slice3A_556 = vector.extract_strided_slice %broadcast_in_dim3A_553 {offsets = [0, 0, 0], sizes = [32, 31, 1], strides = [1, 1, 1]} : vector<32x32x1xi32> to vector<32x31x1xi32>
    %concatenate3A_557 = tpu.concatenate %broadcast_in_dim3A_555, %slice3A_556 in 1 : vector<32x1x1xi32>, vector<32x31x1xi32> -> vector<32x32x1xi32>
    %add3A_558 = arith.addi %broadcast_in_dim3A_553, %concatenate3A_557 : vector<32x32x1xi32>
    %broadcast_in_dim3A_559 = arith.constant 0 : i32
    %broadcast_in_dim3A_560 = vector.broadcast %broadcast_in_dim3A_559 : i32 to vector<32x2x1xi32>
    %slice3A_561 = vector.extract_strided_slice %add3A_558 {offsets = [0, 0, 0], sizes = [32, 30, 1], strides = [1, 1, 1]} : vector<32x32x1xi32> to vector<32x30x1xi32>
    %concatenate3A_562 = tpu.concatenate %broadcast_in_dim3A_560, %slice3A_561 in 1 : vector<32x2x1xi32>, vector<32x30x1xi32> -> vector<32x32x1xi32>
    %add3A_563 = arith.addi %add3A_558, %concatenate3A_562 : vector<32x32x1xi32>
    %broadcast_in_dim3A_564 = arith.constant 0 : i32
    %broadcast_in_dim3A_565 = vector.broadcast %broadcast_in_dim3A_564 : i32 to vector<32x4x1xi32>
    %slice3A_566 = vector.extract_strided_slice %add3A_563 {offsets = [0, 0, 0], sizes = [32, 28, 1], strides = [1, 1, 1]} : vector<32x32x1xi32> to vector<32x28x1xi32>
    %concatenate3A_567 = tpu.concatenate %broadcast_in_dim3A_565, %slice3A_566 in 1 : vector<32x4x1xi32>, vector<32x28x1xi32> -> vector<32x32x1xi32>
    %add3A_568 = arith.addi %add3A_563, %concatenate3A_567 : vector<32x32x1xi32>
    %broadcast_in_dim3A_569 = arith.constant 0 : i32
    %broadcast_in_dim3A_570 = vector.broadcast %broadcast_in_dim3A_569 : i32 to vector<32x8x1xi32>
    %slice3A_571 = vector.extract_strided_slice %add3A_568 {offsets = [0, 0, 0], sizes = [32, 24, 1], strides = [1, 1, 1]} : vector<32x32x1xi32> to vector<32x24x1xi32>
    %concatenate3A_572 = tpu.concatenate %broadcast_in_dim3A_570, %slice3A_571 in 1 : vector<32x8x1xi32>, vector<32x24x1xi32> -> vector<32x32x1xi32>
    %add3A_573 = arith.addi %add3A_568, %concatenate3A_572 : vector<32x32x1xi32>
    %broadcast_in_dim3A_574 = arith.constant 0 : i32
    %broadcast_in_dim3A_575 = vector.broadcast %broadcast_in_dim3A_574 : i32 to vector<32x16x1xi32>
    %slice3A_576 = vector.extract_strided_slice %add3A_573 {offsets = [0, 0, 0], sizes = [32, 16, 1], strides = [1, 1, 1]} : vector<32x32x1xi32> to vector<32x16x1xi32>
    %concatenate3A_577 = tpu.concatenate %broadcast_in_dim3A_575, %slice3A_576 in 1 : vector<32x16x1xi32>, vector<32x16x1xi32> -> vector<32x32x1xi32>
    %add3A_578 = arith.addi %add3A_573, %concatenate3A_577 : vector<32x32x1xi32>
    %sub3A_579 = arith.subi %add3A_578, %broadcast_in_dim3A_553 : vector<32x32x1xi32>
    %sub3A_580 = arith.subi %add3A_550, %convert_element_type3A_527 : vector<32x32x32xi32>
    %add3A_581 = vector.broadcast %sub3A_579 : vector<32x32x1xi32> to vector<32x32x32xi32>
    %add3A_582 = arith.addi %add3A_581, %sub3A_580 : vector<32x32x32xi32>
    %lt3A = vector.broadcast %sub3A_526 : vector<32x1x1xi32> to vector<32x32x32xi32>
    %lt3A_583 = arith.cmpi slt, %add3A_582, %lt3A : vector<32x32x32xi32>
    %and3A = arith.andi %eq3A_517, %lt3A_583 : vector<32x32x32xi1>
    %or3A = arith.ori %gt3A_516, %and3A : vector<32x32x32xi1>
    %iota3A = tpu.iota {dimensions = array<i32: 2>} : vector<32x32x32xi32>
    %convert_element_type3A_584 = arith.extui %or3A : vector<32x32x32xi1> to vector<32x32x32xi32>
    %shift_left3A = arith.shli %convert_element_type3A_584, %iota3A : vector<32x32x32xi32>
    %reduce_sum3A_585 = arith.constant dense<0> : vector<32x32xi32>
    %reduce_sum3A_586 = vector.multi_reduction <add>, %shift_left3A, %reduce_sum3A_585 [2] : vector<32x32x32xi32> to vector<32x32xi32>
    %broadcast_in_dim3A_587 = vector.shape_cast %reduce_sum3A_586 : vector<32x32xi32> to vector<32x1x32xi32>
    %swap3A = arith.constant 0 : index
    %swap3A_588 = arith.constant 0 : index
    %swap3A_589 = arith.constant 0 : index
    %swap3A_590 = vector.load %arg1[%swap3A, %swap3A_588, %swap3A_589] : memref<32x1x32xi32, #tpu.memory_space<vmem>>, vector<32x1x32xi32>
    tpu.vector_store %arg1[%swap3A, %swap3A_588, %swap3A_589], %broadcast_in_dim3A_587 {strides = array<i32>} : memref<32x1x32xi32, #tpu.memory_space<vmem>>, vector<32x1x32xi32>,
    return
  }
}

</mosaic_0001>

<sc_bundles>
// kernel: kernel.6.cloned.1.call-start
scs
__scs_entry_jumppad:
0x0: {  	(pc) =	sbr.rel $0x88, $3  }
0x1: {  	(tag) =	ssettag $0x0;
	lr =	simm.s32 $0x1  }
0x2: {  	[smem:$0x3FA0] =	sst lr;
	_ =	strace $0xD0000000  }
0x3: {  	_ = 	snop  }
0x4: {  	_ = 	snop  }
0x5: {  	_ = 	snop  }
0x6: {  	_ = 	snop  }
0x7: {  	_ = 	snop  }
__scs_overlays_trampoline_lowered:
0x8: {  	[smem:$0x3FAF] =	sst s0  }
0x9: {  	[smem:$0x3FB0] =	sst s1  }
0xa: {  	[smem:$0x3FB1] =	sst s2  }
0xb: {  	[smem:$0x3FB2] =	sst s3  }
0xc: {  	[smem:$0x3FB3] =	sst s4  }
0xd: {  	[smem:$0x3FB4] =	sst s5  }
0xe: {  	[smem:$0x3FB5] =	sst s6  }
0xf: {  	[smem:$0x3FB6] =	sst s7  }
0x10: {  	[smem:$0x3FB7] =	sst s8  }
0x11: {  	[smem:$0x3FB8] =	sst s9;
	s0 =	simm.s32 @!p0 $0x0  }
0x12: {  	s1 =	sld [smem:$0x3F9E];
	s0 =	simm.s32 @p0 $0x1  }
0x13: {  	[smem:$0x3FB9] =	sst s0;
	s0 =	simm.s32 @!p1 $0x0  }
0x14: {  	s2 =	sld [smem:$0x3F9D];
	s0 =	simm.s32 @p1 $0x1  }
0x15: {  	[smem:$0x3FBA] =	sst s0;
	s0 =	simm.s32 @!p2 $0x0  }
0x16: {  	s3 =	sld [smem:$0x3FDB];
	s0 =	simm.s32 @p2 $0x1  }
0x17: {  	s4 =	simm.s32 $0x1BF5;
	[smem:$0x3FBC] =	sst s0  }
0x18: {  	s0 =	sld [smem:$0x3F9F];
	_ =	swait.ge [sflag:s4], $0x0  }
0x19: {  	s7 =	sld [smem:$0x3FA0]  }
0x1a: {  	s8 =	sadd.s32 $0xFFFFE003, lr  }
0x1b: {  	s9 =	sadd.s32 $0xFFFFFEF7, lr;
	s5 =	simm.s32 $0xFFFFFFFF;
	p2 =	slt.u32 s8, $0xFFFFF086  }
0x1c: {  	p1 =	slt.u32 s9, $0xF7A;
	s5 =	simm.s32 @!p2 $0x0  }
0x1d: {  	s5 =	simm.s32 @p1 $0x1;
	p0 =	seq.s32 s7, s2  }
0x1e: {  	s7 =	smul.u32 @!p0 $0xF7A, s2;
	p2 =	seq.s32 @!p0 s5, $0x0  }
0x1f: {  	s9 =	smul.u32 $0xF7A, s1;
	s8 =	simm.s32 @!p0 $0x1BF5;
	p2 =	por !p2, p0  }
0x20: {  	[sflag:s8] =	ssyncset.s32 @!p0 $0xFFFFF086;
	s6 =	sadd.s32 @!p0 s3, s7;
	s7 =	simm.s32 @!p0 $0x108  }
0x21: {  	s3 =	sadd.s32 s3, s9;
	s6 =	sadd.s32 @!p0 $0x88, s6;
	s7 =	simm.s32 @p2 $0x1082  }
0x22: {  	[simem:s7], [sflag:s8] =	dma.local @!p0 [hbm:s6], $0xF7A  }
0x23: {  	s9 =	sor.u32 $0xD0000000, s2;
	s6 =	simm.s32 $0x108;
	_ =	swait.ge @!p0 [sflag:s8], $0x0  }
0x24: {  	s3 =	sadd.s32 $0x88, s3;
	s6 =	simm.s32 @!p1 $0x1082;
	[sflag:s4] =	ssyncset.s32 $0xFFFFF086  }
0x25: {  	[simem:s6], [sflag:s4] =	dma.local [hbm:s3], $0xF7A  }
0x26: {  	[smem:$0x3FA0] =	sst s1;
	(tag) =	ssettag s2;
	_ =	strace s9  }
0x27: {  	s1 =	sld [smem:$0x3FB0]  }
0x28: {  	s2 =	sld [smem:$0x3FB1]  }
0x29: {  	s4 =	sld [smem:$0x3FB3]  }
0x2a: {  	p0 =	seq.s32 s5, $0x0;
	s5 =	sld [smem:$0x3FB4]  }
0x2b: {  	s6 =	sld [smem:$0x3FB5]  }
0x2c: {  	s7 =	sld [smem:$0x3FB6]  }
0x2d: {  	s3 =	simm.s32 $0x108;
	s8 =	sld [smem:$0x3FB7]  }
0x2e: {  	s3 =	simm.s32 @!p0 $0x1082;
	s9 =	sld [smem:$0x3FB8]  }
0x2f: {  	lr =	sadd.s32 s0, s3;
	s0 =	sld [smem:$0x3FAF]  }
0x30: {  	s3 =	sld [smem:$0x3FB2]  }
0x31: {  	[smem:$0x3FBB] =	sst s10  }
0x32: {  	s10 =	sld [smem:$0x3FB9];
	_ =	sdelay $0x3  }
0x33: {  	p0 =	seq.s32 s10, $0x1;
	s10 =	sld [smem:$0x3FBB];
	_ =	sdelay $0x3  }
0x34: {  	[smem:$0x3FBB] =	sst s10  }
0x35: {  	s10 =	sld [smem:$0x3FBA];
	_ =	sdelay $0x3  }
0x36: {  	p1 =	seq.s32 s10, $0x1;
	s10 =	sld [smem:$0x3FBB];
	_ =	sdelay $0x3  }
0x37: {  	[smem:$0x3FBB] =	sst s10  }
0x38: {  	s10 =	sld [smem:$0x3FBC]  }
0x39: {  	_ = 	snop;
	(pc) =	sbr.ind lr, $3  }
0x3a: {  	_ = 	snop  }
0x3b: {  	_ = 	snop  }
0x3c: {  	p2 =	seq.s32 s10, $0x1;
	s10 =	sld [smem:$0x3FBB]  }
0x3d: {  	_ =	shalt  }
0x3e: {  	_ =	shalt  }
0x3f: {  	_ =	shalt  }
0x40: {  	_ =	shalt  }
0x41: {  	_ =	shalt  }
0x42: {  	_ =	shalt  }
0x43: {  	_ =	shalt  }
0x44: {  	_ =	shalt  }
0x45: {  	_ =	shalt  }
0x46: {  	_ =	shalt  }
0x47: {  	_ =	shalt  }
0x48: {  	_ =	shalt  }
0x49: {  	_ =	shalt  }
0x4a: {  	_ =	shalt  }
0x4b: {  	_ =	shalt  }
0x4c: {  	_ =	shalt  }
0x4d: {  	_ =	shalt  }
0x4e: {  	_ =	shalt  }
0x4f: {  	_ =	shalt  }
0x50: {  	_ =	shalt  }
0x51: {  	_ =	shalt  }
0x52: {  	_ =	shalt  }
0x53: {  	_ =	shalt  }
0x54: {  	_ =	shalt  }
0x55: {  	_ =	shalt  }
0x56: {  	_ =	shalt  }
0x57: {  	_ =	shalt  }
0x58: {  	_ =	shalt  }
0x59: {  	_ =	shalt  }
0x5a: {  	_ =	shalt  }
0x5b: {  	_ =	shalt  }
0x5c: {  	_ =	shalt  }
0x5d: {  	_ =	shalt  }
0x5e: {  	_ =	shalt  }
0x5f: {  	_ =	shalt  }
0x60: {  	_ =	shalt  }
0x61: {  	_ =	shalt  }
0x62: {  	_ =	shalt  }
0x63: {  	_ =	shalt  }
0x64: {  	_ =	shalt  }
0x65: {  	_ =	shalt  }
0x66: {  	_ =	shalt  }
0x67: {  	_ =	shalt  }
0x68: {  	_ =	shalt  }
0x69: {  	_ =	shalt  }
0x6a: {  	_ =	shalt  }
0x6b: {  	_ =	shalt  }
0x6c: {  	_ =	shalt  }
0x6d: {  	_ =	shalt  }
0x6e: {  	_ =	shalt  }
0x6f: {  	_ =	shalt  }
0x70: {  	_ =	shalt  }
0x71: {  	_ =	shalt  }
0x72: {  	_ =	shalt  }
0x73: {  	_ =	shalt  }
0x74: {  	_ =	shalt  }
0x75: {  	_ =	shalt  }
0x76: {  	_ =	shalt  }
0x77: {  	_ =	shalt  }
0x78: {  	_ =	shalt  }
0x79: {  	_ =	shalt  }
0x7a: {  	_ =	shalt  }
0x7b: {  	_ =	shalt  }
0x7c: {  	_ =	shalt  }
0x7d: {  	_ =	shalt  }
0x7e: {  	_ =	shalt  }
0x7f: {  	_ =	shalt  }
0x80: {  	_ =	shalt  }
0x81: {  	_ =	shalt  }
0x82: {  	_ =	shalt  }
0x83: {  	_ =	shalt  }
0x84: {  	_ =	shalt  }
0x85: {  	_ =	shalt  }
0x86: {  	_ =	shalt  }
0x87: {  	_ =	shalt  }
.Lfunc_end0:
.L_simem_size_0:
called_computation_lowered:
.L_overlay_start_0:
0x88: {  	s2 =	sld [smem:$0x3FD9]  }
0x89: {  	s3 =	sld [smem:$0x3FFE];
	_ =	sdelay $0x1  }
0x8a: {  	s1 =	srdreg.scid  }
0x8b: {  	s0 =	sand.u32 $0x1, s1  }
0x8c: {  	s17 =	sshll.u32 s0, $0xA;
	s2 =	sadd.s32 s3, s2  }
0x8d: {  	s2 =	sadd.s32 s2, s17  }
0x8e: {  	[smem:$0x3FC7] =	sst s2  }
0x8f: {  	_ = 	snop  }
0x90: {  	s2 =	sld [smem:$0x3FC9]  }
0x91: {  	s18 =	sld [smem:$0x3FD0];
	(tm) =	ssettm $0x1  }
0x92: {  	s4 =	sld [smem:$0x3FFB];
	_ =	sdelay $0x3  }
0x93: {  	_ =	strace s4  }
0x94: {  	s4 =	sld [smem:$0x3FFC];
	_ =	sdelay $0x3  }
0x95: {  	_ =	strace s4  }
0x96: {  	s4 =	sld [smem:$0x3FFD];
	_ =	sdelay $0x3  }
0x97: {  	_ =	strace s4  }
0x98: {  	_ =	strace $0x8FFFFFFF  }
0x99: {  	s19 =	sld [smem:$0x3FDB];
	_ =	sdelay $0x1  }
0x9a: {  	s5 =	simm.s32 $_scs_section_size  }
0x9b: {  	s6 =	simm.s32 $_size__tile_overlayer_lowered;
	s7 =	simm.s32 $_tile_overlayer_lowered  }
0x9c: {  	s22 =	simm.s32 $0x1BFF;
	s21 =	sshll.u32 s7, $0x1;
	s4 =	sadd.s32 s5, s19  }
0x9d: {  	s8 =	simm.s32 $0x0;
	s20 =	sshll.u32 s6, $0x1;
	s6 =	sadd.s32 s21, s4  }
0x9e: {  	[timem:s8], [sflag:s22] =	dma.local [hbm:s6], s20  }
0x9f: {  	_ =	swait.ge [sflag:s22], s20  }
0xa0: {  	s5 =	ssub.s32 $0x0, s20;
	[sflag:s22] =	ssyncset.done $0x0  }
0xa1: {  	[sflag:s22] =	ssyncadd.s32 s5;
	_ =	sdelay $0x1  }
0xa2: {  	s23 =	simm.s32 $0x1B8B  }
0xa3: {  	_ =	swait.ge [sflag:s23], $0x1  }
0xa4: {  	[sflag:s23] =	ssyncset.done $0x0  }
0xa5: {  	s25 =	simm.s32 $0x1B8E;
	s24 =	sld [smem:$0x3FFE];
	[sflag:s23] =	ssyncadd.s32 $0xFFFFFFFF  }
0xa6: {  	s26 =	simm.s32 $execute0_lowered;
	[smem:$0x3FD2] =	sst s25  }
0xa7: {  	s6 =	sshll.u32 s26, $0x1;
	_ =	strace $0x80000046;
	[dreg:$0x1] =	wrdreg $0xFFFFFFFF  }
0xa8: {  	s28 =	simm.s32 $_size_execute0_lowered;
	s4 =	sadd.s32 s4, s6;
	[dreg:$0x0] =	wrdreg $0x0  }
0xa9: {  	s6 =	sshll.u32 s28, $0x1;
	[dreg:$0x2] =	wrdreg s4  }
0xaa: {  	[dreg:$0x3] =	wrdreg s6  }
0xab: {  	[dreg:$0x4] =	wrdreg $0xC0  }
0xac: {  	_ =	task [dreg:s8], $0x5FFFF  }
0xad: {  	[dreg:$0x1] =	wrdreg $0xFFFFFFFF  }
0xae: {  	[dreg:$0x0] =	wrdreg $0x60  }
0xaf: {  	[dreg:$0x2] =	wrdreg s2  }
0xb0: {  	[dreg:$0x3] =	wrdreg s24  }
0xb1: {  	[dreg:$0x4] =	wrdreg s18  }
0xb2: {  	[dreg:$0x5] =	wrdreg $0x9  }
0xb3: {  	_ =	task.clear_ibuf [dreg:s8], $0x6FFFF;
	_ =	strace $0x90000046  }
0xb4: {  	s29 =	simm.s32 $0x9;
	_ =	strace $0x80000048  }
0xb5: {  	_ =	swait.ge [sflag:s29], $0x1  }
0xb6: {  	[sflag:s29] =	ssyncadd.s32 $0xFFFFFFFF  }
0xb7: {  	_ =	strace $0x90000048  }
0xb8: {  	_ =	sfence  }
0xb9: {  	s30 =	sld [smem:$0x0];
	_ =	sdelay $0x2  }
0xba: {  	s31 =	sshll.u32 s1, $0xD;
	s1 =	sshrl.u32 s1, $0x2  }
0xbb: {  	s3 =	sand.u32 $0x4000, s31;
	s1 =	sadd.s32 s1, s30  }
0xbc: {  	s0 =	sor.u32 s3, s0;
	s1 =	sshll.u32 s1, $0x11  }
0xbd: {  	s0 =	sor.u32 s1, s0  }
0xbe: {  	s0 =	sadd.s32 $0x8F2B, s0  }
0xbf: {  	[sflag:s0] =	ssyncadd.remote.s32 $0x1  }
0xc0: {  	_ =	sfence.sel $0xFFFF  }
0xc1: {  	[dreg:$0x0] =	wrdreg $0xFFFFFFFF;
	(pc) =	sbr.abs _section_cstart, $3  }
0xc2: {  	[dreg:$0x1] =	wrdreg $0xFFFFFFFF  }
0xc3: {  	_ =	task.clear_ibuf [dreg:s8], $0x2FFFF;
	_ =	strace $0x9FFFFFFF  }
0xc4: {  	(tm) =	ssettm $0x7FFFFFFF  }
0xc5: {  	_ =	shalt  }
tec
execute0_lowered:
.L_overlay_start_1:
0x0: {  	(tag) =	ssettag $0x1  }
0x1: {  	v0 =	vlaneseq.u32  }
0x2: {  	v1 =	vmul.u32 $0x20, v0;
	_ =	sdelay $0x1  }
0x3: {  	v2 =	vor.u32 $0x1, v1  }
0x4: {  	[tilespmem:$0x1FD30] =	vst v2;
	v2 =	vor.u32 $0x2, v1  }
0x5: {  	[tilespmem:$0x1FD40] =	vst v2;
	v2 =	vor.u32 $0x3, v1  }
0x6: {  	[tilespmem:$0x1FD50] =	vst v2;
	v2 =	vor.u32 $0x4, v1  }
0x7: {  	[tilespmem:$0x1FD60] =	vst v2;
	v2 =	vor.u32 $0x5, v1  }
0x8: {  	[tilespmem:$0x1FD70] =	vst v2;
	v2 =	vor.u32 $0x6, v1  }
0x9: {  	[tilespmem:$0x1FD80] =	vst v2;
	v2 =	vor.u32 $0x7, v1  }
0xa: {  	[tilespmem:$0x1FD90] =	vst v2;
	v2 =	vor.u32 $0x8, v1  }
0xb: {  	[tilespmem:$0x1FDA0] =	vst v2;
	v2 =	vor.u32 $0x9, v1  }
0xc: {  	[tilespmem:$0x1FDB0] =	vst v2;
	v2 =	vor.u32 $0xA, v1  }
0xd: {  	[tilespmem:$0x1FDC0] =	vst v2;
	v2 =	vor.u32 $0xB, v1  }
0xe: {  	[tilespmem:$0x1FDD0] =	vst v2;
	v2 =	vor.u32 $0xC, v1  }
0xf: {  	[tilespmem:$0x1FDE0] =	vst v2;
	v2 =	vor.u32 $0xD, v1  }
0x10: {  	[tilespmem:$0x1FDF0] =	vst v2;
	v2 =	vor.u32 $0xE, v1  }
0x11: {  	[tilespmem:$0x1FE00] =	vst v2;
	v2 =	vor.u32 $0xF, v1  }
0x12: {  	[tilespmem:$0x1FE10] =	vst v2;
	v2 =	vor.u32 $0x10, v1  }
0x13: {  	[tilespmem:$0x1FE20] =	vst v2;
	v2 =	vor.u32 $0x11, v1  }
0x14: {  	[tilespmem:$0x1FE30] =	vst v2;
	v2 =	vor.u32 $0x12, v1  }
0x15: {  	[tilespmem:$0x1FE40] =	vst v2;
	v2 =	vor.u32 $0x13, v1  }
0x16: {  	[tilespmem:$0x1FE50] =	vst v2;
	v2 =	vor.u32 $0x14, v1  }
0x17: {  	[tilespmem:$0x1FE60] =	vst v2;
	v2 =	vor.u32 $0x15, v1  }
0x18: {  	[tilespmem:$0x1FE70] =	vst v2;
	v2 =	vor.u32 $0x16, v1  }
0x19: {  	[tilespmem:$0x1FE80] =	vst v2;
	v2 =	vor.u32 $0x17, v1  }
0x1a: {  	[tilespmem:$0x1FE90] =	vst v2;
	v2 =	vor.u32 $0x18, v1  }
0x1b: {  	[tilespmem:$0x1FEA0] =	vst v2;
	v2 =	vor.u32 $0x19, v1  }
0x1c: {  	[tilespmem:$0x1FEB0] =	vst v2;
	v2 =	vor.u32 $0x1A, v1  }
0x1d: {  	[tilespmem:$0x1FEC0] =	vst v2;
	v2 =	vor.u32 $0x1B, v1  }
0x1e: {  	[tilespmem:$0x1FED0] =	vst v2;
	v2 =	vor.u32 $0x1C, v1  }
0x1f: {  	[tilespmem:$0x1FEE0] =	vst v2;
	v2 =	vor.u32 $0x1D, v1  }
0x20: {  	[tilespmem:$0x1FEF0] =	vst v2;
	v2 =	vor.u32 $0x1E, v1  }
0x21: {  	[tilespmem:$0x1FF00] =	vst v2;
	v2 =	vor.u32 $0x1F, v1  }
0x22: {  	[tilespmem:$0x1FF10] =	vst v2;
	v2 =	vor.u32 $0x200, v1  }
0x23: {  	[tilespmem:$0x1FF20] =	vst v2;
	v2 =	vor.u32 $0x201, v1  }
0x24: {  	s0 =	rddreg [dreg:$0x0];
	[tilespmem:$0x1FF30] =	vst v2;
	v2 =	vor.u32 $0x202, v1  }
0x25: {  	s1 =	rddreg [dreg:$0x1];
	s3 =	simm.s32 $0x0;
	[tilespmem:$0x1FF40] =	vst v2;
	v2 =	vor.u32 $0x203, v1  }
0x26: {  	[smem:$0x7FF] =	sst s3;
	[tilespmem:$0x1FF50] =	vst v2;
	v2 =	vor.u32 $0x204, v1  }
0x27: {  	s2 =	rddreg [dreg:$0x2];
	_ =	strace $0x80000047;
	[tilespmem:$0x1FF60] =	vst v2;
	v2 =	vor.u32 $0x205, v1  }
0x28: {  	s4 =	srdreg.scid;
	s5 =	stileid.u32;
	vm0 =	vmmov $0x1;
	[tilespmem:$0x1FF70] =	vst v2;
	v2 =	vor.u32 $0x206, v1  }
0x29: {  	s9 =	simm.s32 $0x5;
	s11 =	simm.s32 $0x400;
	s12 =	simm.s32 $0x1000;
	v46 =	vimm.s32 $0x0;
	v47 =	vor.u32 $0x20D, v1;
	[tilespmem:$0x1FF80] =	vst v2;
	v2 =	vor.u32 $0x207, v1  }
0x2a: {  	s10 =	simm.s32 $0x80;
	s18 =	simm.s32 $0x2900;
	s19 =	simm.s32 $0x3100;
	v48 =	vor.u32 $0x20E, v1;
	v49 =	vor.u32 $0x20F, v1;
	[tilespmem:$0x1FF90] =	vst v2;
	v2 =	vor.u32 $0x208, v1  }
0x2b: {  	s20 =	simm.s32 $0x3900;
	s21 =	simm.s32 $0x4100;
	s22 =	simm.s32 $0x1;
	v50 =	vor.u32 $0x210, v1;
	v51 =	vor.u32 $0x211, v1;
	[tilespmem:$0x1FFA0] =	vst v2;
	v2 =	vor.u32 $0x209, v1  }
0x2c: {  	s23 =	simm.s32 $0x2;
	s4 =	sand.u32 $0x1, s4;
	s5 =	sshll.u32 s5, $0x1;
	v52 =	vor.u32 $0x212, v1;
	v53 =	vor.u32 $0x213, v1;
	[tilespmem:$0x1FFB0] =	vst v2;
	v2 =	vor.u32 $0x20A, v1  }
0x2d: {  	s24 =	simm.s32 $0x3;
	s25 =	simm.s32 $0x6100;
	s5 =	sor.u32 s4, s5;
	v54 =	vor.u32 $0x214, v1;
	v55 =	vor.u32 $0x215, v1;
	[tilespmem:$0x1FFC0] =	vst v2;
	v2 =	vor.u32 $0x20B, v1  }
0x2e: {  	s26 =	simm.s32 $0x0;
	s4 =	ssub.s32 $0x2, s4;
	s6 =	sshll.u32 s5, $0x4;
	v56 =	vor.u32 $0x216, v1;
	v57 =	vor.u32 $0x217, v1;
	[tilespmem:$0x1FFD0] =	vst v2;
	v2 =	vor.u32 $0x20C, v1  }
0x2f: {  	s31 =	sshrl.u32 s4, $0x1;
	s7 =	smul.u32 $0x1800, s5;
	v58 =	vor.u32 $0x218, v1;
	v59 =	vor.u32 $0x219, v1;
	s1 =	sadd.s32 s6, s1;
	[tilespmem:$0x1FFE0] =	vst v2;
	v2 =	vimm.s32 $0x0  }
0x30: {  	s5 =	smul.u32 $0xC0000, s5;
	v60 =	vor.u32 $0x21A, v1;
	v61 =	vor.u32 $0x21B, v1;
	s8 =	ssub.s32 s4, s31;
	s4 =	sadd.s32 $0xE00, s1;
	v2 =	vsel vm0, $0xFFFFFFFF, v2  }
0x31: {  	v62 =	vor.u32 $0x21C, v1;
	v63 =	vor.u32 $0x21D, v1;
	s6 =	sadd.s32 s2, s7;
	s7 =	sadd.s32 $0x1000, s1;
	s8 =	smax.u32 s8, $0x1;
	[tilespmem:$0x1FFF0] =	vst v2;
	v2 =	vor.u32 $0x21E, v1  }
.LBB2_1:
0x32: {  	[tilespmem:s3], [sflag:$0x5] =	stream.linear.gather [hbm4b:s4+s3], $0x80, $0x38;
	[tilespmem:$0x12100] =	vst v63  }
0x33: {  	_ =	swait.ge [sflag:s9], $0x80  }
0x34: {  	[sflag:s9] =	ssyncset.done $0x0  }
0x35: {  	[sflag:s9] =	ssyncadd.s32 $0xFFFFFF80  }
0x36: {  	v3 =	vld [tilespmem:$0x0];
	_ =	sdelay $0x4  }
0x37: {  	v4 =	vand.u32 $0x1, v3;
	v5 =	vshrl.u32 v3, $0x1  }
0x38: {  	v6 =	vshrl.u32 v3, $0x2;
	(xrf0) =	vadd.scan.msk.s32 $0xffff, v4;
	v5 =	vand.u32 $0x1, v5  }
0x39: {  	v6 =	vand.u32 $0x1, v6;
	(xrf0) =	vadd.scan.msk.s32 $0xffff, v5  }
0x3a: {  	(xrf0) =	vadd.scan.msk.s32 $0xffff, v6  }
0x3b: {  	v7 =	vshrl.u32 v3, $0x3  }
0x3c: {  	v7 =	vand.u32 $0x1, v7  }
0x3d: {  	(xrf0) =	vadd.scan.msk.s32 $0xffff, v7  }
0x3e: {  	v8, _, _ =	vpop (xrf0)  }
0x3f: {  	v10 =	vshrl.u32 v3, $0x4;
	(v2sf) =	vpush v8, $0xF;
	v9, _, _ =	vpop (xrf0)  }
0x40: {  	v10 =	vand.u32 $0x1, v10;
	(v2sf) =	vpush v9, $0xF;
	v11, _, _ =	vpop (xrf0)  }
0x41: {  	v12 =	vshrl.u32 v3, $0x5;
	(xrf0) =	vadd.scan.msk.s32 $0xffff, v10;
	(v2sf) =	vpush v11, $0xF  }
0x42: {  	v14 =	vshrl.u32 v3, $0x6;
	v12 =	vand.u32 $0x1, v12  }
0x43: {  	v14 =	vand.u32 $0x1, v14;
	(xrf0) =	vadd.scan.msk.s32 $0xffff, v12;
	v13, _, _ =	vpop (xrf0)  }
0x44: {  	(xrf0) =	vadd.scan.msk.s32 $0xffff, v14;
	(v2sf) =	vpush v13, $0xF;
	_ =	sdelay $0x1  }
0x45: {  	v16 =	vshrl.u32 v3, $0x7  }
0x46: {  	v18 =	vshrl.u32 v3, $0x8;
	v16 =	vand.u32 $0x1, v16;
	v15, _, _ =	vpop (xrf0)  }
0x47: {  	v18 =	vand.u32 $0x1, v18;
	(xrf0) =	vadd.scan.msk.s32 $0xffff, v16;
	(v2sf) =	vpush v15, $0xF  }
0x48: {  	v17, _, _ =	vpop (xrf0);
	(xrf0) =	vadd.scan.msk.s32 $0xffff, v18  }
0x49: {  	v20 =	vshrl.u32 v3, $0x9;
	(v2sf) =	vpush v17, $0xF;
	v19, _, _ =	vpop (xrf0)  }
0x4a: {  	v20 =	vand.u32 $0x1, v20;
	(v2sf) =	vpush v19, $0xF  }
0x4b: {  	v27 =	vshrl.u32 v3, $0xA;
	v31 =	vshrl.u32 v3, $0xB;
	(xrf0) =	vadd.scan.msk.s32 $0xffff, v20  }
0x4c: {  	v32 =	vshrl.u32 v3, $0xC;
	v37 =	vshrl.u32 v3, $0xD;
	v39 =	vshrl.u32 v3, $0xE  }
0x4d: {  	v44 =	vshrl.u32 v3, $0xF;
	v45 =	vshrl.u32 v3, $0x10;
	vm0 =	veq.s32 v4, $0x0;
	v21, _, _ =	vpop (xrf0);
	s1 =	spop (v2sf)  }
0x4e: {  	v22 =	vand.u32 $0x1, v27;
	v25 =	vand.u32 $0x1, v31;
	v23, _, _ =	vpop (xrf0);
	s2 =	spop (v2sf);
	(v2sf) =	vpush v21, $0xF  }
0x4f: {  	v26 =	vand.u32 $0x1, v32;
	v31 =	vand.u32 $0x1, v45;
	s17 =	spop (v2sf);
	(v2sf) =	vpush v23, $0xF  }
0x50: {  	vm4 =	veq.s32 v5, $0x0;
	vm5 =	veq.s32 v6, $0x0;
	v8 =	vadd.s32 $0xFFFFFFFF, v8  }
0x51: {  	vm1 =	veq.s32 v7, $0x0;
	v4 =	vsel vm0, $0x4F, v8;
	v8 =	vbroadcast v8, $0xF;
	(xrf0) =	vadd.scan.msk.s32 $0xffff, v22;
	v24, _, _ =	vpop (xrf0)  }
0x52: {  	vm6 =	veq.s32 v10, $0x0;
	vm7 =	veq.s32 v12, $0x0;
	s1 =	sadd.s32 s1, s2;
	s13 =	spop (v2sf);
	(v2sf) =	vpush v24, $0xF  }
0x53: {  	vm8 =	veq.s32 v14, $0x0;
	v8 =	vadd.s32 v9, v8;
	v28 =	vmov s1;
	s1 =	sadd.s32 s17, s1  }
0x54: {  	v5 =	vsel vm4, $0x4F, v8;
	(xrf0) =	vadd.scan.msk.s32 $0xffff, v25;
	v29 =	vadd.s32 $0xFFFFFFFF, v28;
	v30 =	vmov s1;
	s1 =	sadd.s32 s13, s1  }
0x55: {  	v6 =	vbroadcast v29, $0x0;
	v8 =	vadd.s32 $0xFFFFFFFF, v30;
	v33 =	vmov s1  }
0x56: {  	(xrf0) =	vadd.scan.msk.s32 $0xffff, v26;
	v28 =	vand.u32 $0x1, v37;
	v8 =	vbroadcast v8, $0x0;
	v34 =	vadd.s32 $0xFFFFFFFF, v33;
	s14 =	spop (v2sf)  }
0x57: {  	v27, _, _ =	vpop (xrf0);
	v29 =	vand.u32 $0x1, v39;
	v6 =	vadd.s32 v11, v6;
	v35 =	vbroadcast v34, $0x0;
	s1 =	sadd.s32 s14, s1  }
0x58: {  	(v2sf) =	vpush v27, $0xF;
	v8 =	vadd.s32 v13, v8;
	s15 =	spop (v2sf);
	v36 =	vmov s1  }
0x59: {  	v7 =	vsel vm5, $0x4F, v6;
	v6 =	vsel vm1, $0x4F, v8;
	s1 =	sadd.s32 s15, s1;
	s16 =	spop (v2sf);
	v9 =	vadd.s32 $0xFFFFFFFF, v36  }
0x5a: {  	v8 =	vadd.s32 v15, v35;
	v15, _, _ =	vpop (xrf0);
	v38 =	vmov s1;
	s1 =	sadd.s32 s16, s1;
	v9 =	vbroadcast v9, $0x0  }
0x5b: {  	(xrf0) =	vadd.scan.msk.s32 $0xffff, v28;
	(v2sf) =	vpush v15, $0xF;
	v10 =	vadd.s32 $0xFFFFFFFF, v38;
	v41 =	vmov s1  }
0x5c: {  	v40 =	vbroadcast v10, $0x0;
	v42 =	vadd.s32 $0xFFFFFFFF, v41;
	v9 =	vadd.s32 v17, v9;
	v17, _, _ =	vpop (xrf0);
	(xrf0) =	vadd.scan.msk.s32 $0xffff, v29  }
0x5d: {  	vm9 =	veq.s32 v16, $0x0;
	v10 =	vsel vm6, $0x4F, v8;
	v12 =	vbroadcast v42, $0x0;
	s17 =	spop (v2sf)  }
0x5e: {  	(v2sf) =	vpush v17, $0xF;
	v8 =	vsel vm7, $0x4F, v9;
	v11 =	vadd.s32 v19, v40;
	s1 =	sadd.s32 s17, s1;
	s13 =	spop (v2sf)  }
0x5f: {  	v9 =	vsel vm8, $0x4F, v11;
	v12 =	vadd.s32 v21, v12;
	v43 =	vmov s1;
	s1 =	sadd.s32 s13, s1  }
0x60: {  	v21 =	vand.u32 $0x1, v44;
	v11 =	vadd.s32 $0xFFFFFFFF, v43;
	v16 =	vmov s1  }
0x61: {  	vm10 =	veq.s32 v18, $0x0;
	v19, _, _ =	vpop (xrf0);
	(xrf0) =	vadd.scan.msk.s32 $0xffff, v21;
	s14 =	spop (v2sf);
	v11 =	vbroadcast v11, $0x0;
	v18 =	vadd.s32 $0xFFFFFFFF, v16  }
0x62: {  	(v2sf) =	vpush v19, $0xF;
	v30, _, _ =	vpop (xrf0);
	s1 =	sadd.s32 s14, s1;
	(xrf0) =	vadd.scan.msk.s32 $0xffff, v31;
	v14 =	vbroadcast v18, $0x0  }
0x63: {  	v33 =	vshrl.u32 v3, $0x11;
	v11 =	vadd.s32 v23, v11;
	v23 =	vmov s1  }
0x64: {  	v32 =	vadd.s32 $0xFFFFFFFF, v23;
	v14 =	vadd.s32 v24, v14;
	v24 =	vand.u32 $0x1, v33  }
0x65: {  	(v2sf) =	vpush v30, $0xF;
	v16 =	vbroadcast v32, $0x0;
	(xrf0) =	vadd.scan.msk.s32 $0xffff, v24  }
0x66: {  	v36 =	vshrl.u32 v3, $0x12  }
0x67: {  	vm11 =	veq.s32 v20, $0x0;
	v20, _, _ =	vpop (xrf0);
	v16 =	vadd.s32 v27, v16;
	v27 =	vand.u32 $0x1, v36  }
0x68: {  	(v2sf) =	vpush v20, $0xF;
	v18, _, _ =	vpop (xrf0);
	(xrf0) =	vadd.scan.msk.s32 $0xffff, v27  }
0x69: {  	vm12 =	veq.s32 v22, $0x0;
	vm13 =	veq.s32 v25, $0x0  }
0x6a: {  	vm14 =	veq.s32 v26, $0x0;
	v39 =	vshrl.u32 v3, $0x13;
	vm15 =	veq.s32 v28, $0x0;
	s15 =	spop (v2sf)  }
0x6b: {  	v25 =	vand.u32 $0x1, v39;
	vm4 =	veq.s32 v29, $0x0;
	s16 =	spop (v2sf);
	(v2sf) =	vpush v18, $0xF;
	v26, _, _ =	vpop (xrf0)  }
0x6c: {  	vm6 =	veq.s32 v31, $0x0;
	v44 =	vshrl.u32 v3, $0x15;
	(v2sf) =	vpush v26, $0xF  }
0x6d: {  	v13 =	vsel vm9, $0x4F, v12;
	vm5 =	veq.s32 v21, $0x0;
	v43 =	vshrl.u32 v3, $0x14;
	s1 =	sadd.s32 s15, s1  }
0x6e: {  	v33 =	vand.u32 $0x1, v44;
	v12 =	vsel vm11, $0x4F, v14;
	v34 =	vmov s1;
	v28, _, _ =	vpop (xrf0)  }
0x6f: {  	v32 =	vand.u32 $0x1, v43;
	v35 =	vadd.s32 $0xFFFFFFFF, v34;
	s1 =	sadd.s32 s16, s1;
	(xrf0) =	vadd.scan.msk.s32 $0xffff, v25;
	s17 =	spop (v2sf);
	(v2sf) =	vpush v28, $0xF  }
0x70: {  	vm2 =	veq.s32 v24, $0x0;
	v37 =	vbroadcast v35, $0x0;
	v38 =	vmov s1;
	s1 =	sadd.s32 s17, s1  }
0x71: {  	v14 =	vsel vm12, $0x4F, v16;
	v16 =	vadd.s32 $0xFFFFFFFF, v38;
	v40 =	vmov s1;
	s13 =	spop (v2sf)  }
0x72: {  	v15 =	vadd.s32 v15, v37;
	v16 =	vbroadcast v16, $0x0;
	v41 =	vadd.s32 $0xFFFFFFFF, v40;
	s1 =	sadd.s32 s13, s1  }
0x73: {  	v37 =	vshrl.u32 v3, $0x16;
	v42 =	vbroadcast v41, $0x0;
	v45 =	vmov s1  }
0x74: {  	v35 =	vand.u32 $0x1, v37;
	v16 =	vadd.s32 v17, v16;
	(xrf0) =	vadd.scan.msk.s32 $0xffff, v32;
	v36 =	vadd.s32 $0xFFFFFFFF, v45;
	s14 =	spop (v2sf)  }
0x75: {  	v40 =	vshrl.u32 v3, $0x17;
	(xrf0) =	vadd.scan.msk.s32 $0xffff, v33;
	v34, _, _ =	vpop (xrf0);
	v17 =	vadd.s32 v19, v42;
	v19 =	vbroadcast v36, $0x0;
	s1 =	sadd.s32 s14, s1  }
0x76: {  	v29 =	vand.u32 $0x1, v40;
	(v2sf) =	vpush v34, $0xF;
	v38 =	vmov s1  }
0x77: {  	v42 =	vshrl.u32 v3, $0x19;
	v19 =	vadd.s32 v30, v19;
	v39 =	vadd.s32 $0xFFFFFFFF, v38;
	s15 =	spop (v2sf)  }
0x78: {  	v38 =	vand.u32 $0x1, v42;
	v42 =	vshrl.u32 v3, $0x1A;
	v22 =	vbroadcast v39, $0x0;
	s1 =	sadd.s32 s15, s1  }
0x79: {  	v21 =	vsel vm4, $0x4F, v19;
	v23 =	vand.u32 $0x1, v42;
	v43 =	vmov s1  }
0x7a: {  	v30, _, _ =	vpop (xrf0);
	v42 =	vshrl.u32 v3, $0x1E;
	v20 =	vadd.s32 v20, v22;
	s16 =	spop (v2sf);
	v44 =	vadd.s32 $0xFFFFFFFF, v43  }
0x7b: {  	(v2sf) =	vpush v30, $0xF;
	v37, _, _ =	vpop (xrf0);
	v19 =	vsel vm5, $0x4F, v20;
	s1 =	sadd.s32 s16, s1;
	v20 =	vbroadcast v44, $0x0;
	s17 =	spop (v2sf)  }
0x7c: {  	(v2sf) =	vpush v37, $0xF;
	v43 =	vshrl.u32 v3, $0x1B;
	v45 =	vmov s1;
	s1 =	sadd.s32 s17, s1  }
0x7d: {  	v22 =	vadd.s32 $0xFFFFFFFF, v45;
	v31 =	vadd.s32 v18, v20;
	v20 =	vmov s1  }
0x7e: {  	(xrf0) =	vadd.scan.msk.s32 $0xffff, v35;
	v40 =	vbroadcast v22, $0x0;
	v22 =	vand.u32 $0x1, v43;
	s13 =	spop (v2sf);
	v43 =	vadd.s32 $0xFFFFFFFF, v20  }
0x7f: {  	(xrf0) =	vadd.scan.msk.s32 $0xffff, v29;
	v44 =	vshrl.u32 v3, $0x1C;
	v20 =	vand.u32 $0x1, v42;
	s1 =	sadd.s32 s13, s1;
	v42 =	vbroadcast v43, $0x0  }
0x80: {  	[tilespmem:$0xC0] =	vst v46;
	v24 =	vadd.s32 v26, v40;
	v40 =	vand.u32 $0x1, v44;
	v44 =	vmov s1  }
0x81: {  	[tilespmem:v4+s10+$0x0] =	vst.idx.msk $0xffff, v1;
	v43 =	vadd.s32 $0xFFFFFFFF, v44;
	v4 =	vadd.s32 v28, v42;
	v42 =	vld [tilespmem:$0x1FD30]  }
0x82: {  	v41 =	vshrl.u32 v3, $0x18;
	v43 =	vbroadcast v43, $0x0;
	_ =	sdelay $0x1  }
0x83: {  	v36 =	vand.u32 $0x1, v41;
	v39, _, _ =	vpop (xrf0);
	v34 =	vadd.s32 v34, v43;
	v43 =	vld [tilespmem:$0x1FD40]  }
0x84: {  	vm8 =	veq.s32 v25, $0x0;
	(xrf0) =	vadd.scan.msk.s32 $0xffff, v36;
	(v2sf) =	vpush v39, $0xF;
	v41, _, _ =	vpop (xrf0)  }
0x85: {  	(v2sf) =	vpush v41, $0xF;
	[tilespmem:v5+s10+$0x0] =	vst.idx.msk $0xffff, v42;
	v5 =	vsel vm8, $0x4F, v34;
	v34 =	vld [tilespmem:$0x1FD50]  }
0x86: {  	(xrf0) =	vadd.scan.msk.s32 $0xffff, v38;
	_ =	sdelay $0x1  }
0x87: {  	(xrf0) =	vadd.scan.msk.s32 $0xffff, v23;
	s14 =	spop (v2sf);
	[tilespmem:v7+s10+$0x0] =	vst.idx.msk $0xffff, v43;
	v43 =	vld [tilespmem:$0x1FD60]  }
0x88: {  	s1 =	sadd.s32 s14, s1  }
0x89: {  	v11 =	vsel vm10, $0x4F, v11;
	v26, _, _ =	vpop (xrf0);
	(xrf0) =	vadd.scan.msk.s32 $0xffff, v22;
	v28 =	vmov s1;
	[tilespmem:v6+s10+$0x0] =	vst.idx.msk $0xffff, v34;
	v34 =	vld [tilespmem:$0x1FD70]  }
0x8a: {  	vm10 =	veq.s32 v33, $0x0;
	v45 =	vshrl.u32 v3, $0x1D;
	s15 =	spop (v2sf);
	v42 =	vadd.s32 $0xFFFFFFFF, v28  }
0x8b: {  	vm7 =	veq.s32 v27, $0x0;
	(v2sf) =	vpush v26, $0xF;
	v27, _, _ =	vpop (xrf0);
	s1 =	sadd.s32 s15, s1;
	s16 =	spop (v2sf);
	v7 =	vbroadcast v42, $0x0  }
0x8c: {  	v18 =	vand.u32 $0x1, v45;
	(v2sf) =	vpush v27, $0xF;
	v42 =	vmov s1;
	s1 =	sadd.s32 s16, s1;
	[tilespmem:v10+s10+$0x0] =	vst.idx.msk $0xffff, v43;
	v43 =	vld [tilespmem:$0x1FD80]  }
0x8d: {  	v45, _, _ =	vpop (xrf0);
	v7 =	vadd.s32 v30, v7;
	v6 =	vadd.s32 $0xFFFFFFFF, v42;
	v42 =	vmov s1;
	v30 =	vld [tilespmem:$0x1FD90]  }
0x8e: {  	v33 =	vld [tilespmem:$0x1FDA0];
	(v2sf) =	vpush v45, $0xF;
	v6 =	vbroadcast v6, $0x0;
	[tilespmem:v8+s10+$0x0] =	vst.idx.msk $0xffff, v34;
	v8 =	vadd.s32 $0xFFFFFFFF, v42  }
0x8f: {  	(xrf0) =	vadd.scan.msk.s32 $0xffff, v40;
	v44, _, _ =	vpop (xrf0);
	v34 =	vld [tilespmem:$0x1FDB0];
	v8 =	vbroadcast v8, $0x0  }
0x90: {  	(xrf0) =	vadd.scan.msk.s32 $0xffff, v18;
	(v2sf) =	vpush v44, $0xF;
	v6 =	vadd.s32 v37, v6;
	v37 =	vld [tilespmem:$0x1FDC0]  }
0x91: {  	v15 =	vsel vm13, $0x4F, v15;
	(xrf0) =	vadd.scan.msk.s32 $0xffff, v20;
	[tilespmem:v9+s10+$0x0] =	vst.idx.msk $0xffff, v43;
	v8 =	vadd.s32 v39, v8;
	v39 =	vld [tilespmem:$0x1FDD0]  }
0x92: {  	v16 =	vsel vm14, $0x4F, v16;
	s17 =	spop (v2sf);
	v42 =	vld [tilespmem:$0x1FDE0];
	[tilespmem:v13+s10+$0x0] =	vst.idx.msk $0xffff, v30  }
0x93: {  	v17 =	vsel vm15, $0x4F, v17;
	s13 =	spop (v2sf);
	s1 =	sadd.s32 s17, s1;
	v43 =	vld [tilespmem:$0x1FDF0];
	[tilespmem:v11+s10+$0x0] =	vst.idx.msk $0xffff, v33  }
0x94: {  	vm9 =	veq.s32 v32, $0x0;
	v32 =	vmov s1;
	s1 =	sadd.s32 s13, s1;
	[tilespmem:v12+s10+$0x0] =	vst.idx.msk $0xffff, v34  }
0x95: {  	vm11 =	veq.s32 v35, $0x0;
	v25, _, _ =	vpop (xrf0);
	v35 =	vmov s1;
	[tilespmem:v14+s10+$0x0] =	vst.idx.msk $0xffff, v37  }
0x96: {  	(v2sf) =	vpush v25, $0xF;
	v28, _, _ =	vpop (xrf0);
	v11 =	vadd.s32 $0xFFFFFFFF, v35;
	[tilespmem:v15+s10+$0x0] =	vst.idx.msk $0xffff, v39  }
0x97: {  	(v2sf) =	vpush v28, $0xF;
	v10, _, _ =	vpop (xrf0);
	v11 =	vbroadcast v11, $0x0;
	[tilespmem:v16+s10+$0x0] =	vst.idx.msk $0xffff, v42  }
0x98: {  	(v2sf) =	vpush v10, $0xF;
	[tilespmem:v17+s10+$0x0] =	vst.idx.msk $0xffff, v43;
	v17 =	vld [tilespmem:$0x1FE00]  }
0x99: {  	v11 =	vadd.s32 v26, v11;
	v26 =	vld [tilespmem:$0x1FE10]  }
0x9a: {  	v31 =	vsel vm6, $0x4F, v31;
	v9 =	vadd.s32 $0xFFFFFFFF, v32;
	v30 =	vld [tilespmem:$0x1FE20]  }
0x9b: {  	s14 =	spop (v2sf);
	v9 =	vbroadcast v9, $0x0  }
0x9c: {  	vm12 =	veq.s32 v29, $0x0;
	vm13 =	veq.s32 v36, $0x0;
	vm14 =	veq.s32 v38, $0x0;
	s1 =	sadd.s32 s14, s1;
	s15 =	spop (v2sf)  }
0x9d: {  	vm15 =	veq.s32 v23, $0x0;
	s16 =	spop (v2sf);
	v9 =	vadd.s32 v41, v9;
	v41 =	vmov s1;
	s1 =	sadd.s32 s15, s1;
	[tilespmem:v21+s10+$0x0] =	vst.idx.msk $0xffff, v17  }
0x9e: {  	v24 =	vsel vm2, $0x4F, v24;
	vm5 =	veq.s32 v40, $0x0;
	v16 =	vmov s1;
	s1 =	sadd.s32 s16, s1;
	[tilespmem:v19+s10+$0x0] =	vst.idx.msk $0xffff, v26  }
0x9f: {  	v4 =	vsel vm7, $0x4F, v4;
	s17 =	spop (v2sf);
	v13 =	vadd.s32 $0xFFFFFFFF, v16;
	v29 =	vmov s1;
	[tilespmem:v31+s10+$0x0] =	vst.idx.msk $0xffff, v30;
	v31 =	vld [tilespmem:$0x1FE30]  }
0xa0: {  	v7 =	vsel vm9, $0x4F, v7;
	v33 =	vld [tilespmem:$0x1FE40];
	s1 =	sadd.s32 s17, s1;
	v13 =	vbroadcast v13, $0x0;
	v14 =	vadd.s32 $0xFFFFFFFF, v29  }
0xa1: {  	v6 =	vsel vm10, $0x4F, v6;
	v37 =	vld [tilespmem:$0x1FE50];
	v32 =	vmov s1;
	v14 =	vbroadcast v14, $0x0  }
0xa2: {  	v40 =	vld [tilespmem:$0x1FE60];
	v12 =	vadd.s32 $0xFFFFFFFF, v41;
	v35 =	vadd.s32 $0xFFFFFFFF, v32;
	v13 =	vadd.s32 v45, v13  }
0xa3: {  	v34 =	vsel vm15, $0x4F, v13;
	v14 =	vadd.s32 v44, v14;
	v13 =	vbroadcast v35, $0x0;
	v44 =	vld [tilespmem:$0x1FE70]  }
0xa4: {  	vm4 =	veq.s32 v22, $0x0;
	v22 =	vld [tilespmem:$0x1FE80];
	v8 =	vsel vm11, $0x4F, v8;
	v12 =	vbroadcast v12, $0x0;
	[tilespmem:v24+s10+$0x0] =	vst.idx.msk $0xffff, v31  }
0xa5: {  	v36 =	vshrl.u32 v3, $0x1F;
	s13 =	spop (v2sf);
	v9 =	vsel vm12, $0x4F, v9;
	v41 =	vadd.s32 v25, v13;
	v25 =	vld [tilespmem:$0x1FE90];
	[tilespmem:v4+s10+$0x0] =	vst.idx.msk $0xffff, v33  }
0xa6: {  	(xrf0) =	vadd.scan.msk.s32 $0xffff, v36;
	s14 =	spop (v2sf);
	v11 =	vsel vm13, $0x4F, v11;
	v12 =	vadd.s32 v27, v12;
	v27 =	vld [tilespmem:$0x1FEA0];
	s1 =	sadd.s32 s13, s1;
	[tilespmem:v5+s10+$0x0] =	vst.idx.msk $0xffff, v37  }
0xa7: {  	v12 =	vsel vm14, $0x4F, v12;
	v29 =	vld [tilespmem:$0x1FEB0];
	v39 =	vmov s1;
	s1 =	sadd.s32 s14, s1;
	s15 =	spop (v2sf);
	[tilespmem:v7+s10+$0x0] =	vst.idx.msk $0xffff, v40  }
0xa8: {  	vm6 =	veq.s32 v18, $0x0;
	v42 =	vadd.s32 $0xFFFFFFFF, v39;
	v43 =	vmov s1;
	s1 =	sadd.s32 s15, s1;
	v30 =	vld [tilespmem:$0x1FEC0];
	[tilespmem:v6+s10+$0x0] =	vst.idx.msk $0xffff, v44  }
0xa9: {  	v45 =	vbroadcast v42, $0x0;
	v19 =	vadd.s32 $0xFFFFFFFF, v43;
	v21 =	vmov s1;
	[tilespmem:v8+s10+$0x0] =	vst.idx.msk $0xffff, v22  }
0xaa: {  	v38 =	vsel vm4, $0x4F, v14;
	v23 =	vbroadcast v19, $0x0;
	v24 =	vadd.s32 $0xFFFFFFFF, v21;
	v31 =	vld [tilespmem:$0x1FED0];
	[tilespmem:v9+s10+$0x0] =	vst.idx.msk $0xffff, v25  }
0xab: {  	v32 =	vld [tilespmem:$0x1FEE0];
	v26 =	vbroadcast v24, $0x0;
	v7 =	vsel vm5, $0x4F, v41;
	v6 =	vadd.s32 v28, v45;
	[tilespmem:v11+s10+$0x0] =	vst.idx.msk $0xffff, v27  }
0xac: {  	vm7 =	veq.s32 v20, $0x0;
	v33 =	vld [tilespmem:$0x1FEF0];
	v28, _, _ =	vpop (xrf0);
	v6 =	vsel vm6, $0x4F, v6;
	v8 =	vadd.s32 v10, v23;
	[tilespmem:v12+s10+$0x0] =	vst.idx.msk $0xffff, v29  }
0xad: {  	vm8 =	vgt.s32 v3, $0xFFFFFFFF;
	v3 =	vadd.s32 v28, v26;
	v8 =	vsel vm7, $0x4F, v8;
	[tilespmem:v34+s10+$0x0] =	vst.idx.msk $0xffff, v30;
	v34 =	vld [tilespmem:$0x1FF00]  }
0xae: {  	v35 =	vld [tilespmem:$0x1FF10];
	v3 =	vsel vm8, $0x4F, v3  }
0xaf: {  	[tilespmem:v38+s10+$0x0] =	vst.idx.msk $0xffff, v31  }
0xb0: {  	[tilespmem:v7+s10+$0x0] =	vst.idx.msk $0xffff, v32  }
0xb1: {  	[tilespmem:v6+s10+$0x0] =	vst.idx.msk $0xffff, v33  }
0xb2: {  	[tilespmem:v8+s10+$0x0] =	vst.idx.msk $0xffff, v34  }
0xb3: {  	[tilespmem:v3+s10+$0x0] =	vst.idx.msk $0xffff, v35  }
0xb4: {  	v3 =	vld [tilespmem:$0x10];
	_ =	sdelay $0x4  }
0xb5: {  	v36 =	vand.u32 $0x1, v3  }
0xb6: {  	v37 =	vshrl.u32 v3, $0x1;
	(xrf0) =	vadd.scan.msk.s32 $0xffff, v36  }
0xb7: {  	(v2sf) =	vpush v28, $0xF;
	v5 =	vand.u32 $0x1, v37  }
0xb8: {  	(xrf0) =	vadd.scan.msk.s32 $0xffff, v5  }
0xb9: {  	v38 =	vshrl.u32 v3, $0x2  }
0xba: {  	v40 =	vshrl.u32 v3, $0x3;
	v6 =	vand.u32 $0x1, v38  }
0xbb: {  	v8 =	vand.u32 $0x1, v40;
	(xrf0) =	vadd.scan.msk.s32 $0xffff, v6  }
0xbc: {  	v39, _, _ =	vpop (xrf0);
	(xrf0) =	vadd.scan.msk.s32 $0xffff, v8;
	_ =	sdelay $0x1  }
0xbd: {  	(v2sf) =	vpush v39, $0xF;
	v41, _, _ =	vpop (xrf0)  }
0xbe: {  	v43 =	vshrl.u32 v3, $0x4;
	(v2sf) =	vpush v41, $0xF  }
0xbf: {  	v11 =	vand.u32 $0x1, v43  }
0xc0: {  	v44 =	vshrl.u32 v3, $0x5;
	(xrf0) =	vadd.scan.msk.s32 $0xffff, v11;
	v42, _, _ =	vpop (xrf0)  }
0xc1: {  	v12 =	vand.u32 $0x1, v44;
	(v2sf) =	vpush v42, $0xF;
	v45, _, _ =	vpop (xrf0)  }
0xc2: {  	(xrf0) =	vadd.scan.msk.s32 $0xffff, v12;
	(v2sf) =	vpush v45, $0xF;
	_ =	sdelay $0x2  }
0xc3: {  	s16 =	spop (v2sf);
	v28 =	vshrl.u32 v3, $0x6  }
0xc4: {  	s1 =	sadd.s32 s16, s1;
	v29 =	vshrl.u32 v3, $0x7;
	v14 =	vand.u32 $0x1, v28;
	v15, _, _ =	vpop (xrf0)  }
0xc5: {  	v30 =	vmov s1;
	v16 =	vand.u32 $0x1, v29;
	(xrf0) =	vadd.scan.msk.s32 $0xffff, v14;
	(v2sf) =	vpush v15, $0xF  }
0xc6: {  	v17 =	vadd.s32 $0xFFFFFFFF, v30;
	(xrf0) =	vadd.scan.msk.s32 $0xffff, v16;
	v18, _, _ =	vpop (xrf0)  }
0xc7: {  	v31 =	vshrl.u32 v3, $0x8;
	v17 =	vbroadcast v17, $0x0;
	(v2sf) =	vpush v18, $0xF  }
0xc8: {  	v19 =	vand.u32 $0x1, v31  }
0xc9: {  	(xrf0) =	vadd.scan.msk.s32 $0xffff, v19  }
0xca: {  	v34 =	vshrl.u32 v3, $0x9;
	v35 =	vshrl.u32 v3, $0xA;
	vm9 =	veq.s32 v36, $0x0;
	s17 =	spop (v2sf)  }
0xcb: {  	v20 =	vand.u32 $0x1, v34;
	v21 =	vand.u32 $0x1, v35;
	v32 =	vadd.s32 v39, v17;
	v17, _, _ =	vpop (xrf0);
	s1 =	sadd.s32 s1, s17;
	s13 =	spop (v2sf)  }
0xcc: {  	v40 =	vshrl.u32 v3, $0xB;
	(v2sf) =	vpush v17, $0xF;
	v22, _, _ =	vpop (xrf0);
	(xrf0) =	vadd.scan.msk.s32 $0xffff, v20;
	v33 =	vmov s1;
	s1 =	sadd.s32 s13, s1  }
0xcd: {  	v43 =	vshrl.u32 v3, $0xD;
	v44 =	vshrl.u32 v3, $0xE;
	(xrf0) =	vadd.scan.msk.s32 $0xffff, v21;
	v37 =	vmov s1  }
0xce: {  	vm11 =	veq.s32 v6, $0x0;
	v24 =	vand.u32 $0x1, v40;
	s14 =	spop (v2sf);
	v38 =	vadd.s32 $0xFFFFFFFF, v37  }
0xcf: {  	vm12 =	veq.s32 v8, $0x0;
	v23, _, _ =	vpop (xrf0);
	(xrf0) =	vadd.scan.msk.s32 $0xffff, v24;
	v7 =	vadd.s32 $0xFFFFFFFF, v33;
	s1 =	sadd.s32 s14, s1;
	v6 =	vbroadcast v38, $0x0;
	s15 =	spop (v2sf)  }
0xd0: {  	(v2sf) =	vpush v22, $0xF;
	v7 =	vbroadcast v7, $0x0;
	v39 =	vmov s1;
	s1 =	sadd.s32 s15, s1  }
0xd1: {  	(v2sf) =	vpush v23, $0xF;
	v10 =	vadd.s32 v42, v6;
	v42 =	vmov s1  }
0xd2: {  	v26, _, _ =	vpop (xrf0);
	v36 =	vadd.s32 v41, v7;
	v41 =	vshrl.u32 v3, $0xC;
	v8 =	vadd.s32 $0xFFFFFFFF, v42  }
0xd3: {  	v13, _, _ =	vpop (xrf0);
	(v2sf) =	vpush v26, $0xF;
	v25 =	vand.u32 $0x1, v41;
	v8 =	vbroadcast v8, $0x0  }
0xd4: {  	v27 =	vand.u32 $0x1, v43;
	v7 =	vadd.s32 $0xFFFFFFFF, v39;
	s16 =	spop (v2sf);
	(v2sf) =	vpush v13, $0xF;
	(xrf0) =	vadd.scan.msk.s32 $0xffff, v25  }
0xd5: {  	v28 =	vand.u32 $0x1, v44;
	v7 =	vbroadcast v7, $0x0;
	(xrf0) =	vadd.scan.msk.s32 $0xffff, v27;
	v8 =	vadd.s32 v15, v8;
	v15, _, _ =	vpop (xrf0)  }
0xd6: {  	vm10 =	veq.s32 v5, $0x0;
	s1 =	sadd.s32 s16, s1;
	s17 =	spop (v2sf);
	(xrf0) =	vadd.scan.msk.s32 $0xffff, v28;
	(v2sf) =	vpush v15, $0xF  }
0xd7: {  	vm3 =	veq.s32 v11, $0x0;
	v7 =	vadd.s32 v45, v7;
	v45 =	vmov s1  }
0xd8: {  	v4 =	vsel vm9, $0x4F, v32;
	v32 =	vshrl.u32 v3, $0xF;
	v31 =	vadd.s32 $0xFFFFFFFF, v45  }
0xd9: {  	vm4 =	veq.s32 v12, $0x0;
	v30 =	vand.u32 $0x1, v32;
	v9 =	vbroadcast v31, $0x0  }
0xda: {  	vm5 =	veq.s32 v14, $0x0;
	v6 =	vsel vm10, $0x4F, v36;
	v36 =	vshrl.u32 v3, $0x10;
	v29, _, _ =	vpop (xrf0);
	(xrf0) =	vadd.scan.msk.s32 $0xffff, v30  }
0xdb: {  	v31 =	vand.u32 $0x1, v36;
	s1 =	sadd.s32 s17, s1;
	s13 =	spop (v2sf);
	v9 =	vadd.s32 v18, v9;
	(v2sf) =	vpush v29, $0xF;
	v18, _, _ =	vpop (xrf0)  }
0xdc: {  	vm6 =	veq.s32 v16, $0x0;
	v33 =	vmov s1;
	(v2sf) =	vpush v18, $0xF;
	v32, _, _ =	vpop (xrf0);
	(xrf0) =	vadd.scan.msk.s32 $0xffff, v31  }
0xdd: {  	vm7 =	veq.s32 v19, $0x0;
	vm8 =	veq.s32 v20, $0x0;
	v34 =	vadd.s32 $0xFFFFFFFF, v33  }
0xde: {  	v38 =	vshrl.u32 v3, $0x11;
	v39 =	vshrl.u32 v3, $0x12;
	v41 =	vshrl.u32 v3, $0x13;
	s1 =	sadd.s32 s13, s1  }
0xdf: {  	v5 =	vsel vm11, $0x4F, v10;
	v35 =	vmov s1;
	v33 =	vand.u32 $0x1, v38  }
0xe0: {  	v10 =	vbroadcast v34, $0x0;
	v11 =	vadd.s32 $0xFFFFFFFF, v35;
	v35 =	vand.u32 $0x1, v39;
	s14 =	spop (v2sf);
	v34, _, _ =	vpop (xrf0);
	(xrf0) =	vadd.scan.msk.s32 $0xffff, v33  }
0xe1: {  	vm10 =	veq.s32 v24, $0x0;
	v20 =	vand.u32 $0x1, v41;
	s1 =	sadd.s32 s14, s1;
	s15 =	spop (v2sf);
	(v2sf) =	vpush v32, $0xF;
	(xrf0) =	vadd.scan.msk.s32 $0xffff, v35  }
0xe2: {  	v11 =	vbroadcast v11, $0x0;
	v37 =	vmov s1;
	s1 =	sadd.s32 s15, s1;
	(v2sf) =	vpush v34, $0xF;
	s16 =	spop (v2sf);
	v19, _, _ =	vpop (xrf0)  }
0xe3: {  	v12 =	vadd.s32 $0xFFFFFFFF, v37;
	v40 =	vmov s1;
	s17 =	spop (v2sf);
	(v2sf) =	vpush v19, $0xF  }
0xe4: {  	v45 =	vshrl.u32 v3, $0x14;
	v12 =	vbroadcast v12, $0x0;
	v14 =	vadd.s32 $0xFFFFFFFF, v40;
	s1 =	sadd.s32 s16, s1;
	(xrf0) =	vadd.scan.msk.s32 $0xffff, v20  }
0xe5: {  	v11 =	vadd.s32 v22, v11;
	v14 =	vbroadcast v14, $0x0;
	v42 =	vmov s1;
	s1 =	sadd.s32 s17, s1;
	s13 =	spop (v2sf)  }
0xe6: {  	v12 =	vadd.s32 v23, v12;
	v23 =	vand.u32 $0x1, v45;
	v44 =	vmov s1;
	v22, _, _ =	vpop (xrf0);
	s1 =	sadd.s32 s13, s1  }
0xe7: {  	v14 =	vadd.s32 v26, v14;
	v43 =	vadd.s32 $0xFFFFFFFF, v42;
	v26, _, _ =	vpop (xrf0);
	(xrf0) =	vadd.scan.msk.s32 $0xffff, v23;
	v24 =	vmov s1  }
0xe8: {  	vm13 =	veq.s32 v28, $0x0;
	v16 =	vbroadcast v43, $0x0;
	(v2sf) =	vpush v22, $0xF  }
0xe9: {  	vm9 =	veq.s32 v21, $0x0;
	v37 =	vshrl.u32 v3, $0x15;
	(v2sf) =	vpush v26, $0xF  }
0xea: {  	v21 =	vand.u32 $0x1, v37;
	v13 =	vadd.s32 v13, v16;
	s14 =	spop (v2sf);
	v16 =	vadd.s32 $0xFFFFFFFF, v24;
	v24, _, _ =	vpop (xrf0)  }
0xeb: {  	vm14 =	veq.s32 v30, $0x0;
	vm11 =	veq.s32 v25, $0x0;
	s15 =	spop (v2sf);
	(xrf0) =	vadd.scan.msk.s32 $0xffff, v21;
	(v2sf) =	vpush v24, $0xF  }
0xec: {  	v41 =	vshrl.u32 v3, $0x17;
	v7 =	vsel vm12, $0x4F, v7;
	vm12 =	veq.s32 v27, $0x0  }
0xed: {  	vm15 =	veq.s32 v31, $0x0;
	v10 =	vadd.s32 v17, v10;
	v17 =	vadd.s32 $0xFFFFFFFF, v44;
	v27, _, _ =	vpop (xrf0)  }
0xee: {  	v38 =	vshrl.u32 v3, $0x16;
	v17 =	vbroadcast v17, $0x0;
	s1 =	sadd.s32 s14, s1;
	(v2sf) =	vpush v27, $0xF  }
0xef: {  	v25 =	vand.u32 $0x1, v38;
	v44 =	vshrl.u32 v3, $0x18;
	v36 =	vmov s1  }
0xf0: {  	v15 =	vadd.s32 v15, v17;
	v16 =	vbroadcast v16, $0x0;
	v17 =	vadd.s32 $0xFFFFFFFF, v36;
	s16 =	spop (v2sf)  }
0xf1: {  	vm2 =	veq.s32 v33, $0x0;
	v31 =	vand.u32 $0x1, v44;
	s1 =	sadd.s32 s15, s1;
	v17 =	vbroadcast v17, $0x0;
	(xrf0) =	vadd.scan.msk.s32 $0xffff, v25;
	s17 =	spop (v2sf);
	v30, _, _ =	vpop (xrf0)  }
0xf2: {  	v39 =	vmov s1;
	v16 =	vadd.s32 v29, v16;
	s1 =	sadd.s32 s16, s1;
	s13 =	spop (v2sf);
	(v2sf) =	vpush v30, $0xF  }
0xf3: {  	v17 =	vadd.s32 v18, v17;
	v18 =	vadd.s32 $0xFFFFFFFF, v39;
	v40 =	vmov s1  }
0xf4: {  	v18 =	vbroadcast v18, $0x0;
	v29 =	vadd.s32 $0xFFFFFFFF, v40;
	s1 =	sadd.s32 s17, s1;
	v40 =	vshrl.u32 v3, $0x19  }
0xf5: {  	v42 =	vbroadcast v29, $0x0;
	v29 =	vand.u32 $0x1, v41;
	v43 =	vmov s1  }
0xf6: {  	v37 =	vand.u32 $0x1, v40;
	v32 =	vadd.s32 v32, v18;
	v18 =	vadd.s32 $0xFFFFFFFF, v43;
	s1 =	sadd.s32 s13, s1  }
0xf7: {  	v41 =	vshrl.u32 v3, $0x1A;
	v18 =	vbroadcast v18, $0x0;
	v36, _, _ =	vpop (xrf0);
	v45 =	vmov s1;
	s14 =	spop (v2sf)  }
0xf8: {  	v28 =	vadd.s32 v34, v42;
	(v2sf) =	vpush v36, $0xF;
	v42 =	vadd.s32 $0xFFFFFFFF, v45;
	s1 =	sadd.s32 s14, s1;
	s15 =	spop (v2sf)  }
0xf9: {  	(xrf0) =	vadd.scan.msk.s32 $0xffff, v29;
	v19 =	vadd.s32 v19, v18;
	v18 =	vbroadcast v42, $0x0;
	v43 =	vmov s1;
	s1 =	sadd.s32 s15, s1  }
0xfa: {  	v34 =	vand.u32 $0x1, v41;
	v45 =	vshrl.u32 v3, $0x1B;
	v44 =	vmov s1;
	s16 =	spop (v2sf)  }
0xfb: {  	v33 =	vadd.s32 $0xFFFFFFFF, v43;
	v22 =	vadd.s32 v22, v18;
	v39 =	vadd.s32 $0xFFFFFFFF, v44;
	s1 =	sadd.s32 s16, s1  }
0xfc: {  	(xrf0) =	vadd.scan.msk.s32 $0xffff, v31;
	v44 =	vshrl.u32 v3, $0x1C;
	v42 =	vbroadcast v39, $0x0;
	v43 =	vmov s1  }
0xfd: {  	v39 =	vand.u32 $0x1, v45;
	v45 =	vshrl.u32 v3, $0x1D;
	s17 =	spop (v2sf);
	v18 =	vadd.s32 $0xFFFFFFFF, v43  }
0xfe: {  	v40 =	vand.u32 $0x1, v44;
	v41 =	vand.u32 $0x1, v45;
	v45 =	vld [tilespmem:$0x1FF20];
	s1 =	sadd.s32 s17, s1;
	v44 =	vbroadcast v18, $0x0  }
0xff: {  	v8 =	vsel vm3, $0x4F, v8;
	(xrf0) =	vadd.scan.msk.s32 $0xffff, v37;
	v38, _, _ =	vpop (xrf0);
	v24 =	vadd.s32 v24, v42;
	v42 =	vmov s1  }
0x100: {  	(xrf0) =	vadd.scan.msk.s32 $0xffff, v34;
	(v2sf) =	vpush v38, $0xF;
	v42 =	vadd.s32 $0xFFFFFFFF, v42;
	v27 =	vadd.s32 v27, v44;
	v44 =	vld [tilespmem:$0x1FF30]  }
0x101: {  	vm3 =	veq.s32 v23, $0x0;
	v33 =	vbroadcast v33, $0x0;
	v23 =	vbroadcast v42, $0x0;
	s13 =	spop (v2sf)  }
0x102: {  	vm1 =	veq.s32 v20, $0x0;
	v20, _, _ =	vpop (xrf0);
	(xrf0) =	vadd.scan.msk.s32 $0xffff, v39;
	v43 =	vshrl.u32 v3, $0x1E;
	s1 =	sadd.s32 s13, s1  }
0x103: {  	v18 =	vand.u32 $0x1, v43;
	[tilespmem:v4+s10+$0x0] =	vst.idx.msk $0xffff, v45;
	v4 =	vadd.s32 v30, v23;
	v30 =	vld [tilespmem:$0x1FF40];
	v43 =	vmov s1  }
0x104: {  	v26 =	vadd.s32 v26, v33;
	(v2sf) =	vpush v20, $0xF;
	v45 =	vadd.s32 $0xFFFFFFFF, v43;
	v43 =	vld [tilespmem:$0x1FF50]  }
0x105: {  	v33, _, _ =	vpop (xrf0);
	[tilespmem:v6+s10+$0x0] =	vst.idx.msk $0xffff, v44;
	v6 =	vsel vm5, $0x4F, v10;
	v10 =	vsel vm6, $0x4F, v11;
	v11 =	vbroadcast v45, $0x0;
	v45 =	vld [tilespmem:$0x1FF60]  }
0x106: {  	vm0 =	veq.s32 v35, $0x0;
	(v2sf) =	vpush v33, $0xF;
	v35, _, _ =	vpop (xrf0);
	(xrf0) =	vadd.scan.msk.s32 $0xffff, v40  }
0x107: {  	(v2sf) =	vpush v35, $0xF;
	(xrf0) =	vadd.scan.msk.s32 $0xffff, v41  }
0x108: {  	v9 =	vsel vm4, $0x4F, v9;
	v42, _, _ =	vpop (xrf0);
	(xrf0) =	vadd.scan.msk.s32 $0xffff, v18;
	s14 =	spop (v2sf);
	[tilespmem:v5+s10+$0x0] =	vst.idx.msk $0xffff, v30;
	v30 =	vld [tilespmem:$0x1FF70]  }
0x109: {  	s1 =	sadd.s32 s14, s1;
	[tilespmem:v7+s10+$0x0] =	vst.idx.msk $0xffff, v43;
	v43 =	vld [tilespmem:$0x1FF80]  }
0x10a: {  	v12 =	vsel vm7, $0x4F, v12;
	(v2sf) =	vpush v42, $0xF;
	v44 =	vmov s1;
	[tilespmem:v8+s10+$0x0] =	vst.idx.msk $0xffff, v45;
	v45 =	vld [tilespmem:$0x1FF90]  }
0x10b: {  	v14 =	vsel vm8, $0x4F, v14;
	v23 =	vld [tilespmem:$0x1FFA0];
	vm5 =	veq.s32 v25, $0x0;
	v25 =	vadd.s32 $0xFFFFFFFF, v44  }
0x10c: {  	vm6 =	veq.s32 v29, $0x0;
	v5, _, _ =	vpop (xrf0);
	v8 =	vadd.s32 v36, v11;
	v11 =	vbroadcast v25, $0x0;
	v25 =	vld [tilespmem:$0x1FFB0]  }
0x10d: {  	v29 =	vsel vm13, $0x4F, v32;
	v32 =	vld [tilespmem:$0x1FFC0];
	(v2sf) =	vpush v5, $0xF;
	v7, _, _ =	vpop (xrf0);
	v36 =	vsel vm9, $0x4F, v13;
	[tilespmem:v9+s10+$0x0] =	vst.idx.msk $0xffff, v30  }
0x10e: {  	vm4 =	veq.s32 v21, $0x0;
	(v2sf) =	vpush v7, $0xF;
	v21, _, _ =	vpop (xrf0);
	[tilespmem:v6+s10+$0x0] =	vst.idx.msk $0xffff, v43  }
0x10f: {  	s15 =	spop (v2sf);
	(v2sf) =	vpush v21, $0xF;
	[tilespmem:v10+s10+$0x0] =	vst.idx.msk $0xffff, v45  }
0x110: {  	vm7 =	veq.s32 v31, $0x0;
	v31 =	vsel vm15, $0x4F, v19;
	s1 =	sadd.s32 s15, s1;
	[tilespmem:v12+s10+$0x0] =	vst.idx.msk $0xffff, v23  }
0x111: {  	vm15 =	veq.s32 v39, $0x0;
	v44 =	vmov s1;
	v6 =	vsel vm10, $0x4F, v15;
	v43 =	vld [tilespmem:$0x1FFD0];
	[tilespmem:v14+s10+$0x0] =	vst.idx.msk $0xffff, v25  }
0x112: {  	v10 =	vadd.s32 v38, v11;
	v11 =	vsel vm11, $0x4F, v16;
	[tilespmem:v36+s10+$0x0] =	vst.idx.msk $0xffff, v32;
	v36 =	vsel vm2, $0x4F, v22;
	v22 =	vld [tilespmem:$0x1FFE0]  }
0x113: {  	v26 =	vsel vm0, $0x4F, v26;
	v13 =	vadd.s32 $0xFFFFFFFF, v44;
	v12 =	vsel vm12, $0x4F, v17  }
0x114: {  	v4 =	vsel vm4, $0x4F, v4;
	vm13 =	veq.s32 v37, $0x0;
	s16 =	spop (v2sf);
	v13 =	vbroadcast v13, $0x0  }
0x115: {  	s1 =	sadd.s32 s16, s1;
	vm9 =	veq.s32 v40, $0x0;
	v30 =	vsel vm14, $0x4F, v28;
	vm14 =	veq.s32 v34, $0x0;
	s13 =	spop (v2sf)  }
0x116: {  	v8 =	vsel vm5, $0x4F, v8;
	s17 =	spop (v2sf);
	v13 =	vadd.s32 v20, v13;
	v38 =	vmov s1;
	s1 =	sadd.s32 s13, s1;
	[tilespmem:v6+s10+$0x0] =	vst.idx.msk $0xffff, v43  }
0x117: {  	vm10 =	veq.s32 v41, $0x0;
	v34 =	vsel vm7, $0x4F, v13;
	v45 =	vmov s1;
	s1 =	sadd.s32 s17, s1;
	[tilespmem:v11+s10+$0x0] =	vst.idx.msk $0xffff, v22  }
0x118: {  	v44 =	vadd.s32 $0xFFFFFFFF, v38;
	v10 =	vsel vm6, $0x4F, v10;
	v25 =	vmov s1;
	[tilespmem:v12+s10+$0x0] =	vst.idx.msk $0xffff, v47  }
0x119: {  	s14 =	spop (v2sf);
	v17 =	vadd.s32 $0xFFFFFFFF, v25;
	v6 =	vbroadcast v44, $0x0;
	[tilespmem:v29+s10+$0x0] =	vst.idx.msk $0xffff, v48;
	v29 =	vsel vm1, $0x4F, v24  }
0x11a: {  	v23 =	vadd.s32 $0xFFFFFFFF, v45;
	s1 =	sadd.s32 s14, s1;
	v28 =	vbroadcast v17, $0x0;
	[tilespmem:v30+s10+$0x0] =	vst.idx.msk $0xffff, v49;
	v30 =	vsel vm3, $0x4F, v27  }
0x11b: {  	v6 =	vadd.s32 v33, v6;
	v11 =	vbroadcast v23, $0x0;
	[tilespmem:v31+s10+$0x0] =	vst.idx.msk $0xffff, v50;
	v31 =	vmov s1  }
0x11c: {  	v14 =	vadd.s32 v42, v28;
	v33 =	vshrl.u32 v3, $0x1F;
	s15 =	spop (v2sf);
	[tilespmem:v36+s10+$0x0] =	vst.idx.msk $0xffff, v51;
	v32 =	vadd.s32 $0xFFFFFFFF, v31  }
0x11d: {  	(xrf0) =	vadd.scan.msk.s32 $0xffff, v33;
	s16 =	spop (v2sf);
	v11 =	vadd.s32 v35, v11;
	s1 =	sadd.s32 s15, s1;
	[tilespmem:v26+s10+$0x0] =	vst.idx.msk $0xffff, v52;
	v9 =	vbroadcast v32, $0x0  }
0x11e: {  	v6 =	vsel vm13, $0x4F, v6;
	s17 =	spop (v2sf);
	v11 =	vsel vm14, $0x4F, v11;
	v35 =	vmov s1;
	s1 =	sadd.s32 s16, s1;
	[tilespmem:v29+s10+$0x0] =	vst.idx.msk $0xffff, v53  }
0x11f: {  	v36 =	vmov s1;
	s1 =	sadd.s32 s17, s1;
	v5 =	vadd.s32 v5, v9;
	[tilespmem:v30+s10+$0x0] =	vst.idx.msk $0xffff, v54;
	v9 =	vadd.s32 $0xFFFFFFFF, v35  }
0x120: {  	v38 =	vadd.s32 $0xFFFFFFFF, v36;
	v39 =	vmov s1;
	[tilespmem:v4+s10+$0x0] =	vst.idx.msk $0xffff, v55;
	v37 =	vbroadcast v9, $0x0  }
0x121: {  	v40 =	vsel vm15, $0x4F, v14;
	v13 =	vadd.s32 $0xFFFFFFFF, v39;
	v9 =	vbroadcast v38, $0x0;
	[tilespmem:v8+s10+$0x0] =	vst.idx.msk $0xffff, v56  }
0x122: {  	v5 =	vsel vm9, $0x4F, v5;
	v41 =	vbroadcast v13, $0x0;
	[tilespmem:v10+s10+$0x0] =	vst.idx.msk $0xffff, v57;
	v4 =	vadd.s32 v7, v37  }
0x123: {  	vm11 =	veq.s32 v18, $0x0;
	v42, _, _ =	vpop (xrf0);
	v9 =	vadd.s32 v21, v9;
	[tilespmem:v34+s10+$0x0] =	vst.idx.msk $0xffff, v58;
	v4 =	vsel vm10, $0x4F, v4  }
0x124: {  	vm12 =	vgt.s32 v3, $0xFFFFFFFF;
	v3 =	vadd.s32 v42, v41;
	v43 =	vsel vm11, $0x4F, v9;
	[tilespmem:v6+s10+$0x0] =	vst.idx.msk $0xffff, v59  }
0x125: {  	v3 =	vsel vm12, $0x4F, v3;
	[tilespmem:v11+s10+$0x0] =	vst.idx.msk $0xffff, v60  }
0x126: {  	[tilespmem:v40+s10+$0x0] =	vst.idx.msk $0xffff, v61  }
0x127: {  	[tilespmem:v5+s10+$0x0] =	vst.idx.msk $0xffff, v62  }
0x128: {  	[tilespmem:v4+s10+$0x0] =	vst.idx.msk $0xffff, v63  }
0x129: {  	v44 =	vor.u32 $0x21F, v1;
	[tilespmem:v43+s10+$0x0] =	vst.idx.msk $0xffff, v2  }
0x12a: {  	v45 =	vld [tilespmem:$0x1FFF0];
	[tilespmem:v3+s10+$0x0] =	vst.idx.msk $0xffff, v44  }
0x12b: {  	v3 =	vld [tilespmem:$0x80];
	_ =	sdelay $0x3  }
0x12c: {  	vm13 =	vnez.u8 v45  }
0x12d: {  	v3 =	vnsel vm13, $0x0, v3  }
0x12e: {  	(xrf0) =	vadd.scan.msk.s32 $0xffff, v3;
	_ =	sdelay $0x5  }
0x12f: {  	v3, _, _ =	vpop (xrf0)  }
0x130: {  	(v2sf) =	vpush v3, $0xF;
	_ =	sdelay $0xe  }
0x131: {  	s28 =	spop (v2sf)  }
0x132: {  	s13 =	sshll.u32 s28, $0x8  }
0x133: {  	s14 =	sshll.u32 s28, $0x7;
	s1 =	sand.u32 $0xFFFFE000, s13  }
0x134: {  	s2 =	sand.u32 $0xC00, s14;
	s1 =	sadd.s32 s5, s1  }
0x135: {  	s1 =	sor.u32 s2, s1  }
0x136: {  	s1 =	sshrl.u32 s1, $0x3  }
0x137: {  	s15 =	simm.s32 $0x100;
	s1 =	sadd.s32 s0, s1  }
0x138: {  	[tilespmem:s15], [sflag:$0x1] =	stream.strided.gather [hbm4b:s1+s11], $0x800, s12, s11, $0x38;
	[tilespmem:$0x12100] =	vst v63  }
0x139: {  	s17 =	simm.s32 $0x900;
	s16 =	sadd.s32 $0x8000, s1  }
0x13a: {  	[tilespmem:s17], [sflag:$0x1] =	stream.strided.gather [hbm4b:s16+s11], $0x800, s12, s11, $0x38;
	[tilespmem:$0x12100] =	vst v63  }
0x13b: {  	s14 =	simm.s32 $0x1100;
	s1 =	sadd.s32 $0x10000, s1  }
0x13c: {  	[tilespmem:s14], [sflag:$0x1] =	stream.strided.gather [hbm4b:s1+s11], $0x800, s12, s11, $0x38;
	[tilespmem:$0x12100] =	vst v63  }
0x13d: {  	v3 =	vld [tilespmem:$0x80];
	_ =	sdelay $0x3  }
0x13e: {  	vm14 =	vcmask $0x308  }
0x13f: {  	v3 =	vsel vm14, $0x0, v3  }
0x140: {  	(xrf0) =	vadd.scan.msk.s32 $0xffff, v3;
	_ =	sdelay $0x5  }
0x141: {  	v3, _, _ =	vpop (xrf0)  }
0x142: {  	(v2sf) =	vpush v3, $0xF;
	_ =	sdelay $0xe  }
0x143: {  	s29 =	spop (v2sf)  }
0x144: {  	s15 =	sshll.u32 s29, $0x8  }
0x145: {  	s16 =	sshll.u32 s29, $0x7;
	s1 =	sand.u32 $0xFFFFE000, s15  }
0x146: {  	s2 =	sand.u32 $0xC00, s16;
	s1 =	sadd.s32 s5, s1  }
0x147: {  	s1 =	sor.u32 s2, s1  }
0x148: {  	s1 =	sshrl.u32 s1, $0x3  }
0x149: {  	s17 =	simm.s32 $0x1900;
	s1 =	sadd.s32 s0, s1  }
0x14a: {  	[tilespmem:s17], [sflag:$0x2] =	stream.strided.gather [hbm4b:s1+s11], $0x800, s12, s11, $0x38;
	[tilespmem:$0x12100] =	vst v63  }
0x14b: {  	s14 =	simm.s32 $0x2100;
	s13 =	sadd.s32 $0x8000, s1  }
0x14c: {  	[tilespmem:s14], [sflag:$0x2] =	stream.strided.gather [hbm4b:s13+s11], $0x800, s12, s11, $0x38;
	[tilespmem:$0x12100] =	vst v63  }
0x14d: {  	s1 =	sadd.s32 $0x10000, s1  }
0x14e: {  	[tilespmem:s18], [sflag:$0x2] =	stream.strided.gather [hbm4b:s1+s11], $0x800, s12, s11, $0x38;
	[tilespmem:$0x12100] =	vst v63  }
0x14f: {  	v3 =	vld [tilespmem:$0x80];
	_ =	sdelay $0x3  }
0x150: {  	vm15 =	vcmask $0x70C  }
0x151: {  	v3 =	vsel vm15, $0x0, v3  }
0x152: {  	(xrf0) =	vadd.scan.msk.s32 $0xffff, v3;
	_ =	sdelay $0x5  }
0x153: {  	v3, _, _ =	vpop (xrf0)  }
0x154: {  	(v2sf) =	vpush v3, $0xF;
	_ =	sdelay $0xe  }
0x155: {  	s30 =	spop (v2sf)  }
0x156: {  	s15 =	sshll.u32 s30, $0x8  }
0x157: {  	s16 =	sshll.u32 s30, $0x7;
	s1 =	sand.u32 $0xFFFFE000, s15  }
0x158: {  	s2 =	sand.u32 $0xC00, s16;
	s1 =	sadd.s32 s5, s1  }
0x159: {  	s1 =	sor.u32 s2, s1  }
0x15a: {  	s1 =	sshrl.u32 s1, $0x3  }
0x15b: {  	s1 =	sadd.s32 s0, s1  }
0x15c: {  	[tilespmem:s19], [sflag:$0x3] =	stream.strided.gather [hbm4b:s1+s11], $0x800, s12, s11, $0x38;
	[tilespmem:$0x12100] =	vst v63  }
0x15d: {  	s17 =	sadd.s32 $0x8000, s1  }
0x15e: {  	[tilespmem:s20], [sflag:$0x3] =	stream.strided.gather [hbm4b:s17+s11], $0x800, s12, s11, $0x38;
	[tilespmem:$0x12100] =	vst v63  }
0x15f: {  	s1 =	sadd.s32 $0x10000, s1  }
0x160: {  	[tilespmem:s21], [sflag:$0x3] =	stream.strided.gather [hbm4b:s1+s11], $0x800, s12, s11, $0x38;
	[tilespmem:$0x12100] =	vst v63  }
0x161: {  	s31 =	simm.s32 $0x0;
	s1 =	simm.s32 $0x0  }
.LBB2_2:
0x162: {  	s2 =	sadd.s32 $0x3, s1  }
0x163: {  	s13 =	sand.u32 $0x70, s2  }
0x164: {  	v3 =	vld [tilespmem:s13+$0x80];
	_ =	sdelay $0x1  }
0x165: {  	s17 =	sand.u32 $0xF, s2  }
0x166: {  	v4 =	vmov s17  }
0x167: {  	vm0 =	veq.s32 v4, v0  }
0x168: {  	v3 =	vnsel vm0, $0x0, v3  }
0x169: {  	(xrf0) =	vadd.scan.msk.s32 $0xffff, v3;
	_ =	sdelay $0x5  }
0x16a: {  	v3, _, _ =	vpop (xrf0)  }
0x16b: {  	(v2sf) =	vpush v3, $0xF;
	_ =	sdelay $0xd  }
0x16c: {  	s13 =	smov.u32 s28  }
0x16d: {  	s28 =	smov.u32 s29;
	s29 =	smov.u32 s30;
	s30 =	spop (v2sf)  }
0x16e: {  	s14 =	sshll.u32 s30, $0x8  }
0x16f: {  	s2 =	sand.u32 $0x3, s2;
	s15 =	sshll.u32 s30, $0x7;
	s14 =	sand.u32 $0xFFFFE000, s14  }
0x170: {  	s16 =	smul.u32 $0x6000, s2;
	s15 =	sand.u32 $0xC00, s15;
	s14 =	sadd.s32 s5, s14  }
0x171: {  	s14 =	sor.u32 s15, s14  }
0x172: {  	s15 =	sshrl.u32 s16, $0x2;
	s14 =	sshrl.u32 s14, $0x3  }
0x173: {  	s2 =	sadd.s32 $0x1, s2;
	s16 =	sor.u32 $0x100, s15;
	s14 =	sadd.s32 s0, s14  }
0x174: {  	[tilespmem:s16], [sflag:s2] =	stream.strided.gather [hbm4b:s14+s11], $0x800, s12, s11, $0x38;
	[tilespmem:$0x12100] =	vst v63  }
0x175: {  	s17 =	sadd.s32 $0x900, s15;
	s16 =	sadd.s32 $0x8000, s14  }
0x176: {  	[tilespmem:s17], [sflag:s2] =	stream.strided.gather [hbm4b:s16+s11], $0x800, s12, s11, $0x38;
	[tilespmem:$0x12100] =	vst v63  }
0x177: {  	s15 =	sadd.s32 $0x1100, s15;
	s14 =	sadd.s32 $0x10000, s14  }
0x178: {  	[tilespmem:s15], [sflag:s2] =	stream.strided.gather [hbm4b:s14+s11], $0x800, s12, s11, $0x38;
	[tilespmem:$0x12100] =	vst v63  }
0x179: {  	s14 =	sand.u32 $0x3, s1  }
0x17a: {  	s15 =	sadd.s32 $0x1, s14;
	s2 =	smul.u32 $0x6000, s14  }
0x17b: {  	s13 =	sshll.u32 s13, $0x4;
	_ =	swait.ge [sflag:s15], $0x1800  }
0x17c: {  	s13 =	sand.u32 $0x70, s13;
	[sflag:s15] =	ssyncset.done $0x0;
	s2 =	sshrl.u32 s2, $0x2  }
0x17d: {  	[sflag:s15] =	ssyncadd.s32 $0xFFFFE800;
	s2 =	sor.u32 s13, s2  }
0x17e: {  	s16 =	sshrl.u32 s1, $0x3;
	v3 =	vld [tilespmem:s2+$0x100]  }
0x17f: {  	s13 =	smul.u32 $0x6000, s16;
	_ =	sdelay $0x1  }
0x180: {  	s17 =	sand.u32 $0x380, s31;
	s13 =	sshra.s32 s13, $0x2  }
0x181: {  	s13 =	sor.u32 s17, s13  }
0x182: {  	[tilespmem:s13+$0x6100] =	vst v3  }
0x183: {  	v3 =	vld [tilespmem:s2+$0x180];
	_ =	sdelay $0x4  }
0x184: {  	[tilespmem:s13+$0x6110] =	vst v3  }
0x185: {  	v3 =	vld [tilespmem:s2+$0x200];
	_ =	sdelay $0x4  }
0x186: {  	[tilespmem:s13+$0x6120] =	vst v3  }
0x187: {  	v3 =	vld [tilespmem:s2+$0x280];
	_ =	sdelay $0x4  }
0x188: {  	[tilespmem:s13+$0x6130] =	vst v3  }
0x189: {  	v3 =	vld [tilespmem:s2+$0x300];
	_ =	sdelay $0x4  }
0x18a: {  	[tilespmem:s13+$0x6140] =	vst v3  }
0x18b: {  	v3 =	vld [tilespmem:s2+$0x380];
	_ =	sdelay $0x4  }
0x18c: {  	[tilespmem:s13+$0x6150] =	vst v3  }
0x18d: {  	v3 =	vld [tilespmem:s2+$0x400];
	_ =	sdelay $0x4  }
0x18e: {  	[tilespmem:s13+$0x6160] =	vst v3  }
0x18f: {  	v3 =	vld [tilespmem:s2+$0x480];
	_ =	sdelay $0x4  }
0x190: {  	[tilespmem:s13+$0x6170] =	vst v3  }
0x191: {  	v3 =	vld [tilespmem:s2+$0x500];
	_ =	sdelay $0x4  }
0x192: {  	[tilespmem:s13+$0x6500] =	vst v3  }
0x193: {  	v3 =	vld [tilespmem:s2+$0x580];
	_ =	sdelay $0x4  }
0x194: {  	[tilespmem:s13+$0x6510] =	vst v3  }
0x195: {  	v3 =	vld [tilespmem:s2+$0x600];
	_ =	sdelay $0x4  }
0x196: {  	[tilespmem:s13+$0x6520] =	vst v3  }
0x197: {  	v3 =	vld [tilespmem:s2+$0x680];
	_ =	sdelay $0x4  }
0x198: {  	[tilespmem:s13+$0x6530] =	vst v3  }
0x199: {  	v3 =	vld [tilespmem:s2+$0x700];
	_ =	sdelay $0x4  }
0x19a: {  	[tilespmem:s13+$0x6540] =	vst v3  }
0x19b: {  	v3 =	vld [tilespmem:s2+$0x780];
	_ =	sdelay $0x4  }
0x19c: {  	[tilespmem:s13+$0x6550] =	vst v3  }
0x19d: {  	v3 =	vld [tilespmem:s2+$0x800];
	_ =	sdelay $0x4  }
0x19e: {  	[tilespmem:s13+$0x6560] =	vst v3  }
0x19f: {  	v3 =	vld [tilespmem:s2+$0x880];
	_ =	sdelay $0x4  }
0x1a0: {  	[tilespmem:s13+$0x6570] =	vst v3  }
0x1a1: {  	v3 =	vld [tilespmem:s2+$0x900];
	_ =	sdelay $0x4  }
0x1a2: {  	[tilespmem:s13+$0x6900] =	vst v3  }
0x1a3: {  	v3 =	vld [tilespmem:s2+$0x980];
	_ =	sdelay $0x4  }
0x1a4: {  	[tilespmem:s13+$0x6910] =	vst v3  }
0x1a5: {  	v3 =	vld [tilespmem:s2+$0xA00];
	_ =	sdelay $0x4  }
0x1a6: {  	[tilespmem:s13+$0x6920] =	vst v3  }
0x1a7: {  	v3 =	vld [tilespmem:s2+$0xA80];
	_ =	sdelay $0x4  }
0x1a8: {  	[tilespmem:s13+$0x6930] =	vst v3  }
0x1a9: {  	v3 =	vld [tilespmem:s2+$0xB00];
	_ =	sdelay $0x4  }
0x1aa: {  	[tilespmem:s13+$0x6940] =	vst v3  }
0x1ab: {  	v3 =	vld [tilespmem:s2+$0xB80];
	_ =	sdelay $0x4  }
0x1ac: {  	[tilespmem:s13+$0x6950] =	vst v3  }
0x1ad: {  	v3 =	vld [tilespmem:s2+$0xC00];
	_ =	sdelay $0x4  }
0x1ae: {  	[tilespmem:s13+$0x6960] =	vst v3  }
0x1af: {  	v3 =	vld [tilespmem:s2+$0xC80];
	_ =	sdelay $0x4  }
0x1b0: {  	[tilespmem:s13+$0x6970] =	vst v3  }
0x1b1: {  	v3 =	vld [tilespmem:s2+$0xD00];
	_ =	sdelay $0x4  }
0x1b2: {  	[tilespmem:s13+$0x6D00] =	vst v3  }
0x1b3: {  	v3 =	vld [tilespmem:s2+$0xD80];
	_ =	sdelay $0x4  }
0x1b4: {  	[tilespmem:s13+$0x6D10] =	vst v3  }
0x1b5: {  	v3 =	vld [tilespmem:s2+$0xE00];
	_ =	sdelay $0x4  }
0x1b6: {  	[tilespmem:s13+$0x6D20] =	vst v3  }
0x1b7: {  	v3 =	vld [tilespmem:s2+$0xE80];
	_ =	sdelay $0x4  }
0x1b8: {  	[tilespmem:s13+$0x6D30] =	vst v3  }
0x1b9: {  	v3 =	vld [tilespmem:s2+$0xF00];
	_ =	sdelay $0x4  }
0x1ba: {  	[tilespmem:s13+$0x6D40] =	vst v3  }
0x1bb: {  	v3 =	vld [tilespmem:s2+$0xF80];
	_ =	sdelay $0x4  }
0x1bc: {  	[tilespmem:s13+$0x6D50] =	vst v3  }
0x1bd: {  	v3 =	vld [tilespmem:s2+$0x1000];
	_ =	sdelay $0x4  }
0x1be: {  	[tilespmem:s13+$0x6D60] =	vst v3  }
0x1bf: {  	v3 =	vld [tilespmem:s2+$0x1080];
	_ =	sdelay $0x4  }
0x1c0: {  	[tilespmem:s13+$0x6D70] =	vst v3  }
0x1c1: {  	v3 =	vld [tilespmem:s2+$0x1100];
	_ =	sdelay $0x4  }
0x1c2: {  	[tilespmem:s13+$0x7100] =	vst v3  }
0x1c3: {  	v3 =	vld [tilespmem:s2+$0x1180];
	_ =	sdelay $0x4  }
0x1c4: {  	[tilespmem:s13+$0x7110] =	vst v3  }
0x1c5: {  	v3 =	vld [tilespmem:s2+$0x1200];
	_ =	sdelay $0x4  }
0x1c6: {  	[tilespmem:s13+$0x7120] =	vst v3  }
0x1c7: {  	v3 =	vld [tilespmem:s2+$0x1280];
	_ =	sdelay $0x4  }
0x1c8: {  	[tilespmem:s13+$0x7130] =	vst v3  }
0x1c9: {  	v3 =	vld [tilespmem:s2+$0x1300];
	_ =	sdelay $0x4  }
0x1ca: {  	[tilespmem:s13+$0x7140] =	vst v3  }
0x1cb: {  	v3 =	vld [tilespmem:s2+$0x1380];
	_ =	sdelay $0x4  }
0x1cc: {  	[tilespmem:s13+$0x7150] =	vst v3  }
0x1cd: {  	v3 =	vld [tilespmem:s2+$0x1400];
	_ =	sdelay $0x4  }
0x1ce: {  	[tilespmem:s13+$0x7160] =	vst v3  }
0x1cf: {  	v3 =	vld [tilespmem:s2+$0x1480];
	_ =	sdelay $0x4  }
0x1d0: {  	[tilespmem:s13+$0x7170] =	vst v3  }
0x1d1: {  	v3 =	vld [tilespmem:s2+$0x1500];
	_ =	sdelay $0x4  }
0x1d2: {  	[tilespmem:s13+$0x7500] =	vst v3  }
0x1d3: {  	v3 =	vld [tilespmem:s2+$0x1580];
	_ =	sdelay $0x4  }
0x1d4: {  	[tilespmem:s13+$0x7510] =	vst v3  }
0x1d5: {  	v3 =	vld [tilespmem:s2+$0x1600];
	_ =	sdelay $0x4  }
0x1d6: {  	[tilespmem:s13+$0x7520] =	vst v3  }
0x1d7: {  	v3 =	vld [tilespmem:s2+$0x1680];
	_ =	sdelay $0x4  }
0x1d8: {  	[tilespmem:s13+$0x7530] =	vst v3  }
0x1d9: {  	v3 =	vld [tilespmem:s2+$0x1700];
	_ =	sdelay $0x4  }
0x1da: {  	[tilespmem:s13+$0x7540] =	vst v3  }
0x1db: {  	v3 =	vld [tilespmem:s2+$0x1780];
	_ =	sdelay $0x4  }
0x1dc: {  	[tilespmem:s13+$0x7550] =	vst v3  }
0x1dd: {  	v3 =	vld [tilespmem:s2+$0x1800];
	_ =	sdelay $0x4  }
0x1de: {  	[tilespmem:s13+$0x7560] =	vst v3  }
0x1df: {  	p0 =	sne.s32 s1, $0x3F;
	v3 =	vld [tilespmem:s2+$0x1880]  }
.Ltmp0:
0x1e0: {  	_ = 	snop;
	(pc) =	sbr.rel @p0 .LBB2_2-.Ltmp0, $2  }
0x1e1: {  	_ =	sdelay $0x2  }
0x1e2: {  	s31 =	sadd.s32 $0x80, s31;
	s1 =	sadd.s32 $0x1, s1;
	[tilespmem:s13+$0x7570] =	vst v3  }
0x1e3: {  	_ =	swait.ge [sflag:s22], $0x1800  }
0x1e4: {  	[sflag:s22] =	ssyncset.done $0x0  }
0x1e5: {  	[sflag:s22] =	ssyncadd.s32 $0xFFFFE800  }
0x1e6: {  	_ =	swait.ge [sflag:s23], $0x1800  }
0x1e7: {  	[sflag:s23] =	ssyncset.done $0x0  }
0x1e8: {  	[sflag:s23] =	ssyncadd.s32 $0xFFFFE800  }
0x1e9: {  	_ =	swait.ge [sflag:s24], $0x1800  }
0x1ea: {  	[sflag:s24] =	ssyncset.done $0x0  }
0x1eb: {  	[sflag:s24] =	ssyncadd.s32 $0xFFFFE800  }
0x1ec: {  	[hbm4b:s6+s3] =	stream.linear.scatter [tilespmem:s25], [sflag:$0x5], $0xC000, $0x38;
	[tilespmem:$0x12100] =	vst v63  }
0x1ed: {  	s26 =	sadd.s32 $0x1, s26;
	_ =	swait.ge [sflag:s9], $0xC000  }
0x1ee: {  	p0 =	sne.s32 s26, s8;
	[sflag:s9] =	ssyncset.done $0x0  }
.Ltmp1:
0x1ef: {  	[sflag:s9] =	ssyncadd.s32 $0xFFFF4000;
	(pc) =	sbr.rel @p0 .LBB2_1-.Ltmp1, $4  }
0x1f0: {  	[hbm4b:s7+s3] =	stream.linear.scatter [tilespmem:s10], [sflag:$0x5], $0x40, $0x38;
	[tilespmem:$0x12100] =	vst v63  }
0x1f1: {  	_ =	swait.ge [sflag:s9], $0x40  }
0x1f2: {  	[sflag:s9] =	ssyncset.done $0x0  }
0x1f3: {  	[sflag:s9] =	ssyncadd.s32 $0xFFFFFFC0  }
0x1f4: {  	_ =	sfence.sel $0x180000  }
0x1f5: {  	[bflag:$0x0] =	sbarrier.arrive $0xFFFF  }
0x1f6: {  	_ =	strace $0x90000047  }
0x1f7: {  	s0 =	stileid.u32;
	[bflag:$0x2] =	sbarrier.arrive $0xFFFF  }
0x1f8: {  	p0 =	sne.s32 s0, $0x0;
	s0 =	rddreg [dreg:$0x3]  }
0x1f9: {  	s0 =	sadd.s32 @!p0 $0x100000, s0  }
0x1fa: {  	[sflag:s0] =	ssyncadd.tile.s32 @!p0 $0x1;
	_ =	shalt  }
.Lfunc_end2:
_tile_overlayer_lowered:
.L_overlay_start_2:
0x1fb: {  	(tag) =	ssettag $0x2  }
0x1fc: {  	s0 =	rddreg [dreg:$0x0];
	s2 =	stileid.u32  }
0x1fd: {  	s1 =	rddreg [dreg:$0x1];
	p0 =	sne.s32 s2, $0x0  }
0x1fe: {  	s3 =	rddreg [dreg:$0x2];
	[bflag:$0x3] =	sbarrier.arrive $0xFFFF;
	s2 =	simm.s32 @!p0 $0x1C05  }
0x1ff: {  	[timem:s3], [sflag:s2] =	dma.local @!p0 [hbm:s0], s1  }
0x200: {  	s0 =	simm.s32 @!p0 $0x5  }
0x201: {  	_ =	swait.ge @!p0 [sflag:s0], s1  }
0x202: {  	s1 =	ssub.s32 @!p0 $0x0, s1;
	[sflag:s0] =	ssyncset.done @!p0 $0x0  }
0x203: {  	[sflag:s0] =	ssyncadd.s32 @!p0 s1  }
0x204: {  	[bflag:$0x3] =	sbarrier.arrive $0xFFFF  }
0x205: {  	_ =	shalt  }

</sc_bundles>
